<compile_context>
chip_gen: v7x
topology: tpu7x:2x2x1
jax: 0.10.2.dev20260603
libtpu: 0.0.44.dev20260713+nightly
codegen_flags: <defaults>
</compile_context>

<pallas_src>
import functools

import jax
import jax.numpy as jnp
from jax import lax
from jax.experimental import pallas as pl
from jax.experimental.pallas import tpu as pltpu
from jax.experimental.pallas import tpu_sc as plsc

C = 1024
H = 128
SPW = 16
LANES = 16
NCHUNK = H // LANES


def _sc_topology():
    info = plsc.get_sparse_core_info()
    return info.num_cores, info.num_subcores


def _r_table_body(p_ref, w1_ref, b1_ref, w2_ref, b2_ref, r_ref):
    p = p_ref[...]
    h = p + jnp.maximum(
        jnp.dot(p, w1_ref[...], preferred_element_type=jnp.float32) + b1_ref[...],
        0.0,
    )
    r_ref[...] = h + jnp.maximum(
        jnp.dot(h, w2_ref[...], preferred_element_type=jnp.float32) + b2_ref[...],
        0.0,
    )


def _compute_r_table(pret, w1, b1, w2, b2):
    return pl.pallas_call(
        _r_table_body,
        out_shape=jax.ShapeDtypeStruct((C, H), jnp.float32),
    )(pret, w1, b1.reshape(1, H), w2, b2.reshape(1, H))


def _log_vec(sv):
    bits = plsc.bitcast(sv, jnp.int32)
    ex = jnp.right_shift(bits, 23) - 127
    mant = plsc.bitcast(
        jnp.bitwise_or(jnp.bitwise_and(bits, 0x7FFFFF), 0x3F800000), jnp.float32
    )
    big = mant > 1.4142135
    mant = jnp.where(big, mant * 0.5, mant)
    ex = ex + jnp.where(big, 1, 0)
    t = mant - 1.0
    p = 1.0 / 8.0 - t * (1.0 / 9.0)
    p = 1.0 / 7.0 - t * p
    p = 1.0 / 6.0 - t * p
    p = 1.0 / 5.0 - t * p
    p = 1.0 / 4.0 - t * p
    p = 1.0 / 3.0 - t * p
    p = 1.0 / 2.0 - t * p
    p = t * (1.0 - t * p)
    return ex.astype(jnp.float32) * 0.69314718 + p


def _tree_sum(vs):
    while len(vs) > 1:
        vs = [vs[i] + vs[i + 1] for i in range(0, len(vs) - 1, 2)] + (
            [vs[-1]] if len(vs) % 2 else []
        )
    return vs[0]


def _tree_max(vs):
    while len(vs) > 1:
        vs = [jnp.maximum(vs[i], vs[i + 1]) for i in range(0, len(vs) - 1, 2)] + (
            [vs[-1]] if len(vs) % 2 else []
        )
    return vs[0]


def _make_sc_kernel(n_tokens):
    NC, NS = _sc_topology()
    NW = NC * NS
    tpw = n_tokens // NW
    blk = 16
    nblk = tpw // blk
    mesh = plsc.VectorSubcoreMesh(core_axis_name="c", subcore_axis_name="s")

    @functools.partial(
        pl.kernel,
        mesh=mesh,
        out_type=jax.ShapeDtypeStruct((n_tokens, SPW), jnp.float32),
        scratch_types=[
            pltpu.VMEM((tpw,), jnp.int32),
            pltpu.VMEM((tpw, SPW), jnp.int32),
            pltpu.VMEM((tpw * SPW,), jnp.int32),
            pltpu.VMEM((tpw, H), jnp.float32),
            pltpu.VMEM((blk * SPW, H), jnp.float32),
            pltpu.VMEM((blk * SPW, H), jnp.float32),
            pltpu.VMEM((SPW, LANES), jnp.float32),
            pltpu.VMEM((blk, SPW), jnp.float32),
            pltpu.VMEM((tpw, SPW), jnp.float32),
            pltpu.SemaphoreType.DMA,
            pltpu.SemaphoreType.DMA,
        ],
        compiler_params=pltpu.CompilerParams(
            needs_layout_passes=False, use_tc_tiling_on_sc=False
        ),
    )
    def sc_kernel(text_hbm, w2s_hbm, r_hbm, emb_hbm, out_hbm,
                  idx_v, st2_v, stf_v, obs_v, rr0_v, rr1_v, tr_v, lt_v, res_v,
                  sem0, sem1):
        wid = lax.axis_index("s") * NC + lax.axis_index("c")
        base = wid * tpw
        pltpu.sync_copy(text_hbm.at[pl.ds(base, tpw)], idx_v)
        pltpu.async_copy(w2s_hbm.at[idx_v], st2_v, sem0).wait()
        pltpu.async_copy(emb_hbm.at[idx_v], obs_v, sem0).wait()

        def flatten_body(t, carry):
            stf_v[pl.ds(t * SPW, SPW)] = st2_v[t]
            return carry

        lax.fori_loop(0, tpw, flatten_body, 0)

        lanes = lax.iota(jnp.int32, LANES)
        half = blk * SPW // 2

        def start_blk(b, rr, sem):
            off = b * blk * SPW
            pltpu.async_copy(
                r_hbm.at[stf_v.at[pl.ds(off, half)]], rr.at[pl.ds(0, half)], sem
            )
            pltpu.async_copy(
                r_hbm.at[stf_v.at[pl.ds(off + half, half)]],
                rr.at[pl.ds(half, half)], sem,
            )

        def wait_blk(b, rr, sem):
            off = b * blk * SPW
            pltpu.make_async_copy(
                r_hbm.at[stf_v.at[pl.ds(off, half)]], rr.at[pl.ds(0, half)], sem
            ).wait()
            pltpu.make_async_copy(
                r_hbm.at[stf_v.at[pl.ds(off + half, half)]],
                rr.at[pl.ds(half, half)], sem,
            ).wait()

        def compute_blk(b, rr):
            def token_body(j, carry):
                t = b * blk + j
                o = [obs_v[t, pl.ds(c * LANES, LANES)] for c in range(NCHUNK)]
                for k in range(SPW):
                    tr_v[k] = _tree_sum(
                        [o[c] * rr[j * SPW + k, pl.ds(c * LANES, LANES)]
                         for c in range(NCHUNK)]
                    )
                cols = [
                    plsc.load_gather(tr_v, [lanes, jnp.full((LANES,), c, jnp.int32)])
                    for c in range(LANES)
                ]
                lt_v[j] = _tree_sum(cols)
                return carry

            lax.fori_loop(0, blk, token_body, 0)

            vks = [
                plsc.load_gather(lt_v, [lanes, jnp.full((LANES,), k, jnp.int32)])
                for k in range(SPW)
            ]
            m = _tree_max(vks)
            xs = [vk - m for vk in vks]
            ls = _log_vec(_tree_sum([jnp.exp(x) for x in xs]))
            rows = b * blk + lanes
            for k in range(SPW):
                plsc.store_scatter(
                    res_v, [rows, jnp.full((LANES,), k, jnp.int32)], xs[k] - ls
                )

        start_blk(0, rr0_v, sem0)
        start_blk(1, rr1_v, sem1)

        def pair_body(p, carry):
            b0 = 2 * p
            b1 = 2 * p + 1
            wait_blk(b0, rr0_v, sem0)
            compute_blk(b0, rr0_v)

            @pl.when(b0 + 2 < nblk)
            def _():
                start_blk(b0 + 2, rr0_v, sem0)

            wait_blk(b1, rr1_v, sem1)
            compute_blk(b1, rr1_v)

            @pl.when(b1 + 2 < nblk)
            def _():
                start_blk(b1 + 2, rr1_v, sem1)

            return carry

        lax.fori_loop(0, nblk // 2, pair_body, 0)
        pltpu.sync_copy(res_v, out_hbm.at[pl.ds(base, tpw)])

    return sc_kernel


def kernel(text, word2state, preterminal_emb, terminal_emb, W1, b1, W2, b2):
    b, t = text.shape
    n = b * t
    r_table = _compute_r_table(preterminal_emb, W1, b1, W2, b2)
    flat_text = text.reshape(n).astype(jnp.int32)
    out = _make_sc_kernel(n)(flat_text, word2state, r_table, terminal_emb)
    return out.reshape(b, t, SPW)

# --- scband reference (transcript-rebuilt; emitter-appended) ---
"""Pipeline reference for scband-sbl-hmm-lm-30459908063248 (READ-ONLY COPY).

The authoritative reference and input builder live on the scoring server;
editing this copy changes nothing except your own understanding.
"""

import jax, jax.numpy as jnp
import numpy as np

V = 100000
C = 1024
H = 128
SPW = 16
B = 8
T = 512


def _xavier(key, shape):
    fan_in, fan_out = shape[-1], shape[-2] if len(shape) > 1 else shape[-1]
    bound = np.sqrt(6.0 / (fan_in + fan_out))
    return jax.random.uniform(key, shape, minval=-bound, maxval=bound, dtype=jnp.float32)


def setup_inputs(seed: int = 0) -> dict:
    key = jax.random.key(seed)
    ks = jax.random.split(key, 8)
    text = jax.random.randint(ks[0], (B, T), 0, V, dtype=jnp.int64) if jax.config.jax_enable_x64 else jax.random.randint(ks[0], (B, T), 0, V, dtype=jnp.int32)
    # brown-cluster style state assignment table: each word restricted to SPW states
    word2state = jax.random.randint(ks[1], (V, SPW), 0, C, dtype=jnp.int32)
    preterminal_emb = _xavier(ks[2], (C, H))
    terminal_emb = _xavier(ks[3], (V, H))
    W1 = _xavier(ks[4], (H, H))
    b1 = jnp.zeros((H,), dtype=jnp.float32)
    W2 = _xavier(ks[5], (H, H))
    b2 = jnp.zeros((H,), dtype=jnp.float32)
    return {
        "text": text,
        "word2state": word2state,
        "preterminal_emb": preterminal_emb,
        "terminal_emb": terminal_emb,
        "W1": W1,
        "b1": b1,
        "W2": W2,
        "b2": b2,
    }


def reference(text, word2state, preterminal_emb, terminal_emb, W1, b1, W2, b2):
    # state assignment lookup (sparse brown-cluster restriction): [B, T, SPW]
    states = jnp.take(word2state, text, axis=0)
    # preterminal state embedding gather: [B, T, SPW, H]
    emb = jnp.take(preterminal_emb, states, axis=0)
    # terminal_mlp = Sequential(ResLayer, ResLayer)
    h = emb + jax.nn.relu(emb @ W1 + b1)
    h = h + jax.nn.relu(h @ W2 + b2)
    # observed-word terminal embedding gather: [B, T, H]
    obs = jnp.take(terminal_emb, text, axis=0)
    # emission scores of observed word under each candidate state
    logits = jnp.einsum("btkh,bth->btk", h, obs)
    return jax.nn.log_softmax(logits, axis=-1)

if __name__ == "__main__":
    import jax
    _d = setup_inputs()
    print(jax.jit(kernel)(*tuple(_d.values())))

</pallas_src>

<mosaic_0001>
#map = affine_map<(d0, d1) -> (0)>
#map1 = affine_map<(d0, d1) -> (0, 0)>
module attributes {stable_mosaic.version = 14 : i64} {
  func.func @sc_kernel(%arg0: i32, %arg1: i32, %arg2: memref<4096xi32, #tpu.memory_space<hbm>>, %arg3: memref<100000x16xi32, #tpu.memory_space<hbm>>, %arg4: memref<1024x128xf32, #tpu.memory_space<hbm>>, %arg5: memref<100000x128xf32, #tpu.memory_space<hbm>>, %arg6: memref<4096x16xf32, #tpu.memory_space<hbm>>, %arg7: memref<128xi32, #tpu.memory_space<vmem>>, %arg8: memref<128x16xi32, #tpu.memory_space<vmem>>, %arg9: memref<2048xi32, #tpu.memory_space<vmem>>, %arg10: memref<128x128xf32, #tpu.memory_space<vmem>>, %arg11: memref<256x128xf32, #tpu.memory_space<vmem>>, %arg12: memref<256x128xf32, #tpu.memory_space<vmem>>, %arg13: memref<16x16xf32, #tpu.memory_space<vmem>>, %arg14: memref<16x16xf32, #tpu.memory_space<vmem>>, %arg15: memref<128x16xf32, #tpu.memory_space<vmem>>, %arg16: memref<!tpu.dma_semaphore, #tpu.memory_space<semaphore_mem>>, %arg17: memref<!tpu.dma_semaphore, #tpu.memory_space<semaphore_mem>>) attributes {dimension_semantics = [#tpu.dimension_semantics<core_parallel>, #tpu.dimension_semantics<subcore_parallel>], iteration_bounds = array<i64: 2, 16>, scalar_prefetch = 0 : i64, scratch_operands = 11 : i64, tpu.core_type = #tpu.core_type<sc_vector_subcore>, window_params = [{transform_indices = #map}, {transform_indices = #map1}, {transform_indices = #map1}, {transform_indices = #map1}, {transform_indices = #map1}]} {
    %mul3A = arith.constant 2 : i32
    %mul3A_0 = arith.muli %arg1, %mul3A : i32
    %add3A = arith.addi %mul3A_0, %arg0 : i32
    %mul3A_1 = arith.constant 128 : i32
    %mul3A_2 = arith.muli %add3A, %mul3A_1 : i32
    "tpu.region"() ({
      %run_scoped3A = tpu.sem_alloc : memref<!tpu.dma_semaphore, #tpu.memory_space<semaphore_mem>>
      %dma_start3A_56 = tpu.memref_slice %arg2[%mul3A_2] : memref<4096xi32, #tpu.memory_space<hbm>> -> memref<128xi32, #tpu.memory_space<hbm>>
      %dma_start3A_57 = tpu.memref_slice %arg2[%mul3A_2] : memref<4096xi32, #tpu.memory_space<hbm>> -> memref<128xi32, #tpu.memory_space<hbm>>
      tpu.enqueue_dma source(%dma_start3A_57 : memref<128xi32, #tpu.memory_space<hbm>>) target(%arg7 : memref<128xi32, #tpu.memory_space<vmem>>) target_semaphore(%run_scoped3A : memref<!tpu.dma_semaphore, #tpu.memory_space<semaphore_mem>>)
      %dma_wait3A_58 = tpu.memref_slice %arg2[%mul3A_2] : memref<4096xi32, #tpu.memory_space<hbm>> -> memref<128xi32, #tpu.memory_space<hbm>>
      %dma_wait3A_59 = tpu.memref_slice %arg2[%mul3A_2] : memref<4096xi32, #tpu.memory_space<hbm>> -> memref<128xi32, #tpu.memory_space<hbm>>
      tpu.wait_dma2 semaphore(%run_scoped3A : memref<!tpu.dma_semaphore, #tpu.memory_space<semaphore_mem>>) src(%dma_wait3A_59 : memref<128xi32, #tpu.memory_space<hbm>>) dst(%arg7 : memref<128xi32, #tpu.memory_space<vmem>>)
      tpu.yield
    }) : () -> ()
    %dma_start3A = arith.constant 0 : i32
    %dma_start3A_3 = arith.constant 0 : i32
    %dma_start3A_4 = tpu.memref_slice %arg3[%dma_start3A, %dma_start3A_3] : memref<100000x16xi32, #tpu.memory_space<hbm>> -> memref<100000x16xi32, #tpu.memory_space<hbm>>
    tpu.enqueue_indirect_dma source(%dma_start3A_4 : memref<100000x16xi32, #tpu.memory_space<hbm>>) target(%arg8 : memref<128x16xi32, #tpu.memory_space<vmem>>) offsets(%arg7 : memref<128xi32, #tpu.memory_space<vmem>>) semaphore(%arg16 : memref<!tpu.dma_semaphore, #tpu.memory_space<semaphore_mem>>)
    %dma_wait3A = arith.constant 0 : i32
    %dma_wait3A_5 = arith.constant 0 : i32
    %dma_wait3A_6 = tpu.memref_slice %arg3[%dma_wait3A, %dma_wait3A_5] : memref<100000x16xi32, #tpu.memory_space<hbm>> -> memref<100000x16xi32, #tpu.memory_space<hbm>>
    tpu.wait_indirect_dma semaphore(%arg16 : memref<!tpu.dma_semaphore, #tpu.memory_space<semaphore_mem>>) src(%dma_wait3A_6 : memref<100000x16xi32, #tpu.memory_space<hbm>>) dst(%arg8 : memref<128x16xi32, #tpu.memory_space<vmem>>)
    %dma_start3A_7 = arith.constant 0 : i32
    %dma_start3A_8 = arith.constant 0 : i32
    %dma_start3A_9 = tpu.memref_slice %arg5[%dma_start3A_7, %dma_start3A_8] : memref<100000x128xf32, #tpu.memory_space<hbm>> -> memref<100000x128xf32, #tpu.memory_space<hbm>>
    tpu.enqueue_indirect_dma source(%dma_start3A_9 : memref<100000x128xf32, #tpu.memory_space<hbm>>) target(%arg10 : memref<128x128xf32, #tpu.memory_space<vmem>>) offsets(%arg7 : memref<128xi32, #tpu.memory_space<vmem>>) semaphore(%arg16 : memref<!tpu.dma_semaphore, #tpu.memory_space<semaphore_mem>>)
    %dma_wait3A_10 = arith.constant 0 : i32
    %dma_wait3A_11 = arith.constant 0 : i32
    %dma_wait3A_12 = tpu.memref_slice %arg5[%dma_wait3A_10, %dma_wait3A_11] : memref<100000x128xf32, #tpu.memory_space<hbm>> -> memref<100000x128xf32, #tpu.memory_space<hbm>>
    tpu.wait_indirect_dma semaphore(%arg16 : memref<!tpu.dma_semaphore, #tpu.memory_space<semaphore_mem>>) src(%dma_wait3A_12 : memref<100000x128xf32, #tpu.memory_space<hbm>>) dst(%arg10 : memref<128x128xf32, #tpu.memory_space<vmem>>)
    %scan3A = arith.constant 0 : i32
    %scan3A_13 = arith.constant 0 : i32
    %scan3A_14 = arith.constant 128 : i32
    %scan3A_15 = arith.addi %scan3A_13, %scan3A_14 : i32
    %scan3A_16 = arith.constant 1 : i32
    scf.for %scan3A_56 = %scan3A_13 to %scan3A_15 step %scan3A_16  : i32 {
      %get3A = arith.index_cast %scan3A_56 : i32 to index
      %get3A_57 = arith.constant 0 : index
      %get3A_58 = tpu.vector_load %arg8[%get3A, %get3A_57] {strides = array<i32>} : memref<128x16xi32, #tpu.memory_space<vmem>>, vector<16xi32>,
      %mul3A_59 = arith.constant 16 : i32
      %mul3A_60 = arith.muli %scan3A_56, %mul3A_59 : i32
      %swap3A = arith.index_cast %mul3A_60 : i32 to index
      %swap3A_61 = tpu.vector_load %arg9[%swap3A] {strides = array<i32>} : memref<2048xi32, #tpu.memory_space<vmem>>, vector<16xi32>,
      tpu.vector_store %arg9[%swap3A], %get3A_58 {strides = array<i32>} : memref<2048xi32, #tpu.memory_space<vmem>>, vector<16xi32>,
    }
    %scan3A_17 = arith.constant 128 : i32
    %iota3A = tpu.iota {dimensions = array<i32: 0>} : vector<16xi32>
    %dma_start3A_18 = arith.constant 0 : i32
    %dma_start3A_19 = arith.constant 0 : i32
    %dma_start3A_20 = tpu.memref_slice %arg11[%dma_start3A_18, %dma_start3A_19] : memref<256x128xf32, #tpu.memory_space<vmem>> -> memref<128x128xf32, #tpu.memory_space<vmem>>
    %dma_start3A_21 = arith.constant 0 : i32
    %dma_start3A_22 = tpu.memref_slice %arg9[%dma_start3A_21] : memref<2048xi32, #tpu.memory_space<vmem>> -> memref<128xi32, #tpu.memory_space<vmem>>
    %dma_start3A_23 = arith.constant 0 : i32
    %dma_start3A_24 = arith.constant 0 : i32
    %dma_start3A_25 = tpu.memref_slice %arg4[%dma_start3A_23, %dma_start3A_24] : memref<1024x128xf32, #tpu.memory_space<hbm>> -> memref<1024x128xf32, #tpu.memory_space<hbm>>
    tpu.enqueue_indirect_dma source(%dma_start3A_25 : memref<1024x128xf32, #tpu.memory_space<hbm>>) target(%dma_start3A_20 : memref<128x128xf32, #tpu.memory_space<vmem>>) offsets(%dma_start3A_22 : memref<128xi32, #tpu.memory_space<vmem>>) semaphore(%arg16 : memref<!tpu.dma_semaphore, #tpu.memory_space<semaphore_mem>>)
    %dma_start3A_26 = arith.constant 128 : i32
    %dma_start3A_27 = arith.constant 0 : i32
    %dma_start3A_28 = tpu.memref_slice %arg11[%dma_start3A_26, %dma_start3A_27] : memref<256x128xf32, #tpu.memory_space<vmem>> -> memref<128x128xf32, #tpu.memory_space<vmem>>
    %dma_start3A_29 = arith.constant 128 : i32
    %dma_start3A_30 = tpu.memref_slice %arg9[%dma_start3A_29] : memref<2048xi32, #tpu.memory_space<vmem>> -> memref<128xi32, #tpu.memory_space<vmem>>
    %dma_start3A_31 = arith.constant 0 : i32
    %dma_start3A_32 = arith.constant 0 : i32
    %dma_start3A_33 = tpu.memref_slice %arg4[%dma_start3A_31, %dma_start3A_32] : memref<1024x128xf32, #tpu.memory_space<hbm>> -> memref<1024x128xf32, #tpu.memory_space<hbm>>
    tpu.enqueue_indirect_dma source(%dma_start3A_33 : memref<1024x128xf32, #tpu.memory_space<hbm>>) target(%dma_start3A_28 : memref<128x128xf32, #tpu.memory_space<vmem>>) offsets(%dma_start3A_30 : memref<128xi32, #tpu.memory_space<vmem>>) semaphore(%arg16 : memref<!tpu.dma_semaphore, #tpu.memory_space<semaphore_mem>>)
    %dma_start3A_34 = arith.constant 0 : i32
    %dma_start3A_35 = arith.constant 0 : i32
    %dma_start3A_36 = tpu.memref_slice %arg12[%dma_start3A_34, %dma_start3A_35] : memref<256x128xf32, #tpu.memory_space<vmem>> -> memref<128x128xf32, #tpu.memory_space<vmem>>
    %dma_start3A_37 = arith.constant 256 : i32
    %dma_start3A_38 = tpu.memref_slice %arg9[%dma_start3A_37] : memref<2048xi32, #tpu.memory_space<vmem>> -> memref<128xi32, #tpu.memory_space<vmem>>
    %dma_start3A_39 = arith.constant 0 : i32
    %dma_start3A_40 = arith.constant 0 : i32
    %dma_start3A_41 = tpu.memref_slice %arg4[%dma_start3A_39, %dma_start3A_40] : memref<1024x128xf32, #tpu.memory_space<hbm>> -> memref<1024x128xf32, #tpu.memory_space<hbm>>
    tpu.enqueue_indirect_dma source(%dma_start3A_41 : memref<1024x128xf32, #tpu.memory_space<hbm>>) target(%dma_start3A_36 : memref<128x128xf32, #tpu.memory_space<vmem>>) offsets(%dma_start3A_38 : memref<128xi32, #tpu.memory_space<vmem>>) semaphore(%arg17 : memref<!tpu.dma_semaphore, #tpu.memory_space<semaphore_mem>>)
    %dma_start3A_42 = arith.constant 128 : i32
    %dma_start3A_43 = arith.constant 0 : i32
    %dma_start3A_44 = tpu.memref_slice %arg12[%dma_start3A_42, %dma_start3A_43] : memref<256x128xf32, #tpu.memory_space<vmem>> -> memref<128x128xf32, #tpu.memory_space<vmem>>
    %dma_start3A_45 = arith.constant 384 : i32
    %dma_start3A_46 = tpu.memref_slice %arg9[%dma_start3A_45] : memref<2048xi32, #tpu.memory_space<vmem>> -> memref<128xi32, #tpu.memory_space<vmem>>
    %dma_start3A_47 = arith.constant 0 : i32
    %dma_start3A_48 = arith.constant 0 : i32
    %dma_start3A_49 = tpu.memref_slice %arg4[%dma_start3A_47, %dma_start3A_48] : memref<1024x128xf32, #tpu.memory_space<hbm>> -> memref<1024x128xf32, #tpu.memory_space<hbm>>
    tpu.enqueue_indirect_dma source(%dma_start3A_49 : memref<1024x128xf32, #tpu.memory_space<hbm>>) target(%dma_start3A_44 : memref<128x128xf32, #tpu.memory_space<vmem>>) offsets(%dma_start3A_46 : memref<128xi32, #tpu.memory_space<vmem>>) semaphore(%arg17 : memref<!tpu.dma_semaphore, #tpu.memory_space<semaphore_mem>>)
    %scan3A_50 = arith.constant 0 : i32
    %scan3A_51 = arith.constant 0 : i32
    %scan3A_52 = arith.constant 4 : i32
    %scan3A_53 = arith.addi %scan3A_51, %scan3A_52 : i32
    %scan3A_54 = arith.constant 1 : i32
    scf.for %scan3A_56 = %scan3A_51 to %scan3A_53 step %scan3A_54  : i32 {
      %mul3A_57 = arith.constant 2 : i32
      %mul3A_58 = arith.muli %mul3A_57, %scan3A_56 : i32
      %mul3A_59 = arith.constant 2 : i32
      %mul3A_60 = arith.muli %mul3A_59, %scan3A_56 : i32
      %add3A_61 = arith.constant 1 : i32
      %add3A_62 = arith.addi %mul3A_60, %add3A_61 : i32
      %mul3A_63 = arith.constant 16 : i32
      %mul3A_64 = arith.muli %mul3A_58, %mul3A_63 : i32
      %mul3A_65 = arith.constant 16 : i32
      %mul3A_66 = arith.muli %mul3A_64, %mul3A_65 : i32
      %dma_wait3A_67 = arith.constant 0 : i32
      %dma_wait3A_68 = arith.constant 0 : i32
      %dma_wait3A_69 = tpu.memref_slice %arg11[%dma_wait3A_67, %dma_wait3A_68] : memref<256x128xf32, #tpu.memory_space<vmem>> -> memref<128x128xf32, #tpu.memory_space<vmem>>
      %dma_wait3A_70 = tpu.memref_slice %arg9[%mul3A_66] : memref<2048xi32, #tpu.memory_space<vmem>> -> memref<128xi32, #tpu.memory_space<vmem>>
      %dma_wait3A_71 = arith.constant 0 : i32
      %dma_wait3A_72 = arith.constant 0 : i32
      %dma_wait3A_73 = tpu.memref_slice %arg4[%dma_wait3A_71, %dma_wait3A_72] : memref<1024x128xf32, #tpu.memory_space<hbm>> -> memref<1024x128xf32, #tpu.memory_space<hbm>>
      tpu.wait_indirect_dma semaphore(%arg16 : memref<!tpu.dma_semaphore, #tpu.memory_space<semaphore_mem>>) src(%dma_wait3A_73 : memref<1024x128xf32, #tpu.memory_space<hbm>>) dst(%dma_wait3A_69 : memref<128x128xf32, #tpu.memory_space<vmem>>)
      %add3A_74 = arith.constant 128 : i32
      %add3A_75 = arith.addi %mul3A_66, %add3A_74 : i32
      %dma_wait3A_76 = arith.constant 128 : i32
      %dma_wait3A_77 = arith.constant 0 : i32
      %dma_wait3A_78 = tpu.memref_slice %arg11[%dma_wait3A_76, %dma_wait3A_77] : memref<256x128xf32, #tpu.memory_space<vmem>> -> memref<128x128xf32, #tpu.memory_space<vmem>>
      %dma_wait3A_79 = tpu.memref_slice %arg9[%add3A_75] : memref<2048xi32, #tpu.memory_space<vmem>> -> memref<128xi32, #tpu.memory_space<vmem>>
      %dma_wait3A_80 = arith.constant 0 : i32
      %dma_wait3A_81 = arith.constant 0 : i32
      %dma_wait3A_82 = tpu.memref_slice %arg4[%dma_wait3A_80, %dma_wait3A_81] : memref<1024x128xf32, #tpu.memory_space<hbm>> -> memref<1024x128xf32, #tpu.memory_space<hbm>>
      tpu.wait_indirect_dma semaphore(%arg16 : memref<!tpu.dma_semaphore, #tpu.memory_space<semaphore_mem>>) src(%dma_wait3A_82 : memref<1024x128xf32, #tpu.memory_space<hbm>>) dst(%dma_wait3A_78 : memref<128x128xf32, #tpu.memory_space<vmem>>)
      %scan3A_83 = arith.constant 0 : i32
      %scan3A_84 = arith.constant 0 : i32
      %scan3A_85 = arith.constant 16 : i32
      %scan3A_86 = arith.addi %scan3A_84, %scan3A_85 : i32
      %scan3A_87 = arith.constant 1 : i32
      scf.for %scan3A_578 = %scan3A_84 to %scan3A_86 step %scan3A_87  : i32 {
        %mul3A_579 = arith.constant 16 : i32
        %mul3A_580 = arith.muli %mul3A_58, %mul3A_579 : i32
        %add3A_581 = arith.addi %mul3A_580, %scan3A_578 : i32
        %get3A = arith.index_cast %add3A_581 : i32 to index
        %get3A_582 = arith.constant 0 : index
        %get3A_583 = tpu.vector_load %arg10[%get3A, %get3A_582] {strides = array<i32>} : memref<128x128xf32, #tpu.memory_space<vmem>>, vector<16xf32>,
        %get3A_584 = arith.index_cast %add3A_581 : i32 to index
        %get3A_585 = arith.constant 16 : index
        %get3A_586 = tpu.vector_load %arg10[%get3A_584, %get3A_585] {strides = array<i32>} : memref<128x128xf32, #tpu.memory_space<vmem>>, vector<16xf32>,
        %get3A_587 = arith.index_cast %add3A_581 : i32 to index
        %get3A_588 = arith.constant 32 : index
        %get3A_589 = tpu.vector_load %arg10[%get3A_587, %get3A_588] {strides = array<i32>} : memref<128x128xf32, #tpu.memory_space<vmem>>, vector<16xf32>,
        %get3A_590 = arith.index_cast %add3A_581 : i32 to index
        %get3A_591 = arith.constant 48 : index
        %get3A_592 = tpu.vector_load %arg10[%get3A_590, %get3A_591] {strides = array<i32>} : memref<128x128xf32, #tpu.memory_space<vmem>>, vector<16xf32>,
        %get3A_593 = arith.index_cast %add3A_581 : i32 to index
        %get3A_594 = arith.constant 64 : index
        %get3A_595 = tpu.vector_load %arg10[%get3A_593, %get3A_594] {strides = array<i32>} : memref<128x128xf32, #tpu.memory_space<vmem>>, vector<16xf32>,
        %get3A_596 = arith.index_cast %add3A_581 : i32 to index
        %get3A_597 = arith.constant 80 : index
        %get3A_598 = tpu.vector_load %arg10[%get3A_596, %get3A_597] {strides = array<i32>} : memref<128x128xf32, #tpu.memory_space<vmem>>, vector<16xf32>,
        %get3A_599 = arith.index_cast %add3A_581 : i32 to index
        %get3A_600 = arith.constant 96 : index
        %get3A_601 = tpu.vector_load %arg10[%get3A_599, %get3A_600] {strides = array<i32>} : memref<128x128xf32, #tpu.memory_space<vmem>>, vector<16xf32>,
        %get3A_602 = arith.index_cast %add3A_581 : i32 to index
        %get3A_603 = arith.constant 112 : index
        %get3A_604 = tpu.vector_load %arg10[%get3A_602, %get3A_603] {strides = array<i32>} : memref<128x128xf32, #tpu.memory_space<vmem>>, vector<16xf32>,
        %mul3A_605 = arith.constant 16 : i32
        %mul3A_606 = arith.muli %scan3A_578, %mul3A_605 : i32
        %add3A_607 = arith.constant 0 : i32
        %add3A_608 = arith.addi %mul3A_606, %add3A_607 : i32
        %get3A_609 = arith.index_cast %add3A_608 : i32 to index
        %get3A_610 = arith.constant 0 : index
        %get3A_611 = tpu.vector_load %arg11[%get3A_609, %get3A_610] {strides = array<i32>} : memref<256x128xf32, #tpu.memory_space<vmem>>, vector<16xf32>,
        %mul3A_612 = arith.mulf %get3A_583, %get3A_611 : vector<16xf32>
        %mul3A_613 = arith.constant 16 : i32
        %mul3A_614 = arith.muli %scan3A_578, %mul3A_613 : i32
        %add3A_615 = arith.constant 0 : i32
        %add3A_616 = arith.addi %mul3A_614, %add3A_615 : i32
        %get3A_617 = arith.index_cast %add3A_616 : i32 to index
        %get3A_618 = arith.constant 16 : index
        %get3A_619 = tpu.vector_load %arg11[%get3A_617, %get3A_618] {strides = array<i32>} : memref<256x128xf32, #tpu.memory_space<vmem>>, vector<16xf32>,
        %mul3A_620 = arith.mulf %get3A_586, %get3A_619 : vector<16xf32>
        %mul3A_621 = arith.constant 16 : i32
        %mul3A_622 = arith.muli %scan3A_578, %mul3A_621 : i32
        %add3A_623 = arith.constant 0 : i32
        %add3A_624 = arith.addi %mul3A_622, %add3A_623 : i32
        %get3A_625 = arith.index_cast %add3A_624 : i32 to index
        %get3A_626 = arith.constant 32 : index
        %get3A_627 = tpu.vector_load %arg11[%get3A_625, %get3A_626] {strides = array<i32>} : memref<256x128xf32, #tpu.memory_space<vmem>>, vector<16xf32>,
        %mul3A_628 = arith.mulf %get3A_589, %get3A_627 : vector<16xf32>
        %mul3A_629 = arith.constant 16 : i32
        %mul3A_630 = arith.muli %scan3A_578, %mul3A_629 : i32
        %add3A_631 = arith.constant 0 : i32
        %add3A_632 = arith.addi %mul3A_630, %add3A_631 : i32
        %get3A_633 = arith.index_cast %add3A_632 : i32 to index
        %get3A_634 = arith.constant 48 : index
        %get3A_635 = tpu.vector_load %arg11[%get3A_633, %get3A_634] {strides = array<i32>} : memref<256x128xf32, #tpu.memory_space<vmem>>, vector<16xf32>,
        %mul3A_636 = arith.mulf %get3A_592, %get3A_635 : vector<16xf32>
        %mul3A_637 = arith.constant 16 : i32
        %mul3A_638 = arith.muli %scan3A_578, %mul3A_637 : i32
        %add3A_639 = arith.constant 0 : i32
        %add3A_640 = arith.addi %mul3A_638, %add3A_639 : i32
        %get3A_641 = arith.index_cast %add3A_640 : i32 to index
        %get3A_642 = arith.constant 64 : index
        %get3A_643 = tpu.vector_load %arg11[%get3A_641, %get3A_642] {strides = array<i32>} : memref<256x128xf32, #tpu.memory_space<vmem>>, vector<16xf32>,
        %mul3A_644 = arith.mulf %get3A_595, %get3A_643 : vector<16xf32>
        %mul3A_645 = arith.constant 16 : i32
        %mul3A_646 = arith.muli %scan3A_578, %mul3A_645 : i32
        %add3A_647 = arith.constant 0 : i32
        %add3A_648 = arith.addi %mul3A_646, %add3A_647 : i32
        %get3A_649 = arith.index_cast %add3A_648 : i32 to index
        %get3A_650 = arith.constant 80 : index
        %get3A_651 = tpu.vector_load %arg11[%get3A_649, %get3A_650] {strides = array<i32>} : memref<256x128xf32, #tpu.memory_space<vmem>>, vector<16xf32>,
        %mul3A_652 = arith.mulf %get3A_598, %get3A_651 : vector<16xf32>
        %mul3A_653 = arith.constant 16 : i32
        %mul3A_654 = arith.muli %scan3A_578, %mul3A_653 : i32
        %add3A_655 = arith.constant 0 : i32
        %add3A_656 = arith.addi %mul3A_654, %add3A_655 : i32
        %get3A_657 = arith.index_cast %add3A_656 : i32 to index
        %get3A_658 = arith.constant 96 : index
        %get3A_659 = tpu.vector_load %arg11[%get3A_657, %get3A_658] {strides = array<i32>} : memref<256x128xf32, #tpu.memory_space<vmem>>, vector<16xf32>,
        %mul3A_660 = arith.mulf %get3A_601, %get3A_659 : vector<16xf32>
        %mul3A_661 = arith.constant 16 : i32
        %mul3A_662 = arith.muli %scan3A_578, %mul3A_661 : i32
        %add3A_663 = arith.constant 0 : i32
        %add3A_664 = arith.addi %mul3A_662, %add3A_663 : i32
        %get3A_665 = arith.index_cast %add3A_664 : i32 to index
        %get3A_666 = arith.constant 112 : index
        %get3A_667 = tpu.vector_load %arg11[%get3A_665, %get3A_666] {strides = array<i32>} : memref<256x128xf32, #tpu.memory_space<vmem>>, vector<16xf32>,
        %mul3A_668 = arith.mulf %get3A_604, %get3A_667 : vector<16xf32>
        %add3A_669 = arith.addf %mul3A_612, %mul3A_620 : vector<16xf32>
        %add3A_670 = arith.addf %mul3A_628, %mul3A_636 : vector<16xf32>
        %add3A_671 = arith.addf %mul3A_644, %mul3A_652 : vector<16xf32>
        %add3A_672 = arith.addf %mul3A_660, %mul3A_668 : vector<16xf32>
        %add3A_673 = arith.addf %add3A_669, %add3A_670 : vector<16xf32>
        %add3A_674 = arith.addf %add3A_671, %add3A_672 : vector<16xf32>
        %add3A_675 = arith.addf %add3A_673, %add3A_674 : vector<16xf32>
        %swap3A = arith.constant 0 : i32
        %swap3A_676 = arith.index_cast %swap3A : i32 to index
        %swap3A_677 = arith.constant 0 : index
        %swap3A_678 = tpu.vector_load %arg13[%swap3A_676, %swap3A_677] {strides = array<i32>} : memref<16x16xf32, #tpu.memory_space<vmem>>, vector<16xf32>,
        tpu.vector_store %arg13[%swap3A_676, %swap3A_677], %add3A_675 {strides = array<i32>} : memref<16x16xf32, #tpu.memory_space<vmem>>, vector<16xf32>,
        %mul3A_679 = arith.constant 16 : i32
        %mul3A_680 = arith.muli %scan3A_578, %mul3A_679 : i32
        %add3A_681 = arith.constant 1 : i32
        %add3A_682 = arith.addi %mul3A_680, %add3A_681 : i32
        %get3A_683 = arith.index_cast %add3A_682 : i32 to index
        %get3A_684 = arith.constant 0 : index
        %get3A_685 = tpu.vector_load %arg11[%get3A_683, %get3A_684] {strides = array<i32>} : memref<256x128xf32, #tpu.memory_space<vmem>>, vector<16xf32>,
        %mul3A_686 = arith.mulf %get3A_583, %get3A_685 : vector<16xf32>
        %mul3A_687 = arith.constant 16 : i32
        %mul3A_688 = arith.muli %scan3A_578, %mul3A_687 : i32
        %add3A_689 = arith.constant 1 : i32
        %add3A_690 = arith.addi %mul3A_688, %add3A_689 : i32
        %get3A_691 = arith.index_cast %add3A_690 : i32 to index
        %get3A_692 = arith.constant 16 : index
        %get3A_693 = tpu.vector_load %arg11[%get3A_691, %get3A_692] {strides = array<i32>} : memref<256x128xf32, #tpu.memory_space<vmem>>, vector<16xf32>,
        %mul3A_694 = arith.mulf %get3A_586, %get3A_693 : vector<16xf32>
        %mul3A_695 = arith.constant 16 : i32
        %mul3A_696 = arith.muli %scan3A_578, %mul3A_695 : i32
        %add3A_697 = arith.constant 1 : i32
        %add3A_698 = arith.addi %mul3A_696, %add3A_697 : i32
        %get3A_699 = arith.index_cast %add3A_698 : i32 to index
        %get3A_700 = arith.constant 32 : index
        %get3A_701 = tpu.vector_load %arg11[%get3A_699, %get3A_700] {strides = array<i32>} : memref<256x128xf32, #tpu.memory_space<vmem>>, vector<16xf32>,
        %mul3A_702 = arith.mulf %get3A_589, %get3A_701 : vector<16xf32>
        %mul3A_703 = arith.constant 16 : i32
        %mul3A_704 = arith.muli %scan3A_578, %mul3A_703 : i32
        %add3A_705 = arith.constant 1 : i32
        %add3A_706 = arith.addi %mul3A_704, %add3A_705 : i32
        %get3A_707 = arith.index_cast %add3A_706 : i32 to index
        %get3A_708 = arith.constant 48 : index
        %get3A_709 = tpu.vector_load %arg11[%get3A_707, %get3A_708] {strides = array<i32>} : memref<256x128xf32, #tpu.memory_space<vmem>>, vector<16xf32>,
        %mul3A_710 = arith.mulf %get3A_592, %get3A_709 : vector<16xf32>
        %mul3A_711 = arith.constant 16 : i32
        %mul3A_712 = arith.muli %scan3A_578, %mul3A_711 : i32
        %add3A_713 = arith.constant 1 : i32
        %add3A_714 = arith.addi %mul3A_712, %add3A_713 : i32
        %get3A_715 = arith.index_cast %add3A_714 : i32 to index
        %get3A_716 = arith.constant 64 : index
        %get3A_717 = tpu.vector_load %arg11[%get3A_715, %get3A_716] {strides = array<i32>} : memref<256x128xf32, #tpu.memory_space<vmem>>, vector<16xf32>,
        %mul3A_718 = arith.mulf %get3A_595, %get3A_717 : vector<16xf32>
        %mul3A_719 = arith.constant 16 : i32
        %mul3A_720 = arith.muli %scan3A_578, %mul3A_719 : i32
        %add3A_721 = arith.constant 1 : i32
        %add3A_722 = arith.addi %mul3A_720, %add3A_721 : i32
        %get3A_723 = arith.index_cast %add3A_722 : i32 to index
        %get3A_724 = arith.constant 80 : index
        %get3A_725 = tpu.vector_load %arg11[%get3A_723, %get3A_724] {strides = array<i32>} : memref<256x128xf32, #tpu.memory_space<vmem>>, vector<16xf32>,
        %mul3A_726 = arith.mulf %get3A_598, %get3A_725 : vector<16xf32>
        %mul3A_727 = arith.constant 16 : i32
        %mul3A_728 = arith.muli %scan3A_578, %mul3A_727 : i32
        %add3A_729 = arith.constant 1 : i32
        %add3A_730 = arith.addi %mul3A_728, %add3A_729 : i32
        %get3A_731 = arith.index_cast %add3A_730 : i32 to index
        %get3A_732 = arith.constant 96 : index
        %get3A_733 = tpu.vector_load %arg11[%get3A_731, %get3A_732] {strides = array<i32>} : memref<256x128xf32, #tpu.memory_space<vmem>>, vector<16xf32>,
        %mul3A_734 = arith.mulf %get3A_601, %get3A_733 : vector<16xf32>
        %mul3A_735 = arith.constant 16 : i32
        %mul3A_736 = arith.muli %scan3A_578, %mul3A_735 : i32
        %add3A_737 = arith.constant 1 : i32
        %add3A_738 = arith.addi %mul3A_736, %add3A_737 : i32
        %get3A_739 = arith.index_cast %add3A_738 : i32 to index
        %get3A_740 = arith.constant 112 : index
        %get3A_741 = tpu.vector_load %arg11[%get3A_739, %get3A_740] {strides = array<i32>} : memref<256x128xf32, #tpu.memory_space<vmem>>, vector<16xf32>,
        %mul3A_742 = arith.mulf %get3A_604, %get3A_741 : vector<16xf32>
        %add3A_743 = arith.addf %mul3A_686, %mul3A_694 : vector<16xf32>
        %add3A_744 = arith.addf %mul3A_702, %mul3A_710 : vector<16xf32>
        %add3A_745 = arith.addf %mul3A_718, %mul3A_726 : vector<16xf32>
        %add3A_746 = arith.addf %mul3A_734, %mul3A_742 : vector<16xf32>
        %add3A_747 = arith.addf %add3A_743, %add3A_744 : vector<16xf32>
        %add3A_748 = arith.addf %add3A_745, %add3A_746 : vector<16xf32>
        %add3A_749 = arith.addf %add3A_747, %add3A_748 : vector<16xf32>
        %swap3A_750 = arith.constant 1 : i32
        %swap3A_751 = arith.index_cast %swap3A_750 : i32 to index
        %swap3A_752 = arith.constant 0 : index
        %swap3A_753 = tpu.vector_load %arg13[%swap3A_751, %swap3A_752] {strides = array<i32>} : memref<16x16xf32, #tpu.memory_space<vmem>>, vector<16xf32>,
        tpu.vector_store %arg13[%swap3A_751, %swap3A_752], %add3A_749 {strides = array<i32>} : memref<16x16xf32, #tpu.memory_space<vmem>>, vector<16xf32>,
        %mul3A_754 = arith.constant 16 : i32
        %mul3A_755 = arith.muli %scan3A_578, %mul3A_754 : i32
        %add3A_756 = arith.constant 2 : i32
        %add3A_757 = arith.addi %mul3A_755, %add3A_756 : i32
        %get3A_758 = arith.index_cast %add3A_757 : i32 to index
        %get3A_759 = arith.constant 0 : index
        %get3A_760 = tpu.vector_load %arg11[%get3A_758, %get3A_759] {strides = array<i32>} : memref<256x128xf32, #tpu.memory_space<vmem>>, vector<16xf32>,
        %mul3A_761 = arith.mulf %get3A_583, %get3A_760 : vector<16xf32>
        %mul3A_762 = arith.constant 16 : i32
        %mul3A_763 = arith.muli %scan3A_578, %mul3A_762 : i32
        %add3A_764 = arith.constant 2 : i32
        %add3A_765 = arith.addi %mul3A_763, %add3A_764 : i32
        %get3A_766 = arith.index_cast %add3A_765 : i32 to index
        %get3A_767 = arith.constant 16 : index
        %get3A_768 = tpu.vector_load %arg11[%get3A_766, %get3A_767] {strides = array<i32>} : memref<256x128xf32, #tpu.memory_space<vmem>>, vector<16xf32>,
        %mul3A_769 = arith.mulf %get3A_586, %get3A_768 : vector<16xf32>
        %mul3A_770 = arith.constant 16 : i32
        %mul3A_771 = arith.muli %scan3A_578, %mul3A_770 : i32
        %add3A_772 = arith.constant 2 : i32
        %add3A_773 = arith.addi %mul3A_771, %add3A_772 : i32
        %get3A_774 = arith.index_cast %add3A_773 : i32 to index
        %get3A_775 = arith.constant 32 : index
        %get3A_776 = tpu.vector_load %arg11[%get3A_774, %get3A_775] {strides = array<i32>} : memref<256x128xf32, #tpu.memory_space<vmem>>, vector<16xf32>,
        %mul3A_777 = arith.mulf %get3A_589, %get3A_776 : vector<16xf32>
        %mul3A_778 = arith.constant 16 : i32
        %mul3A_779 = arith.muli %scan3A_578, %mul3A_778 : i32
        %add3A_780 = arith.constant 2 : i32
        %add3A_781 = arith.addi %mul3A_779, %add3A_780 : i32
        %get3A_782 = arith.index_cast %add3A_781 : i32 to index
        %get3A_783 = arith.constant 48 : index
        %get3A_784 = tpu.vector_load %arg11[%get3A_782, %get3A_783] {strides = array<i32>} : memref<256x128xf32, #tpu.memory_space<vmem>>, vector<16xf32>,
        %mul3A_785 = arith.mulf %get3A_592, %get3A_784 : vector<16xf32>
        %mul3A_786 = arith.constant 16 : i32
        %mul3A_787 = arith.muli %scan3A_578, %mul3A_786 : i32
        %add3A_788 = arith.constant 2 : i32
        %add3A_789 = arith.addi %mul3A_787, %add3A_788 : i32
        %get3A_790 = arith.index_cast %add3A_789 : i32 to index
        %get3A_791 = arith.constant 64 : index
        %get3A_792 = tpu.vector_load %arg11[%get3A_790, %get3A_791] {strides = array<i32>} : memref<256x128xf32, #tpu.memory_space<vmem>>, vector<16xf32>,
        %mul3A_793 = arith.mulf %get3A_595, %get3A_792 : vector<16xf32>
        %mul3A_794 = arith.constant 16 : i32
        %mul3A_795 = arith.muli %scan3A_578, %mul3A_794 : i32
        %add3A_796 = arith.constant 2 : i32
        %add3A_797 = arith.addi %mul3A_795, %add3A_796 : i32
        %get3A_798 = arith.index_cast %add3A_797 : i32 to index
        %get3A_799 = arith.constant 80 : index
        %get3A_800 = tpu.vector_load %arg11[%get3A_798, %get3A_799] {strides = array<i32>} : memref<256x128xf32, #tpu.memory_space<vmem>>, vector<16xf32>,
        %mul3A_801 = arith.mulf %get3A_598, %get3A_800 : vector<16xf32>
        %mul3A_802 = arith.constant 16 : i32
        %mul3A_803 = arith.muli %scan3A_578, %mul3A_802 : i32
        %add3A_804 = arith.constant 2 : i32
        %add3A_805 = arith.addi %mul3A_803, %add3A_804 : i32
        %get3A_806 = arith.index_cast %add3A_805 : i32 to index
        %get3A_807 = arith.constant 96 : index
        %get3A_808 = tpu.vector_load %arg11[%get3A_806, %get3A_807] {strides = array<i32>} : memref<256x128xf32, #tpu.memory_space<vmem>>, vector<16xf32>,
        %mul3A_809 = arith.mulf %get3A_601, %get3A_808 : vector<16xf32>
        %mul3A_810 = arith.constant 16 : i32
        %mul3A_811 = arith.muli %scan3A_578, %mul3A_810 : i32
        %add3A_812 = arith.constant 2 : i32
        %add3A_813 = arith.addi %mul3A_811, %add3A_812 : i32
        %get3A_814 = arith.index_cast %add3A_813 : i32 to index
        %get3A_815 = arith.constant 112 : index
        %get3A_816 = tpu.vector_load %arg11[%get3A_814, %get3A_815] {strides = array<i32>} : memref<256x128xf32, #tpu.memory_space<vmem>>, vector<16xf32>,
        %mul3A_817 = arith.mulf %get3A_604, %get3A_816 : vector<16xf32>
        %add3A_818 = arith.addf %mul3A_761, %mul3A_769 : vector<16xf32>
        %add3A_819 = arith.addf %mul3A_777, %mul3A_785 : vector<16xf32>
        %add3A_820 = arith.addf %mul3A_793, %mul3A_801 : vector<16xf32>
        %add3A_821 = arith.addf %mul3A_809, %mul3A_817 : vector<16xf32>
        %add3A_822 = arith.addf %add3A_818, %add3A_819 : vector<16xf32>
        %add3A_823 = arith.addf %add3A_820, %add3A_821 : vector<16xf32>
        %add3A_824 = arith.addf %add3A_822, %add3A_823 : vector<16xf32>
        %swap3A_825 = arith.constant 2 : i32
        %swap3A_826 = arith.index_cast %swap3A_825 : i32 to index
        %swap3A_827 = arith.constant 0 : index
        %swap3A_828 = tpu.vector_load %arg13[%swap3A_826, %swap3A_827] {strides = array<i32>} : memref<16x16xf32, #tpu.memory_space<vmem>>, vector<16xf32>,
        tpu.vector_store %arg13[%swap3A_826, %swap3A_827], %add3A_824 {strides = array<i32>} : memref<16x16xf32, #tpu.memory_space<vmem>>, vector<16xf32>,
        %mul3A_829 = arith.constant 16 : i32
        %mul3A_830 = arith.muli %scan3A_578, %mul3A_829 : i32
        %add3A_831 = arith.constant 3 : i32
        %add3A_832 = arith.addi %mul3A_830, %add3A_831 : i32
        %get3A_833 = arith.index_cast %add3A_832 : i32 to index
        %get3A_834 = arith.constant 0 : index
        %get3A_835 = tpu.vector_load %arg11[%get3A_833, %get3A_834] {strides = array<i32>} : memref<256x128xf32, #tpu.memory_space<vmem>>, vector<16xf32>,
        %mul3A_836 = arith.mulf %get3A_583, %get3A_835 : vector<16xf32>
        %mul3A_837 = arith.constant 16 : i32
        %mul3A_838 = arith.muli %scan3A_578, %mul3A_837 : i32
        %add3A_839 = arith.constant 3 : i32
        %add3A_840 = arith.addi %mul3A_838, %add3A_839 : i32
        %get3A_841 = arith.index_cast %add3A_840 : i32 to index
        %get3A_842 = arith.constant 16 : index
        %get3A_843 = tpu.vector_load %arg11[%get3A_841, %get3A_842] {strides = array<i32>} : memref<256x128xf32, #tpu.memory_space<vmem>>, vector<16xf32>,
        %mul3A_844 = arith.mulf %get3A_586, %get3A_843 : vector<16xf32>
        %mul3A_845 = arith.constant 16 : i32
        %mul3A_846 = arith.muli %scan3A_578, %mul3A_845 : i32
        %add3A_847 = arith.constant 3 : i32
        %add3A_848 = arith.addi %mul3A_846, %add3A_847 : i32
        %get3A_849 = arith.index_cast %add3A_848 : i32 to index
        %get3A_850 = arith.constant 32 : index
        %get3A_851 = tpu.vector_load %arg11[%get3A_849, %get3A_850] {strides = array<i32>} : memref<256x128xf32, #tpu.memory_space<vmem>>, vector<16xf32>,
        %mul3A_852 = arith.mulf %get3A_589, %get3A_851 : vector<16xf32>
        %mul3A_853 = arith.constant 16 : i32
        %mul3A_854 = arith.muli %scan3A_578, %mul3A_853 : i32
        %add3A_855 = arith.constant 3 : i32
        %add3A_856 = arith.addi %mul3A_854, %add3A_855 : i32
        %get3A_857 = arith.index_cast %add3A_856 : i32 to index
        %get3A_858 = arith.constant 48 : index
        %get3A_859 = tpu.vector_load %arg11[%get3A_857, %get3A_858] {strides = array<i32>} : memref<256x128xf32, #tpu.memory_space<vmem>>, vector<16xf32>,
        %mul3A_860 = arith.mulf %get3A_592, %get3A_859 : vector<16xf32>
        %mul3A_861 = arith.constant 16 : i32
        %mul3A_862 = arith.muli %scan3A_578, %mul3A_861 : i32
        %add3A_863 = arith.constant 3 : i32
        %add3A_864 = arith.addi %mul3A_862, %add3A_863 : i32
        %get3A_865 = arith.index_cast %add3A_864 : i32 to index
        %get3A_866 = arith.constant 64 : index
        %get3A_867 = tpu.vector_load %arg11[%get3A_865, %get3A_866] {strides = array<i32>} : memref<256x128xf32, #tpu.memory_space<vmem>>, vector<16xf32>,
        %mul3A_868 = arith.mulf %get3A_595, %get3A_867 : vector<16xf32>
        %mul3A_869 = arith.constant 16 : i32
        %mul3A_870 = arith.muli %scan3A_578, %mul3A_869 : i32
        %add3A_871 = arith.constant 3 : i32
        %add3A_872 = arith.addi %mul3A_870, %add3A_871 : i32
        %get3A_873 = arith.index_cast %add3A_872 : i32 to index
        %get3A_874 = arith.constant 80 : index
        %get3A_875 = tpu.vector_load %arg11[%get3A_873, %get3A_874] {strides = array<i32>} : memref<256x128xf32, #tpu.memory_space<vmem>>, vector<16xf32>,
        %mul3A_876 = arith.mulf %get3A_598, %get3A_875 : vector<16xf32>
        %mul3A_877 = arith.constant 16 : i32
        %mul3A_878 = arith.muli %scan3A_578, %mul3A_877 : i32
        %add3A_879 = arith.constant 3 : i32
        %add3A_880 = arith.addi %mul3A_878, %add3A_879 : i32
        %get3A_881 = arith.index_cast %add3A_880 : i32 to index
        %get3A_882 = arith.constant 96 : index
        %get3A_883 = tpu.vector_load %arg11[%get3A_881, %get3A_882] {strides = array<i32>} : memref<256x128xf32, #tpu.memory_space<vmem>>, vector<16xf32>,
        %mul3A_884 = arith.mulf %get3A_601, %get3A_883 : vector<16xf32>
        %mul3A_885 = arith.constant 16 : i32
        %mul3A_886 = arith.muli %scan3A_578, %mul3A_885 : i32
        %add3A_887 = arith.constant 3 : i32
        %add3A_888 = arith.addi %mul3A_886, %add3A_887 : i32
        %get3A_889 = arith.index_cast %add3A_888 : i32 to index
        %get3A_890 = arith.constant 112 : index
        %get3A_891 = tpu.vector_load %arg11[%get3A_889, %get3A_890] {strides = array<i32>} : memref<256x128xf32, #tpu.memory_space<vmem>>, vector<16xf32>,
        %mul3A_892 = arith.mulf %get3A_604, %get3A_891 : vector<16xf32>
        %add3A_893 = arith.addf %mul3A_836, %mul3A_844 : vector<16xf32>
        %add3A_894 = arith.addf %mul3A_852, %mul3A_860 : vector<16xf32>
        %add3A_895 = arith.addf %mul3A_868, %mul3A_876 : vector<16xf32>
        %add3A_896 = arith.addf %mul3A_884, %mul3A_892 : vector<16xf32>
        %add3A_897 = arith.addf %add3A_893, %add3A_894 : vector<16xf32>
        %add3A_898 = arith.addf %add3A_895, %add3A_896 : vector<16xf32>
        %add3A_899 = arith.addf %add3A_897, %add3A_898 : vector<16xf32>
        %swap3A_900 = arith.constant 3 : i32
        %swap3A_901 = arith.index_cast %swap3A_900 : i32 to index
        %swap3A_902 = arith.constant 0 : index
        %swap3A_903 = tpu.vector_load %arg13[%swap3A_901, %swap3A_902] {strides = array<i32>} : memref<16x16xf32, #tpu.memory_space<vmem>>, vector<16xf32>,
        tpu.vector_store %arg13[%swap3A_901, %swap3A_902], %add3A_899 {strides = array<i32>} : memref<16x16xf32, #tpu.memory_space<vmem>>, vector<16xf32>,
        %mul3A_904 = arith.constant 16 : i32
        %mul3A_905 = arith.muli %scan3A_578, %mul3A_904 : i32
        %add3A_906 = arith.constant 4 : i32
        %add3A_907 = arith.addi %mul3A_905, %add3A_906 : i32
        %get3A_908 = arith.index_cast %add3A_907 : i32 to index
        %get3A_909 = arith.constant 0 : index
        %get3A_910 = tpu.vector_load %arg11[%get3A_908, %get3A_909] {strides = array<i32>} : memref<256x128xf32, #tpu.memory_space<vmem>>, vector<16xf32>,
        %mul3A_911 = arith.mulf %get3A_583, %get3A_910 : vector<16xf32>
        %mul3A_912 = arith.constant 16 : i32
        %mul3A_913 = arith.muli %scan3A_578, %mul3A_912 : i32
        %add3A_914 = arith.constant 4 : i32
        %add3A_915 = arith.addi %mul3A_913, %add3A_914 : i32
        %get3A_916 = arith.index_cast %add3A_915 : i32 to index
        %get3A_917 = arith.constant 16 : index
        %get3A_918 = tpu.vector_load %arg11[%get3A_916, %get3A_917] {strides = array<i32>} : memref<256x128xf32, #tpu.memory_space<vmem>>, vector<16xf32>,
        %mul3A_919 = arith.mulf %get3A_586, %get3A_918 : vector<16xf32>
        %mul3A_920 = arith.constant 16 : i32
        %mul3A_921 = arith.muli %scan3A_578, %mul3A_920 : i32
        %add3A_922 = arith.constant 4 : i32
        %add3A_923 = arith.addi %mul3A_921, %add3A_922 : i32
        %get3A_924 = arith.index_cast %add3A_923 : i32 to index
        %get3A_925 = arith.constant 32 : index
        %get3A_926 = tpu.vector_load %arg11[%get3A_924, %get3A_925] {strides = array<i32>} : memref<256x128xf32, #tpu.memory_space<vmem>>, vector<16xf32>,
        %mul3A_927 = arith.mulf %get3A_589, %get3A_926 : vector<16xf32>
        %mul3A_928 = arith.constant 16 : i32
        %mul3A_929 = arith.muli %scan3A_578, %mul3A_928 : i32
        %add3A_930 = arith.constant 4 : i32
        %add3A_931 = arith.addi %mul3A_929, %add3A_930 : i32
        %get3A_932 = arith.index_cast %add3A_931 : i32 to index
        %get3A_933 = arith.constant 48 : index
        %get3A_934 = tpu.vector_load %arg11[%get3A_932, %get3A_933] {strides = array<i32>} : memref<256x128xf32, #tpu.memory_space<vmem>>, vector<16xf32>,
        %mul3A_935 = arith.mulf %get3A_592, %get3A_934 : vector<16xf32>
        %mul3A_936 = arith.constant 16 : i32
        %mul3A_937 = arith.muli %scan3A_578, %mul3A_936 : i32
        %add3A_938 = arith.constant 4 : i32
        %add3A_939 = arith.addi %mul3A_937, %add3A_938 : i32
        %get3A_940 = arith.index_cast %add3A_939 : i32 to index
        %get3A_941 = arith.constant 64 : index
        %get3A_942 = tpu.vector_load %arg11[%get3A_940, %get3A_941] {strides = array<i32>} : memref<256x128xf32, #tpu.memory_space<vmem>>, vector<16xf32>,
        %mul3A_943 = arith.mulf %get3A_595, %get3A_942 : vector<16xf32>
        %mul3A_944 = arith.constant 16 : i32
        %mul3A_945 = arith.muli %scan3A_578, %mul3A_944 : i32
        %add3A_946 = arith.constant 4 : i32
        %add3A_947 = arith.addi %mul3A_945, %add3A_946 : i32
        %get3A_948 = arith.index_cast %add3A_947 : i32 to index
        %get3A_949 = arith.constant 80 : index
        %get3A_950 = tpu.vector_load %arg11[%get3A_948, %get3A_949] {strides = array<i32>} : memref<256x128xf32, #tpu.memory_space<vmem>>, vector<16xf32>,
        %mul3A_951 = arith.mulf %get3A_598, %get3A_950 : vector<16xf32>
        %mul3A_952 = arith.constant 16 : i32
        %mul3A_953 = arith.muli %scan3A_578, %mul3A_952 : i32
        %add3A_954 = arith.constant 4 : i32
        %add3A_955 = arith.addi %mul3A_953, %add3A_954 : i32
        %get3A_956 = arith.index_cast %add3A_955 : i32 to index
        %get3A_957 = arith.constant 96 : index
        %get3A_958 = tpu.vector_load %arg11[%get3A_956, %get3A_957] {strides = array<i32>} : memref<256x128xf32, #tpu.memory_space<vmem>>, vector<16xf32>,
        %mul3A_959 = arith.mulf %get3A_601, %get3A_958 : vector<16xf32>
        %mul3A_960 = arith.constant 16 : i32
        %mul3A_961 = arith.muli %scan3A_578, %mul3A_960 : i32
        %add3A_962 = arith.constant 4 : i32
        %add3A_963 = arith.addi %mul3A_961, %add3A_962 : i32
        %get3A_964 = arith.index_cast %add3A_963 : i32 to index
        %get3A_965 = arith.constant 112 : index
        %get3A_966 = tpu.vector_load %arg11[%get3A_964, %get3A_965] {strides = array<i32>} : memref<256x128xf32, #tpu.memory_space<vmem>>, vector<16xf32>,
        %mul3A_967 = arith.mulf %get3A_604, %get3A_966 : vector<16xf32>
        %add3A_968 = arith.addf %mul3A_911, %mul3A_919 : vector<16xf32>
        %add3A_969 = arith.addf %mul3A_927, %mul3A_935 : vector<16xf32>
        %add3A_970 = arith.addf %mul3A_943, %mul3A_951 : vector<16xf32>
        %add3A_971 = arith.addf %mul3A_959, %mul3A_967 : vector<16xf32>
        %add3A_972 = arith.addf %add3A_968, %add3A_969 : vector<16xf32>
        %add3A_973 = arith.addf %add3A_970, %add3A_971 : vector<16xf32>
        %add3A_974 = arith.addf %add3A_972, %add3A_973 : vector<16xf32>
        %swap3A_975 = arith.constant 4 : i32
        %swap3A_976 = arith.index_cast %swap3A_975 : i32 to index
        %swap3A_977 = arith.constant 0 : index
        %swap3A_978 = tpu.vector_load %arg13[%swap3A_976, %swap3A_977] {strides = array<i32>} : memref<16x16xf32, #tpu.memory_space<vmem>>, vector<16xf32>,
        tpu.vector_store %arg13[%swap3A_976, %swap3A_977], %add3A_974 {strides = array<i32>} : memref<16x16xf32, #tpu.memory_space<vmem>>, vector<16xf32>,
        %mul3A_979 = arith.constant 16 : i32
        %mul3A_980 = arith.muli %scan3A_578, %mul3A_979 : i32
        %add3A_981 = arith.constant 5 : i32
        %add3A_982 = arith.addi %mul3A_980, %add3A_981 : i32
        %get3A_983 = arith.index_cast %add3A_982 : i32 to index
        %get3A_984 = arith.constant 0 : index
        %get3A_985 = tpu.vector_load %arg11[%get3A_983, %get3A_984] {strides = array<i32>} : memref<256x128xf32, #tpu.memory_space<vmem>>, vector<16xf32>,
        %mul3A_986 = arith.mulf %get3A_583, %get3A_985 : vector<16xf32>
        %mul3A_987 = arith.constant 16 : i32
        %mul3A_988 = arith.muli %scan3A_578, %mul3A_987 : i32
        %add3A_989 = arith.constant 5 : i32
        %add3A_990 = arith.addi %mul3A_988, %add3A_989 : i32
        %get3A_991 = arith.index_cast %add3A_990 : i32 to index
        %get3A_992 = arith.constant 16 : index
        %get3A_993 = tpu.vector_load %arg11[%get3A_991, %get3A_992] {strides = array<i32>} : memref<256x128xf32, #tpu.memory_space<vmem>>, vector<16xf32>,
        %mul3A_994 = arith.mulf %get3A_586, %get3A_993 : vector<16xf32>
        %mul3A_995 = arith.constant 16 : i32
        %mul3A_996 = arith.muli %scan3A_578, %mul3A_995 : i32
        %add3A_997 = arith.constant 5 : i32
        %add3A_998 = arith.addi %mul3A_996, %add3A_997 : i32
        %get3A_999 = arith.index_cast %add3A_998 : i32 to index
        %get3A_1000 = arith.constant 32 : index
        %get3A_1001 = tpu.vector_load %arg11[%get3A_999, %get3A_1000] {strides = array<i32>} : memref<256x128xf32, #tpu.memory_space<vmem>>, vector<16xf32>,
        %mul3A_1002 = arith.mulf %get3A_589, %get3A_1001 : vector<16xf32>
        %mul3A_1003 = arith.constant 16 : i32
        %mul3A_1004 = arith.muli %scan3A_578, %mul3A_1003 : i32
        %add3A_1005 = arith.constant 5 : i32
        %add3A_1006 = arith.addi %mul3A_1004, %add3A_1005 : i32
        %get3A_1007 = arith.index_cast %add3A_1006 : i32 to index
        %get3A_1008 = arith.constant 48 : index
        %get3A_1009 = tpu.vector_load %arg11[%get3A_1007, %get3A_1008] {strides = array<i32>} : memref<256x128xf32, #tpu.memory_space<vmem>>, vector<16xf32>,
        %mul3A_1010 = arith.mulf %get3A_592, %get3A_1009 : vector<16xf32>
        %mul3A_1011 = arith.constant 16 : i32
        %mul3A_1012 = arith.muli %scan3A_578, %mul3A_1011 : i32
        %add3A_1013 = arith.constant 5 : i32
        %add3A_1014 = arith.addi %mul3A_1012, %add3A_1013 : i32
        %get3A_1015 = arith.index_cast %add3A_1014 : i32 to index
        %get3A_1016 = arith.constant 64 : index
        %get3A_1017 = tpu.vector_load %arg11[%get3A_1015, %get3A_1016] {strides = array<i32>} : memref<256x128xf32, #tpu.memory_space<vmem>>, vector<16xf32>,
        %mul3A_1018 = arith.mulf %get3A_595, %get3A_1017 : vector<16xf32>
        %mul3A_1019 = arith.constant 16 : i32
        %mul3A_1020 = arith.muli %scan3A_578, %mul3A_1019 : i32
        %add3A_1021 = arith.constant 5 : i32
        %add3A_1022 = arith.addi %mul3A_1020, %add3A_1021 : i32
        %get3A_1023 = arith.index_cast %add3A_1022 : i32 to index
        %get3A_1024 = arith.constant 80 : index
        %get3A_1025 = tpu.vector_load %arg11[%get3A_1023, %get3A_1024] {strides = array<i32>} : memref<256x128xf32, #tpu.memory_space<vmem>>, vector<16xf32>,
        %mul3A_1026 = arith.mulf %get3A_598, %get3A_1025 : vector<16xf32>
        %mul3A_1027 = arith.constant 16 : i32
        %mul3A_1028 = arith.muli %scan3A_578, %mul3A_1027 : i32
        %add3A_1029 = arith.constant 5 : i32
        %add3A_1030 = arith.addi %mul3A_1028, %add3A_1029 : i32
        %get3A_1031 = arith.index_cast %add3A_1030 : i32 to index
        %get3A_1032 = arith.constant 96 : index
        %get3A_1033 = tpu.vector_load %arg11[%get3A_1031, %get3A_1032] {strides = array<i32>} : memref<256x128xf32, #tpu.memory_space<vmem>>, vector<16xf32>,
        %mul3A_1034 = arith.mulf %get3A_601, %get3A_1033 : vector<16xf32>
        %mul3A_1035 = arith.constant 16 : i32
        %mul3A_1036 = arith.muli %scan3A_578, %mul3A_1035 : i32
        %add3A_1037 = arith.constant 5 : i32
        %add3A_1038 = arith.addi %mul3A_1036, %add3A_1037 : i32
        %get3A_1039 = arith.index_cast %add3A_1038 : i32 to index
        %get3A_1040 = arith.constant 112 : index
        %get3A_1041 = tpu.vector_load %arg11[%get3A_1039, %get3A_1040] {strides = array<i32>} : memref<256x128xf32, #tpu.memory_space<vmem>>, vector<16xf32>,
        %mul3A_1042 = arith.mulf %get3A_604, %get3A_1041 : vector<16xf32>
        %add3A_1043 = arith.addf %mul3A_986, %mul3A_994 : vector<16xf32>
        %add3A_1044 = arith.addf %mul3A_1002, %mul3A_1010 : vector<16xf32>
        %add3A_1045 = arith.addf %mul3A_1018, %mul3A_1026 : vector<16xf32>
        %add3A_1046 = arith.addf %mul3A_1034, %mul3A_1042 : vector<16xf32>
        %add3A_1047 = arith.addf %add3A_1043, %add3A_1044 : vector<16xf32>
        %add3A_1048 = arith.addf %add3A_1045, %add3A_1046 : vector<16xf32>
        %add3A_1049 = arith.addf %add3A_1047, %add3A_1048 : vector<16xf32>
        %swap3A_1050 = arith.constant 5 : i32
        %swap3A_1051 = arith.index_cast %swap3A_1050 : i32 to index
        %swap3A_1052 = arith.constant 0 : index
        %swap3A_1053 = tpu.vector_load %arg13[%swap3A_1051, %swap3A_1052] {strides = array<i32>} : memref<16x16xf32, #tpu.memory_space<vmem>>, vector<16xf32>,
        tpu.vector_store %arg13[%swap3A_1051, %swap3A_1052], %add3A_1049 {strides = array<i32>} : memref<16x16xf32, #tpu.memory_space<vmem>>, vector<16xf32>,
        %mul3A_1054 = arith.constant 16 : i32
        %mul3A_1055 = arith.muli %scan3A_578, %mul3A_1054 : i32
        %add3A_1056 = arith.constant 6 : i32
        %add3A_1057 = arith.addi %mul3A_1055, %add3A_1056 : i32
        %get3A_1058 = arith.index_cast %add3A_1057 : i32 to index
        %get3A_1059 = arith.constant 0 : index
        %get3A_1060 = tpu.vector_load %arg11[%get3A_1058, %get3A_1059] {strides = array<i32>} : memref<256x128xf32, #tpu.memory_space<vmem>>, vector<16xf32>,
        %mul3A_1061 = arith.mulf %get3A_583, %get3A_1060 : vector<16xf32>
        %mul3A_1062 = arith.constant 16 : i32
        %mul3A_1063 = arith.muli %scan3A_578, %mul3A_1062 : i32
        %add3A_1064 = arith.constant 6 : i32
        %add3A_1065 = arith.addi %mul3A_1063, %add3A_1064 : i32
        %get3A_1066 = arith.index_cast %add3A_1065 : i32 to index
        %get3A_1067 = arith.constant 16 : index
        %get3A_1068 = tpu.vector_load %arg11[%get3A_1066, %get3A_1067] {strides = array<i32>} : memref<256x128xf32, #tpu.memory_space<vmem>>, vector<16xf32>,
        %mul3A_1069 = arith.mulf %get3A_586, %get3A_1068 : vector<16xf32>
        %mul3A_1070 = arith.constant 16 : i32
        %mul3A_1071 = arith.muli %scan3A_578, %mul3A_1070 : i32
        %add3A_1072 = arith.constant 6 : i32
        %add3A_1073 = arith.addi %mul3A_1071, %add3A_1072 : i32
        %get3A_1074 = arith.index_cast %add3A_1073 : i32 to index
        %get3A_1075 = arith.constant 32 : index
        %get3A_1076 = tpu.vector_load %arg11[%get3A_1074, %get3A_1075] {strides = array<i32>} : memref<256x128xf32, #tpu.memory_space<vmem>>, vector<16xf32>,
        %mul3A_1077 = arith.mulf %get3A_589, %get3A_1076 : vector<16xf32>
        %mul3A_1078 = arith.constant 16 : i32
        %mul3A_1079 = arith.muli %scan3A_578, %mul3A_1078 : i32
        %add3A_1080 = arith.constant 6 : i32
        %add3A_1081 = arith.addi %mul3A_1079, %add3A_1080 : i32
        %get3A_1082 = arith.index_cast %add3A_1081 : i32 to index
        %get3A_1083 = arith.constant 48 : index
        %get3A_1084 = tpu.vector_load %arg11[%get3A_1082, %get3A_1083] {strides = array<i32>} : memref<256x128xf32, #tpu.memory_space<vmem>>, vector<16xf32>,
        %mul3A_1085 = arith.mulf %get3A_592, %get3A_1084 : vector<16xf32>
        %mul3A_1086 = arith.constant 16 : i32
        %mul3A_1087 = arith.muli %scan3A_578, %mul3A_1086 : i32
        %add3A_1088 = arith.constant 6 : i32
        %add3A_1089 = arith.addi %mul3A_1087, %add3A_1088 : i32
        %get3A_1090 = arith.index_cast %add3A_1089 : i32 to index
        %get3A_1091 = arith.constant 64 : index
        %get3A_1092 = tpu.vector_load %arg11[%get3A_1090, %get3A_1091] {strides = array<i32>} : memref<256x128xf32, #tpu.memory_space<vmem>>, vector<16xf32>,
        %mul3A_1093 = arith.mulf %get3A_595, %get3A_1092 : vector<16xf32>
        %mul3A_1094 = arith.constant 16 : i32
        %mul3A_1095 = arith.muli %scan3A_578, %mul3A_1094 : i32
        %add3A_1096 = arith.constant 6 : i32
        %add3A_1097 = arith.addi %mul3A_1095, %add3A_1096 : i32
        %get3A_1098 = arith.index_cast %add3A_1097 : i32 to index
        %get3A_1099 = arith.constant 80 : index
        %get3A_1100 = tpu.vector_load %arg11[%get3A_1098, %get3A_1099] {strides = array<i32>} : memref<256x128xf32, #tpu.memory_space<vmem>>, vector<16xf32>,
        %mul3A_1101 = arith.mulf %get3A_598, %get3A_1100 : vector<16xf32>
        %mul3A_1102 = arith.constant 16 : i32
        %mul3A_1103 = arith.muli %scan3A_578, %mul3A_1102 : i32
        %add3A_1104 = arith.constant 6 : i32
        %add3A_1105 = arith.addi %mul3A_1103, %add3A_1104 : i32
        %get3A_1106 = arith.index_cast %add3A_1105 : i32 to index
        %get3A_1107 = arith.constant 96 : index
        %get3A_1108 = tpu.vector_load %arg11[%get3A_1106, %get3A_1107] {strides = array<i32>} : memref<256x128xf32, #tpu.memory_space<vmem>>, vector<16xf32>,
        %mul3A_1109 = arith.mulf %get3A_601, %get3A_1108 : vector<16xf32>
        %mul3A_1110 = arith.constant 16 : i32
        %mul3A_1111 = arith.muli %scan3A_578, %mul3A_1110 : i32
        %add3A_1112 = arith.constant 6 : i32
        %add3A_1113 = arith.addi %mul3A_1111, %add3A_1112 : i32
        %get3A_1114 = arith.index_cast %add3A_1113 : i32 to index
        %get3A_1115 = arith.constant 112 : index
        %get3A_1116 = tpu.vector_load %arg11[%get3A_1114, %get3A_1115] {strides = array<i32>} : memref<256x128xf32, #tpu.memory_space<vmem>>, vector<16xf32>,
        %mul3A_1117 = arith.mulf %get3A_604, %get3A_1116 : vector<16xf32>
        %add3A_1118 = arith.addf %mul3A_1061, %mul3A_1069 : vector<16xf32>
        %add3A_1119 = arith.addf %mul3A_1077, %mul3A_1085 : vector<16xf32>
        %add3A_1120 = arith.addf %mul3A_1093, %mul3A_1101 : vector<16xf32>
        %add3A_1121 = arith.addf %mul3A_1109, %mul3A_1117 : vector<16xf32>
        %add3A_1122 = arith.addf %add3A_1118, %add3A_1119 : vector<16xf32>
        %add3A_1123 = arith.addf %add3A_1120, %add3A_1121 : vector<16xf32>
        %add3A_1124 = arith.addf %add3A_1122, %add3A_1123 : vector<16xf32>
        %swap3A_1125 = arith.constant 6 : i32
        %swap3A_1126 = arith.index_cast %swap3A_1125 : i32 to index
        %swap3A_1127 = arith.constant 0 : index
        %swap3A_1128 = tpu.vector_load %arg13[%swap3A_1126, %swap3A_1127] {strides = array<i32>} : memref<16x16xf32, #tpu.memory_space<vmem>>, vector<16xf32>,
        tpu.vector_store %arg13[%swap3A_1126, %swap3A_1127], %add3A_1124 {strides = array<i32>} : memref<16x16xf32, #tpu.memory_space<vmem>>, vector<16xf32>,
        %mul3A_1129 = arith.constant 16 : i32
        %mul3A_1130 = arith.muli %scan3A_578, %mul3A_1129 : i32
        %add3A_1131 = arith.constant 7 : i32
        %add3A_1132 = arith.addi %mul3A_1130, %add3A_1131 : i32
        %get3A_1133 = arith.index_cast %add3A_1132 : i32 to index
        %get3A_1134 = arith.constant 0 : index
        %get3A_1135 = tpu.vector_load %arg11[%get3A_1133, %get3A_1134] {strides = array<i32>} : memref<256x128xf32, #tpu.memory_space<vmem>>, vector<16xf32>,
        %mul3A_1136 = arith.mulf %get3A_583, %get3A_1135 : vector<16xf32>
        %mul3A_1137 = arith.constant 16 : i32
        %mul3A_1138 = arith.muli %scan3A_578, %mul3A_1137 : i32
        %add3A_1139 = arith.constant 7 : i32
        %add3A_1140 = arith.addi %mul3A_1138, %add3A_1139 : i32
        %get3A_1141 = arith.index_cast %add3A_1140 : i32 to index
        %get3A_1142 = arith.constant 16 : index
        %get3A_1143 = tpu.vector_load %arg11[%get3A_1141, %get3A_1142] {strides = array<i32>} : memref<256x128xf32, #tpu.memory_space<vmem>>, vector<16xf32>,
        %mul3A_1144 = arith.mulf %get3A_586, %get3A_1143 : vector<16xf32>
        %mul3A_1145 = arith.constant 16 : i32
        %mul3A_1146 = arith.muli %scan3A_578, %mul3A_1145 : i32
        %add3A_1147 = arith.constant 7 : i32
        %add3A_1148 = arith.addi %mul3A_1146, %add3A_1147 : i32
        %get3A_1149 = arith.index_cast %add3A_1148 : i32 to index
        %get3A_1150 = arith.constant 32 : index
        %get3A_1151 = tpu.vector_load %arg11[%get3A_1149, %get3A_1150] {strides = array<i32>} : memref<256x128xf32, #tpu.memory_space<vmem>>, vector<16xf32>,
        %mul3A_1152 = arith.mulf %get3A_589, %get3A_1151 : vector<16xf32>
        %mul3A_1153 = arith.constant 16 : i32
        %mul3A_1154 = arith.muli %scan3A_578, %mul3A_1153 : i32
        %add3A_1155 = arith.constant 7 : i32
        %add3A_1156 = arith.addi %mul3A_1154, %add3A_1155 : i32
        %get3A_1157 = arith.index_cast %add3A_1156 : i32 to index
        %get3A_1158 = arith.constant 48 : index
        %get3A_1159 = tpu.vector_load %arg11[%get3A_1157, %get3A_1158] {strides = array<i32>} : memref<256x128xf32, #tpu.memory_space<vmem>>, vector<16xf32>,
        %mul3A_1160 = arith.mulf %get3A_592, %get3A_1159 : vector<16xf32>
        %mul3A_1161 = arith.constant 16 : i32
        %mul3A_1162 = arith.muli %scan3A_578, %mul3A_1161 : i32
        %add3A_1163 = arith.constant 7 : i32
        %add3A_1164 = arith.addi %mul3A_1162, %add3A_1163 : i32
        %get3A_1165 = arith.index_cast %add3A_1164 : i32 to index
        %get3A_1166 = arith.constant 64 : index
        %get3A_1167 = tpu.vector_load %arg11[%get3A_1165, %get3A_1166] {strides = array<i32>} : memref<256x128xf32, #tpu.memory_space<vmem>>, vector<16xf32>,
        %mul3A_1168 = arith.mulf %get3A_595, %get3A_1167 : vector<16xf32>
        %mul3A_1169 = arith.constant 16 : i32
        %mul3A_1170 = arith.muli %scan3A_578, %mul3A_1169 : i32
        %add3A_1171 = arith.constant 7 : i32
        %add3A_1172 = arith.addi %mul3A_1170, %add3A_1171 : i32
        %get3A_1173 = arith.index_cast %add3A_1172 : i32 to index
        %get3A_1174 = arith.constant 80 : index
        %get3A_1175 = tpu.vector_load %arg11[%get3A_1173, %get3A_1174] {strides = array<i32>} : memref<256x128xf32, #tpu.memory_space<vmem>>, vector<16xf32>,
        %mul3A_1176 = arith.mulf %get3A_598, %get3A_1175 : vector<16xf32>
        %mul3A_1177 = arith.constant 16 : i32
        %mul3A_1178 = arith.muli %scan3A_578, %mul3A_1177 : i32
        %add3A_1179 = arith.constant 7 : i32
        %add3A_1180 = arith.addi %mul3A_1178, %add3A_1179 : i32
        %get3A_1181 = arith.index_cast %add3A_1180 : i32 to index
        %get3A_1182 = arith.constant 96 : index
        %get3A_1183 = tpu.vector_load %arg11[%get3A_1181, %get3A_1182] {strides = array<i32>} : memref<256x128xf32, #tpu.memory_space<vmem>>, vector<16xf32>,
        %mul3A_1184 = arith.mulf %get3A_601, %get3A_1183 : vector<16xf32>
        %mul3A_1185 = arith.constant 16 : i32
        %mul3A_1186 = arith.muli %scan3A_578, %mul3A_1185 : i32
        %add3A_1187 = arith.constant 7 : i32
        %add3A_1188 = arith.addi %mul3A_1186, %add3A_1187 : i32
        %get3A_1189 = arith.index_cast %add3A_1188 : i32 to index
        %get3A_1190 = arith.constant 112 : index
        %get3A_1191 = tpu.vector_load %arg11[%get3A_1189, %get3A_1190] {strides = array<i32>} : memref<256x128xf32, #tpu.memory_space<vmem>>, vector<16xf32>,
        %mul3A_1192 = arith.mulf %get3A_604, %get3A_1191 : vector<16xf32>
        %add3A_1193 = arith.addf %mul3A_1136, %mul3A_1144 : vector<16xf32>
        %add3A_1194 = arith.addf %mul3A_1152, %mul3A_1160 : vector<16xf32>
        %add3A_1195 = arith.addf %mul3A_1168, %mul3A_1176 : vector<16xf32>
        %add3A_1196 = arith.addf %mul3A_1184, %mul3A_1192 : vector<16xf32>
        %add3A_1197 = arith.addf %add3A_1193, %add3A_1194 : vector<16xf32>
        %add3A_1198 = arith.addf %add3A_1195, %add3A_1196 : vector<16xf32>
        %add3A_1199 = arith.addf %add3A_1197, %add3A_1198 : vector<16xf32>
        %swap3A_1200 = arith.constant 7 : i32
        %swap3A_1201 = arith.index_cast %swap3A_1200 : i32 to index
        %swap3A_1202 = arith.constant 0 : index
        %swap3A_1203 = tpu.vector_load %arg13[%swap3A_1201, %swap3A_1202] {strides = array<i32>} : memref<16x16xf32, #tpu.memory_space<vmem>>, vector<16xf32>,
        tpu.vector_store %arg13[%swap3A_1201, %swap3A_1202], %add3A_1199 {strides = array<i32>} : memref<16x16xf32, #tpu.memory_space<vmem>>, vector<16xf32>,
        %mul3A_1204 = arith.constant 16 : i32
        %mul3A_1205 = arith.muli %scan3A_578, %mul3A_1204 : i32
        %add3A_1206 = arith.constant 8 : i32
        %add3A_1207 = arith.addi %mul3A_1205, %add3A_1206 : i32
        %get3A_1208 = arith.index_cast %add3A_1207 : i32 to index
        %get3A_1209 = arith.constant 0 : index
        %get3A_1210 = tpu.vector_load %arg11[%get3A_1208, %get3A_1209] {strides = array<i32>} : memref<256x128xf32, #tpu.memory_space<vmem>>, vector<16xf32>,
        %mul3A_1211 = arith.mulf %get3A_583, %get3A_1210 : vector<16xf32>
        %mul3A_1212 = arith.constant 16 : i32
        %mul3A_1213 = arith.muli %scan3A_578, %mul3A_1212 : i32
        %add3A_1214 = arith.constant 8 : i32
        %add3A_1215 = arith.addi %mul3A_1213, %add3A_1214 : i32
        %get3A_1216 = arith.index_cast %add3A_1215 : i32 to index
        %get3A_1217 = arith.constant 16 : index
        %get3A_1218 = tpu.vector_load %arg11[%get3A_1216, %get3A_1217] {strides = array<i32>} : memref<256x128xf32, #tpu.memory_space<vmem>>, vector<16xf32>,
        %mul3A_1219 = arith.mulf %get3A_586, %get3A_1218 : vector<16xf32>
        %mul3A_1220 = arith.constant 16 : i32
        %mul3A_1221 = arith.muli %scan3A_578, %mul3A_1220 : i32
        %add3A_1222 = arith.constant 8 : i32
        %add3A_1223 = arith.addi %mul3A_1221, %add3A_1222 : i32
        %get3A_1224 = arith.index_cast %add3A_1223 : i32 to index
        %get3A_1225 = arith.constant 32 : index
        %get3A_1226 = tpu.vector_load %arg11[%get3A_1224, %get3A_1225] {strides = array<i32>} : memref<256x128xf32, #tpu.memory_space<vmem>>, vector<16xf32>,
        %mul3A_1227 = arith.mulf %get3A_589, %get3A_1226 : vector<16xf32>
        %mul3A_1228 = arith.constant 16 : i32
        %mul3A_1229 = arith.muli %scan3A_578, %mul3A_1228 : i32
        %add3A_1230 = arith.constant 8 : i32
        %add3A_1231 = arith.addi %mul3A_1229, %add3A_1230 : i32
        %get3A_1232 = arith.index_cast %add3A_1231 : i32 to index
        %get3A_1233 = arith.constant 48 : index
        %get3A_1234 = tpu.vector_load %arg11[%get3A_1232, %get3A_1233] {strides = array<i32>} : memref<256x128xf32, #tpu.memory_space<vmem>>, vector<16xf32>,
        %mul3A_1235 = arith.mulf %get3A_592, %get3A_1234 : vector<16xf32>
        %mul3A_1236 = arith.constant 16 : i32
        %mul3A_1237 = arith.muli %scan3A_578, %mul3A_1236 : i32
        %add3A_1238 = arith.constant 8 : i32
        %add3A_1239 = arith.addi %mul3A_1237, %add3A_1238 : i32
        %get3A_1240 = arith.index_cast %add3A_1239 : i32 to index
        %get3A_1241 = arith.constant 64 : index
        %get3A_1242 = tpu.vector_load %arg11[%get3A_1240, %get3A_1241] {strides = array<i32>} : memref<256x128xf32, #tpu.memory_space<vmem>>, vector<16xf32>,
        %mul3A_1243 = arith.mulf %get3A_595, %get3A_1242 : vector<16xf32>
        %mul3A_1244 = arith.constant 16 : i32
        %mul3A_1245 = arith.muli %scan3A_578, %mul3A_1244 : i32
        %add3A_1246 = arith.constant 8 : i32
        %add3A_1247 = arith.addi %mul3A_1245, %add3A_1246 : i32
        %get3A_1248 = arith.index_cast %add3A_1247 : i32 to index
        %get3A_1249 = arith.constant 80 : index
        %get3A_1250 = tpu.vector_load %arg11[%get3A_1248, %get3A_1249] {strides = array<i32>} : memref<256x128xf32, #tpu.memory_space<vmem>>, vector<16xf32>,
        %mul3A_1251 = arith.mulf %get3A_598, %get3A_1250 : vector<16xf32>
        %mul3A_1252 = arith.constant 16 : i32
        %mul3A_1253 = arith.muli %scan3A_578, %mul3A_1252 : i32
        %add3A_1254 = arith.constant 8 : i32
        %add3A_1255 = arith.addi %mul3A_1253, %add3A_1254 : i32
        %get3A_1256 = arith.index_cast %add3A_1255 : i32 to index
        %get3A_1257 = arith.constant 96 : index
        %get3A_1258 = tpu.vector_load %arg11[%get3A_1256, %get3A_1257] {strides = array<i32>} : memref<256x128xf32, #tpu.memory_space<vmem>>, vector<16xf32>,
        %mul3A_1259 = arith.mulf %get3A_601, %get3A_1258 : vector<16xf32>
        %mul3A_1260 = arith.constant 16 : i32
        %mul3A_1261 = arith.muli %scan3A_578, %mul3A_1260 : i32
        %add3A_1262 = arith.constant 8 : i32
        %add3A_1263 = arith.addi %mul3A_1261, %add3A_1262 : i32
        %get3A_1264 = arith.index_cast %add3A_1263 : i32 to index
        %get3A_1265 = arith.constant 112 : index
        %get3A_1266 = tpu.vector_load %arg11[%get3A_1264, %get3A_1265] {strides = array<i32>} : memref<256x128xf32, #tpu.memory_space<vmem>>, vector<16xf32>,
        %mul3A_1267 = arith.mulf %get3A_604, %get3A_1266 : vector<16xf32>
        %add3A_1268 = arith.addf %mul3A_1211, %mul3A_1219 : vector<16xf32>
        %add3A_1269 = arith.addf %mul3A_1227, %mul3A_1235 : vector<16xf32>
        %add3A_1270 = arith.addf %mul3A_1243, %mul3A_1251 : vector<16xf32>
        %add3A_1271 = arith.addf %mul3A_1259, %mul3A_1267 : vector<16xf32>
        %add3A_1272 = arith.addf %add3A_1268, %add3A_1269 : vector<16xf32>
        %add3A_1273 = arith.addf %add3A_1270, %add3A_1271 : vector<16xf32>
        %add3A_1274 = arith.addf %add3A_1272, %add3A_1273 : vector<16xf32>
        %swap3A_1275 = arith.constant 8 : i32
        %swap3A_1276 = arith.index_cast %swap3A_1275 : i32 to index
        %swap3A_1277 = arith.constant 0 : index
        %swap3A_1278 = tpu.vector_load %arg13[%swap3A_1276, %swap3A_1277] {strides = array<i32>} : memref<16x16xf32, #tpu.memory_space<vmem>>, vector<16xf32>,
        tpu.vector_store %arg13[%swap3A_1276, %swap3A_1277], %add3A_1274 {strides = array<i32>} : memref<16x16xf32, #tpu.memory_space<vmem>>, vector<16xf32>,
        %mul3A_1279 = arith.constant 16 : i32
        %mul3A_1280 = arith.muli %scan3A_578, %mul3A_1279 : i32
        %add3A_1281 = arith.constant 9 : i32
        %add3A_1282 = arith.addi %mul3A_1280, %add3A_1281 : i32
        %get3A_1283 = arith.index_cast %add3A_1282 : i32 to index
        %get3A_1284 = arith.constant 0 : index
        %get3A_1285 = tpu.vector_load %arg11[%get3A_1283, %get3A_1284] {strides = array<i32>} : memref<256x128xf32, #tpu.memory_space<vmem>>, vector<16xf32>,
        %mul3A_1286 = arith.mulf %get3A_583, %get3A_1285 : vector<16xf32>
        %mul3A_1287 = arith.constant 16 : i32
        %mul3A_1288 = arith.muli %scan3A_578, %mul3A_1287 : i32
        %add3A_1289 = arith.constant 9 : i32
        %add3A_1290 = arith.addi %mul3A_1288, %add3A_1289 : i32
        %get3A_1291 = arith.index_cast %add3A_1290 : i32 to index
        %get3A_1292 = arith.constant 16 : index
        %get3A_1293 = tpu.vector_load %arg11[%get3A_1291, %get3A_1292] {strides = array<i32>} : memref<256x128xf32, #tpu.memory_space<vmem>>, vector<16xf32>,
        %mul3A_1294 = arith.mulf %get3A_586, %get3A_1293 : vector<16xf32>
        %mul3A_1295 = arith.constant 16 : i32
        %mul3A_1296 = arith.muli %scan3A_578, %mul3A_1295 : i32
        %add3A_1297 = arith.constant 9 : i32
        %add3A_1298 = arith.addi %mul3A_1296, %add3A_1297 : i32
        %get3A_1299 = arith.index_cast %add3A_1298 : i32 to index
        %get3A_1300 = arith.constant 32 : index
        %get3A_1301 = tpu.vector_load %arg11[%get3A_1299, %get3A_1300] {strides = array<i32>} : memref<256x128xf32, #tpu.memory_space<vmem>>, vector<16xf32>,
        %mul3A_1302 = arith.mulf %get3A_589, %get3A_1301 : vector<16xf32>
        %mul3A_1303 = arith.constant 16 : i32
        %mul3A_1304 = arith.muli %scan3A_578, %mul3A_1303 : i32
        %add3A_1305 = arith.constant 9 : i32
        %add3A_1306 = arith.addi %mul3A_1304, %add3A_1305 : i32
        %get3A_1307 = arith.index_cast %add3A_1306 : i32 to index
        %get3A_1308 = arith.constant 48 : index
        %get3A_1309 = tpu.vector_load %arg11[%get3A_1307, %get3A_1308] {strides = array<i32>} : memref<256x128xf32, #tpu.memory_space<vmem>>, vector<16xf32>,
        %mul3A_1310 = arith.mulf %get3A_592, %get3A_1309 : vector<16xf32>
        %mul3A_1311 = arith.constant 16 : i32
        %mul3A_1312 = arith.muli %scan3A_578, %mul3A_1311 : i32
        %add3A_1313 = arith.constant 9 : i32
        %add3A_1314 = arith.addi %mul3A_1312, %add3A_1313 : i32
        %get3A_1315 = arith.index_cast %add3A_1314 : i32 to index
        %get3A_1316 = arith.constant 64 : index
        %get3A_1317 = tpu.vector_load %arg11[%get3A_1315, %get3A_1316] {strides = array<i32>} : memref<256x128xf32, #tpu.memory_space<vmem>>, vector<16xf32>,
        %mul3A_1318 = arith.mulf %get3A_595, %get3A_1317 : vector<16xf32>
        %mul3A_1319 = arith.constant 16 : i32
        %mul3A_1320 = arith.muli %scan3A_578, %mul3A_1319 : i32
        %add3A_1321 = arith.constant 9 : i32
        %add3A_1322 = arith.addi %mul3A_1320, %add3A_1321 : i32
        %get3A_1323 = arith.index_cast %add3A_1322 : i32 to index
        %get3A_1324 = arith.constant 80 : index
        %get3A_1325 = tpu.vector_load %arg11[%get3A_1323, %get3A_1324] {strides = array<i32>} : memref<256x128xf32, #tpu.memory_space<vmem>>, vector<16xf32>,
        %mul3A_1326 = arith.mulf %get3A_598, %get3A_1325 : vector<16xf32>
        %mul3A_1327 = arith.constant 16 : i32
        %mul3A_1328 = arith.muli %scan3A_578, %mul3A_1327 : i32
        %add3A_1329 = arith.constant 9 : i32
        %add3A_1330 = arith.addi %mul3A_1328, %add3A_1329 : i32
        %get3A_1331 = arith.index_cast %add3A_1330 : i32 to index
        %get3A_1332 = arith.constant 96 : index
        %get3A_1333 = tpu.vector_load %arg11[%get3A_1331, %get3A_1332] {strides = array<i32>} : memref<256x128xf32, #tpu.memory_space<vmem>>, vector<16xf32>,
        %mul3A_1334 = arith.mulf %get3A_601, %get3A_1333 : vector<16xf32>
        %mul3A_1335 = arith.constant 16 : i32
        %mul3A_1336 = arith.muli %scan3A_578, %mul3A_1335 : i32
        %add3A_1337 = arith.constant 9 : i32
        %add3A_1338 = arith.addi %mul3A_1336, %add3A_1337 : i32
        %get3A_1339 = arith.index_cast %add3A_1338 : i32 to index
        %get3A_1340 = arith.constant 112 : index
        %get3A_1341 = tpu.vector_load %arg11[%get3A_1339, %get3A_1340] {strides = array<i32>} : memref<256x128xf32, #tpu.memory_space<vmem>>, vector<16xf32>,
        %mul3A_1342 = arith.mulf %get3A_604, %get3A_1341 : vector<16xf32>
        %add3A_1343 = arith.addf %mul3A_1286, %mul3A_1294 : vector<16xf32>
        %add3A_1344 = arith.addf %mul3A_1302, %mul3A_1310 : vector<16xf32>
        %add3A_1345 = arith.addf %mul3A_1318, %mul3A_1326 : vector<16xf32>
        %add3A_1346 = arith.addf %mul3A_1334, %mul3A_1342 : vector<16xf32>
        %add3A_1347 = arith.addf %add3A_1343, %add3A_1344 : vector<16xf32>
        %add3A_1348 = arith.addf %add3A_1345, %add3A_1346 : vector<16xf32>
        %add3A_1349 = arith.addf %add3A_1347, %add3A_1348 : vector<16xf32>
        %swap3A_1350 = arith.constant 9 : i32
        %swap3A_1351 = arith.index_cast %swap3A_1350 : i32 to index
        %swap3A_1352 = arith.constant 0 : index
        %swap3A_1353 = tpu.vector_load %arg13[%swap3A_1351, %swap3A_1352] {strides = array<i32>} : memref<16x16xf32, #tpu.memory_space<vmem>>, vector<16xf32>,
        tpu.vector_store %arg13[%swap3A_1351, %swap3A_1352], %add3A_1349 {strides = array<i32>} : memref<16x16xf32, #tpu.memory_space<vmem>>, vector<16xf32>,
        %mul3A_1354 = arith.constant 16 : i32
        %mul3A_1355 = arith.muli %scan3A_578, %mul3A_1354 : i32
        %add3A_1356 = arith.constant 10 : i32
        %add3A_1357 = arith.addi %mul3A_1355, %add3A_1356 : i32
        %get3A_1358 = arith.index_cast %add3A_1357 : i32 to index
        %get3A_1359 = arith.constant 0 : index
        %get3A_1360 = tpu.vector_load %arg11[%get3A_1358, %get3A_1359] {strides = array<i32>} : memref<256x128xf32, #tpu.memory_space<vmem>>, vector<16xf32>,
        %mul3A_1361 = arith.mulf %get3A_583, %get3A_1360 : vector<16xf32>
        %mul3A_1362 = arith.constant 16 : i32
        %mul3A_1363 = arith.muli %scan3A_578, %mul3A_1362 : i32
        %add3A_1364 = arith.constant 10 : i32
        %add3A_1365 = arith.addi %mul3A_1363, %add3A_1364 : i32
        %get3A_1366 = arith.index_cast %add3A_1365 : i32 to index
        %get3A_1367 = arith.constant 16 : index
        %get3A_1368 = tpu.vector_load %arg11[%get3A_1366, %get3A_1367] {strides = array<i32>} : memref<256x128xf32, #tpu.memory_space<vmem>>, vector<16xf32>,
        %mul3A_1369 = arith.mulf %get3A_586, %get3A_1368 : vector<16xf32>
        %mul3A_1370 = arith.constant 16 : i32
        %mul3A_1371 = arith.muli %scan3A_578, %mul3A_1370 : i32
        %add3A_1372 = arith.constant 10 : i32
        %add3A_1373 = arith.addi %mul3A_1371, %add3A_1372 : i32
        %get3A_1374 = arith.index_cast %add3A_1373 : i32 to index
        %get3A_1375 = arith.constant 32 : index
        %get3A_1376 = tpu.vector_load %arg11[%get3A_1374, %get3A_1375] {strides = array<i32>} : memref<256x128xf32, #tpu.memory_space<vmem>>, vector<16xf32>,
        %mul3A_1377 = arith.mulf %get3A_589, %get3A_1376 : vector<16xf32>
        %mul3A_1378 = arith.constant 16 : i32
        %mul3A_1379 = arith.muli %scan3A_578, %mul3A_1378 : i32
        %add3A_1380 = arith.constant 10 : i32
        %add3A_1381 = arith.addi %mul3A_1379, %add3A_1380 : i32
        %get3A_1382 = arith.index_cast %add3A_1381 : i32 to index
        %get3A_1383 = arith.constant 48 : index
        %get3A_1384 = tpu.vector_load %arg11[%get3A_1382, %get3A_1383] {strides = array<i32>} : memref<256x128xf32, #tpu.memory_space<vmem>>, vector<16xf32>,
        %mul3A_1385 = arith.mulf %get3A_592, %get3A_1384 : vector<16xf32>
        %mul3A_1386 = arith.constant 16 : i32
        %mul3A_1387 = arith.muli %scan3A_578, %mul3A_1386 : i32
        %add3A_1388 = arith.constant 10 : i32
        %add3A_1389 = arith.addi %mul3A_1387, %add3A_1388 : i32
        %get3A_1390 = arith.index_cast %add3A_1389 : i32 to index
        %get3A_1391 = arith.constant 64 : index
        %get3A_1392 = tpu.vector_load %arg11[%get3A_1390, %get3A_1391] {strides = array<i32>} : memref<256x128xf32, #tpu.memory_space<vmem>>, vector<16xf32>,
        %mul3A_1393 = arith.mulf %get3A_595, %get3A_1392 : vector<16xf32>
        %mul3A_1394 = arith.constant 16 : i32
        %mul3A_1395 = arith.muli %scan3A_578, %mul3A_1394 : i32
        %add3A_1396 = arith.constant 10 : i32
        %add3A_1397 = arith.addi %mul3A_1395, %add3A_1396 : i32
        %get3A_1398 = arith.index_cast %add3A_1397 : i32 to index
        %get3A_1399 = arith.constant 80 : index
        %get3A_1400 = tpu.vector_load %arg11[%get3A_1398, %get3A_1399] {strides = array<i32>} : memref<256x128xf32, #tpu.memory_space<vmem>>, vector<16xf32>,
        %mul3A_1401 = arith.mulf %get3A_598, %get3A_1400 : vector<16xf32>
        %mul3A_1402 = arith.constant 16 : i32
        %mul3A_1403 = arith.muli %scan3A_578, %mul3A_1402 : i32
        %add3A_1404 = arith.constant 10 : i32
        %add3A_1405 = arith.addi %mul3A_1403, %add3A_1404 : i32
        %get3A_1406 = arith.index_cast %add3A_1405 : i32 to index
        %get3A_1407 = arith.constant 96 : index
        %get3A_1408 = tpu.vector_load %arg11[%get3A_1406, %get3A_1407] {strides = array<i32>} : memref<256x128xf32, #tpu.memory_space<vmem>>, vector<16xf32>,
        %mul3A_1409 = arith.mulf %get3A_601, %get3A_1408 : vector<16xf32>
        %mul3A_1410 = arith.constant 16 : i32
        %mul3A_1411 = arith.muli %scan3A_578, %mul3A_1410 : i32
        %add3A_1412 = arith.constant 10 : i32
        %add3A_1413 = arith.addi %mul3A_1411, %add3A_1412 : i32
        %get3A_1414 = arith.index_cast %add3A_1413 : i32 to index
        %get3A_1415 = arith.constant 112 : index
        %get3A_1416 = tpu.vector_load %arg11[%get3A_1414, %get3A_1415] {strides = array<i32>} : memref<256x128xf32, #tpu.memory_space<vmem>>, vector<16xf32>,
        %mul3A_1417 = arith.mulf %get3A_604, %get3A_1416 : vector<16xf32>
        %add3A_1418 = arith.addf %mul3A_1361, %mul3A_1369 : vector<16xf32>
        %add3A_1419 = arith.addf %mul3A_1377, %mul3A_1385 : vector<16xf32>
        %add3A_1420 = arith.addf %mul3A_1393, %mul3A_1401 : vector<16xf32>
        %add3A_1421 = arith.addf %mul3A_1409, %mul3A_1417 : vector<16xf32>
        %add3A_1422 = arith.addf %add3A_1418, %add3A_1419 : vector<16xf32>
        %add3A_1423 = arith.addf %add3A_1420, %add3A_1421 : vector<16xf32>
        %add3A_1424 = arith.addf %add3A_1422, %add3A_1423 : vector<16xf32>
        %swap3A_1425 = arith.constant 10 : i32
        %swap3A_1426 = arith.index_cast %swap3A_1425 : i32 to index
        %swap3A_1427 = arith.constant 0 : index
        %swap3A_1428 = tpu.vector_load %arg13[%swap3A_1426, %swap3A_1427] {strides = array<i32>} : memref<16x16xf32, #tpu.memory_space<vmem>>, vector<16xf32>,
        tpu.vector_store %arg13[%swap3A_1426, %swap3A_1427], %add3A_1424 {strides = array<i32>} : memref<16x16xf32, #tpu.memory_space<vmem>>, vector<16xf32>,
        %mul3A_1429 = arith.constant 16 : i32
        %mul3A_1430 = arith.muli %scan3A_578, %mul3A_1429 : i32
        %add3A_1431 = arith.constant 11 : i32
        %add3A_1432 = arith.addi %mul3A_1430, %add3A_1431 : i32
        %get3A_1433 = arith.index_cast %add3A_1432 : i32 to index
        %get3A_1434 = arith.constant 0 : index
        %get3A_1435 = tpu.vector_load %arg11[%get3A_1433, %get3A_1434] {strides = array<i32>} : memref<256x128xf32, #tpu.memory_space<vmem>>, vector<16xf32>,
        %mul3A_1436 = arith.mulf %get3A_583, %get3A_1435 : vector<16xf32>
        %mul3A_1437 = arith.constant 16 : i32
        %mul3A_1438 = arith.muli %scan3A_578, %mul3A_1437 : i32
        %add3A_1439 = arith.constant 11 : i32
        %add3A_1440 = arith.addi %mul3A_1438, %add3A_1439 : i32
        %get3A_1441 = arith.index_cast %add3A_1440 : i32 to index
        %get3A_1442 = arith.constant 16 : index
        %get3A_1443 = tpu.vector_load %arg11[%get3A_1441, %get3A_1442] {strides = array<i32>} : memref<256x128xf32, #tpu.memory_space<vmem>>, vector<16xf32>,
        %mul3A_1444 = arith.mulf %get3A_586, %get3A_1443 : vector<16xf32>
        %mul3A_1445 = arith.constant 16 : i32
        %mul3A_1446 = arith.muli %scan3A_578, %mul3A_1445 : i32
        %add3A_1447 = arith.constant 11 : i32
        %add3A_1448 = arith.addi %mul3A_1446, %add3A_1447 : i32
        %get3A_1449 = arith.index_cast %add3A_1448 : i32 to index
        %get3A_1450 = arith.constant 32 : index
        %get3A_1451 = tpu.vector_load %arg11[%get3A_1449, %get3A_1450] {strides = array<i32>} : memref<256x128xf32, #tpu.memory_space<vmem>>, vector<16xf32>,
        %mul3A_1452 = arith.mulf %get3A_589, %get3A_1451 : vector<16xf32>
        %mul3A_1453 = arith.constant 16 : i32
        %mul3A_1454 = arith.muli %scan3A_578, %mul3A_1453 : i32
        %add3A_1455 = arith.constant 11 : i32
        %add3A_1456 = arith.addi %mul3A_1454, %add3A_1455 : i32
        %get3A_1457 = arith.index_cast %add3A_1456 : i32 to index
        %get3A_1458 = arith.constant 48 : index
        %get3A_1459 = tpu.vector_load %arg11[%get3A_1457, %get3A_1458] {strides = array<i32>} : memref<256x128xf32, #tpu.memory_space<vmem>>, vector<16xf32>,
        %mul3A_1460 = arith.mulf %get3A_592, %get3A_1459 : vector<16xf32>
        %mul3A_1461 = arith.constant 16 : i32
        %mul3A_1462 = arith.muli %scan3A_578, %mul3A_1461 : i32
        %add3A_1463 = arith.constant 11 : i32
        %add3A_1464 = arith.addi %mul3A_1462, %add3A_1463 : i32
        %get3A_1465 = arith.index_cast %add3A_1464 : i32 to index
        %get3A_1466 = arith.constant 64 : index
        %get3A_1467 = tpu.vector_load %arg11[%get3A_1465, %get3A_1466] {strides = array<i32>} : memref<256x128xf32, #tpu.memory_space<vmem>>, vector<16xf32>,
        %mul3A_1468 = arith.mulf %get3A_595, %get3A_1467 : vector<16xf32>
        %mul3A_1469 = arith.constant 16 : i32
        %mul3A_1470 = arith.muli %scan3A_578, %mul3A_1469 : i32
        %add3A_1471 = arith.constant 11 : i32
        %add3A_1472 = arith.addi %mul3A_1470, %add3A_1471 : i32
        %get3A_1473 = arith.index_cast %add3A_1472 : i32 to index
        %get3A_1474 = arith.constant 80 : index
        %get3A_1475 = tpu.vector_load %arg11[%get3A_1473, %get3A_1474] {strides = array<i32>} : memref<256x128xf32, #tpu.memory_space<vmem>>, vector<16xf32>,
        %mul3A_1476 = arith.mulf %get3A_598, %get3A_1475 : vector<16xf32>
        %mul3A_1477 = arith.constant 16 : i32
        %mul3A_1478 = arith.muli %scan3A_578, %mul3A_1477 : i32
        %add3A_1479 = arith.constant 11 : i32
        %add3A_1480 = arith.addi %mul3A_1478, %add3A_1479 : i32
        %get3A_1481 = arith.index_cast %add3A_1480 : i32 to index
        %get3A_1482 = arith.constant 96 : index
        %get3A_1483 = tpu.vector_load %arg11[%get3A_1481, %get3A_1482] {strides = array<i32>} : memref<256x128xf32, #tpu.memory_space<vmem>>, vector<16xf32>,
        %mul3A_1484 = arith.mulf %get3A_601, %get3A_1483 : vector<16xf32>
        %mul3A_1485 = arith.constant 16 : i32
        %mul3A_1486 = arith.muli %scan3A_578, %mul3A_1485 : i32
        %add3A_1487 = arith.constant 11 : i32
        %add3A_1488 = arith.addi %mul3A_1486, %add3A_1487 : i32
        %get3A_1489 = arith.index_cast %add3A_1488 : i32 to index
        %get3A_1490 = arith.constant 112 : index
        %get3A_1491 = tpu.vector_load %arg11[%get3A_1489, %get3A_1490] {strides = array<i32>} : memref<256x128xf32, #tpu.memory_space<vmem>>, vector<16xf32>,
        %mul3A_1492 = arith.mulf %get3A_604, %get3A_1491 : vector<16xf32>
        %add3A_1493 = arith.addf %mul3A_1436, %mul3A_1444 : vector<16xf32>
        %add3A_1494 = arith.addf %mul3A_1452, %mul3A_1460 : vector<16xf32>
        %add3A_1495 = arith.addf %mul3A_1468, %mul3A_1476 : vector<16xf32>
        %add3A_1496 = arith.addf %mul3A_1484, %mul3A_1492 : vector<16xf32>
        %add3A_1497 = arith.addf %add3A_1493, %add3A_1494 : vector<16xf32>
        %add3A_1498 = arith.addf %add3A_1495, %add3A_1496 : vector<16xf32>
        %add3A_1499 = arith.addf %add3A_1497, %add3A_1498 : vector<16xf32>
        %swap3A_1500 = arith.constant 11 : i32
        %swap3A_1501 = arith.index_cast %swap3A_1500 : i32 to index
        %swap3A_1502 = arith.constant 0 : index
        %swap3A_1503 = tpu.vector_load %arg13[%swap3A_1501, %swap3A_1502] {strides = array<i32>} : memref<16x16xf32, #tpu.memory_space<vmem>>, vector<16xf32>,
        tpu.vector_store %arg13[%swap3A_1501, %swap3A_1502], %add3A_1499 {strides = array<i32>} : memref<16x16xf32, #tpu.memory_space<vmem>>, vector<16xf32>,
        %mul3A_1504 = arith.constant 16 : i32
        %mul3A_1505 = arith.muli %scan3A_578, %mul3A_1504 : i32
        %add3A_1506 = arith.constant 12 : i32
        %add3A_1507 = arith.addi %mul3A_1505, %add3A_1506 : i32
        %get3A_1508 = arith.index_cast %add3A_1507 : i32 to index
        %get3A_1509 = arith.constant 0 : index
        %get3A_1510 = tpu.vector_load %arg11[%get3A_1508, %get3A_1509] {strides = array<i32>} : memref<256x128xf32, #tpu.memory_space<vmem>>, vector<16xf32>,
        %mul3A_1511 = arith.mulf %get3A_583, %get3A_1510 : vector<16xf32>
        %mul3A_1512 = arith.constant 16 : i32
        %mul3A_1513 = arith.muli %scan3A_578, %mul3A_1512 : i32
        %add3A_1514 = arith.constant 12 : i32
        %add3A_1515 = arith.addi %mul3A_1513, %add3A_1514 : i32
        %get3A_1516 = arith.index_cast %add3A_1515 : i32 to index
        %get3A_1517 = arith.constant 16 : index
        %get3A_1518 = tpu.vector_load %arg11[%get3A_1516, %get3A_1517] {strides = array<i32>} : memref<256x128xf32, #tpu.memory_space<vmem>>, vector<16xf32>,
        %mul3A_1519 = arith.mulf %get3A_586, %get3A_1518 : vector<16xf32>
        %mul3A_1520 = arith.constant 16 : i32
        %mul3A_1521 = arith.muli %scan3A_578, %mul3A_1520 : i32
        %add3A_1522 = arith.constant 12 : i32
        %add3A_1523 = arith.addi %mul3A_1521, %add3A_1522 : i32
        %get3A_1524 = arith.index_cast %add3A_1523 : i32 to index
        %get3A_1525 = arith.constant 32 : index
        %get3A_1526 = tpu.vector_load %arg11[%get3A_1524, %get3A_1525] {strides = array<i32>} : memref<256x128xf32, #tpu.memory_space<vmem>>, vector<16xf32>,
        %mul3A_1527 = arith.mulf %get3A_589, %get3A_1526 : vector<16xf32>
        %mul3A_1528 = arith.constant 16 : i32
        %mul3A_1529 = arith.muli %scan3A_578, %mul3A_1528 : i32
        %add3A_1530 = arith.constant 12 : i32
        %add3A_1531 = arith.addi %mul3A_1529, %add3A_1530 : i32
        %get3A_1532 = arith.index_cast %add3A_1531 : i32 to index
        %get3A_1533 = arith.constant 48 : index
        %get3A_1534 = tpu.vector_load %arg11[%get3A_1532, %get3A_1533] {strides = array<i32>} : memref<256x128xf32, #tpu.memory_space<vmem>>, vector<16xf32>,
        %mul3A_1535 = arith.mulf %get3A_592, %get3A_1534 : vector<16xf32>
        %mul3A_1536 = arith.constant 16 : i32
        %mul3A_1537 = arith.muli %scan3A_578, %mul3A_1536 : i32
        %add3A_1538 = arith.constant 12 : i32
        %add3A_1539 = arith.addi %mul3A_1537, %add3A_1538 : i32
        %get3A_1540 = arith.index_cast %add3A_1539 : i32 to index
        %get3A_1541 = arith.constant 64 : index
        %get3A_1542 = tpu.vector_load %arg11[%get3A_1540, %get3A_1541] {strides = array<i32>} : memref<256x128xf32, #tpu.memory_space<vmem>>, vector<16xf32>,
        %mul3A_1543 = arith.mulf %get3A_595, %get3A_1542 : vector<16xf32>
        %mul3A_1544 = arith.constant 16 : i32
        %mul3A_1545 = arith.muli %scan3A_578, %mul3A_1544 : i32
        %add3A_1546 = arith.constant 12 : i32
        %add3A_1547 = arith.addi %mul3A_1545, %add3A_1546 : i32
        %get3A_1548 = arith.index_cast %add3A_1547 : i32 to index
        %get3A_1549 = arith.constant 80 : index
        %get3A_1550 = tpu.vector_load %arg11[%get3A_1548, %get3A_1549] {strides = array<i32>} : memref<256x128xf32, #tpu.memory_space<vmem>>, vector<16xf32>,
        %mul3A_1551 = arith.mulf %get3A_598, %get3A_1550 : vector<16xf32>
        %mul3A_1552 = arith.constant 16 : i32
        %mul3A_1553 = arith.muli %scan3A_578, %mul3A_1552 : i32
        %add3A_1554 = arith.constant 12 : i32
        %add3A_1555 = arith.addi %mul3A_1553, %add3A_1554 : i32
        %get3A_1556 = arith.index_cast %add3A_1555 : i32 to index
        %get3A_1557 = arith.constant 96 : index
        %get3A_1558 = tpu.vector_load %arg11[%get3A_1556, %get3A_1557] {strides = array<i32>} : memref<256x128xf32, #tpu.memory_space<vmem>>, vector<16xf32>,
        %mul3A_1559 = arith.mulf %get3A_601, %get3A_1558 : vector<16xf32>
        %mul3A_1560 = arith.constant 16 : i32
        %mul3A_1561 = arith.muli %scan3A_578, %mul3A_1560 : i32
        %add3A_1562 = arith.constant 12 : i32
        %add3A_1563 = arith.addi %mul3A_1561, %add3A_1562 : i32
        %get3A_1564 = arith.index_cast %add3A_1563 : i32 to index
        %get3A_1565 = arith.constant 112 : index
        %get3A_1566 = tpu.vector_load %arg11[%get3A_1564, %get3A_1565] {strides = array<i32>} : memref<256x128xf32, #tpu.memory_space<vmem>>, vector<16xf32>,
        %mul3A_1567 = arith.mulf %get3A_604, %get3A_1566 : vector<16xf32>
        %add3A_1568 = arith.addf %mul3A_1511, %mul3A_1519 : vector<16xf32>
        %add3A_1569 = arith.addf %mul3A_1527, %mul3A_1535 : vector<16xf32>
        %add3A_1570 = arith.addf %mul3A_1543, %mul3A_1551 : vector<16xf32>
        %add3A_1571 = arith.addf %mul3A_1559, %mul3A_1567 : vector<16xf32>
        %add3A_1572 = arith.addf %add3A_1568, %add3A_1569 : vector<16xf32>
        %add3A_1573 = arith.addf %add3A_1570, %add3A_1571 : vector<16xf32>
        %add3A_1574 = arith.addf %add3A_1572, %add3A_1573 : vector<16xf32>
        %swap3A_1575 = arith.constant 12 : i32
        %swap3A_1576 = arith.index_cast %swap3A_1575 : i32 to index
        %swap3A_1577 = arith.constant 0 : index
        %swap3A_1578 = tpu.vector_load %arg13[%swap3A_1576, %swap3A_1577] {strides = array<i32>} : memref<16x16xf32, #tpu.memory_space<vmem>>, vector<16xf32>,
        tpu.vector_store %arg13[%swap3A_1576, %swap3A_1577], %add3A_1574 {strides = array<i32>} : memref<16x16xf32, #tpu.memory_space<vmem>>, vector<16xf32>,
        %mul3A_1579 = arith.constant 16 : i32
        %mul3A_1580 = arith.muli %scan3A_578, %mul3A_1579 : i32
        %add3A_1581 = arith.constant 13 : i32
        %add3A_1582 = arith.addi %mul3A_1580, %add3A_1581 : i32
        %get3A_1583 = arith.index_cast %add3A_1582 : i32 to index
        %get3A_1584 = arith.constant 0 : index
        %get3A_1585 = tpu.vector_load %arg11[%get3A_1583, %get3A_1584] {strides = array<i32>} : memref<256x128xf32, #tpu.memory_space<vmem>>, vector<16xf32>,
        %mul3A_1586 = arith.mulf %get3A_583, %get3A_1585 : vector<16xf32>
        %mul3A_1587 = arith.constant 16 : i32
        %mul3A_1588 = arith.muli %scan3A_578, %mul3A_1587 : i32
        %add3A_1589 = arith.constant 13 : i32
        %add3A_1590 = arith.addi %mul3A_1588, %add3A_1589 : i32
        %get3A_1591 = arith.index_cast %add3A_1590 : i32 to index
        %get3A_1592 = arith.constant 16 : index
        %get3A_1593 = tpu.vector_load %arg11[%get3A_1591, %get3A_1592] {strides = array<i32>} : memref<256x128xf32, #tpu.memory_space<vmem>>, vector<16xf32>,
        %mul3A_1594 = arith.mulf %get3A_586, %get3A_1593 : vector<16xf32>
        %mul3A_1595 = arith.constant 16 : i32
        %mul3A_1596 = arith.muli %scan3A_578, %mul3A_1595 : i32
        %add3A_1597 = arith.constant 13 : i32
        %add3A_1598 = arith.addi %mul3A_1596, %add3A_1597 : i32
        %get3A_1599 = arith.index_cast %add3A_1598 : i32 to index
        %get3A_1600 = arith.constant 32 : index
        %get3A_1601 = tpu.vector_load %arg11[%get3A_1599, %get3A_1600] {strides = array<i32>} : memref<256x128xf32, #tpu.memory_space<vmem>>, vector<16xf32>,
        %mul3A_1602 = arith.mulf %get3A_589, %get3A_1601 : vector<16xf32>
        %mul3A_1603 = arith.constant 16 : i32
        %mul3A_1604 = arith.muli %scan3A_578, %mul3A_1603 : i32
        %add3A_1605 = arith.constant 13 : i32
        %add3A_1606 = arith.addi %mul3A_1604, %add3A_1605 : i32
        %get3A_1607 = arith.index_cast %add3A_1606 : i32 to index
        %get3A_1608 = arith.constant 48 : index
        %get3A_1609 = tpu.vector_load %arg11[%get3A_1607, %get3A_1608] {strides = array<i32>} : memref<256x128xf32, #tpu.memory_space<vmem>>, vector<16xf32>,
        %mul3A_1610 = arith.mulf %get3A_592, %get3A_1609 : vector<16xf32>
        %mul3A_1611 = arith.constant 16 : i32
        %mul3A_1612 = arith.muli %scan3A_578, %mul3A_1611 : i32
        %add3A_1613 = arith.constant 13 : i32
        %add3A_1614 = arith.addi %mul3A_1612, %add3A_1613 : i32
        %get3A_1615 = arith.index_cast %add3A_1614 : i32 to index
        %get3A_1616 = arith.constant 64 : index
        %get3A_1617 = tpu.vector_load %arg11[%get3A_1615, %get3A_1616] {strides = array<i32>} : memref<256x128xf32, #tpu.memory_space<vmem>>, vector<16xf32>,
        %mul3A_1618 = arith.mulf %get3A_595, %get3A_1617 : vector<16xf32>
        %mul3A_1619 = arith.constant 16 : i32
        %mul3A_1620 = arith.muli %scan3A_578, %mul3A_1619 : i32
        %add3A_1621 = arith.constant 13 : i32
        %add3A_1622 = arith.addi %mul3A_1620, %add3A_1621 : i32
        %get3A_1623 = arith.index_cast %add3A_1622 : i32 to index
        %get3A_1624 = arith.constant 80 : index
        %get3A_1625 = tpu.vector_load %arg11[%get3A_1623, %get3A_1624] {strides = array<i32>} : memref<256x128xf32, #tpu.memory_space<vmem>>, vector<16xf32>,
        %mul3A_1626 = arith.mulf %get3A_598, %get3A_1625 : vector<16xf32>
        %mul3A_1627 = arith.constant 16 : i32
        %mul3A_1628 = arith.muli %scan3A_578, %mul3A_1627 : i32
        %add3A_1629 = arith.constant 13 : i32
        %add3A_1630 = arith.addi %mul3A_1628, %add3A_1629 : i32
        %get3A_1631 = arith.index_cast %add3A_1630 : i32 to index
        %get3A_1632 = arith.constant 96 : index
        %get3A_1633 = tpu.vector_load %arg11[%get3A_1631, %get3A_1632] {strides = array<i32>} : memref<256x128xf32, #tpu.memory_space<vmem>>, vector<16xf32>,
        %mul3A_1634 = arith.mulf %get3A_601, %get3A_1633 : vector<16xf32>
        %mul3A_1635 = arith.constant 16 : i32
        %mul3A_1636 = arith.muli %scan3A_578, %mul3A_1635 : i32
        %add3A_1637 = arith.constant 13 : i32
        %add3A_1638 = arith.addi %mul3A_1636, %add3A_1637 : i32
        %get3A_1639 = arith.index_cast %add3A_1638 : i32 to index
        %get3A_1640 = arith.constant 112 : index
        %get3A_1641 = tpu.vector_load %arg11[%get3A_1639, %get3A_1640] {strides = array<i32>} : memref<256x128xf32, #tpu.memory_space<vmem>>, vector<16xf32>,
        %mul3A_1642 = arith.mulf %get3A_604, %get3A_1641 : vector<16xf32>
        %add3A_1643 = arith.addf %mul3A_1586, %mul3A_1594 : vector<16xf32>
        %add3A_1644 = arith.addf %mul3A_1602, %mul3A_1610 : vector<16xf32>
        %add3A_1645 = arith.addf %mul3A_1618, %mul3A_1626 : vector<16xf32>
        %add3A_1646 = arith.addf %mul3A_1634, %mul3A_1642 : vector<16xf32>
        %add3A_1647 = arith.addf %add3A_1643, %add3A_1644 : vector<16xf32>
        %add3A_1648 = arith.addf %add3A_1645, %add3A_1646 : vector<16xf32>
        %add3A_1649 = arith.addf %add3A_1647, %add3A_1648 : vector<16xf32>
        %swap3A_1650 = arith.constant 13 : i32
        %swap3A_1651 = arith.index_cast %swap3A_1650 : i32 to index
        %swap3A_1652 = arith.constant 0 : index
        %swap3A_1653 = tpu.vector_load %arg13[%swap3A_1651, %swap3A_1652] {strides = array<i32>} : memref<16x16xf32, #tpu.memory_space<vmem>>, vector<16xf32>,
        tpu.vector_store %arg13[%swap3A_1651, %swap3A_1652], %add3A_1649 {strides = array<i32>} : memref<16x16xf32, #tpu.memory_space<vmem>>, vector<16xf32>,
        %mul3A_1654 = arith.constant 16 : i32
        %mul3A_1655 = arith.muli %scan3A_578, %mul3A_1654 : i32
        %add3A_1656 = arith.constant 14 : i32
        %add3A_1657 = arith.addi %mul3A_1655, %add3A_1656 : i32
        %get3A_1658 = arith.index_cast %add3A_1657 : i32 to index
        %get3A_1659 = arith.constant 0 : index
        %get3A_1660 = tpu.vector_load %arg11[%get3A_1658, %get3A_1659] {strides = array<i32>} : memref<256x128xf32, #tpu.memory_space<vmem>>, vector<16xf32>,
        %mul3A_1661 = arith.mulf %get3A_583, %get3A_1660 : vector<16xf32>
        %mul3A_1662 = arith.constant 16 : i32
        %mul3A_1663 = arith.muli %scan3A_578, %mul3A_1662 : i32
        %add3A_1664 = arith.constant 14 : i32
        %add3A_1665 = arith.addi %mul3A_1663, %add3A_1664 : i32
        %get3A_1666 = arith.index_cast %add3A_1665 : i32 to index
        %get3A_1667 = arith.constant 16 : index
        %get3A_1668 = tpu.vector_load %arg11[%get3A_1666, %get3A_1667] {strides = array<i32>} : memref<256x128xf32, #tpu.memory_space<vmem>>, vector<16xf32>,
        %mul3A_1669 = arith.mulf %get3A_586, %get3A_1668 : vector<16xf32>
        %mul3A_1670 = arith.constant 16 : i32
        %mul3A_1671 = arith.muli %scan3A_578, %mul3A_1670 : i32
        %add3A_1672 = arith.constant 14 : i32
        %add3A_1673 = arith.addi %mul3A_1671, %add3A_1672 : i32
        %get3A_1674 = arith.index_cast %add3A_1673 : i32 to index
        %get3A_1675 = arith.constant 32 : index
        %get3A_1676 = tpu.vector_load %arg11[%get3A_1674, %get3A_1675] {strides = array<i32>} : memref<256x128xf32, #tpu.memory_space<vmem>>, vector<16xf32>,
        %mul3A_1677 = arith.mulf %get3A_589, %get3A_1676 : vector<16xf32>
        %mul3A_1678 = arith.constant 16 : i32
        %mul3A_1679 = arith.muli %scan3A_578, %mul3A_1678 : i32
        %add3A_1680 = arith.constant 14 : i32
        %add3A_1681 = arith.addi %mul3A_1679, %add3A_1680 : i32
        %get3A_1682 = arith.index_cast %add3A_1681 : i32 to index
        %get3A_1683 = arith.constant 48 : index
        %get3A_1684 = tpu.vector_load %arg11[%get3A_1682, %get3A_1683] {strides = array<i32>} : memref<256x128xf32, #tpu.memory_space<vmem>>, vector<16xf32>,
        %mul3A_1685 = arith.mulf %get3A_592, %get3A_1684 : vector<16xf32>
        %mul3A_1686 = arith.constant 16 : i32
        %mul3A_1687 = arith.muli %scan3A_578, %mul3A_1686 : i32
        %add3A_1688 = arith.constant 14 : i32
        %add3A_1689 = arith.addi %mul3A_1687, %add3A_1688 : i32
        %get3A_1690 = arith.index_cast %add3A_1689 : i32 to index
        %get3A_1691 = arith.constant 64 : index
        %get3A_1692 = tpu.vector_load %arg11[%get3A_1690, %get3A_1691] {strides = array<i32>} : memref<256x128xf32, #tpu.memory_space<vmem>>, vector<16xf32>,
        %mul3A_1693 = arith.mulf %get3A_595, %get3A_1692 : vector<16xf32>
        %mul3A_1694 = arith.constant 16 : i32
        %mul3A_1695 = arith.muli %scan3A_578, %mul3A_1694 : i32
        %add3A_1696 = arith.constant 14 : i32
        %add3A_1697 = arith.addi %mul3A_1695, %add3A_1696 : i32
        %get3A_1698 = arith.index_cast %add3A_1697 : i32 to index
        %get3A_1699 = arith.constant 80 : index
        %get3A_1700 = tpu.vector_load %arg11[%get3A_1698, %get3A_1699] {strides = array<i32>} : memref<256x128xf32, #tpu.memory_space<vmem>>, vector<16xf32>,
        %mul3A_1701 = arith.mulf %get3A_598, %get3A_1700 : vector<16xf32>
        %mul3A_1702 = arith.constant 16 : i32
        %mul3A_1703 = arith.muli %scan3A_578, %mul3A_1702 : i32
        %add3A_1704 = arith.constant 14 : i32
        %add3A_1705 = arith.addi %mul3A_1703, %add3A_1704 : i32
        %get3A_1706 = arith.index_cast %add3A_1705 : i32 to index
        %get3A_1707 = arith.constant 96 : index
        %get3A_1708 = tpu.vector_load %arg11[%get3A_1706, %get3A_1707] {strides = array<i32>} : memref<256x128xf32, #tpu.memory_space<vmem>>, vector<16xf32>,
        %mul3A_1709 = arith.mulf %get3A_601, %get3A_1708 : vector<16xf32>
        %mul3A_1710 = arith.constant 16 : i32
        %mul3A_1711 = arith.muli %scan3A_578, %mul3A_1710 : i32
        %add3A_1712 = arith.constant 14 : i32
        %add3A_1713 = arith.addi %mul3A_1711, %add3A_1712 : i32
        %get3A_1714 = arith.index_cast %add3A_1713 : i32 to index
        %get3A_1715 = arith.constant 112 : index
        %get3A_1716 = tpu.vector_load %arg11[%get3A_1714, %get3A_1715] {strides = array<i32>} : memref<256x128xf32, #tpu.memory_space<vmem>>, vector<16xf32>,
        %mul3A_1717 = arith.mulf %get3A_604, %get3A_1716 : vector<16xf32>
        %add3A_1718 = arith.addf %mul3A_1661, %mul3A_1669 : vector<16xf32>
        %add3A_1719 = arith.addf %mul3A_1677, %mul3A_1685 : vector<16xf32>
        %add3A_1720 = arith.addf %mul3A_1693, %mul3A_1701 : vector<16xf32>
        %add3A_1721 = arith.addf %mul3A_1709, %mul3A_1717 : vector<16xf32>
        %add3A_1722 = arith.addf %add3A_1718, %add3A_1719 : vector<16xf32>
        %add3A_1723 = arith.addf %add3A_1720, %add3A_1721 : vector<16xf32>
        %add3A_1724 = arith.addf %add3A_1722, %add3A_1723 : vector<16xf32>
        %swap3A_1725 = arith.constant 14 : i32
        %swap3A_1726 = arith.index_cast %swap3A_1725 : i32 to index
        %swap3A_1727 = arith.constant 0 : index
        %swap3A_1728 = tpu.vector_load %arg13[%swap3A_1726, %swap3A_1727] {strides = array<i32>} : memref<16x16xf32, #tpu.memory_space<vmem>>, vector<16xf32>,
        tpu.vector_store %arg13[%swap3A_1726, %swap3A_1727], %add3A_1724 {strides = array<i32>} : memref<16x16xf32, #tpu.memory_space<vmem>>, vector<16xf32>,
        %mul3A_1729 = arith.constant 16 : i32
        %mul3A_1730 = arith.muli %scan3A_578, %mul3A_1729 : i32
        %add3A_1731 = arith.constant 15 : i32
        %add3A_1732 = arith.addi %mul3A_1730, %add3A_1731 : i32
        %get3A_1733 = arith.index_cast %add3A_1732 : i32 to index
        %get3A_1734 = arith.constant 0 : index
        %get3A_1735 = tpu.vector_load %arg11[%get3A_1733, %get3A_1734] {strides = array<i32>} : memref<256x128xf32, #tpu.memory_space<vmem>>, vector<16xf32>,
        %mul3A_1736 = arith.mulf %get3A_583, %get3A_1735 : vector<16xf32>
        %mul3A_1737 = arith.constant 16 : i32
        %mul3A_1738 = arith.muli %scan3A_578, %mul3A_1737 : i32
        %add3A_1739 = arith.constant 15 : i32
        %add3A_1740 = arith.addi %mul3A_1738, %add3A_1739 : i32
        %get3A_1741 = arith.index_cast %add3A_1740 : i32 to index
        %get3A_1742 = arith.constant 16 : index
        %get3A_1743 = tpu.vector_load %arg11[%get3A_1741, %get3A_1742] {strides = array<i32>} : memref<256x128xf32, #tpu.memory_space<vmem>>, vector<16xf32>,
        %mul3A_1744 = arith.mulf %get3A_586, %get3A_1743 : vector<16xf32>
        %mul3A_1745 = arith.constant 16 : i32
        %mul3A_1746 = arith.muli %scan3A_578, %mul3A_1745 : i32
        %add3A_1747 = arith.constant 15 : i32
        %add3A_1748 = arith.addi %mul3A_1746, %add3A_1747 : i32
        %get3A_1749 = arith.index_cast %add3A_1748 : i32 to index
        %get3A_1750 = arith.constant 32 : index
        %get3A_1751 = tpu.vector_load %arg11[%get3A_1749, %get3A_1750] {strides = array<i32>} : memref<256x128xf32, #tpu.memory_space<vmem>>, vector<16xf32>,
        %mul3A_1752 = arith.mulf %get3A_589, %get3A_1751 : vector<16xf32>
        %mul3A_1753 = arith.constant 16 : i32
        %mul3A_1754 = arith.muli %scan3A_578, %mul3A_1753 : i32
        %add3A_1755 = arith.constant 15 : i32
        %add3A_1756 = arith.addi %mul3A_1754, %add3A_1755 : i32
        %get3A_1757 = arith.index_cast %add3A_1756 : i32 to index
        %get3A_1758 = arith.constant 48 : index
        %get3A_1759 = tpu.vector_load %arg11[%get3A_1757, %get3A_1758] {strides = array<i32>} : memref<256x128xf32, #tpu.memory_space<vmem>>, vector<16xf32>,
        %mul3A_1760 = arith.mulf %get3A_592, %get3A_1759 : vector<16xf32>
        %mul3A_1761 = arith.constant 16 : i32
        %mul3A_1762 = arith.muli %scan3A_578, %mul3A_1761 : i32
        %add3A_1763 = arith.constant 15 : i32
        %add3A_1764 = arith.addi %mul3A_1762, %add3A_1763 : i32
        %get3A_1765 = arith.index_cast %add3A_1764 : i32 to index
        %get3A_1766 = arith.constant 64 : index
        %get3A_1767 = tpu.vector_load %arg11[%get3A_1765, %get3A_1766] {strides = array<i32>} : memref<256x128xf32, #tpu.memory_space<vmem>>, vector<16xf32>,
        %mul3A_1768 = arith.mulf %get3A_595, %get3A_1767 : vector<16xf32>
        %mul3A_1769 = arith.constant 16 : i32
        %mul3A_1770 = arith.muli %scan3A_578, %mul3A_1769 : i32
        %add3A_1771 = arith.constant 15 : i32
        %add3A_1772 = arith.addi %mul3A_1770, %add3A_1771 : i32
        %get3A_1773 = arith.index_cast %add3A_1772 : i32 to index
        %get3A_1774 = arith.constant 80 : index
        %get3A_1775 = tpu.vector_load %arg11[%get3A_1773, %get3A_1774] {strides = array<i32>} : memref<256x128xf32, #tpu.memory_space<vmem>>, vector<16xf32>,
        %mul3A_1776 = arith.mulf %get3A_598, %get3A_1775 : vector<16xf32>
        %mul3A_1777 = arith.constant 16 : i32
        %mul3A_1778 = arith.muli %scan3A_578, %mul3A_1777 : i32
        %add3A_1779 = arith.constant 15 : i32
        %add3A_1780 = arith.addi %mul3A_1778, %add3A_1779 : i32
        %get3A_1781 = arith.index_cast %add3A_1780 : i32 to index
        %get3A_1782 = arith.constant 96 : index
        %get3A_1783 = tpu.vector_load %arg11[%get3A_1781, %get3A_1782] {strides = array<i32>} : memref<256x128xf32, #tpu.memory_space<vmem>>, vector<16xf32>,
        %mul3A_1784 = arith.mulf %get3A_601, %get3A_1783 : vector<16xf32>
        %mul3A_1785 = arith.constant 16 : i32
        %mul3A_1786 = arith.muli %scan3A_578, %mul3A_1785 : i32
        %add3A_1787 = arith.constant 15 : i32
        %add3A_1788 = arith.addi %mul3A_1786, %add3A_1787 : i32
        %get3A_1789 = arith.index_cast %add3A_1788 : i32 to index
        %get3A_1790 = arith.constant 112 : index
        %get3A_1791 = tpu.vector_load %arg11[%get3A_1789, %get3A_1790] {strides = array<i32>} : memref<256x128xf32, #tpu.memory_space<vmem>>, vector<16xf32>,
        %mul3A_1792 = arith.mulf %get3A_604, %get3A_1791 : vector<16xf32>
        %add3A_1793 = arith.addf %mul3A_1736, %mul3A_1744 : vector<16xf32>
        %add3A_1794 = arith.addf %mul3A_1752, %mul3A_1760 : vector<16xf32>
        %add3A_1795 = arith.addf %mul3A_1768, %mul3A_1776 : vector<16xf32>
        %add3A_1796 = arith.addf %mul3A_1784, %mul3A_1792 : vector<16xf32>
        %add3A_1797 = arith.addf %add3A_1793, %add3A_1794 : vector<16xf32>
        %add3A_1798 = arith.addf %add3A_1795, %add3A_1796 : vector<16xf32>
        %add3A_1799 = arith.addf %add3A_1797, %add3A_1798 : vector<16xf32>
        %swap3A_1800 = arith.constant 15 : i32
        %swap3A_1801 = arith.index_cast %swap3A_1800 : i32 to index
        %swap3A_1802 = arith.constant 0 : index
        %swap3A_1803 = tpu.vector_load %arg13[%swap3A_1801, %swap3A_1802] {strides = array<i32>} : memref<16x16xf32, #tpu.memory_space<vmem>>, vector<16xf32>,
        tpu.vector_store %arg13[%swap3A_1801, %swap3A_1802], %add3A_1799 {strides = array<i32>} : memref<16x16xf32, #tpu.memory_space<vmem>>, vector<16xf32>,
        %broadcast_in_dim3A_1804 = arith.constant 0 : i32
        %broadcast_in_dim3A_1805 = vector.broadcast %broadcast_in_dim3A_1804 : i32 to vector<16xi32>
        %gather3A_1806 = tpu.vector_load_idx %arg13[%iota3A, %broadcast_in_dim3A_1805] : memref<16x16xf32, #tpu.memory_space<vmem>>[vector<16xi32>, vector<16xi32>], vector<16xf32>,
        %broadcast_in_dim3A_1807 = arith.constant 1 : i32
        %broadcast_in_dim3A_1808 = vector.broadcast %broadcast_in_dim3A_1807 : i32 to vector<16xi32>
        %gather3A_1809 = tpu.vector_load_idx %arg13[%iota3A, %broadcast_in_dim3A_1808] : memref<16x16xf32, #tpu.memory_space<vmem>>[vector<16xi32>, vector<16xi32>], vector<16xf32>,
        %broadcast_in_dim3A_1810 = arith.constant 2 : i32
        %broadcast_in_dim3A_1811 = vector.broadcast %broadcast_in_dim3A_1810 : i32 to vector<16xi32>
        %gather3A_1812 = tpu.vector_load_idx %arg13[%iota3A, %broadcast_in_dim3A_1811] : memref<16x16xf32, #tpu.memory_space<vmem>>[vector<16xi32>, vector<16xi32>], vector<16xf32>,
        %broadcast_in_dim3A_1813 = arith.constant 3 : i32
        %broadcast_in_dim3A_1814 = vector.broadcast %broadcast_in_dim3A_1813 : i32 to vector<16xi32>
        %gather3A_1815 = tpu.vector_load_idx %arg13[%iota3A, %broadcast_in_dim3A_1814] : memref<16x16xf32, #tpu.memory_space<vmem>>[vector<16xi32>, vector<16xi32>], vector<16xf32>,
        %broadcast_in_dim3A_1816 = arith.constant 4 : i32
        %broadcast_in_dim3A_1817 = vector.broadcast %broadcast_in_dim3A_1816 : i32 to vector<16xi32>
        %gather3A_1818 = tpu.vector_load_idx %arg13[%iota3A, %broadcast_in_dim3A_1817] : memref<16x16xf32, #tpu.memory_space<vmem>>[vector<16xi32>, vector<16xi32>], vector<16xf32>,
        %broadcast_in_dim3A_1819 = arith.constant 5 : i32
        %broadcast_in_dim3A_1820 = vector.broadcast %broadcast_in_dim3A_1819 : i32 to vector<16xi32>
        %gather3A_1821 = tpu.vector_load_idx %arg13[%iota3A, %broadcast_in_dim3A_1820] : memref<16x16xf32, #tpu.memory_space<vmem>>[vector<16xi32>, vector<16xi32>], vector<16xf32>,
        %broadcast_in_dim3A_1822 = arith.constant 6 : i32
        %broadcast_in_dim3A_1823 = vector.broadcast %broadcast_in_dim3A_1822 : i32 to vector<16xi32>
        %gather3A_1824 = tpu.vector_load_idx %arg13[%iota3A, %broadcast_in_dim3A_1823] : memref<16x16xf32, #tpu.memory_space<vmem>>[vector<16xi32>, vector<16xi32>], vector<16xf32>,
        %broadcast_in_dim3A_1825 = arith.constant 7 : i32
        %broadcast_in_dim3A_1826 = vector.broadcast %broadcast_in_dim3A_1825 : i32 to vector<16xi32>
        %gather3A_1827 = tpu.vector_load_idx %arg13[%iota3A, %broadcast_in_dim3A_1826] : memref<16x16xf32, #tpu.memory_space<vmem>>[vector<16xi32>, vector<16xi32>], vector<16xf32>,
        %broadcast_in_dim3A_1828 = arith.constant 8 : i32
        %broadcast_in_dim3A_1829 = vector.broadcast %broadcast_in_dim3A_1828 : i32 to vector<16xi32>
        %gather3A_1830 = tpu.vector_load_idx %arg13[%iota3A, %broadcast_in_dim3A_1829] : memref<16x16xf32, #tpu.memory_space<vmem>>[vector<16xi32>, vector<16xi32>], vector<16xf32>,
        %broadcast_in_dim3A_1831 = arith.constant 9 : i32
        %broadcast_in_dim3A_1832 = vector.broadcast %broadcast_in_dim3A_1831 : i32 to vector<16xi32>
        %gather3A_1833 = tpu.vector_load_idx %arg13[%iota3A, %broadcast_in_dim3A_1832] : memref<16x16xf32, #tpu.memory_space<vmem>>[vector<16xi32>, vector<16xi32>], vector<16xf32>,
        %broadcast_in_dim3A_1834 = arith.constant 10 : i32
        %broadcast_in_dim3A_1835 = vector.broadcast %broadcast_in_dim3A_1834 : i32 to vector<16xi32>
        %gather3A_1836 = tpu.vector_load_idx %arg13[%iota3A, %broadcast_in_dim3A_1835] : memref<16x16xf32, #tpu.memory_space<vmem>>[vector<16xi32>, vector<16xi32>], vector<16xf32>,
        %broadcast_in_dim3A_1837 = arith.constant 11 : i32
        %broadcast_in_dim3A_1838 = vector.broadcast %broadcast_in_dim3A_1837 : i32 to vector<16xi32>
        %gather3A_1839 = tpu.vector_load_idx %arg13[%iota3A, %broadcast_in_dim3A_1838] : memref<16x16xf32, #tpu.memory_space<vmem>>[vector<16xi32>, vector<16xi32>], vector<16xf32>,
        %broadcast_in_dim3A_1840 = arith.constant 12 : i32
        %broadcast_in_dim3A_1841 = vector.broadcast %broadcast_in_dim3A_1840 : i32 to vector<16xi32>
        %gather3A_1842 = tpu.vector_load_idx %arg13[%iota3A, %broadcast_in_dim3A_1841] : memref<16x16xf32, #tpu.memory_space<vmem>>[vector<16xi32>, vector<16xi32>], vector<16xf32>,
        %broadcast_in_dim3A_1843 = arith.constant 13 : i32
        %broadcast_in_dim3A_1844 = vector.broadcast %broadcast_in_dim3A_1843 : i32 to vector<16xi32>
        %gather3A_1845 = tpu.vector_load_idx %arg13[%iota3A, %broadcast_in_dim3A_1844] : memref<16x16xf32, #tpu.memory_space<vmem>>[vector<16xi32>, vector<16xi32>], vector<16xf32>,
        %broadcast_in_dim3A_1846 = arith.constant 14 : i32
        %broadcast_in_dim3A_1847 = vector.broadcast %broadcast_in_dim3A_1846 : i32 to vector<16xi32>
        %gather3A_1848 = tpu.vector_load_idx %arg13[%iota3A, %broadcast_in_dim3A_1847] : memref<16x16xf32, #tpu.memory_space<vmem>>[vector<16xi32>, vector<16xi32>], vector<16xf32>,
        %broadcast_in_dim3A_1849 = arith.constant 15 : i32
        %broadcast_in_dim3A_1850 = vector.broadcast %broadcast_in_dim3A_1849 : i32 to vector<16xi32>
        %gather3A_1851 = tpu.vector_load_idx %arg13[%iota3A, %broadcast_in_dim3A_1850] : memref<16x16xf32, #tpu.memory_space<vmem>>[vector<16xi32>, vector<16xi32>], vector<16xf32>,
        %add3A_1852 = arith.addf %gather3A_1806, %gather3A_1809 : vector<16xf32>
        %add3A_1853 = arith.addf %gather3A_1812, %gather3A_1815 : vector<16xf32>
        %add3A_1854 = arith.addf %gather3A_1818, %gather3A_1821 : vector<16xf32>
        %add3A_1855 = arith.addf %gather3A_1824, %gather3A_1827 : vector<16xf32>
        %add3A_1856 = arith.addf %gather3A_1830, %gather3A_1833 : vector<16xf32>
        %add3A_1857 = arith.addf %gather3A_1836, %gather3A_1839 : vector<16xf32>
        %add3A_1858 = arith.addf %gather3A_1842, %gather3A_1845 : vector<16xf32>
        %add3A_1859 = arith.addf %gather3A_1848, %gather3A_1851 : vector<16xf32>
        %add3A_1860 = arith.addf %add3A_1852, %add3A_1853 : vector<16xf32>
        %add3A_1861 = arith.addf %add3A_1854, %add3A_1855 : vector<16xf32>
        %add3A_1862 = arith.addf %add3A_1856, %add3A_1857 : vector<16xf32>
        %add3A_1863 = arith.addf %add3A_1858, %add3A_1859 : vector<16xf32>
        %add3A_1864 = arith.addf %add3A_1860, %add3A_1861 : vector<16xf32>
        %add3A_1865 = arith.addf %add3A_1862, %add3A_1863 : vector<16xf32>
        %add3A_1866 = arith.addf %add3A_1864, %add3A_1865 : vector<16xf32>
        %swap3A_1867 = arith.index_cast %scan3A_578 : i32 to index
        %swap3A_1868 = arith.constant 0 : index
        %swap3A_1869 = tpu.vector_load %arg14[%swap3A_1867, %swap3A_1868] {strides = array<i32>} : memref<16x16xf32, #tpu.memory_space<vmem>>, vector<16xf32>,
        tpu.vector_store %arg14[%swap3A_1867, %swap3A_1868], %add3A_1866 {strides = array<i32>} : memref<16x16xf32, #tpu.memory_space<vmem>>, vector<16xf32>,
      }
      %scan3A_88 = arith.constant 16 : i32
      %broadcast_in_dim3A = arith.constant 0 : i32
      %broadcast_in_dim3A_89 = vector.broadcast %broadcast_in_dim3A : i32 to vector<16xi32>
      %gather3A = tpu.vector_load_idx %arg14[%iota3A, %broadcast_in_dim3A_89] : memref<16x16xf32, #tpu.memory_space<vmem>>[vector<16xi32>, vector<16xi32>], vector<16xf32>,
      %broadcast_in_dim3A_90 = arith.constant 1 : i32
      %broadcast_in_dim3A_91 = vector.broadcast %broadcast_in_dim3A_90 : i32 to vector<16xi32>
      %gather3A_92 = tpu.vector_load_idx %arg14[%iota3A, %broadcast_in_dim3A_91] : memref<16x16xf32, #tpu.memory_space<vmem>>[vector<16xi32>, vector<16xi32>], vector<16xf32>,
      %broadcast_in_dim3A_93 = arith.constant 2 : i32
      %broadcast_in_dim3A_94 = vector.broadcast %broadcast_in_dim3A_93 : i32 to vector<16xi32>
      %gather3A_95 = tpu.vector_load_idx %arg14[%iota3A, %broadcast_in_dim3A_94] : memref<16x16xf32, #tpu.memory_space<vmem>>[vector<16xi32>, vector<16xi32>], vector<16xf32>,
      %broadcast_in_dim3A_96 = arith.constant 3 : i32
      %broadcast_in_dim3A_97 = vector.broadcast %broadcast_in_dim3A_96 : i32 to vector<16xi32>
      %gather3A_98 = tpu.vector_load_idx %arg14[%iota3A, %broadcast_in_dim3A_97] : memref<16x16xf32, #tpu.memory_space<vmem>>[vector<16xi32>, vector<16xi32>], vector<16xf32>,
      %broadcast_in_dim3A_99 = arith.constant 4 : i32
      %broadcast_in_dim3A_100 = vector.broadcast %broadcast_in_dim3A_99 : i32 to vector<16xi32>
      %gather3A_101 = tpu.vector_load_idx %arg14[%iota3A, %broadcast_in_dim3A_100] : memref<16x16xf32, #tpu.memory_space<vmem>>[vector<16xi32>, vector<16xi32>], vector<16xf32>,
      %broadcast_in_dim3A_102 = arith.constant 5 : i32
      %broadcast_in_dim3A_103 = vector.broadcast %broadcast_in_dim3A_102 : i32 to vector<16xi32>
      %gather3A_104 = tpu.vector_load_idx %arg14[%iota3A, %broadcast_in_dim3A_103] : memref<16x16xf32, #tpu.memory_space<vmem>>[vector<16xi32>, vector<16xi32>], vector<16xf32>,
      %broadcast_in_dim3A_105 = arith.constant 6 : i32
      %broadcast_in_dim3A_106 = vector.broadcast %broadcast_in_dim3A_105 : i32 to vector<16xi32>
      %gather3A_107 = tpu.vector_load_idx %arg14[%iota3A, %broadcast_in_dim3A_106] : memref<16x16xf32, #tpu.memory_space<vmem>>[vector<16xi32>, vector<16xi32>], vector<16xf32>,
      %broadcast_in_dim3A_108 = arith.constant 7 : i32
      %broadcast_in_dim3A_109 = vector.broadcast %broadcast_in_dim3A_108 : i32 to vector<16xi32>
      %gather3A_110 = tpu.vector_load_idx %arg14[%iota3A, %broadcast_in_dim3A_109] : memref<16x16xf32, #tpu.memory_space<vmem>>[vector<16xi32>, vector<16xi32>], vector<16xf32>,
      %broadcast_in_dim3A_111 = arith.constant 8 : i32
      %broadcast_in_dim3A_112 = vector.broadcast %broadcast_in_dim3A_111 : i32 to vector<16xi32>
      %gather3A_113 = tpu.vector_load_idx %arg14[%iota3A, %broadcast_in_dim3A_112] : memref<16x16xf32, #tpu.memory_space<vmem>>[vector<16xi32>, vector<16xi32>], vector<16xf32>,
      %broadcast_in_dim3A_114 = arith.constant 9 : i32
      %broadcast_in_dim3A_115 = vector.broadcast %broadcast_in_dim3A_114 : i32 to vector<16xi32>
      %gather3A_116 = tpu.vector_load_idx %arg14[%iota3A, %broadcast_in_dim3A_115] : memref<16x16xf32, #tpu.memory_space<vmem>>[vector<16xi32>, vector<16xi32>], vector<16xf32>,
      %broadcast_in_dim3A_117 = arith.constant 10 : i32
      %broadcast_in_dim3A_118 = vector.broadcast %broadcast_in_dim3A_117 : i32 to vector<16xi32>
      %gather3A_119 = tpu.vector_load_idx %arg14[%iota3A, %broadcast_in_dim3A_118] : memref<16x16xf32, #tpu.memory_space<vmem>>[vector<16xi32>, vector<16xi32>], vector<16xf32>,
      %broadcast_in_dim3A_120 = arith.constant 11 : i32
      %broadcast_in_dim3A_121 = vector.broadcast %broadcast_in_dim3A_120 : i32 to vector<16xi32>
      %gather3A_122 = tpu.vector_load_idx %arg14[%iota3A, %broadcast_in_dim3A_121] : memref<16x16xf32, #tpu.memory_space<vmem>>[vector<16xi32>, vector<16xi32>], vector<16xf32>,
      %broadcast_in_dim3A_123 = arith.constant 12 : i32
      %broadcast_in_dim3A_124 = vector.broadcast %broadcast_in_dim3A_123 : i32 to vector<16xi32>
      %gather3A_125 = tpu.vector_load_idx %arg14[%iota3A, %broadcast_in_dim3A_124] : memref<16x16xf32, #tpu.memory_space<vmem>>[vector<16xi32>, vector<16xi32>], vector<16xf32>,
      %broadcast_in_dim3A_126 = arith.constant 13 : i32
      %broadcast_in_dim3A_127 = vector.broadcast %broadcast_in_dim3A_126 : i32 to vector<16xi32>
      %gather3A_128 = tpu.vector_load_idx %arg14[%iota3A, %broadcast_in_dim3A_127] : memref<16x16xf32, #tpu.memory_space<vmem>>[vector<16xi32>, vector<16xi32>], vector<16xf32>,
      %broadcast_in_dim3A_129 = arith.constant 14 : i32
      %broadcast_in_dim3A_130 = vector.broadcast %broadcast_in_dim3A_129 : i32 to vector<16xi32>
      %gather3A_131 = tpu.vector_load_idx %arg14[%iota3A, %broadcast_in_dim3A_130] : memref<16x16xf32, #tpu.memory_space<vmem>>[vector<16xi32>, vector<16xi32>], vector<16xf32>,
      %broadcast_in_dim3A_132 = arith.constant 15 : i32
      %broadcast_in_dim3A_133 = vector.broadcast %broadcast_in_dim3A_132 : i32 to vector<16xi32>
      %gather3A_134 = tpu.vector_load_idx %arg14[%iota3A, %broadcast_in_dim3A_133] : memref<16x16xf32, #tpu.memory_space<vmem>>[vector<16xi32>, vector<16xi32>], vector<16xf32>,
      %max3A = arith.maximumf %gather3A, %gather3A_92 : vector<16xf32>
      %max3A_135 = arith.maximumf %gather3A_95, %gather3A_98 : vector<16xf32>
      %max3A_136 = arith.maximumf %gather3A_101, %gather3A_104 : vector<16xf32>
      %max3A_137 = arith.maximumf %gather3A_107, %gather3A_110 : vector<16xf32>
      %max3A_138 = arith.maximumf %gather3A_113, %gather3A_116 : vector<16xf32>
      %max3A_139 = arith.maximumf %gather3A_119, %gather3A_122 : vector<16xf32>
      %max3A_140 = arith.maximumf %gather3A_125, %gather3A_128 : vector<16xf32>
      %max3A_141 = arith.maximumf %gather3A_131, %gather3A_134 : vector<16xf32>
      %max3A_142 = arith.maximumf %max3A, %max3A_135 : vector<16xf32>
      %max3A_143 = arith.maximumf %max3A_136, %max3A_137 : vector<16xf32>
      %max3A_144 = arith.maximumf %max3A_138, %max3A_139 : vector<16xf32>
      %max3A_145 = arith.maximumf %max3A_140, %max3A_141 : vector<16xf32>
      %max3A_146 = arith.maximumf %max3A_142, %max3A_143 : vector<16xf32>
      %max3A_147 = arith.maximumf %max3A_144, %max3A_145 : vector<16xf32>
      %max3A_148 = arith.maximumf %max3A_146, %max3A_147 : vector<16xf32>
      %sub3A = arith.subf %gather3A, %max3A_148 : vector<16xf32>
      %sub3A_149 = arith.subf %gather3A_92, %max3A_148 : vector<16xf32>
      %sub3A_150 = arith.subf %gather3A_95, %max3A_148 : vector<16xf32>
      %sub3A_151 = arith.subf %gather3A_98, %max3A_148 : vector<16xf32>
      %sub3A_152 = arith.subf %gather3A_101, %max3A_148 : vector<16xf32>
      %sub3A_153 = arith.subf %gather3A_104, %max3A_148 : vector<16xf32>
      %sub3A_154 = arith.subf %gather3A_107, %max3A_148 : vector<16xf32>
      %sub3A_155 = arith.subf %gather3A_110, %max3A_148 : vector<16xf32>
      %sub3A_156 = arith.subf %gather3A_113, %max3A_148 : vector<16xf32>
      %sub3A_157 = arith.subf %gather3A_116, %max3A_148 : vector<16xf32>
      %sub3A_158 = arith.subf %gather3A_119, %max3A_148 : vector<16xf32>
      %sub3A_159 = arith.subf %gather3A_122, %max3A_148 : vector<16xf32>
      %sub3A_160 = arith.subf %gather3A_125, %max3A_148 : vector<16xf32>
      %sub3A_161 = arith.subf %gather3A_128, %max3A_148 : vector<16xf32>
      %sub3A_162 = arith.subf %gather3A_131, %max3A_148 : vector<16xf32>
      %sub3A_163 = arith.subf %gather3A_134, %max3A_148 : vector<16xf32>
      %exp3A = math.exp %sub3A : vector<16xf32>
      %exp3A_164 = math.exp %sub3A_149 : vector<16xf32>
      %exp3A_165 = math.exp %sub3A_150 : vector<16xf32>
      %exp3A_166 = math.exp %sub3A_151 : vector<16xf32>
      %exp3A_167 = math.exp %sub3A_152 : vector<16xf32>
      %exp3A_168 = math.exp %sub3A_153 : vector<16xf32>
      %exp3A_169 = math.exp %sub3A_154 : vector<16xf32>
      %exp3A_170 = math.exp %sub3A_155 : vector<16xf32>
      %exp3A_171 = math.exp %sub3A_156 : vector<16xf32>
      %exp3A_172 = math.exp %sub3A_157 : vector<16xf32>
      %exp3A_173 = math.exp %sub3A_158 : vector<16xf32>
      %exp3A_174 = math.exp %sub3A_159 : vector<16xf32>
      %exp3A_175 = math.exp %sub3A_160 : vector<16xf32>
      %exp3A_176 = math.exp %sub3A_161 : vector<16xf32>
      %exp3A_177 = math.exp %sub3A_162 : vector<16xf32>
      %exp3A_178 = math.exp %sub3A_163 : vector<16xf32>
      %add3A_179 = arith.addf %exp3A, %exp3A_164 : vector<16xf32>
      %add3A_180 = arith.addf %exp3A_165, %exp3A_166 : vector<16xf32>
      %add3A_181 = arith.addf %exp3A_167, %exp3A_168 : vector<16xf32>
      %add3A_182 = arith.addf %exp3A_169, %exp3A_170 : vector<16xf32>
      %add3A_183 = arith.addf %exp3A_171, %exp3A_172 : vector<16xf32>
      %add3A_184 = arith.addf %exp3A_173, %exp3A_174 : vector<16xf32>
      %add3A_185 = arith.addf %exp3A_175, %exp3A_176 : vector<16xf32>
      %add3A_186 = arith.addf %exp3A_177, %exp3A_178 : vector<16xf32>
      %add3A_187 = arith.addf %add3A_179, %add3A_180 : vector<16xf32>
      %add3A_188 = arith.addf %add3A_181, %add3A_182 : vector<16xf32>
      %add3A_189 = arith.addf %add3A_183, %add3A_184 : vector<16xf32>
      %add3A_190 = arith.addf %add3A_185, %add3A_186 : vector<16xf32>
      %add3A_191 = arith.addf %add3A_187, %add3A_188 : vector<16xf32>
      %add3A_192 = arith.addf %add3A_189, %add3A_190 : vector<16xf32>
      %add3A_193 = arith.addf %add3A_191, %add3A_192 : vector<16xf32>
      %bitcast3A = vector.bitcast %add3A_193 : vector<16xf32> to vector<16xi32>
      %shift_right_arithmetic3A = arith.constant 23 : i32
      %shift_right_arithmetic3A_194 = vector.broadcast %shift_right_arithmetic3A : i32 to vector<16xi32>
      %shift_right_arithmetic3A_195 = arith.shrsi %bitcast3A, %shift_right_arithmetic3A_194 : vector<16xi32>
      %sub3A_196 = arith.constant 127 : i32
      %sub3A_197 = vector.broadcast %sub3A_196 : i32 to vector<16xi32>
      %sub3A_198 = arith.subi %shift_right_arithmetic3A_195, %sub3A_197 : vector<16xi32>
      %and3A = arith.constant 8388607 : i32
      %and3A_199 = vector.broadcast %and3A : i32 to vector<16xi32>
      %and3A_200 = arith.andi %bitcast3A, %and3A_199 : vector<16xi32>
      %or3A = arith.constant 1065353216 : i32
      %or3A_201 = vector.broadcast %or3A : i32 to vector<16xi32>
      %or3A_202 = arith.ori %and3A_200, %or3A_201 : vector<16xi32>
      %bitcast3A_203 = vector.bitcast %or3A_202 : vector<16xi32> to vector<16xf32>
      %gt3A = arith.constant 1.41421354 : f32
      %gt3A_204 = vector.broadcast %gt3A : f32 to vector<16xf32>
      %gt3A_205 = arith.cmpf ogt, %bitcast3A_203, %gt3A_204 : vector<16xf32>
      %mul3A_206 = arith.constant 5.000000e-01 : f32
      %mul3A_207 = vector.broadcast %mul3A_206 : f32 to vector<16xf32>
      %mul3A_208 = arith.mulf %bitcast3A_203, %mul3A_207 : vector<16xf32>
      %select_n3A = arith.select %gt3A_205, %mul3A_208, %bitcast3A_203 : vector<16xi1>, vector<16xf32>
      %jit3A = arith.constant 1 : i32
      %jit3A_209 = arith.constant 0 : i32
      %broadcast_in_dim3A_210 = vector.broadcast %jit3A : i32 to vector<16xi32>
      %broadcast_in_dim3A_211 = vector.broadcast %jit3A_209 : i32 to vector<16xi32>
      %select_n3A_212 = arith.select %gt3A_205, %broadcast_in_dim3A_210, %broadcast_in_dim3A_211 : vector<16xi1>, vector<16xi32>
      %add3A_213 = arith.addi %sub3A_198, %select_n3A_212 : vector<16xi32>
      %sub3A_214 = arith.constant 1.000000e+00 : f32
      %sub3A_215 = vector.broadcast %sub3A_214 : f32 to vector<16xf32>
      %sub3A_216 = arith.subf %select_n3A, %sub3A_215 : vector<16xf32>
      %mul3A_217 = arith.constant 0.111111112 : f32
      %mul3A_218 = vector.broadcast %mul3A_217 : f32 to vector<16xf32>
      %mul3A_219 = arith.mulf %sub3A_216, %mul3A_218 : vector<16xf32>
      %sub3A_220 = arith.constant 1.250000e-01 : f32
      %sub3A_221 = vector.broadcast %sub3A_220 : f32 to vector<16xf32>
      %sub3A_222 = arith.subf %sub3A_221, %mul3A_219 : vector<16xf32>
      %mul3A_223 = arith.mulf %sub3A_216, %sub3A_222 : vector<16xf32>
      %sub3A_224 = arith.constant 0.142857149 : f32
      %sub3A_225 = vector.broadcast %sub3A_224 : f32 to vector<16xf32>
      %sub3A_226 = arith.subf %sub3A_225, %mul3A_223 : vector<16xf32>
      %mul3A_227 = arith.mulf %sub3A_216, %sub3A_226 : vector<16xf32>
      %sub3A_228 = arith.constant 0.166666672 : f32
      %sub3A_229 = vector.broadcast %sub3A_228 : f32 to vector<16xf32>
      %sub3A_230 = arith.subf %sub3A_229, %mul3A_227 : vector<16xf32>
      %mul3A_231 = arith.mulf %sub3A_216, %sub3A_230 : vector<16xf32>
      %sub3A_232 = arith.constant 2.000000e-01 : f32
      %sub3A_233 = vector.broadcast %sub3A_232 : f32 to vector<16xf32>
      %sub3A_234 = arith.subf %sub3A_233, %mul3A_231 : vector<16xf32>
      %mul3A_235 = arith.mulf %sub3A_216, %sub3A_234 : vector<16xf32>
      %sub3A_236 = arith.constant 2.500000e-01 : f32
      %sub3A_237 = vector.broadcast %sub3A_236 : f32 to vector<16xf32>
      %sub3A_238 = arith.subf %sub3A_237, %mul3A_235 : vector<16xf32>
      %mul3A_239 = arith.mulf %sub3A_216, %sub3A_238 : vector<16xf32>
      %sub3A_240 = arith.constant 0.333333343 : f32
      %sub3A_241 = vector.broadcast %sub3A_240 : f32 to vector<16xf32>
      %sub3A_242 = arith.subf %sub3A_241, %mul3A_239 : vector<16xf32>
      %mul3A_243 = arith.mulf %sub3A_216, %sub3A_242 : vector<16xf32>
      %sub3A_244 = arith.constant 5.000000e-01 : f32
      %sub3A_245 = vector.broadcast %sub3A_244 : f32 to vector<16xf32>
      %sub3A_246 = arith.subf %sub3A_245, %mul3A_243 : vector<16xf32>
      %mul3A_247 = arith.mulf %sub3A_216, %sub3A_246 : vector<16xf32>
      %sub3A_248 = arith.constant 1.000000e+00 : f32
      %sub3A_249 = vector.broadcast %sub3A_248 : f32 to vector<16xf32>
      %sub3A_250 = arith.subf %sub3A_249, %mul3A_247 : vector<16xf32>
      %mul3A_251 = arith.mulf %sub3A_216, %sub3A_250 : vector<16xf32>
      %convert_element_type3A = arith.sitofp %add3A_213 : vector<16xi32> to vector<16xf32>
      %mul3A_252 = arith.constant 0.693147182 : f32
      %mul3A_253 = vector.broadcast %mul3A_252 : f32 to vector<16xf32>
      %mul3A_254 = arith.mulf %convert_element_type3A, %mul3A_253 : vector<16xf32>
      %add3A_255 = arith.addf %mul3A_254, %mul3A_251 : vector<16xf32>
      %mul3A_256 = arith.constant 16 : i32
      %mul3A_257 = arith.muli %mul3A_58, %mul3A_256 : i32
      %add3A_258 = vector.broadcast %mul3A_257 : i32 to vector<16xi32>
      %add3A_259 = arith.addi %add3A_258, %iota3A : vector<16xi32>
      %broadcast_in_dim3A_260 = arith.constant 0 : i32
      %broadcast_in_dim3A_261 = vector.broadcast %broadcast_in_dim3A_260 : i32 to vector<16xi32>
      %sub3A_262 = arith.subf %sub3A, %add3A_255 : vector<16xf32>
      tpu.vector_store_idx %arg15[%add3A_259, %broadcast_in_dim3A_261], %sub3A_262 : memref<128x16xf32, #tpu.memory_space<vmem>>[vector<16xi32>, vector<16xi32>], vector<16xf32>,
      %broadcast_in_dim3A_263 = arith.constant 1 : i32
      %broadcast_in_dim3A_264 = vector.broadcast %broadcast_in_dim3A_263 : i32 to vector<16xi32>
      %sub3A_265 = arith.subf %sub3A_149, %add3A_255 : vector<16xf32>
      tpu.vector_store_idx %arg15[%add3A_259, %broadcast_in_dim3A_264], %sub3A_265 : memref<128x16xf32, #tpu.memory_space<vmem>>[vector<16xi32>, vector<16xi32>], vector<16xf32>,
      %broadcast_in_dim3A_266 = arith.constant 2 : i32
      %broadcast_in_dim3A_267 = vector.broadcast %broadcast_in_dim3A_266 : i32 to vector<16xi32>
      %sub3A_268 = arith.subf %sub3A_150, %add3A_255 : vector<16xf32>
      tpu.vector_store_idx %arg15[%add3A_259, %broadcast_in_dim3A_267], %sub3A_268 : memref<128x16xf32, #tpu.memory_space<vmem>>[vector<16xi32>, vector<16xi32>], vector<16xf32>,
      %broadcast_in_dim3A_269 = arith.constant 3 : i32
      %broadcast_in_dim3A_270 = vector.broadcast %broadcast_in_dim3A_269 : i32 to vector<16xi32>
      %sub3A_271 = arith.subf %sub3A_151, %add3A_255 : vector<16xf32>
      tpu.vector_store_idx %arg15[%add3A_259, %broadcast_in_dim3A_270], %sub3A_271 : memref<128x16xf32, #tpu.memory_space<vmem>>[vector<16xi32>, vector<16xi32>], vector<16xf32>,
      %broadcast_in_dim3A_272 = arith.constant 4 : i32
      %broadcast_in_dim3A_273 = vector.broadcast %broadcast_in_dim3A_272 : i32 to vector<16xi32>
      %sub3A_274 = arith.subf %sub3A_152, %add3A_255 : vector<16xf32>
      tpu.vector_store_idx %arg15[%add3A_259, %broadcast_in_dim3A_273], %sub3A_274 : memref<128x16xf32, #tpu.memory_space<vmem>>[vector<16xi32>, vector<16xi32>], vector<16xf32>,
      %broadcast_in_dim3A_275 = arith.constant 5 : i32
      %broadcast_in_dim3A_276 = vector.broadcast %broadcast_in_dim3A_275 : i32 to vector<16xi32>
      %sub3A_277 = arith.subf %sub3A_153, %add3A_255 : vector<16xf32>
      tpu.vector_store_idx %arg15[%add3A_259, %broadcast_in_dim3A_276], %sub3A_277 : memref<128x16xf32, #tpu.memory_space<vmem>>[vector<16xi32>, vector<16xi32>], vector<16xf32>,
      %broadcast_in_dim3A_278 = arith.constant 6 : i32
      %broadcast_in_dim3A_279 = vector.broadcast %broadcast_in_dim3A_278 : i32 to vector<16xi32>
      %sub3A_280 = arith.subf %sub3A_154, %add3A_255 : vector<16xf32>
      tpu.vector_store_idx %arg15[%add3A_259, %broadcast_in_dim3A_279], %sub3A_280 : memref<128x16xf32, #tpu.memory_space<vmem>>[vector<16xi32>, vector<16xi32>], vector<16xf32>,
      %broadcast_in_dim3A_281 = arith.constant 7 : i32
      %broadcast_in_dim3A_282 = vector.broadcast %broadcast_in_dim3A_281 : i32 to vector<16xi32>
      %sub3A_283 = arith.subf %sub3A_155, %add3A_255 : vector<16xf32>
      tpu.vector_store_idx %arg15[%add3A_259, %broadcast_in_dim3A_282], %sub3A_283 : memref<128x16xf32, #tpu.memory_space<vmem>>[vector<16xi32>, vector<16xi32>], vector<16xf32>,
      %broadcast_in_dim3A_284 = arith.constant 8 : i32
      %broadcast_in_dim3A_285 = vector.broadcast %broadcast_in_dim3A_284 : i32 to vector<16xi32>
      %sub3A_286 = arith.subf %sub3A_156, %add3A_255 : vector<16xf32>
      tpu.vector_store_idx %arg15[%add3A_259, %broadcast_in_dim3A_285], %sub3A_286 : memref<128x16xf32, #tpu.memory_space<vmem>>[vector<16xi32>, vector<16xi32>], vector<16xf32>,
      %broadcast_in_dim3A_287 = arith.constant 9 : i32
      %broadcast_in_dim3A_288 = vector.broadcast %broadcast_in_dim3A_287 : i32 to vector<16xi32>
      %sub3A_289 = arith.subf %sub3A_157, %add3A_255 : vector<16xf32>
      tpu.vector_store_idx %arg15[%add3A_259, %broadcast_in_dim3A_288], %sub3A_289 : memref<128x16xf32, #tpu.memory_space<vmem>>[vector<16xi32>, vector<16xi32>], vector<16xf32>,
      %broadcast_in_dim3A_290 = arith.constant 10 : i32
      %broadcast_in_dim3A_291 = vector.broadcast %broadcast_in_dim3A_290 : i32 to vector<16xi32>
      %sub3A_292 = arith.subf %sub3A_158, %add3A_255 : vector<16xf32>
      tpu.vector_store_idx %arg15[%add3A_259, %broadcast_in_dim3A_291], %sub3A_292 : memref<128x16xf32, #tpu.memory_space<vmem>>[vector<16xi32>, vector<16xi32>], vector<16xf32>,
      %broadcast_in_dim3A_293 = arith.constant 11 : i32
      %broadcast_in_dim3A_294 = vector.broadcast %broadcast_in_dim3A_293 : i32 to vector<16xi32>
      %sub3A_295 = arith.subf %sub3A_159, %add3A_255 : vector<16xf32>
      tpu.vector_store_idx %arg15[%add3A_259, %broadcast_in_dim3A_294], %sub3A_295 : memref<128x16xf32, #tpu.memory_space<vmem>>[vector<16xi32>, vector<16xi32>], vector<16xf32>,
      %broadcast_in_dim3A_296 = arith.constant 12 : i32
      %broadcast_in_dim3A_297 = vector.broadcast %broadcast_in_dim3A_296 : i32 to vector<16xi32>
      %sub3A_298 = arith.subf %sub3A_160, %add3A_255 : vector<16xf32>
      tpu.vector_store_idx %arg15[%add3A_259, %broadcast_in_dim3A_297], %sub3A_298 : memref<128x16xf32, #tpu.memory_space<vmem>>[vector<16xi32>, vector<16xi32>], vector<16xf32>,
      %broadcast_in_dim3A_299 = arith.constant 13 : i32
      %broadcast_in_dim3A_300 = vector.broadcast %broadcast_in_dim3A_299 : i32 to vector<16xi32>
      %sub3A_301 = arith.subf %sub3A_161, %add3A_255 : vector<16xf32>
      tpu.vector_store_idx %arg15[%add3A_259, %broadcast_in_dim3A_300], %sub3A_301 : memref<128x16xf32, #tpu.memory_space<vmem>>[vector<16xi32>, vector<16xi32>], vector<16xf32>,
      %broadcast_in_dim3A_302 = arith.constant 14 : i32
      %broadcast_in_dim3A_303 = vector.broadcast %broadcast_in_dim3A_302 : i32 to vector<16xi32>
      %sub3A_304 = arith.subf %sub3A_162, %add3A_255 : vector<16xf32>
      tpu.vector_store_idx %arg15[%add3A_259, %broadcast_in_dim3A_303], %sub3A_304 : memref<128x16xf32, #tpu.memory_space<vmem>>[vector<16xi32>, vector<16xi32>], vector<16xf32>,
      %broadcast_in_dim3A_305 = arith.constant 15 : i32
      %broadcast_in_dim3A_306 = vector.broadcast %broadcast_in_dim3A_305 : i32 to vector<16xi32>
      %sub3A_307 = arith.subf %sub3A_163, %add3A_255 : vector<16xf32>
      tpu.vector_store_idx %arg15[%add3A_259, %broadcast_in_dim3A_306], %sub3A_307 : memref<128x16xf32, #tpu.memory_space<vmem>>[vector<16xi32>, vector<16xi32>], vector<16xf32>,
      %add3A_308 = arith.constant 2 : i32
      %add3A_309 = arith.addi %mul3A_58, %add3A_308 : i32
      %lt3A = arith.constant 8 : i32
      %lt3A_310 = arith.cmpi slt, %add3A_309, %lt3A : i32
      %convert_element_type3A_311 = arith.extui %lt3A_310 : i1 to i32
      %cond3A = arith.constant 0 : i32
      %cond3A_312 = arith.cmpi ne, %convert_element_type3A_311, %cond3A : i32
      scf.if %cond3A_312 {
        %add3A_578 = arith.constant 2 : i32
        %add3A_579 = arith.addi %mul3A_58, %add3A_578 : i32
        %mul3A_580 = arith.constant 16 : i32
        %mul3A_581 = arith.muli %add3A_579, %mul3A_580 : i32
        %mul3A_582 = arith.constant 16 : i32
        %mul3A_583 = arith.muli %mul3A_581, %mul3A_582 : i32
        %dma_start3A_584 = arith.constant 0 : i32
        %dma_start3A_585 = arith.constant 0 : i32
        %dma_start3A_586 = tpu.memref_slice %arg11[%dma_start3A_584, %dma_start3A_585] : memref<256x128xf32, #tpu.memory_space<vmem>> -> memref<128x128xf32, #tpu.memory_space<vmem>>
        %dma_start3A_587 = tpu.memref_slice %arg9[%mul3A_583] : memref<2048xi32, #tpu.memory_space<vmem>> -> memref<128xi32, #tpu.memory_space<vmem>>
        %dma_start3A_588 = arith.constant 0 : i32
        %dma_start3A_589 = arith.constant 0 : i32
        %dma_start3A_590 = tpu.memref_slice %arg4[%dma_start3A_588, %dma_start3A_589] : memref<1024x128xf32, #tpu.memory_space<hbm>> -> memref<1024x128xf32, #tpu.memory_space<hbm>>
        tpu.enqueue_indirect_dma source(%dma_start3A_590 : memref<1024x128xf32, #tpu.memory_space<hbm>>) target(%dma_start3A_586 : memref<128x128xf32, #tpu.memory_space<vmem>>) offsets(%dma_start3A_587 : memref<128xi32, #tpu.memory_space<vmem>>) semaphore(%arg16 : memref<!tpu.dma_semaphore, #tpu.memory_space<semaphore_mem>>)
        %add3A_591 = arith.constant 128 : i32
        %add3A_592 = arith.addi %mul3A_583, %add3A_591 : i32
        %dma_start3A_593 = arith.constant 128 : i32
        %dma_start3A_594 = arith.constant 0 : i32
        %dma_start3A_595 = tpu.memref_slice %arg11[%dma_start3A_593, %dma_start3A_594] : memref<256x128xf32, #tpu.memory_space<vmem>> -> memref<128x128xf32, #tpu.memory_space<vmem>>
        %dma_start3A_596 = tpu.memref_slice %arg9[%add3A_592] : memref<2048xi32, #tpu.memory_space<vmem>> -> memref<128xi32, #tpu.memory_space<vmem>>
        %dma_start3A_597 = arith.constant 0 : i32
        %dma_start3A_598 = arith.constant 0 : i32
        %dma_start3A_599 = tpu.memref_slice %arg4[%dma_start3A_597, %dma_start3A_598] : memref<1024x128xf32, #tpu.memory_space<hbm>> -> memref<1024x128xf32, #tpu.memory_space<hbm>>
        tpu.enqueue_indirect_dma source(%dma_start3A_599 : memref<1024x128xf32, #tpu.memory_space<hbm>>) target(%dma_start3A_595 : memref<128x128xf32, #tpu.memory_space<vmem>>) offsets(%dma_start3A_596 : memref<128xi32, #tpu.memory_space<vmem>>) semaphore(%arg16 : memref<!tpu.dma_semaphore, #tpu.memory_space<semaphore_mem>>)
      } else {
      }
      %mul3A_313 = arith.constant 16 : i32
      %mul3A_314 = arith.muli %add3A_62, %mul3A_313 : i32
      %mul3A_315 = arith.constant 16 : i32
      %mul3A_316 = arith.muli %mul3A_314, %mul3A_315 : i32
      %dma_wait3A_317 = arith.constant 0 : i32
      %dma_wait3A_318 = arith.constant 0 : i32
      %dma_wait3A_319 = tpu.memref_slice %arg12[%dma_wait3A_317, %dma_wait3A_318] : memref<256x128xf32, #tpu.memory_space<vmem>> -> memref<128x128xf32, #tpu.memory_space<vmem>>
      %dma_wait3A_320 = tpu.memref_slice %arg9[%mul3A_316] : memref<2048xi32, #tpu.memory_space<vmem>> -> memref<128xi32, #tpu.memory_space<vmem>>
      %dma_wait3A_321 = arith.constant 0 : i32
      %dma_wait3A_322 = arith.constant 0 : i32
      %dma_wait3A_323 = tpu.memref_slice %arg4[%dma_wait3A_321, %dma_wait3A_322] : memref<1024x128xf32, #tpu.memory_space<hbm>> -> memref<1024x128xf32, #tpu.memory_space<hbm>>
      tpu.wait_indirect_dma semaphore(%arg17 : memref<!tpu.dma_semaphore, #tpu.memory_space<semaphore_mem>>) src(%dma_wait3A_323 : memref<1024x128xf32, #tpu.memory_space<hbm>>) dst(%dma_wait3A_319 : memref<128x128xf32, #tpu.memory_space<vmem>>)
      %add3A_324 = arith.constant 128 : i32
      %add3A_325 = arith.addi %mul3A_316, %add3A_324 : i32
      %dma_wait3A_326 = arith.constant 128 : i32
      %dma_wait3A_327 = arith.constant 0 : i32
      %dma_wait3A_328 = tpu.memref_slice %arg12[%dma_wait3A_326, %dma_wait3A_327] : memref<256x128xf32, #tpu.memory_space<vmem>> -> memref<128x128xf32, #tpu.memory_space<vmem>>
      %dma_wait3A_329 = tpu.memref_slice %arg9[%add3A_325] : memref<2048xi32, #tpu.memory_space<vmem>> -> memref<128xi32, #tpu.memory_space<vmem>>
      %dma_wait3A_330 = arith.constant 0 : i32
      %dma_wait3A_331 = arith.constant 0 : i32
      %dma_wait3A_332 = tpu.memref_slice %arg4[%dma_wait3A_330, %dma_wait3A_331] : memref<1024x128xf32, #tpu.memory_space<hbm>> -> memref<1024x128xf32, #tpu.memory_space<hbm>>
      tpu.wait_indirect_dma semaphore(%arg17 : memref<!tpu.dma_semaphore, #tpu.memory_space<semaphore_mem>>) src(%dma_wait3A_332 : memref<1024x128xf32, #tpu.memory_space<hbm>>) dst(%dma_wait3A_328 : memref<128x128xf32, #tpu.memory_space<vmem>>)
      %scan3A_333 = arith.constant 0 : i32
      %scan3A_334 = arith.constant 0 : i32
      %scan3A_335 = arith.constant 16 : i32
      %scan3A_336 = arith.addi %scan3A_334, %scan3A_335 : i32
      %scan3A_337 = arith.constant 1 : i32
      scf.for %scan3A_578 = %scan3A_334 to %scan3A_336 step %scan3A_337  : i32 {
        %mul3A_579 = arith.constant 16 : i32
        %mul3A_580 = arith.muli %add3A_62, %mul3A_579 : i32
        %add3A_581 = arith.addi %mul3A_580, %scan3A_578 : i32
        %get3A = arith.index_cast %add3A_581 : i32 to index
        %get3A_582 = arith.constant 0 : index
        %get3A_583 = tpu.vector_load %arg10[%get3A, %get3A_582] {strides = array<i32>} : memref<128x128xf32, #tpu.memory_space<vmem>>, vector<16xf32>,
        %get3A_584 = arith.index_cast %add3A_581 : i32 to index
        %get3A_585 = arith.constant 16 : index
        %get3A_586 = tpu.vector_load %arg10[%get3A_584, %get3A_585] {strides = array<i32>} : memref<128x128xf32, #tpu.memory_space<vmem>>, vector<16xf32>,
        %get3A_587 = arith.index_cast %add3A_581 : i32 to index
        %get3A_588 = arith.constant 32 : index
        %get3A_589 = tpu.vector_load %arg10[%get3A_587, %get3A_588] {strides = array<i32>} : memref<128x128xf32, #tpu.memory_space<vmem>>, vector<16xf32>,
        %get3A_590 = arith.index_cast %add3A_581 : i32 to index
        %get3A_591 = arith.constant 48 : index
        %get3A_592 = tpu.vector_load %arg10[%get3A_590, %get3A_591] {strides = array<i32>} : memref<128x128xf32, #tpu.memory_space<vmem>>, vector<16xf32>,
        %get3A_593 = arith.index_cast %add3A_581 : i32 to index
        %get3A_594 = arith.constant 64 : index
        %get3A_595 = tpu.vector_load %arg10[%get3A_593, %get3A_594] {strides = array<i32>} : memref<128x128xf32, #tpu.memory_space<vmem>>, vector<16xf32>,
        %get3A_596 = arith.index_cast %add3A_581 : i32 to index
        %get3A_597 = arith.constant 80 : index
        %get3A_598 = tpu.vector_load %arg10[%get3A_596, %get3A_597] {strides = array<i32>} : memref<128x128xf32, #tpu.memory_space<vmem>>, vector<16xf32>,
        %get3A_599 = arith.index_cast %add3A_581 : i32 to index
        %get3A_600 = arith.constant 96 : index
        %get3A_601 = tpu.vector_load %arg10[%get3A_599, %get3A_600] {strides = array<i32>} : memref<128x128xf32, #tpu.memory_space<vmem>>, vector<16xf32>,
        %get3A_602 = arith.index_cast %add3A_581 : i32 to index
        %get3A_603 = arith.constant 112 : index
        %get3A_604 = tpu.vector_load %arg10[%get3A_602, %get3A_603] {strides = array<i32>} : memref<128x128xf32, #tpu.memory_space<vmem>>, vector<16xf32>,
        %mul3A_605 = arith.constant 16 : i32
        %mul3A_606 = arith.muli %scan3A_578, %mul3A_605 : i32
        %add3A_607 = arith.constant 0 : i32
        %add3A_608 = arith.addi %mul3A_606, %add3A_607 : i32
        %get3A_609 = arith.index_cast %add3A_608 : i32 to index
        %get3A_610 = arith.constant 0 : index
        %get3A_611 = tpu.vector_load %arg12[%get3A_609, %get3A_610] {strides = array<i32>} : memref<256x128xf32, #tpu.memory_space<vmem>>, vector<16xf32>,
        %mul3A_612 = arith.mulf %get3A_583, %get3A_611 : vector<16xf32>
        %mul3A_613 = arith.constant 16 : i32
        %mul3A_614 = arith.muli %scan3A_578, %mul3A_613 : i32
        %add3A_615 = arith.constant 0 : i32
        %add3A_616 = arith.addi %mul3A_614, %add3A_615 : i32
        %get3A_617 = arith.index_cast %add3A_616 : i32 to index
        %get3A_618 = arith.constant 16 : index
        %get3A_619 = tpu.vector_load %arg12[%get3A_617, %get3A_618] {strides = array<i32>} : memref<256x128xf32, #tpu.memory_space<vmem>>, vector<16xf32>,
        %mul3A_620 = arith.mulf %get3A_586, %get3A_619 : vector<16xf32>
        %mul3A_621 = arith.constant 16 : i32
        %mul3A_622 = arith.muli %scan3A_578, %mul3A_621 : i32
        %add3A_623 = arith.constant 0 : i32
        %add3A_624 = arith.addi %mul3A_622, %add3A_623 : i32
        %get3A_625 = arith.index_cast %add3A_624 : i32 to index
        %get3A_626 = arith.constant 32 : index
        %get3A_627 = tpu.vector_load %arg12[%get3A_625, %get3A_626] {strides = array<i32>} : memref<256x128xf32, #tpu.memory_space<vmem>>, vector<16xf32>,
        %mul3A_628 = arith.mulf %get3A_589, %get3A_627 : vector<16xf32>
        %mul3A_629 = arith.constant 16 : i32
        %mul3A_630 = arith.muli %scan3A_578, %mul3A_629 : i32
        %add3A_631 = arith.constant 0 : i32
        %add3A_632 = arith.addi %mul3A_630, %add3A_631 : i32
        %get3A_633 = arith.index_cast %add3A_632 : i32 to index
        %get3A_634 = arith.constant 48 : index
        %get3A_635 = tpu.vector_load %arg12[%get3A_633, %get3A_634] {strides = array<i32>} : memref<256x128xf32, #tpu.memory_space<vmem>>, vector<16xf32>,
        %mul3A_636 = arith.mulf %get3A_592, %get3A_635 : vector<16xf32>
        %mul3A_637 = arith.constant 16 : i32
        %mul3A_638 = arith.muli %scan3A_578, %mul3A_637 : i32
        %add3A_639 = arith.constant 0 : i32
        %add3A_640 = arith.addi %mul3A_638, %add3A_639 : i32
        %get3A_641 = arith.index_cast %add3A_640 : i32 to index
        %get3A_642 = arith.constant 64 : index
        %get3A_643 = tpu.vector_load %arg12[%get3A_641, %get3A_642] {strides = array<i32>} : memref<256x128xf32, #tpu.memory_space<vmem>>, vector<16xf32>,
        %mul3A_644 = arith.mulf %get3A_595, %get3A_643 : vector<16xf32>
        %mul3A_645 = arith.constant 16 : i32
        %mul3A_646 = arith.muli %scan3A_578, %mul3A_645 : i32
        %add3A_647 = arith.constant 0 : i32
        %add3A_648 = arith.addi %mul3A_646, %add3A_647 : i32
        %get3A_649 = arith.index_cast %add3A_648 : i32 to index
        %get3A_650 = arith.constant 80 : index
        %get3A_651 = tpu.vector_load %arg12[%get3A_649, %get3A_650] {strides = array<i32>} : memref<256x128xf32, #tpu.memory_space<vmem>>, vector<16xf32>,
        %mul3A_652 = arith.mulf %get3A_598, %get3A_651 : vector<16xf32>
        %mul3A_653 = arith.constant 16 : i32
        %mul3A_654 = arith.muli %scan3A_578, %mul3A_653 : i32
        %add3A_655 = arith.constant 0 : i32
        %add3A_656 = arith.addi %mul3A_654, %add3A_655 : i32
        %get3A_657 = arith.index_cast %add3A_656 : i32 to index
        %get3A_658 = arith.constant 96 : index
        %get3A_659 = tpu.vector_load %arg12[%get3A_657, %get3A_658] {strides = array<i32>} : memref<256x128xf32, #tpu.memory_space<vmem>>, vector<16xf32>,
        %mul3A_660 = arith.mulf %get3A_601, %get3A_659 : vector<16xf32>
        %mul3A_661 = arith.constant 16 : i32
        %mul3A_662 = arith.muli %scan3A_578, %mul3A_661 : i32
        %add3A_663 = arith.constant 0 : i32
        %add3A_664 = arith.addi %mul3A_662, %add3A_663 : i32
        %get3A_665 = arith.index_cast %add3A_664 : i32 to index
        %get3A_666 = arith.constant 112 : index
        %get3A_667 = tpu.vector_load %arg12[%get3A_665, %get3A_666] {strides = array<i32>} : memref<256x128xf32, #tpu.memory_space<vmem>>, vector<16xf32>,
        %mul3A_668 = arith.mulf %get3A_604, %get3A_667 : vector<16xf32>
        %add3A_669 = arith.addf %mul3A_612, %mul3A_620 : vector<16xf32>
        %add3A_670 = arith.addf %mul3A_628, %mul3A_636 : vector<16xf32>
        %add3A_671 = arith.addf %mul3A_644, %mul3A_652 : vector<16xf32>
        %add3A_672 = arith.addf %mul3A_660, %mul3A_668 : vector<16xf32>
        %add3A_673 = arith.addf %add3A_669, %add3A_670 : vector<16xf32>
        %add3A_674 = arith.addf %add3A_671, %add3A_672 : vector<16xf32>
        %add3A_675 = arith.addf %add3A_673, %add3A_674 : vector<16xf32>
        %swap3A = arith.constant 0 : i32
        %swap3A_676 = arith.index_cast %swap3A : i32 to index
        %swap3A_677 = arith.constant 0 : index
        %swap3A_678 = tpu.vector_load %arg13[%swap3A_676, %swap3A_677] {strides = array<i32>} : memref<16x16xf32, #tpu.memory_space<vmem>>, vector<16xf32>,
        tpu.vector_store %arg13[%swap3A_676, %swap3A_677], %add3A_675 {strides = array<i32>} : memref<16x16xf32, #tpu.memory_space<vmem>>, vector<16xf32>,
        %mul3A_679 = arith.constant 16 : i32
        %mul3A_680 = arith.muli %scan3A_578, %mul3A_679 : i32
        %add3A_681 = arith.constant 1 : i32
        %add3A_682 = arith.addi %mul3A_680, %add3A_681 : i32
        %get3A_683 = arith.index_cast %add3A_682 : i32 to index
        %get3A_684 = arith.constant 0 : index
        %get3A_685 = tpu.vector_load %arg12[%get3A_683, %get3A_684] {strides = array<i32>} : memref<256x128xf32, #tpu.memory_space<vmem>>, vector<16xf32>,
        %mul3A_686 = arith.mulf %get3A_583, %get3A_685 : vector<16xf32>
        %mul3A_687 = arith.constant 16 : i32
        %mul3A_688 = arith.muli %scan3A_578, %mul3A_687 : i32
        %add3A_689 = arith.constant 1 : i32
        %add3A_690 = arith.addi %mul3A_688, %add3A_689 : i32
        %get3A_691 = arith.index_cast %add3A_690 : i32 to index
        %get3A_692 = arith.constant 16 : index
        %get3A_693 = tpu.vector_load %arg12[%get3A_691, %get3A_692] {strides = array<i32>} : memref<256x128xf32, #tpu.memory_space<vmem>>, vector<16xf32>,
        %mul3A_694 = arith.mulf %get3A_586, %get3A_693 : vector<16xf32>
        %mul3A_695 = arith.constant 16 : i32
        %mul3A_696 = arith.muli %scan3A_578, %mul3A_695 : i32
        %add3A_697 = arith.constant 1 : i32
        %add3A_698 = arith.addi %mul3A_696, %add3A_697 : i32
        %get3A_699 = arith.index_cast %add3A_698 : i32 to index
        %get3A_700 = arith.constant 32 : index
        %get3A_701 = tpu.vector_load %arg12[%get3A_699, %get3A_700] {strides = array<i32>} : memref<256x128xf32, #tpu.memory_space<vmem>>, vector<16xf32>,
        %mul3A_702 = arith.mulf %get3A_589, %get3A_701 : vector<16xf32>
        %mul3A_703 = arith.constant 16 : i32
        %mul3A_704 = arith.muli %scan3A_578, %mul3A_703 : i32
        %add3A_705 = arith.constant 1 : i32
        %add3A_706 = arith.addi %mul3A_704, %add3A_705 : i32
        %get3A_707 = arith.index_cast %add3A_706 : i32 to index
        %get3A_708 = arith.constant 48 : index
        %get3A_709 = tpu.vector_load %arg12[%get3A_707, %get3A_708] {strides = array<i32>} : memref<256x128xf32, #tpu.memory_space<vmem>>, vector<16xf32>,
        %mul3A_710 = arith.mulf %get3A_592, %get3A_709 : vector<16xf32>
        %mul3A_711 = arith.constant 16 : i32
        %mul3A_712 = arith.muli %scan3A_578, %mul3A_711 : i32
        %add3A_713 = arith.constant 1 : i32
        %add3A_714 = arith.addi %mul3A_712, %add3A_713 : i32
        %get3A_715 = arith.index_cast %add3A_714 : i32 to index
        %get3A_716 = arith.constant 64 : index
        %get3A_717 = tpu.vector_load %arg12[%get3A_715, %get3A_716] {strides = array<i32>} : memref<256x128xf32, #tpu.memory_space<vmem>>, vector<16xf32>,
        %mul3A_718 = arith.mulf %get3A_595, %get3A_717 : vector<16xf32>
        %mul3A_719 = arith.constant 16 : i32
        %mul3A_720 = arith.muli %scan3A_578, %mul3A_719 : i32
        %add3A_721 = arith.constant 1 : i32
        %add3A_722 = arith.addi %mul3A_720, %add3A_721 : i32
        %get3A_723 = arith.index_cast %add3A_722 : i32 to index
        %get3A_724 = arith.constant 80 : index
        %get3A_725 = tpu.vector_load %arg12[%get3A_723, %get3A_724] {strides = array<i32>} : memref<256x128xf32, #tpu.memory_space<vmem>>, vector<16xf32>,
        %mul3A_726 = arith.mulf %get3A_598, %get3A_725 : vector<16xf32>
        %mul3A_727 = arith.constant 16 : i32
        %mul3A_728 = arith.muli %scan3A_578, %mul3A_727 : i32
        %add3A_729 = arith.constant 1 : i32
        %add3A_730 = arith.addi %mul3A_728, %add3A_729 : i32
        %get3A_731 = arith.index_cast %add3A_730 : i32 to index
        %get3A_732 = arith.constant 96 : index
        %get3A_733 = tpu.vector_load %arg12[%get3A_731, %get3A_732] {strides = array<i32>} : memref<256x128xf32, #tpu.memory_space<vmem>>, vector<16xf32>,
        %mul3A_734 = arith.mulf %get3A_601, %get3A_733 : vector<16xf32>
        %mul3A_735 = arith.constant 16 : i32
        %mul3A_736 = arith.muli %scan3A_578, %mul3A_735 : i32
        %add3A_737 = arith.constant 1 : i32
        %add3A_738 = arith.addi %mul3A_736, %add3A_737 : i32
        %get3A_739 = arith.index_cast %add3A_738 : i32 to index
        %get3A_740 = arith.constant 112 : index
        %get3A_741 = tpu.vector_load %arg12[%get3A_739, %get3A_740] {strides = array<i32>} : memref<256x128xf32, #tpu.memory_space<vmem>>, vector<16xf32>,
        %mul3A_742 = arith.mulf %get3A_604, %get3A_741 : vector<16xf32>
        %add3A_743 = arith.addf %mul3A_686, %mul3A_694 : vector<16xf32>
        %add3A_744 = arith.addf %mul3A_702, %mul3A_710 : vector<16xf32>
        %add3A_745 = arith.addf %mul3A_718, %mul3A_726 : vector<16xf32>
        %add3A_746 = arith.addf %mul3A_734, %mul3A_742 : vector<16xf32>
        %add3A_747 = arith.addf %add3A_743, %add3A_744 : vector<16xf32>
        %add3A_748 = arith.addf %add3A_745, %add3A_746 : vector<16xf32>
        %add3A_749 = arith.addf %add3A_747, %add3A_748 : vector<16xf32>
        %swap3A_750 = arith.constant 1 : i32
        %swap3A_751 = arith.index_cast %swap3A_750 : i32 to index
        %swap3A_752 = arith.constant 0 : index
        %swap3A_753 = tpu.vector_load %arg13[%swap3A_751, %swap3A_752] {strides = array<i32>} : memref<16x16xf32, #tpu.memory_space<vmem>>, vector<16xf32>,
        tpu.vector_store %arg13[%swap3A_751, %swap3A_752], %add3A_749 {strides = array<i32>} : memref<16x16xf32, #tpu.memory_space<vmem>>, vector<16xf32>,
        %mul3A_754 = arith.constant 16 : i32
        %mul3A_755 = arith.muli %scan3A_578, %mul3A_754 : i32
        %add3A_756 = arith.constant 2 : i32
        %add3A_757 = arith.addi %mul3A_755, %add3A_756 : i32
        %get3A_758 = arith.index_cast %add3A_757 : i32 to index
        %get3A_759 = arith.constant 0 : index
        %get3A_760 = tpu.vector_load %arg12[%get3A_758, %get3A_759] {strides = array<i32>} : memref<256x128xf32, #tpu.memory_space<vmem>>, vector<16xf32>,
        %mul3A_761 = arith.mulf %get3A_583, %get3A_760 : vector<16xf32>
        %mul3A_762 = arith.constant 16 : i32
        %mul3A_763 = arith.muli %scan3A_578, %mul3A_762 : i32
        %add3A_764 = arith.constant 2 : i32
        %add3A_765 = arith.addi %mul3A_763, %add3A_764 : i32
        %get3A_766 = arith.index_cast %add3A_765 : i32 to index
        %get3A_767 = arith.constant 16 : index
        %get3A_768 = tpu.vector_load %arg12[%get3A_766, %get3A_767] {strides = array<i32>} : memref<256x128xf32, #tpu.memory_space<vmem>>, vector<16xf32>,
        %mul3A_769 = arith.mulf %get3A_586, %get3A_768 : vector<16xf32>
        %mul3A_770 = arith.constant 16 : i32
        %mul3A_771 = arith.muli %scan3A_578, %mul3A_770 : i32
        %add3A_772 = arith.constant 2 : i32
        %add3A_773 = arith.addi %mul3A_771, %add3A_772 : i32
        %get3A_774 = arith.index_cast %add3A_773 : i32 to index
        %get3A_775 = arith.constant 32 : index
        %get3A_776 = tpu.vector_load %arg12[%get3A_774, %get3A_775] {strides = array<i32>} : memref<256x128xf32, #tpu.memory_space<vmem>>, vector<16xf32>,
        %mul3A_777 = arith.mulf %get3A_589, %get3A_776 : vector<16xf32>
        %mul3A_778 = arith.constant 16 : i32
        %mul3A_779 = arith.muli %scan3A_578, %mul3A_778 : i32
        %add3A_780 = arith.constant 2 : i32
        %add3A_781 = arith.addi %mul3A_779, %add3A_780 : i32
        %get3A_782 = arith.index_cast %add3A_781 : i32 to index
        %get3A_783 = arith.constant 48 : index
        %get3A_784 = tpu.vector_load %arg12[%get3A_782, %get3A_783] {strides = array<i32>} : memref<256x128xf32, #tpu.memory_space<vmem>>, vector<16xf32>,
        %mul3A_785 = arith.mulf %get3A_592, %get3A_784 : vector<16xf32>
        %mul3A_786 = arith.constant 16 : i32
        %mul3A_787 = arith.muli %scan3A_578, %mul3A_786 : i32
        %add3A_788 = arith.constant 2 : i32
        %add3A_789 = arith.addi %mul3A_787, %add3A_788 : i32
        %get3A_790 = arith.index_cast %add3A_789 : i32 to index
        %get3A_791 = arith.constant 64 : index
        %get3A_792 = tpu.vector_load %arg12[%get3A_790, %get3A_791] {strides = array<i32>} : memref<256x128xf32, #tpu.memory_space<vmem>>, vector<16xf32>,
        %mul3A_793 = arith.mulf %get3A_595, %get3A_792 : vector<16xf32>
        %mul3A_794 = arith.constant 16 : i32
        %mul3A_795 = arith.muli %scan3A_578, %mul3A_794 : i32
        %add3A_796 = arith.constant 2 : i32
        %add3A_797 = arith.addi %mul3A_795, %add3A_796 : i32
        %get3A_798 = arith.index_cast %add3A_797 : i32 to index
        %get3A_799 = arith.constant 80 : index
        %get3A_800 = tpu.vector_load %arg12[%get3A_798, %get3A_799] {strides = array<i32>} : memref<256x128xf32, #tpu.memory_space<vmem>>, vector<16xf32>,
        %mul3A_801 = arith.mulf %get3A_598, %get3A_800 : vector<16xf32>
        %mul3A_802 = arith.constant 16 : i32
        %mul3A_803 = arith.muli %scan3A_578, %mul3A_802 : i32
        %add3A_804 = arith.constant 2 : i32
        %add3A_805 = arith.addi %mul3A_803, %add3A_804 : i32
        %get3A_806 = arith.index_cast %add3A_805 : i32 to index
        %get3A_807 = arith.constant 96 : index
        %get3A_808 = tpu.vector_load %arg12[%get3A_806, %get3A_807] {strides = array<i32>} : memref<256x128xf32, #tpu.memory_space<vmem>>, vector<16xf32>,
        %mul3A_809 = arith.mulf %get3A_601, %get3A_808 : vector<16xf32>
        %mul3A_810 = arith.constant 16 : i32
        %mul3A_811 = arith.muli %scan3A_578, %mul3A_810 : i32
        %add3A_812 = arith.constant 2 : i32
        %add3A_813 = arith.addi %mul3A_811, %add3A_812 : i32
        %get3A_814 = arith.index_cast %add3A_813 : i32 to index
        %get3A_815 = arith.constant 112 : index
        %get3A_816 = tpu.vector_load %arg12[%get3A_814, %get3A_815] {strides = array<i32>} : memref<256x128xf32, #tpu.memory_space<vmem>>, vector<16xf32>,
        %mul3A_817 = arith.mulf %get3A_604, %get3A_816 : vector<16xf32>
        %add3A_818 = arith.addf %mul3A_761, %mul3A_769 : vector<16xf32>
        %add3A_819 = arith.addf %mul3A_777, %mul3A_785 : vector<16xf32>
        %add3A_820 = arith.addf %mul3A_793, %mul3A_801 : vector<16xf32>
        %add3A_821 = arith.addf %mul3A_809, %mul3A_817 : vector<16xf32>
        %add3A_822 = arith.addf %add3A_818, %add3A_819 : vector<16xf32>
        %add3A_823 = arith.addf %add3A_820, %add3A_821 : vector<16xf32>
        %add3A_824 = arith.addf %add3A_822, %add3A_823 : vector<16xf32>
        %swap3A_825 = arith.constant 2 : i32
        %swap3A_826 = arith.index_cast %swap3A_825 : i32 to index
        %swap3A_827 = arith.constant 0 : index
        %swap3A_828 = tpu.vector_load %arg13[%swap3A_826, %swap3A_827] {strides = array<i32>} : memref<16x16xf32, #tpu.memory_space<vmem>>, vector<16xf32>,
        tpu.vector_store %arg13[%swap3A_826, %swap3A_827], %add3A_824 {strides = array<i32>} : memref<16x16xf32, #tpu.memory_space<vmem>>, vector<16xf32>,
        %mul3A_829 = arith.constant 16 : i32
        %mul3A_830 = arith.muli %scan3A_578, %mul3A_829 : i32
        %add3A_831 = arith.constant 3 : i32
        %add3A_832 = arith.addi %mul3A_830, %add3A_831 : i32
        %get3A_833 = arith.index_cast %add3A_832 : i32 to index
        %get3A_834 = arith.constant 0 : index
        %get3A_835 = tpu.vector_load %arg12[%get3A_833, %get3A_834] {strides = array<i32>} : memref<256x128xf32, #tpu.memory_space<vmem>>, vector<16xf32>,
        %mul3A_836 = arith.mulf %get3A_583, %get3A_835 : vector<16xf32>
        %mul3A_837 = arith.constant 16 : i32
        %mul3A_838 = arith.muli %scan3A_578, %mul3A_837 : i32
        %add3A_839 = arith.constant 3 : i32
        %add3A_840 = arith.addi %mul3A_838, %add3A_839 : i32
        %get3A_841 = arith.index_cast %add3A_840 : i32 to index
        %get3A_842 = arith.constant 16 : index
        %get3A_843 = tpu.vector_load %arg12[%get3A_841, %get3A_842] {strides = array<i32>} : memref<256x128xf32, #tpu.memory_space<vmem>>, vector<16xf32>,
        %mul3A_844 = arith.mulf %get3A_586, %get3A_843 : vector<16xf32>
        %mul3A_845 = arith.constant 16 : i32
        %mul3A_846 = arith.muli %scan3A_578, %mul3A_845 : i32
        %add3A_847 = arith.constant 3 : i32
        %add3A_848 = arith.addi %mul3A_846, %add3A_847 : i32
        %get3A_849 = arith.index_cast %add3A_848 : i32 to index
        %get3A_850 = arith.constant 32 : index
        %get3A_851 = tpu.vector_load %arg12[%get3A_849, %get3A_850] {strides = array<i32>} : memref<256x128xf32, #tpu.memory_space<vmem>>, vector<16xf32>,
        %mul3A_852 = arith.mulf %get3A_589, %get3A_851 : vector<16xf32>
        %mul3A_853 = arith.constant 16 : i32
        %mul3A_854 = arith.muli %scan3A_578, %mul3A_853 : i32
        %add3A_855 = arith.constant 3 : i32
        %add3A_856 = arith.addi %mul3A_854, %add3A_855 : i32
        %get3A_857 = arith.index_cast %add3A_856 : i32 to index
        %get3A_858 = arith.constant 48 : index
        %get3A_859 = tpu.vector_load %arg12[%get3A_857, %get3A_858] {strides = array<i32>} : memref<256x128xf32, #tpu.memory_space<vmem>>, vector<16xf32>,
        %mul3A_860 = arith.mulf %get3A_592, %get3A_859 : vector<16xf32>
        %mul3A_861 = arith.constant 16 : i32
        %mul3A_862 = arith.muli %scan3A_578, %mul3A_861 : i32
        %add3A_863 = arith.constant 3 : i32
        %add3A_864 = arith.addi %mul3A_862, %add3A_863 : i32
        %get3A_865 = arith.index_cast %add3A_864 : i32 to index
        %get3A_866 = arith.constant 64 : index
        %get3A_867 = tpu.vector_load %arg12[%get3A_865, %get3A_866] {strides = array<i32>} : memref<256x128xf32, #tpu.memory_space<vmem>>, vector<16xf32>,
        %mul3A_868 = arith.mulf %get3A_595, %get3A_867 : vector<16xf32>
        %mul3A_869 = arith.constant 16 : i32
        %mul3A_870 = arith.muli %scan3A_578, %mul3A_869 : i32
        %add3A_871 = arith.constant 3 : i32
        %add3A_872 = arith.addi %mul3A_870, %add3A_871 : i32
        %get3A_873 = arith.index_cast %add3A_872 : i32 to index
        %get3A_874 = arith.constant 80 : index
        %get3A_875 = tpu.vector_load %arg12[%get3A_873, %get3A_874] {strides = array<i32>} : memref<256x128xf32, #tpu.memory_space<vmem>>, vector<16xf32>,
        %mul3A_876 = arith.mulf %get3A_598, %get3A_875 : vector<16xf32>
        %mul3A_877 = arith.constant 16 : i32
        %mul3A_878 = arith.muli %scan3A_578, %mul3A_877 : i32
        %add3A_879 = arith.constant 3 : i32
        %add3A_880 = arith.addi %mul3A_878, %add3A_879 : i32
        %get3A_881 = arith.index_cast %add3A_880 : i32 to index
        %get3A_882 = arith.constant 96 : index
        %get3A_883 = tpu.vector_load %arg12[%get3A_881, %get3A_882] {strides = array<i32>} : memref<256x128xf32, #tpu.memory_space<vmem>>, vector<16xf32>,
        %mul3A_884 = arith.mulf %get3A_601, %get3A_883 : vector<16xf32>
        %mul3A_885 = arith.constant 16 : i32
        %mul3A_886 = arith.muli %scan3A_578, %mul3A_885 : i32
        %add3A_887 = arith.constant 3 : i32
        %add3A_888 = arith.addi %mul3A_886, %add3A_887 : i32
        %get3A_889 = arith.index_cast %add3A_888 : i32 to index
        %get3A_890 = arith.constant 112 : index
        %get3A_891 = tpu.vector_load %arg12[%get3A_889, %get3A_890] {strides = array<i32>} : memref<256x128xf32, #tpu.memory_space<vmem>>, vector<16xf32>,
        %mul3A_892 = arith.mulf %get3A_604, %get3A_891 : vector<16xf32>
        %add3A_893 = arith.addf %mul3A_836, %mul3A_844 : vector<16xf32>
        %add3A_894 = arith.addf %mul3A_852, %mul3A_860 : vector<16xf32>
        %add3A_895 = arith.addf %mul3A_868, %mul3A_876 : vector<16xf32>
        %add3A_896 = arith.addf %mul3A_884, %mul3A_892 : vector<16xf32>
        %add3A_897 = arith.addf %add3A_893, %add3A_894 : vector<16xf32>
        %add3A_898 = arith.addf %add3A_895, %add3A_896 : vector<16xf32>
        %add3A_899 = arith.addf %add3A_897, %add3A_898 : vector<16xf32>
        %swap3A_900 = arith.constant 3 : i32
        %swap3A_901 = arith.index_cast %swap3A_900 : i32 to index
        %swap3A_902 = arith.constant 0 : index
        %swap3A_903 = tpu.vector_load %arg13[%swap3A_901, %swap3A_902] {strides = array<i32>} : memref<16x16xf32, #tpu.memory_space<vmem>>, vector<16xf32>,
        tpu.vector_store %arg13[%swap3A_901, %swap3A_902], %add3A_899 {strides = array<i32>} : memref<16x16xf32, #tpu.memory_space<vmem>>, vector<16xf32>,
        %mul3A_904 = arith.constant 16 : i32
        %mul3A_905 = arith.muli %scan3A_578, %mul3A_904 : i32
        %add3A_906 = arith.constant 4 : i32
        %add3A_907 = arith.addi %mul3A_905, %add3A_906 : i32
        %get3A_908 = arith.index_cast %add3A_907 : i32 to index
        %get3A_909 = arith.constant 0 : index
        %get3A_910 = tpu.vector_load %arg12[%get3A_908, %get3A_909] {strides = array<i32>} : memref<256x128xf32, #tpu.memory_space<vmem>>, vector<16xf32>,
        %mul3A_911 = arith.mulf %get3A_583, %get3A_910 : vector<16xf32>
        %mul3A_912 = arith.constant 16 : i32
        %mul3A_913 = arith.muli %scan3A_578, %mul3A_912 : i32
        %add3A_914 = arith.constant 4 : i32
        %add3A_915 = arith.addi %mul3A_913, %add3A_914 : i32
        %get3A_916 = arith.index_cast %add3A_915 : i32 to index
        %get3A_917 = arith.constant 16 : index
        %get3A_918 = tpu.vector_load %arg12[%get3A_916, %get3A_917] {strides = array<i32>} : memref<256x128xf32, #tpu.memory_space<vmem>>, vector<16xf32>,
        %mul3A_919 = arith.mulf %get3A_586, %get3A_918 : vector<16xf32>
        %mul3A_920 = arith.constant 16 : i32
        %mul3A_921 = arith.muli %scan3A_578, %mul3A_920 : i32
        %add3A_922 = arith.constant 4 : i32
        %add3A_923 = arith.addi %mul3A_921, %add3A_922 : i32
        %get3A_924 = arith.index_cast %add3A_923 : i32 to index
        %get3A_925 = arith.constant 32 : index
        %get3A_926 = tpu.vector_load %arg12[%get3A_924, %get3A_925] {strides = array<i32>} : memref<256x128xf32, #tpu.memory_space<vmem>>, vector<16xf32>,
        %mul3A_927 = arith.mulf %get3A_589, %get3A_926 : vector<16xf32>
        %mul3A_928 = arith.constant 16 : i32
        %mul3A_929 = arith.muli %scan3A_578, %mul3A_928 : i32
        %add3A_930 = arith.constant 4 : i32
        %add3A_931 = arith.addi %mul3A_929, %add3A_930 : i32
        %get3A_932 = arith.index_cast %add3A_931 : i32 to index
        %get3A_933 = arith.constant 48 : index
        %get3A_934 = tpu.vector_load %arg12[%get3A_932, %get3A_933] {strides = array<i32>} : memref<256x128xf32, #tpu.memory_space<vmem>>, vector<16xf32>,
        %mul3A_935 = arith.mulf %get3A_592, %get3A_934 : vector<16xf32>
        %mul3A_936 = arith.constant 16 : i32
        %mul3A_937 = arith.muli %scan3A_578, %mul3A_936 : i32
        %add3A_938 = arith.constant 4 : i32
        %add3A_939 = arith.addi %mul3A_937, %add3A_938 : i32
        %get3A_940 = arith.index_cast %add3A_939 : i32 to index
        %get3A_941 = arith.constant 64 : index
        %get3A_942 = tpu.vector_load %arg12[%get3A_940, %get3A_941] {strides = array<i32>} : memref<256x128xf32, #tpu.memory_space<vmem>>, vector<16xf32>,
        %mul3A_943 = arith.mulf %get3A_595, %get3A_942 : vector<16xf32>
        %mul3A_944 = arith.constant 16 : i32
        %mul3A_945 = arith.muli %scan3A_578, %mul3A_944 : i32
        %add3A_946 = arith.constant 4 : i32
        %add3A_947 = arith.addi %mul3A_945, %add3A_946 : i32
        %get3A_948 = arith.index_cast %add3A_947 : i32 to index
        %get3A_949 = arith.constant 80 : index
        %get3A_950 = tpu.vector_load %arg12[%get3A_948, %get3A_949] {strides = array<i32>} : memref<256x128xf32, #tpu.memory_space<vmem>>, vector<16xf32>,
        %mul3A_951 = arith.mulf %get3A_598, %get3A_950 : vector<16xf32>
        %mul3A_952 = arith.constant 16 : i32
        %mul3A_953 = arith.muli %scan3A_578, %mul3A_952 : i32
        %add3A_954 = arith.constant 4 : i32
        %add3A_955 = arith.addi %mul3A_953, %add3A_954 : i32
        %get3A_956 = arith.index_cast %add3A_955 : i32 to index
        %get3A_957 = arith.constant 96 : index
        %get3A_958 = tpu.vector_load %arg12[%get3A_956, %get3A_957] {strides = array<i32>} : memref<256x128xf32, #tpu.memory_space<vmem>>, vector<16xf32>,
        %mul3A_959 = arith.mulf %get3A_601, %get3A_958 : vector<16xf32>
        %mul3A_960 = arith.constant 16 : i32
        %mul3A_961 = arith.muli %scan3A_578, %mul3A_960 : i32
        %add3A_962 = arith.constant 4 : i32
        %add3A_963 = arith.addi %mul3A_961, %add3A_962 : i32
        %get3A_964 = arith.index_cast %add3A_963 : i32 to index
        %get3A_965 = arith.constant 112 : index
        %get3A_966 = tpu.vector_load %arg12[%get3A_964, %get3A_965] {strides = array<i32>} : memref<256x128xf32, #tpu.memory_space<vmem>>, vector<16xf32>,
        %mul3A_967 = arith.mulf %get3A_604, %get3A_966 : vector<16xf32>
        %add3A_968 = arith.addf %mul3A_911, %mul3A_919 : vector<16xf32>
        %add3A_969 = arith.addf %mul3A_927, %mul3A_935 : vector<16xf32>
        %add3A_970 = arith.addf %mul3A_943, %mul3A_951 : vector<16xf32>
        %add3A_971 = arith.addf %mul3A_959, %mul3A_967 : vector<16xf32>
        %add3A_972 = arith.addf %add3A_968, %add3A_969 : vector<16xf32>
        %add3A_973 = arith.addf %add3A_970, %add3A_971 : vector<16xf32>
        %add3A_974 = arith.addf %add3A_972, %add3A_973 : vector<16xf32>
        %swap3A_975 = arith.constant 4 : i32
        %swap3A_976 = arith.index_cast %swap3A_975 : i32 to index
        %swap3A_977 = arith.constant 0 : index
        %swap3A_978 = tpu.vector_load %arg13[%swap3A_976, %swap3A_977] {strides = array<i32>} : memref<16x16xf32, #tpu.memory_space<vmem>>, vector<16xf32>,
        tpu.vector_store %arg13[%swap3A_976, %swap3A_977], %add3A_974 {strides = array<i32>} : memref<16x16xf32, #tpu.memory_space<vmem>>, vector<16xf32>,
        %mul3A_979 = arith.constant 16 : i32
        %mul3A_980 = arith.muli %scan3A_578, %mul3A_979 : i32
        %add3A_981 = arith.constant 5 : i32
        %add3A_982 = arith.addi %mul3A_980, %add3A_981 : i32
        %get3A_983 = arith.index_cast %add3A_982 : i32 to index
        %get3A_984 = arith.constant 0 : index
        %get3A_985 = tpu.vector_load %arg12[%get3A_983, %get3A_984] {strides = array<i32>} : memref<256x128xf32, #tpu.memory_space<vmem>>, vector<16xf32>,
        %mul3A_986 = arith.mulf %get3A_583, %get3A_985 : vector<16xf32>
        %mul3A_987 = arith.constant 16 : i32
        %mul3A_988 = arith.muli %scan3A_578, %mul3A_987 : i32
        %add3A_989 = arith.constant 5 : i32
        %add3A_990 = arith.addi %mul3A_988, %add3A_989 : i32
        %get3A_991 = arith.index_cast %add3A_990 : i32 to index
        %get3A_992 = arith.constant 16 : index
        %get3A_993 = tpu.vector_load %arg12[%get3A_991, %get3A_992] {strides = array<i32>} : memref<256x128xf32, #tpu.memory_space<vmem>>, vector<16xf32>,
        %mul3A_994 = arith.mulf %get3A_586, %get3A_993 : vector<16xf32>
        %mul3A_995 = arith.constant 16 : i32
        %mul3A_996 = arith.muli %scan3A_578, %mul3A_995 : i32
        %add3A_997 = arith.constant 5 : i32
        %add3A_998 = arith.addi %mul3A_996, %add3A_997 : i32
        %get3A_999 = arith.index_cast %add3A_998 : i32 to index
        %get3A_1000 = arith.constant 32 : index
        %get3A_1001 = tpu.vector_load %arg12[%get3A_999, %get3A_1000] {strides = array<i32>} : memref<256x128xf32, #tpu.memory_space<vmem>>, vector<16xf32>,
        %mul3A_1002 = arith.mulf %get3A_589, %get3A_1001 : vector<16xf32>
        %mul3A_1003 = arith.constant 16 : i32
        %mul3A_1004 = arith.muli %scan3A_578, %mul3A_1003 : i32
        %add3A_1005 = arith.constant 5 : i32
        %add3A_1006 = arith.addi %mul3A_1004, %add3A_1005 : i32
        %get3A_1007 = arith.index_cast %add3A_1006 : i32 to index
        %get3A_1008 = arith.constant 48 : index
        %get3A_1009 = tpu.vector_load %arg12[%get3A_1007, %get3A_1008] {strides = array<i32>} : memref<256x128xf32, #tpu.memory_space<vmem>>, vector<16xf32>,
        %mul3A_1010 = arith.mulf %get3A_592, %get3A_1009 : vector<16xf32>
        %mul3A_1011 = arith.constant 16 : i32
        %mul3A_1012 = arith.muli %scan3A_578, %mul3A_1011 : i32
        %add3A_1013 = arith.constant 5 : i32
        %add3A_1014 = arith.addi %mul3A_1012, %add3A_1013 : i32
        %get3A_1015 = arith.index_cast %add3A_1014 : i32 to index
        %get3A_1016 = arith.constant 64 : index
        %get3A_1017 = tpu.vector_load %arg12[%get3A_1015, %get3A_1016] {strides = array<i32>} : memref<256x128xf32, #tpu.memory_space<vmem>>, vector<16xf32>,
        %mul3A_1018 = arith.mulf %get3A_595, %get3A_1017 : vector<16xf32>
        %mul3A_1019 = arith.constant 16 : i32
        %mul3A_1020 = arith.muli %scan3A_578, %mul3A_1019 : i32
        %add3A_1021 = arith.constant 5 : i32
        %add3A_1022 = arith.addi %mul3A_1020, %add3A_1021 : i32
        %get3A_1023 = arith.index_cast %add3A_1022 : i32 to index
        %get3A_1024 = arith.constant 80 : index
        %get3A_1025 = tpu.vector_load %arg12[%get3A_1023, %get3A_1024] {strides = array<i32>} : memref<256x128xf32, #tpu.memory_space<vmem>>, vector<16xf32>,
        %mul3A_1026 = arith.mulf %get3A_598, %get3A_1025 : vector<16xf32>
        %mul3A_1027 = arith.constant 16 : i32
        %mul3A_1028 = arith.muli %scan3A_578, %mul3A_1027 : i32
        %add3A_1029 = arith.constant 5 : i32
        %add3A_1030 = arith.addi %mul3A_1028, %add3A_1029 : i32
        %get3A_1031 = arith.index_cast %add3A_1030 : i32 to index
        %get3A_1032 = arith.constant 96 : index
        %get3A_1033 = tpu.vector_load %arg12[%get3A_1031, %get3A_1032] {strides = array<i32>} : memref<256x128xf32, #tpu.memory_space<vmem>>, vector<16xf32>,
        %mul3A_1034 = arith.mulf %get3A_601, %get3A_1033 : vector<16xf32>
        %mul3A_1035 = arith.constant 16 : i32
        %mul3A_1036 = arith.muli %scan3A_578, %mul3A_1035 : i32
        %add3A_1037 = arith.constant 5 : i32
        %add3A_1038 = arith.addi %mul3A_1036, %add3A_1037 : i32
        %get3A_1039 = arith.index_cast %add3A_1038 : i32 to index
        %get3A_1040 = arith.constant 112 : index
        %get3A_1041 = tpu.vector_load %arg12[%get3A_1039, %get3A_1040] {strides = array<i32>} : memref<256x128xf32, #tpu.memory_space<vmem>>, vector<16xf32>,
        %mul3A_1042 = arith.mulf %get3A_604, %get3A_1041 : vector<16xf32>
        %add3A_1043 = arith.addf %mul3A_986, %mul3A_994 : vector<16xf32>
        %add3A_1044 = arith.addf %mul3A_1002, %mul3A_1010 : vector<16xf32>
        %add3A_1045 = arith.addf %mul3A_1018, %mul3A_1026 : vector<16xf32>
        %add3A_1046 = arith.addf %mul3A_1034, %mul3A_1042 : vector<16xf32>
        %add3A_1047 = arith.addf %add3A_1043, %add3A_1044 : vector<16xf32>
        %add3A_1048 = arith.addf %add3A_1045, %add3A_1046 : vector<16xf32>
        %add3A_1049 = arith.addf %add3A_1047, %add3A_1048 : vector<16xf32>
        %swap3A_1050 = arith.constant 5 : i32
        %swap3A_1051 = arith.index_cast %swap3A_1050 : i32 to index
        %swap3A_1052 = arith.constant 0 : index
        %swap3A_1053 = tpu.vector_load %arg13[%swap3A_1051, %swap3A_1052] {strides = array<i32>} : memref<16x16xf32, #tpu.memory_space<vmem>>, vector<16xf32>,
        tpu.vector_store %arg13[%swap3A_1051, %swap3A_1052], %add3A_1049 {strides = array<i32>} : memref<16x16xf32, #tpu.memory_space<vmem>>, vector<16xf32>,
        %mul3A_1054 = arith.constant 16 : i32
        %mul3A_1055 = arith.muli %scan3A_578, %mul3A_1054 : i32
        %add3A_1056 = arith.constant 6 : i32
        %add3A_1057 = arith.addi %mul3A_1055, %add3A_1056 : i32
        %get3A_1058 = arith.index_cast %add3A_1057 : i32 to index
        %get3A_1059 = arith.constant 0 : index
        %get3A_1060 = tpu.vector_load %arg12[%get3A_1058, %get3A_1059] {strides = array<i32>} : memref<256x128xf32, #tpu.memory_space<vmem>>, vector<16xf32>,
        %mul3A_1061 = arith.mulf %get3A_583, %get3A_1060 : vector<16xf32>
        %mul3A_1062 = arith.constant 16 : i32
        %mul3A_1063 = arith.muli %scan3A_578, %mul3A_1062 : i32
        %add3A_1064 = arith.constant 6 : i32
        %add3A_1065 = arith.addi %mul3A_1063, %add3A_1064 : i32
        %get3A_1066 = arith.index_cast %add3A_1065 : i32 to index
        %get3A_1067 = arith.constant 16 : index
        %get3A_1068 = tpu.vector_load %arg12[%get3A_1066, %get3A_1067] {strides = array<i32>} : memref<256x128xf32, #tpu.memory_space<vmem>>, vector<16xf32>,
        %mul3A_1069 = arith.mulf %get3A_586, %get3A_1068 : vector<16xf32>
        %mul3A_1070 = arith.constant 16 : i32
        %mul3A_1071 = arith.muli %scan3A_578, %mul3A_1070 : i32
        %add3A_1072 = arith.constant 6 : i32
        %add3A_1073 = arith.addi %mul3A_1071, %add3A_1072 : i32
        %get3A_1074 = arith.index_cast %add3A_1073 : i32 to index
        %get3A_1075 = arith.constant 32 : index
        %get3A_1076 = tpu.vector_load %arg12[%get3A_1074, %get3A_1075] {strides = array<i32>} : memref<256x128xf32, #tpu.memory_space<vmem>>, vector<16xf32>,
        %mul3A_1077 = arith.mulf %get3A_589, %get3A_1076 : vector<16xf32>
        %mul3A_1078 = arith.constant 16 : i32
        %mul3A_1079 = arith.muli %scan3A_578, %mul3A_1078 : i32
        %add3A_1080 = arith.constant 6 : i32
        %add3A_1081 = arith.addi %mul3A_1079, %add3A_1080 : i32
        %get3A_1082 = arith.index_cast %add3A_1081 : i32 to index
        %get3A_1083 = arith.constant 48 : index
        %get3A_1084 = tpu.vector_load %arg12[%get3A_1082, %get3A_1083] {strides = array<i32>} : memref<256x128xf32, #tpu.memory_space<vmem>>, vector<16xf32>,
        %mul3A_1085 = arith.mulf %get3A_592, %get3A_1084 : vector<16xf32>
        %mul3A_1086 = arith.constant 16 : i32
        %mul3A_1087 = arith.muli %scan3A_578, %mul3A_1086 : i32
        %add3A_1088 = arith.constant 6 : i32
        %add3A_1089 = arith.addi %mul3A_1087, %add3A_1088 : i32
        %get3A_1090 = arith.index_cast %add3A_1089 : i32 to index
        %get3A_1091 = arith.constant 64 : index
        %get3A_1092 = tpu.vector_load %arg12[%get3A_1090, %get3A_1091] {strides = array<i32>} : memref<256x128xf32, #tpu.memory_space<vmem>>, vector<16xf32>,
        %mul3A_1093 = arith.mulf %get3A_595, %get3A_1092 : vector<16xf32>
        %mul3A_1094 = arith.constant 16 : i32
        %mul3A_1095 = arith.muli %scan3A_578, %mul3A_1094 : i32
        %add3A_1096 = arith.constant 6 : i32
        %add3A_1097 = arith.addi %mul3A_1095, %add3A_1096 : i32
        %get3A_1098 = arith.index_cast %add3A_1097 : i32 to index
        %get3A_1099 = arith.constant 80 : index
        %get3A_1100 = tpu.vector_load %arg12[%get3A_1098, %get3A_1099] {strides = array<i32>} : memref<256x128xf32, #tpu.memory_space<vmem>>, vector<16xf32>,
        %mul3A_1101 = arith.mulf %get3A_598, %get3A_1100 : vector<16xf32>
        %mul3A_1102 = arith.constant 16 : i32
        %mul3A_1103 = arith.muli %scan3A_578, %mul3A_1102 : i32
        %add3A_1104 = arith.constant 6 : i32
        %add3A_1105 = arith.addi %mul3A_1103, %add3A_1104 : i32
        %get3A_1106 = arith.index_cast %add3A_1105 : i32 to index
        %get3A_1107 = arith.constant 96 : index
        %get3A_1108 = tpu.vector_load %arg12[%get3A_1106, %get3A_1107] {strides = array<i32>} : memref<256x128xf32, #tpu.memory_space<vmem>>, vector<16xf32>,
        %mul3A_1109 = arith.mulf %get3A_601, %get3A_1108 : vector<16xf32>
        %mul3A_1110 = arith.constant 16 : i32
        %mul3A_1111 = arith.muli %scan3A_578, %mul3A_1110 : i32
        %add3A_1112 = arith.constant 6 : i32
        %add3A_1113 = arith.addi %mul3A_1111, %add3A_1112 : i32
        %get3A_1114 = arith.index_cast %add3A_1113 : i32 to index
        %get3A_1115 = arith.constant 112 : index
        %get3A_1116 = tpu.vector_load %arg12[%get3A_1114, %get3A_1115] {strides = array<i32>} : memref<256x128xf32, #tpu.memory_space<vmem>>, vector<16xf32>,
        %mul3A_1117 = arith.mulf %get3A_604, %get3A_1116 : vector<16xf32>
        %add3A_1118 = arith.addf %mul3A_1061, %mul3A_1069 : vector<16xf32>
        %add3A_1119 = arith.addf %mul3A_1077, %mul3A_1085 : vector<16xf32>
        %add3A_1120 = arith.addf %mul3A_1093, %mul3A_1101 : vector<16xf32>
        %add3A_1121 = arith.addf %mul3A_1109, %mul3A_1117 : vector<16xf32>
        %add3A_1122 = arith.addf %add3A_1118, %add3A_1119 : vector<16xf32>
        %add3A_1123 = arith.addf %add3A_1120, %add3A_1121 : vector<16xf32>
        %add3A_1124 = arith.addf %add3A_1122, %add3A_1123 : vector<16xf32>
        %swap3A_1125 = arith.constant 6 : i32
        %swap3A_1126 = arith.index_cast %swap3A_1125 : i32 to index
        %swap3A_1127 = arith.constant 0 : index
        %swap3A_1128 = tpu.vector_load %arg13[%swap3A_1126, %swap3A_1127] {strides = array<i32>} : memref<16x16xf32, #tpu.memory_space<vmem>>, vector<16xf32>,
        tpu.vector_store %arg13[%swap3A_1126, %swap3A_1127], %add3A_1124 {strides = array<i32>} : memref<16x16xf32, #tpu.memory_space<vmem>>, vector<16xf32>,
        %mul3A_1129 = arith.constant 16 : i32
        %mul3A_1130 = arith.muli %scan3A_578, %mul3A_1129 : i32
        %add3A_1131 = arith.constant 7 : i32
        %add3A_1132 = arith.addi %mul3A_1130, %add3A_1131 : i32
        %get3A_1133 = arith.index_cast %add3A_1132 : i32 to index
        %get3A_1134 = arith.constant 0 : index
        %get3A_1135 = tpu.vector_load %arg12[%get3A_1133, %get3A_1134] {strides = array<i32>} : memref<256x128xf32, #tpu.memory_space<vmem>>, vector<16xf32>,
        %mul3A_1136 = arith.mulf %get3A_583, %get3A_1135 : vector<16xf32>
        %mul3A_1137 = arith.constant 16 : i32
        %mul3A_1138 = arith.muli %scan3A_578, %mul3A_1137 : i32
        %add3A_1139 = arith.constant 7 : i32
        %add3A_1140 = arith.addi %mul3A_1138, %add3A_1139 : i32
        %get3A_1141 = arith.index_cast %add3A_1140 : i32 to index
        %get3A_1142 = arith.constant 16 : index
        %get3A_1143 = tpu.vector_load %arg12[%get3A_1141, %get3A_1142] {strides = array<i32>} : memref<256x128xf32, #tpu.memory_space<vmem>>, vector<16xf32>,
        %mul3A_1144 = arith.mulf %get3A_586, %get3A_1143 : vector<16xf32>
        %mul3A_1145 = arith.constant 16 : i32
        %mul3A_1146 = arith.muli %scan3A_578, %mul3A_1145 : i32
        %add3A_1147 = arith.constant 7 : i32
        %add3A_1148 = arith.addi %mul3A_1146, %add3A_1147 : i32
        %get3A_1149 = arith.index_cast %add3A_1148 : i32 to index
        %get3A_1150 = arith.constant 32 : index
        %get3A_1151 = tpu.vector_load %arg12[%get3A_1149, %get3A_1150] {strides = array<i32>} : memref<256x128xf32, #tpu.memory_space<vmem>>, vector<16xf32>,
        %mul3A_1152 = arith.mulf %get3A_589, %get3A_1151 : vector<16xf32>
        %mul3A_1153 = arith.constant 16 : i32
        %mul3A_1154 = arith.muli %scan3A_578, %mul3A_1153 : i32
        %add3A_1155 = arith.constant 7 : i32
        %add3A_1156 = arith.addi %mul3A_1154, %add3A_1155 : i32
        %get3A_1157 = arith.index_cast %add3A_1156 : i32 to index
        %get3A_1158 = arith.constant 48 : index
        %get3A_1159 = tpu.vector_load %arg12[%get3A_1157, %get3A_1158] {strides = array<i32>} : memref<256x128xf32, #tpu.memory_space<vmem>>, vector<16xf32>,
        %mul3A_1160 = arith.mulf %get3A_592, %get3A_1159 : vector<16xf32>
        %mul3A_1161 = arith.constant 16 : i32
        %mul3A_1162 = arith.muli %scan3A_578, %mul3A_1161 : i32
        %add3A_1163 = arith.constant 7 : i32
        %add3A_1164 = arith.addi %mul3A_1162, %add3A_1163 : i32
        %get3A_1165 = arith.index_cast %add3A_1164 : i32 to index
        %get3A_1166 = arith.constant 64 : index
        %get3A_1167 = tpu.vector_load %arg12[%get3A_1165, %get3A_1166] {strides = array<i32>} : memref<256x128xf32, #tpu.memory_space<vmem>>, vector<16xf32>,
        %mul3A_1168 = arith.mulf %get3A_595, %get3A_1167 : vector<16xf32>
        %mul3A_1169 = arith.constant 16 : i32
        %mul3A_1170 = arith.muli %scan3A_578, %mul3A_1169 : i32
        %add3A_1171 = arith.constant 7 : i32
        %add3A_1172 = arith.addi %mul3A_1170, %add3A_1171 : i32
        %get3A_1173 = arith.index_cast %add3A_1172 : i32 to index
        %get3A_1174 = arith.constant 80 : index
        %get3A_1175 = tpu.vector_load %arg12[%get3A_1173, %get3A_1174] {strides = array<i32>} : memref<256x128xf32, #tpu.memory_space<vmem>>, vector<16xf32>,
        %mul3A_1176 = arith.mulf %get3A_598, %get3A_1175 : vector<16xf32>
        %mul3A_1177 = arith.constant 16 : i32
        %mul3A_1178 = arith.muli %scan3A_578, %mul3A_1177 : i32
        %add3A_1179 = arith.constant 7 : i32
        %add3A_1180 = arith.addi %mul3A_1178, %add3A_1179 : i32
        %get3A_1181 = arith.index_cast %add3A_1180 : i32 to index
        %get3A_1182 = arith.constant 96 : index
        %get3A_1183 = tpu.vector_load %arg12[%get3A_1181, %get3A_1182] {strides = array<i32>} : memref<256x128xf32, #tpu.memory_space<vmem>>, vector<16xf32>,
        %mul3A_1184 = arith.mulf %get3A_601, %get3A_1183 : vector<16xf32>
        %mul3A_1185 = arith.constant 16 : i32
        %mul3A_1186 = arith.muli %scan3A_578, %mul3A_1185 : i32
        %add3A_1187 = arith.constant 7 : i32
        %add3A_1188 = arith.addi %mul3A_1186, %add3A_1187 : i32
        %get3A_1189 = arith.index_cast %add3A_1188 : i32 to index
        %get3A_1190 = arith.constant 112 : index
        %get3A_1191 = tpu.vector_load %arg12[%get3A_1189, %get3A_1190] {strides = array<i32>} : memref<256x128xf32, #tpu.memory_space<vmem>>, vector<16xf32>,
        %mul3A_1192 = arith.mulf %get3A_604, %get3A_1191 : vector<16xf32>
        %add3A_1193 = arith.addf %mul3A_1136, %mul3A_1144 : vector<16xf32>
        %add3A_1194 = arith.addf %mul3A_1152, %mul3A_1160 : vector<16xf32>
        %add3A_1195 = arith.addf %mul3A_1168, %mul3A_1176 : vector<16xf32>
        %add3A_1196 = arith.addf %mul3A_1184, %mul3A_1192 : vector<16xf32>
        %add3A_1197 = arith.addf %add3A_1193, %add3A_1194 : vector<16xf32>
        %add3A_1198 = arith.addf %add3A_1195, %add3A_1196 : vector<16xf32>
        %add3A_1199 = arith.addf %add3A_1197, %add3A_1198 : vector<16xf32>
        %swap3A_1200 = arith.constant 7 : i32
        %swap3A_1201 = arith.index_cast %swap3A_1200 : i32 to index
        %swap3A_1202 = arith.constant 0 : index
        %swap3A_1203 = tpu.vector_load %arg13[%swap3A_1201, %swap3A_1202] {strides = array<i32>} : memref<16x16xf32, #tpu.memory_space<vmem>>, vector<16xf32>,
        tpu.vector_store %arg13[%swap3A_1201, %swap3A_1202], %add3A_1199 {strides = array<i32>} : memref<16x16xf32, #tpu.memory_space<vmem>>, vector<16xf32>,
        %mul3A_1204 = arith.constant 16 : i32
        %mul3A_1205 = arith.muli %scan3A_578, %mul3A_1204 : i32
        %add3A_1206 = arith.constant 8 : i32
        %add3A_1207 = arith.addi %mul3A_1205, %add3A_1206 : i32
        %get3A_1208 = arith.index_cast %add3A_1207 : i32 to index
        %get3A_1209 = arith.constant 0 : index
        %get3A_1210 = tpu.vector_load %arg12[%get3A_1208, %get3A_1209] {strides = array<i32>} : memref<256x128xf32, #tpu.memory_space<vmem>>, vector<16xf32>,
        %mul3A_1211 = arith.mulf %get3A_583, %get3A_1210 : vector<16xf32>
        %mul3A_1212 = arith.constant 16 : i32
        %mul3A_1213 = arith.muli %scan3A_578, %mul3A_1212 : i32
        %add3A_1214 = arith.constant 8 : i32
        %add3A_1215 = arith.addi %mul3A_1213, %add3A_1214 : i32
        %get3A_1216 = arith.index_cast %add3A_1215 : i32 to index
        %get3A_1217 = arith.constant 16 : index
        %get3A_1218 = tpu.vector_load %arg12[%get3A_1216, %get3A_1217] {strides = array<i32>} : memref<256x128xf32, #tpu.memory_space<vmem>>, vector<16xf32>,
        %mul3A_1219 = arith.mulf %get3A_586, %get3A_1218 : vector<16xf32>
        %mul3A_1220 = arith.constant 16 : i32
        %mul3A_1221 = arith.muli %scan3A_578, %mul3A_1220 : i32
        %add3A_1222 = arith.constant 8 : i32
        %add3A_1223 = arith.addi %mul3A_1221, %add3A_1222 : i32
        %get3A_1224 = arith.index_cast %add3A_1223 : i32 to index
        %get3A_1225 = arith.constant 32 : index
        %get3A_1226 = tpu.vector_load %arg12[%get3A_1224, %get3A_1225] {strides = array<i32>} : memref<256x128xf32, #tpu.memory_space<vmem>>, vector<16xf32>,
        %mul3A_1227 = arith.mulf %get3A_589, %get3A_1226 : vector<16xf32>
        %mul3A_1228 = arith.constant 16 : i32
        %mul3A_1229 = arith.muli %scan3A_578, %mul3A_1228 : i32
        %add3A_1230 = arith.constant 8 : i32
        %add3A_1231 = arith.addi %mul3A_1229, %add3A_1230 : i32
        %get3A_1232 = arith.index_cast %add3A_1231 : i32 to index
        %get3A_1233 = arith.constant 48 : index
        %get3A_1234 = tpu.vector_load %arg12[%get3A_1232, %get3A_1233] {strides = array<i32>} : memref<256x128xf32, #tpu.memory_space<vmem>>, vector<16xf32>,
        %mul3A_1235 = arith.mulf %get3A_592, %get3A_1234 : vector<16xf32>
        %mul3A_1236 = arith.constant 16 : i32
        %mul3A_1237 = arith.muli %scan3A_578, %mul3A_1236 : i32
        %add3A_1238 = arith.constant 8 : i32
        %add3A_1239 = arith.addi %mul3A_1237, %add3A_1238 : i32
        %get3A_1240 = arith.index_cast %add3A_1239 : i32 to index
        %get3A_1241 = arith.constant 64 : index
        %get3A_1242 = tpu.vector_load %arg12[%get3A_1240, %get3A_1241] {strides = array<i32>} : memref<256x128xf32, #tpu.memory_space<vmem>>, vector<16xf32>,
        %mul3A_1243 = arith.mulf %get3A_595, %get3A_1242 : vector<16xf32>
        %mul3A_1244 = arith.constant 16 : i32
        %mul3A_1245 = arith.muli %scan3A_578, %mul3A_1244 : i32
        %add3A_1246 = arith.constant 8 : i32
        %add3A_1247 = arith.addi %mul3A_1245, %add3A_1246 : i32
        %get3A_1248 = arith.index_cast %add3A_1247 : i32 to index
        %get3A_1249 = arith.constant 80 : index
        %get3A_1250 = tpu.vector_load %arg12[%get3A_1248, %get3A_1249] {strides = array<i32>} : memref<256x128xf32, #tpu.memory_space<vmem>>, vector<16xf32>,
        %mul3A_1251 = arith.mulf %get3A_598, %get3A_1250 : vector<16xf32>
        %mul3A_1252 = arith.constant 16 : i32
        %mul3A_1253 = arith.muli %scan3A_578, %mul3A_1252 : i32
        %add3A_1254 = arith.constant 8 : i32
        %add3A_1255 = arith.addi %mul3A_1253, %add3A_1254 : i32
        %get3A_1256 = arith.index_cast %add3A_1255 : i32 to index
        %get3A_1257 = arith.constant 96 : index
        %get3A_1258 = tpu.vector_load %arg12[%get3A_1256, %get3A_1257] {strides = array<i32>} : memref<256x128xf32, #tpu.memory_space<vmem>>, vector<16xf32>,
        %mul3A_1259 = arith.mulf %get3A_601, %get3A_1258 : vector<16xf32>
        %mul3A_1260 = arith.constant 16 : i32
        %mul3A_1261 = arith.muli %scan3A_578, %mul3A_1260 : i32
        %add3A_1262 = arith.constant 8 : i32
        %add3A_1263 = arith.addi %mul3A_1261, %add3A_1262 : i32
        %get3A_1264 = arith.index_cast %add3A_1263 : i32 to index
        %get3A_1265 = arith.constant 112 : index
        %get3A_1266 = tpu.vector_load %arg12[%get3A_1264, %get3A_1265] {strides = array<i32>} : memref<256x128xf32, #tpu.memory_space<vmem>>, vector<16xf32>,
        %mul3A_1267 = arith.mulf %get3A_604, %get3A_1266 : vector<16xf32>
        %add3A_1268 = arith.addf %mul3A_1211, %mul3A_1219 : vector<16xf32>
        %add3A_1269 = arith.addf %mul3A_1227, %mul3A_1235 : vector<16xf32>
        %add3A_1270 = arith.addf %mul3A_1243, %mul3A_1251 : vector<16xf32>
        %add3A_1271 = arith.addf %mul3A_1259, %mul3A_1267 : vector<16xf32>
        %add3A_1272 = arith.addf %add3A_1268, %add3A_1269 : vector<16xf32>
        %add3A_1273 = arith.addf %add3A_1270, %add3A_1271 : vector<16xf32>
        %add3A_1274 = arith.addf %add3A_1272, %add3A_1273 : vector<16xf32>
        %swap3A_1275 = arith.constant 8 : i32
        %swap3A_1276 = arith.index_cast %swap3A_1275 : i32 to index
        %swap3A_1277 = arith.constant 0 : index
        %swap3A_1278 = tpu.vector_load %arg13[%swap3A_1276, %swap3A_1277] {strides = array<i32>} : memref<16x16xf32, #tpu.memory_space<vmem>>, vector<16xf32>,
        tpu.vector_store %arg13[%swap3A_1276, %swap3A_1277], %add3A_1274 {strides = array<i32>} : memref<16x16xf32, #tpu.memory_space<vmem>>, vector<16xf32>,
        %mul3A_1279 = arith.constant 16 : i32
        %mul3A_1280 = arith.muli %scan3A_578, %mul3A_1279 : i32
        %add3A_1281 = arith.constant 9 : i32
        %add3A_1282 = arith.addi %mul3A_1280, %add3A_1281 : i32
        %get3A_1283 = arith.index_cast %add3A_1282 : i32 to index
        %get3A_1284 = arith.constant 0 : index
        %get3A_1285 = tpu.vector_load %arg12[%get3A_1283, %get3A_1284] {strides = array<i32>} : memref<256x128xf32, #tpu.memory_space<vmem>>, vector<16xf32>,
        %mul3A_1286 = arith.mulf %get3A_583, %get3A_1285 : vector<16xf32>
        %mul3A_1287 = arith.constant 16 : i32
        %mul3A_1288 = arith.muli %scan3A_578, %mul3A_1287 : i32
        %add3A_1289 = arith.constant 9 : i32
        %add3A_1290 = arith.addi %mul3A_1288, %add3A_1289 : i32
        %get3A_1291 = arith.index_cast %add3A_1290 : i32 to index
        %get3A_1292 = arith.constant 16 : index
        %get3A_1293 = tpu.vector_load %arg12[%get3A_1291, %get3A_1292] {strides = array<i32>} : memref<256x128xf32, #tpu.memory_space<vmem>>, vector<16xf32>,
        %mul3A_1294 = arith.mulf %get3A_586, %get3A_1293 : vector<16xf32>
        %mul3A_1295 = arith.constant 16 : i32
        %mul3A_1296 = arith.muli %scan3A_578, %mul3A_1295 : i32
        %add3A_1297 = arith.constant 9 : i32
        %add3A_1298 = arith.addi %mul3A_1296, %add3A_1297 : i32
        %get3A_1299 = arith.index_cast %add3A_1298 : i32 to index
        %get3A_1300 = arith.constant 32 : index
        %get3A_1301 = tpu.vector_load %arg12[%get3A_1299, %get3A_1300] {strides = array<i32>} : memref<256x128xf32, #tpu.memory_space<vmem>>, vector<16xf32>,
        %mul3A_1302 = arith.mulf %get3A_589, %get3A_1301 : vector<16xf32>
        %mul3A_1303 = arith.constant 16 : i32
        %mul3A_1304 = arith.muli %scan3A_578, %mul3A_1303 : i32
        %add3A_1305 = arith.constant 9 : i32
        %add3A_1306 = arith.addi %mul3A_1304, %add3A_1305 : i32
        %get3A_1307 = arith.index_cast %add3A_1306 : i32 to index
        %get3A_1308 = arith.constant 48 : index
        %get3A_1309 = tpu.vector_load %arg12[%get3A_1307, %get3A_1308] {strides = array<i32>} : memref<256x128xf32, #tpu.memory_space<vmem>>, vector<16xf32>,
        %mul3A_1310 = arith.mulf %get3A_592, %get3A_1309 : vector<16xf32>
        %mul3A_1311 = arith.constant 16 : i32
        %mul3A_1312 = arith.muli %scan3A_578, %mul3A_1311 : i32
        %add3A_1313 = arith.constant 9 : i32
        %add3A_1314 = arith.addi %mul3A_1312, %add3A_1313 : i32
        %get3A_1315 = arith.index_cast %add3A_1314 : i32 to index
        %get3A_1316 = arith.constant 64 : index
        %get3A_1317 = tpu.vector_load %arg12[%get3A_1315, %get3A_1316] {strides = array<i32>} : memref<256x128xf32, #tpu.memory_space<vmem>>, vector<16xf32>,
        %mul3A_1318 = arith.mulf %get3A_595, %get3A_1317 : vector<16xf32>
        %mul3A_1319 = arith.constant 16 : i32
        %mul3A_1320 = arith.muli %scan3A_578, %mul3A_1319 : i32
        %add3A_1321 = arith.constant 9 : i32
        %add3A_1322 = arith.addi %mul3A_1320, %add3A_1321 : i32
        %get3A_1323 = arith.index_cast %add3A_1322 : i32 to index
        %get3A_1324 = arith.constant 80 : index
        %get3A_1325 = tpu.vector_load %arg12[%get3A_1323, %get3A_1324] {strides = array<i32>} : memref<256x128xf32, #tpu.memory_space<vmem>>, vector<16xf32>,
        %mul3A_1326 = arith.mulf %get3A_598, %get3A_1325 : vector<16xf32>
        %mul3A_1327 = arith.constant 16 : i32
        %mul3A_1328 = arith.muli %scan3A_578, %mul3A_1327 : i32
        %add3A_1329 = arith.constant 9 : i32
        %add3A_1330 = arith.addi %mul3A_1328, %add3A_1329 : i32
        %get3A_1331 = arith.index_cast %add3A_1330 : i32 to index
        %get3A_1332 = arith.constant 96 : index
        %get3A_1333 = tpu.vector_load %arg12[%get3A_1331, %get3A_1332] {strides = array<i32>} : memref<256x128xf32, #tpu.memory_space<vmem>>, vector<16xf32>,
        %mul3A_1334 = arith.mulf %get3A_601, %get3A_1333 : vector<16xf32>
        %mul3A_1335 = arith.constant 16 : i32
        %mul3A_1336 = arith.muli %scan3A_578, %mul3A_1335 : i32
        %add3A_1337 = arith.constant 9 : i32
        %add3A_1338 = arith.addi %mul3A_1336, %add3A_1337 : i32
        %get3A_1339 = arith.index_cast %add3A_1338 : i32 to index
        %get3A_1340 = arith.constant 112 : index
        %get3A_1341 = tpu.vector_load %arg12[%get3A_1339, %get3A_1340] {strides = array<i32>} : memref<256x128xf32, #tpu.memory_space<vmem>>, vector<16xf32>,
        %mul3A_1342 = arith.mulf %get3A_604, %get3A_1341 : vector<16xf32>
        %add3A_1343 = arith.addf %mul3A_1286, %mul3A_1294 : vector<16xf32>
        %add3A_1344 = arith.addf %mul3A_1302, %mul3A_1310 : vector<16xf32>
        %add3A_1345 = arith.addf %mul3A_1318, %mul3A_1326 : vector<16xf32>
        %add3A_1346 = arith.addf %mul3A_1334, %mul3A_1342 : vector<16xf32>
        %add3A_1347 = arith.addf %add3A_1343, %add3A_1344 : vector<16xf32>
        %add3A_1348 = arith.addf %add3A_1345, %add3A_1346 : vector<16xf32>
        %add3A_1349 = arith.addf %add3A_1347, %add3A_1348 : vector<16xf32>
        %swap3A_1350 = arith.constant 9 : i32
        %swap3A_1351 = arith.index_cast %swap3A_1350 : i32 to index
        %swap3A_1352 = arith.constant 0 : index
        %swap3A_1353 = tpu.vector_load %arg13[%swap3A_1351, %swap3A_1352] {strides = array<i32>} : memref<16x16xf32, #tpu.memory_space<vmem>>, vector<16xf32>,
        tpu.vector_store %arg13[%swap3A_1351, %swap3A_1352], %add3A_1349 {strides = array<i32>} : memref<16x16xf32, #tpu.memory_space<vmem>>, vector<16xf32>,
        %mul3A_1354 = arith.constant 16 : i32
        %mul3A_1355 = arith.muli %scan3A_578, %mul3A_1354 : i32
        %add3A_1356 = arith.constant 10 : i32
        %add3A_1357 = arith.addi %mul3A_1355, %add3A_1356 : i32
        %get3A_1358 = arith.index_cast %add3A_1357 : i32 to index
        %get3A_1359 = arith.constant 0 : index
        %get3A_1360 = tpu.vector_load %arg12[%get3A_1358, %get3A_1359] {strides = array<i32>} : memref<256x128xf32, #tpu.memory_space<vmem>>, vector<16xf32>,
        %mul3A_1361 = arith.mulf %get3A_583, %get3A_1360 : vector<16xf32>
        %mul3A_1362 = arith.constant 16 : i32
        %mul3A_1363 = arith.muli %scan3A_578, %mul3A_1362 : i32
        %add3A_1364 = arith.constant 10 : i32
        %add3A_1365 = arith.addi %mul3A_1363, %add3A_1364 : i32
        %get3A_1366 = arith.index_cast %add3A_1365 : i32 to index
        %get3A_1367 = arith.constant 16 : index
        %get3A_1368 = tpu.vector_load %arg12[%get3A_1366, %get3A_1367] {strides = array<i32>} : memref<256x128xf32, #tpu.memory_space<vmem>>, vector<16xf32>,
        %mul3A_1369 = arith.mulf %get3A_586, %get3A_1368 : vector<16xf32>
        %mul3A_1370 = arith.constant 16 : i32
        %mul3A_1371 = arith.muli %scan3A_578, %mul3A_1370 : i32
        %add3A_1372 = arith.constant 10 : i32
        %add3A_1373 = arith.addi %mul3A_1371, %add3A_1372 : i32
        %get3A_1374 = arith.index_cast %add3A_1373 : i32 to index
        %get3A_1375 = arith.constant 32 : index
        %get3A_1376 = tpu.vector_load %arg12[%get3A_1374, %get3A_1375] {strides = array<i32>} : memref<256x128xf32, #tpu.memory_space<vmem>>, vector<16xf32>,
        %mul3A_1377 = arith.mulf %get3A_589, %get3A_1376 : vector<16xf32>
        %mul3A_1378 = arith.constant 16 : i32
        %mul3A_1379 = arith.muli %scan3A_578, %mul3A_1378 : i32
        %add3A_1380 = arith.constant 10 : i32
        %add3A_1381 = arith.addi %mul3A_1379, %add3A_1380 : i32
        %get3A_1382 = arith.index_cast %add3A_1381 : i32 to index
        %get3A_1383 = arith.constant 48 : index
        %get3A_1384 = tpu.vector_load %arg12[%get3A_1382, %get3A_1383] {strides = array<i32>} : memref<256x128xf32, #tpu.memory_space<vmem>>, vector<16xf32>,
        %mul3A_1385 = arith.mulf %get3A_592, %get3A_1384 : vector<16xf32>
        %mul3A_1386 = arith.constant 16 : i32
        %mul3A_1387 = arith.muli %scan3A_578, %mul3A_1386 : i32
        %add3A_1388 = arith.constant 10 : i32
        %add3A_1389 = arith.addi %mul3A_1387, %add3A_1388 : i32
        %get3A_1390 = arith.index_cast %add3A_1389 : i32 to index
        %get3A_1391 = arith.constant 64 : index
        %get3A_1392 = tpu.vector_load %arg12[%get3A_1390, %get3A_1391] {strides = array<i32>} : memref<256x128xf32, #tpu.memory_space<vmem>>, vector<16xf32>,
        %mul3A_1393 = arith.mulf %get3A_595, %get3A_1392 : vector<16xf32>
        %mul3A_1394 = arith.constant 16 : i32
        %mul3A_1395 = arith.muli %scan3A_578, %mul3A_1394 : i32
        %add3A_1396 = arith.constant 10 : i32
        %add3A_1397 = arith.addi %mul3A_1395, %add3A_1396 : i32
        %get3A_1398 = arith.index_cast %add3A_1397 : i32 to index
        %get3A_1399 = arith.constant 80 : index
        %get3A_1400 = tpu.vector_load %arg12[%get3A_1398, %get3A_1399] {strides = array<i32>} : memref<256x128xf32, #tpu.memory_space<vmem>>, vector<16xf32>,
        %mul3A_1401 = arith.mulf %get3A_598, %get3A_1400 : vector<16xf32>
        %mul3A_1402 = arith.constant 16 : i32
        %mul3A_1403 = arith.muli %scan3A_578, %mul3A_1402 : i32
        %add3A_1404 = arith.constant 10 : i32
        %add3A_1405 = arith.addi %mul3A_1403, %add3A_1404 : i32
        %get3A_1406 = arith.index_cast %add3A_1405 : i32 to index
        %get3A_1407 = arith.constant 96 : index
        %get3A_1408 = tpu.vector_load %arg12[%get3A_1406, %get3A_1407] {strides = array<i32>} : memref<256x128xf32, #tpu.memory_space<vmem>>, vector<16xf32>,
        %mul3A_1409 = arith.mulf %get3A_601, %get3A_1408 : vector<16xf32>
        %mul3A_1410 = arith.constant 16 : i32
        %mul3A_1411 = arith.muli %scan3A_578, %mul3A_1410 : i32
        %add3A_1412 = arith.constant 10 : i32
        %add3A_1413 = arith.addi %mul3A_1411, %add3A_1412 : i32
        %get3A_1414 = arith.index_cast %add3A_1413 : i32 to index
        %get3A_1415 = arith.constant 112 : index
        %get3A_1416 = tpu.vector_load %arg12[%get3A_1414, %get3A_1415] {strides = array<i32>} : memref<256x128xf32, #tpu.memory_space<vmem>>, vector<16xf32>,
        %mul3A_1417 = arith.mulf %get3A_604, %get3A_1416 : vector<16xf32>
        %add3A_1418 = arith.addf %mul3A_1361, %mul3A_1369 : vector<16xf32>
        %add3A_1419 = arith.addf %mul3A_1377, %mul3A_1385 : vector<16xf32>
        %add3A_1420 = arith.addf %mul3A_1393, %mul3A_1401 : vector<16xf32>
        %add3A_1421 = arith.addf %mul3A_1409, %mul3A_1417 : vector<16xf32>
        %add3A_1422 = arith.addf %add3A_1418, %add3A_1419 : vector<16xf32>
        %add3A_1423 = arith.addf %add3A_1420, %add3A_1421 : vector<16xf32>
        %add3A_1424 = arith.addf %add3A_1422, %add3A_1423 : vector<16xf32>
        %swap3A_1425 = arith.constant 10 : i32
        %swap3A_1426 = arith.index_cast %swap3A_1425 : i32 to index
        %swap3A_1427 = arith.constant 0 : index
        %swap3A_1428 = tpu.vector_load %arg13[%swap3A_1426, %swap3A_1427] {strides = array<i32>} : memref<16x16xf32, #tpu.memory_space<vmem>>, vector<16xf32>,
        tpu.vector_store %arg13[%swap3A_1426, %swap3A_1427], %add3A_1424 {strides = array<i32>} : memref<16x16xf32, #tpu.memory_space<vmem>>, vector<16xf32>,
        %mul3A_1429 = arith.constant 16 : i32
        %mul3A_1430 = arith.muli %scan3A_578, %mul3A_1429 : i32
        %add3A_1431 = arith.constant 11 : i32
        %add3A_1432 = arith.addi %mul3A_1430, %add3A_1431 : i32
        %get3A_1433 = arith.index_cast %add3A_1432 : i32 to index
        %get3A_1434 = arith.constant 0 : index
        %get3A_1435 = tpu.vector_load %arg12[%get3A_1433, %get3A_1434] {strides = array<i32>} : memref<256x128xf32, #tpu.memory_space<vmem>>, vector<16xf32>,
        %mul3A_1436 = arith.mulf %get3A_583, %get3A_1435 : vector<16xf32>
        %mul3A_1437 = arith.constant 16 : i32
        %mul3A_1438 = arith.muli %scan3A_578, %mul3A_1437 : i32
        %add3A_1439 = arith.constant 11 : i32
        %add3A_1440 = arith.addi %mul3A_1438, %add3A_1439 : i32
        %get3A_1441 = arith.index_cast %add3A_1440 : i32 to index
        %get3A_1442 = arith.constant 16 : index
        %get3A_1443 = tpu.vector_load %arg12[%get3A_1441, %get3A_1442] {strides = array<i32>} : memref<256x128xf32, #tpu.memory_space<vmem>>, vector<16xf32>,
        %mul3A_1444 = arith.mulf %get3A_586, %get3A_1443 : vector<16xf32>
        %mul3A_1445 = arith.constant 16 : i32
        %mul3A_1446 = arith.muli %scan3A_578, %mul3A_1445 : i32
        %add3A_1447 = arith.constant 11 : i32
        %add3A_1448 = arith.addi %mul3A_1446, %add3A_1447 : i32
        %get3A_1449 = arith.index_cast %add3A_1448 : i32 to index
        %get3A_1450 = arith.constant 32 : index
        %get3A_1451 = tpu.vector_load %arg12[%get3A_1449, %get3A_1450] {strides = array<i32>} : memref<256x128xf32, #tpu.memory_space<vmem>>, vector<16xf32>,
        %mul3A_1452 = arith.mulf %get3A_589, %get3A_1451 : vector<16xf32>
        %mul3A_1453 = arith.constant 16 : i32
        %mul3A_1454 = arith.muli %scan3A_578, %mul3A_1453 : i32
        %add3A_1455 = arith.constant 11 : i32
        %add3A_1456 = arith.addi %mul3A_1454, %add3A_1455 : i32
        %get3A_1457 = arith.index_cast %add3A_1456 : i32 to index
        %get3A_1458 = arith.constant 48 : index
        %get3A_1459 = tpu.vector_load %arg12[%get3A_1457, %get3A_1458] {strides = array<i32>} : memref<256x128xf32, #tpu.memory_space<vmem>>, vector<16xf32>,
        %mul3A_1460 = arith.mulf %get3A_592, %get3A_1459 : vector<16xf32>
        %mul3A_1461 = arith.constant 16 : i32
        %mul3A_1462 = arith.muli %scan3A_578, %mul3A_1461 : i32
        %add3A_1463 = arith.constant 11 : i32
        %add3A_1464 = arith.addi %mul3A_1462, %add3A_1463 : i32
        %get3A_1465 = arith.index_cast %add3A_1464 : i32 to index
        %get3A_1466 = arith.constant 64 : index
        %get3A_1467 = tpu.vector_load %arg12[%get3A_1465, %get3A_1466] {strides = array<i32>} : memref<256x128xf32, #tpu.memory_space<vmem>>, vector<16xf32>,
        %mul3A_1468 = arith.mulf %get3A_595, %get3A_1467 : vector<16xf32>
        %mul3A_1469 = arith.constant 16 : i32
        %mul3A_1470 = arith.muli %scan3A_578, %mul3A_1469 : i32
        %add3A_1471 = arith.constant 11 : i32
        %add3A_1472 = arith.addi %mul3A_1470, %add3A_1471 : i32
        %get3A_1473 = arith.index_cast %add3A_1472 : i32 to index
        %get3A_1474 = arith.constant 80 : index
        %get3A_1475 = tpu.vector_load %arg12[%get3A_1473, %get3A_1474] {strides = array<i32>} : memref<256x128xf32, #tpu.memory_space<vmem>>, vector<16xf32>,
        %mul3A_1476 = arith.mulf %get3A_598, %get3A_1475 : vector<16xf32>
        %mul3A_1477 = arith.constant 16 : i32
        %mul3A_1478 = arith.muli %scan3A_578, %mul3A_1477 : i32
        %add3A_1479 = arith.constant 11 : i32
        %add3A_1480 = arith.addi %mul3A_1478, %add3A_1479 : i32
        %get3A_1481 = arith.index_cast %add3A_1480 : i32 to index
        %get3A_1482 = arith.constant 96 : index
        %get3A_1483 = tpu.vector_load %arg12[%get3A_1481, %get3A_1482] {strides = array<i32>} : memref<256x128xf32, #tpu.memory_space<vmem>>, vector<16xf32>,
        %mul3A_1484 = arith.mulf %get3A_601, %get3A_1483 : vector<16xf32>
        %mul3A_1485 = arith.constant 16 : i32
        %mul3A_1486 = arith.muli %scan3A_578, %mul3A_1485 : i32
        %add3A_1487 = arith.constant 11 : i32
        %add3A_1488 = arith.addi %mul3A_1486, %add3A_1487 : i32
        %get3A_1489 = arith.index_cast %add3A_1488 : i32 to index
        %get3A_1490 = arith.constant 112 : index
        %get3A_1491 = tpu.vector_load %arg12[%get3A_1489, %get3A_1490] {strides = array<i32>} : memref<256x128xf32, #tpu.memory_space<vmem>>, vector<16xf32>,
        %mul3A_1492 = arith.mulf %get3A_604, %get3A_1491 : vector<16xf32>
        %add3A_1493 = arith.addf %mul3A_1436, %mul3A_1444 : vector<16xf32>
        %add3A_1494 = arith.addf %mul3A_1452, %mul3A_1460 : vector<16xf32>
        %add3A_1495 = arith.addf %mul3A_1468, %mul3A_1476 : vector<16xf32>
        %add3A_1496 = arith.addf %mul3A_1484, %mul3A_1492 : vector<16xf32>
        %add3A_1497 = arith.addf %add3A_1493, %add3A_1494 : vector<16xf32>
        %add3A_1498 = arith.addf %add3A_1495, %add3A_1496 : vector<16xf32>
        %add3A_1499 = arith.addf %add3A_1497, %add3A_1498 : vector<16xf32>
        %swap3A_1500 = arith.constant 11 : i32
        %swap3A_1501 = arith.index_cast %swap3A_1500 : i32 to index
        %swap3A_1502 = arith.constant 0 : index
        %swap3A_1503 = tpu.vector_load %arg13[%swap3A_1501, %swap3A_1502] {strides = array<i32>} : memref<16x16xf32, #tpu.memory_space<vmem>>, vector<16xf32>,
        tpu.vector_store %arg13[%swap3A_1501, %swap3A_1502], %add3A_1499 {strides = array<i32>} : memref<16x16xf32, #tpu.memory_space<vmem>>, vector<16xf32>,
        %mul3A_1504 = arith.constant 16 : i32
        %mul3A_1505 = arith.muli %scan3A_578, %mul3A_1504 : i32
        %add3A_1506 = arith.constant 12 : i32
        %add3A_1507 = arith.addi %mul3A_1505, %add3A_1506 : i32
        %get3A_1508 = arith.index_cast %add3A_1507 : i32 to index
        %get3A_1509 = arith.constant 0 : index
        %get3A_1510 = tpu.vector_load %arg12[%get3A_1508, %get3A_1509] {strides = array<i32>} : memref<256x128xf32, #tpu.memory_space<vmem>>, vector<16xf32>,
        %mul3A_1511 = arith.mulf %get3A_583, %get3A_1510 : vector<16xf32>
        %mul3A_1512 = arith.constant 16 : i32
        %mul3A_1513 = arith.muli %scan3A_578, %mul3A_1512 : i32
        %add3A_1514 = arith.constant 12 : i32
        %add3A_1515 = arith.addi %mul3A_1513, %add3A_1514 : i32
        %get3A_1516 = arith.index_cast %add3A_1515 : i32 to index
        %get3A_1517 = arith.constant 16 : index
        %get3A_1518 = tpu.vector_load %arg12[%get3A_1516, %get3A_1517] {strides = array<i32>} : memref<256x128xf32, #tpu.memory_space<vmem>>, vector<16xf32>,
        %mul3A_1519 = arith.mulf %get3A_586, %get3A_1518 : vector<16xf32>
        %mul3A_1520 = arith.constant 16 : i32
        %mul3A_1521 = arith.muli %scan3A_578, %mul3A_1520 : i32
        %add3A_1522 = arith.constant 12 : i32
        %add3A_1523 = arith.addi %mul3A_1521, %add3A_1522 : i32
        %get3A_1524 = arith.index_cast %add3A_1523 : i32 to index
        %get3A_1525 = arith.constant 32 : index
        %get3A_1526 = tpu.vector_load %arg12[%get3A_1524, %get3A_1525] {strides = array<i32>} : memref<256x128xf32, #tpu.memory_space<vmem>>, vector<16xf32>,
        %mul3A_1527 = arith.mulf %get3A_589, %get3A_1526 : vector<16xf32>
        %mul3A_1528 = arith.constant 16 : i32
        %mul3A_1529 = arith.muli %scan3A_578, %mul3A_1528 : i32
        %add3A_1530 = arith.constant 12 : i32
        %add3A_1531 = arith.addi %mul3A_1529, %add3A_1530 : i32
        %get3A_1532 = arith.index_cast %add3A_1531 : i32 to index
        %get3A_1533 = arith.constant 48 : index
        %get3A_1534 = tpu.vector_load %arg12[%get3A_1532, %get3A_1533] {strides = array<i32>} : memref<256x128xf32, #tpu.memory_space<vmem>>, vector<16xf32>,
        %mul3A_1535 = arith.mulf %get3A_592, %get3A_1534 : vector<16xf32>
        %mul3A_1536 = arith.constant 16 : i32
        %mul3A_1537 = arith.muli %scan3A_578, %mul3A_1536 : i32
        %add3A_1538 = arith.constant 12 : i32
        %add3A_1539 = arith.addi %mul3A_1537, %add3A_1538 : i32
        %get3A_1540 = arith.index_cast %add3A_1539 : i32 to index
        %get3A_1541 = arith.constant 64 : index
        %get3A_1542 = tpu.vector_load %arg12[%get3A_1540, %get3A_1541] {strides = array<i32>} : memref<256x128xf32, #tpu.memory_space<vmem>>, vector<16xf32>,
        %mul3A_1543 = arith.mulf %get3A_595, %get3A_1542 : vector<16xf32>
        %mul3A_1544 = arith.constant 16 : i32
        %mul3A_1545 = arith.muli %scan3A_578, %mul3A_1544 : i32
        %add3A_1546 = arith.constant 12 : i32
        %add3A_1547 = arith.addi %mul3A_1545, %add3A_1546 : i32
        %get3A_1548 = arith.index_cast %add3A_1547 : i32 to index
        %get3A_1549 = arith.constant 80 : index
        %get3A_1550 = tpu.vector_load %arg12[%get3A_1548, %get3A_1549] {strides = array<i32>} : memref<256x128xf32, #tpu.memory_space<vmem>>, vector<16xf32>,
        %mul3A_1551 = arith.mulf %get3A_598, %get3A_1550 : vector<16xf32>
        %mul3A_1552 = arith.constant 16 : i32
        %mul3A_1553 = arith.muli %scan3A_578, %mul3A_1552 : i32
        %add3A_1554 = arith.constant 12 : i32
        %add3A_1555 = arith.addi %mul3A_1553, %add3A_1554 : i32
        %get3A_1556 = arith.index_cast %add3A_1555 : i32 to index
        %get3A_1557 = arith.constant 96 : index
        %get3A_1558 = tpu.vector_load %arg12[%get3A_1556, %get3A_1557] {strides = array<i32>} : memref<256x128xf32, #tpu.memory_space<vmem>>, vector<16xf32>,
        %mul3A_1559 = arith.mulf %get3A_601, %get3A_1558 : vector<16xf32>
        %mul3A_1560 = arith.constant 16 : i32
        %mul3A_1561 = arith.muli %scan3A_578, %mul3A_1560 : i32
        %add3A_1562 = arith.constant 12 : i32
        %add3A_1563 = arith.addi %mul3A_1561, %add3A_1562 : i32
        %get3A_1564 = arith.index_cast %add3A_1563 : i32 to index
        %get3A_1565 = arith.constant 112 : index
        %get3A_1566 = tpu.vector_load %arg12[%get3A_1564, %get3A_1565] {strides = array<i32>} : memref<256x128xf32, #tpu.memory_space<vmem>>, vector<16xf32>,
        %mul3A_1567 = arith.mulf %get3A_604, %get3A_1566 : vector<16xf32>
        %add3A_1568 = arith.addf %mul3A_1511, %mul3A_1519 : vector<16xf32>
        %add3A_1569 = arith.addf %mul3A_1527, %mul3A_1535 : vector<16xf32>
        %add3A_1570 = arith.addf %mul3A_1543, %mul3A_1551 : vector<16xf32>
        %add3A_1571 = arith.addf %mul3A_1559, %mul3A_1567 : vector<16xf32>
        %add3A_1572 = arith.addf %add3A_1568, %add3A_1569 : vector<16xf32>
        %add3A_1573 = arith.addf %add3A_1570, %add3A_1571 : vector<16xf32>
        %add3A_1574 = arith.addf %add3A_1572, %add3A_1573 : vector<16xf32>
        %swap3A_1575 = arith.constant 12 : i32
        %swap3A_1576 = arith.index_cast %swap3A_1575 : i32 to index
        %swap3A_1577 = arith.constant 0 : index
        %swap3A_1578 = tpu.vector_load %arg13[%swap3A_1576, %swap3A_1577] {strides = array<i32>} : memref<16x16xf32, #tpu.memory_space<vmem>>, vector<16xf32>,
        tpu.vector_store %arg13[%swap3A_1576, %swap3A_1577], %add3A_1574 {strides = array<i32>} : memref<16x16xf32, #tpu.memory_space<vmem>>, vector<16xf32>,
        %mul3A_1579 = arith.constant 16 : i32
        %mul3A_1580 = arith.muli %scan3A_578, %mul3A_1579 : i32
        %add3A_1581 = arith.constant 13 : i32
        %add3A_1582 = arith.addi %mul3A_1580, %add3A_1581 : i32
        %get3A_1583 = arith.index_cast %add3A_1582 : i32 to index
        %get3A_1584 = arith.constant 0 : index
        %get3A_1585 = tpu.vector_load %arg12[%get3A_1583, %get3A_1584] {strides = array<i32>} : memref<256x128xf32, #tpu.memory_space<vmem>>, vector<16xf32>,
        %mul3A_1586 = arith.mulf %get3A_583, %get3A_1585 : vector<16xf32>
        %mul3A_1587 = arith.constant 16 : i32
        %mul3A_1588 = arith.muli %scan3A_578, %mul3A_1587 : i32
        %add3A_1589 = arith.constant 13 : i32
        %add3A_1590 = arith.addi %mul3A_1588, %add3A_1589 : i32
        %get3A_1591 = arith.index_cast %add3A_1590 : i32 to index
        %get3A_1592 = arith.constant 16 : index
        %get3A_1593 = tpu.vector_load %arg12[%get3A_1591, %get3A_1592] {strides = array<i32>} : memref<256x128xf32, #tpu.memory_space<vmem>>, vector<16xf32>,
        %mul3A_1594 = arith.mulf %get3A_586, %get3A_1593 : vector<16xf32>
        %mul3A_1595 = arith.constant 16 : i32
        %mul3A_1596 = arith.muli %scan3A_578, %mul3A_1595 : i32
        %add3A_1597 = arith.constant 13 : i32
        %add3A_1598 = arith.addi %mul3A_1596, %add3A_1597 : i32
        %get3A_1599 = arith.index_cast %add3A_1598 : i32 to index
        %get3A_1600 = arith.constant 32 : index
        %get3A_1601 = tpu.vector_load %arg12[%get3A_1599, %get3A_1600] {strides = array<i32>} : memref<256x128xf32, #tpu.memory_space<vmem>>, vector<16xf32>,
        %mul3A_1602 = arith.mulf %get3A_589, %get3A_1601 : vector<16xf32>
        %mul3A_1603 = arith.constant 16 : i32
        %mul3A_1604 = arith.muli %scan3A_578, %mul3A_1603 : i32
        %add3A_1605 = arith.constant 13 : i32
        %add3A_1606 = arith.addi %mul3A_1604, %add3A_1605 : i32
        %get3A_1607 = arith.index_cast %add3A_1606 : i32 to index
        %get3A_1608 = arith.constant 48 : index
        %get3A_1609 = tpu.vector_load %arg12[%get3A_1607, %get3A_1608] {strides = array<i32>} : memref<256x128xf32, #tpu.memory_space<vmem>>, vector<16xf32>,
        %mul3A_1610 = arith.mulf %get3A_592, %get3A_1609 : vector<16xf32>
        %mul3A_1611 = arith.constant 16 : i32
        %mul3A_1612 = arith.muli %scan3A_578, %mul3A_1611 : i32
        %add3A_1613 = arith.constant 13 : i32
        %add3A_1614 = arith.addi %mul3A_1612, %add3A_1613 : i32
        %get3A_1615 = arith.index_cast %add3A_1614 : i32 to index
        %get3A_1616 = arith.constant 64 : index
        %get3A_1617 = tpu.vector_load %arg12[%get3A_1615, %get3A_1616] {strides = array<i32>} : memref<256x128xf32, #tpu.memory_space<vmem>>, vector<16xf32>,
        %mul3A_1618 = arith.mulf %get3A_595, %get3A_1617 : vector<16xf32>
        %mul3A_1619 = arith.constant 16 : i32
        %mul3A_1620 = arith.muli %scan3A_578, %mul3A_1619 : i32
        %add3A_1621 = arith.constant 13 : i32
        %add3A_1622 = arith.addi %mul3A_1620, %add3A_1621 : i32
        %get3A_1623 = arith.index_cast %add3A_1622 : i32 to index
        %get3A_1624 = arith.constant 80 : index
        %get3A_1625 = tpu.vector_load %arg12[%get3A_1623, %get3A_1624] {strides = array<i32>} : memref<256x128xf32, #tpu.memory_space<vmem>>, vector<16xf32>,
        %mul3A_1626 = arith.mulf %get3A_598, %get3A_1625 : vector<16xf32>
        %mul3A_1627 = arith.constant 16 : i32
        %mul3A_1628 = arith.muli %scan3A_578, %mul3A_1627 : i32
        %add3A_1629 = arith.constant 13 : i32
        %add3A_1630 = arith.addi %mul3A_1628, %add3A_1629 : i32
        %get3A_1631 = arith.index_cast %add3A_1630 : i32 to index
        %get3A_1632 = arith.constant 96 : index
        %get3A_1633 = tpu.vector_load %arg12[%get3A_1631, %get3A_1632] {strides = array<i32>} : memref<256x128xf32, #tpu.memory_space<vmem>>, vector<16xf32>,
        %mul3A_1634 = arith.mulf %get3A_601, %get3A_1633 : vector<16xf32>
        %mul3A_1635 = arith.constant 16 : i32
        %mul3A_1636 = arith.muli %scan3A_578, %mul3A_1635 : i32
        %add3A_1637 = arith.constant 13 : i32
        %add3A_1638 = arith.addi %mul3A_1636, %add3A_1637 : i32
        %get3A_1639 = arith.index_cast %add3A_1638 : i32 to index
        %get3A_1640 = arith.constant 112 : index
        %get3A_1641 = tpu.vector_load %arg12[%get3A_1639, %get3A_1640] {strides = array<i32>} : memref<256x128xf32, #tpu.memory_space<vmem>>, vector<16xf32>,
        %mul3A_1642 = arith.mulf %get3A_604, %get3A_1641 : vector<16xf32>
        %add3A_1643 = arith.addf %mul3A_1586, %mul3A_1594 : vector<16xf32>
        %add3A_1644 = arith.addf %mul3A_1602, %mul3A_1610 : vector<16xf32>
        %add3A_1645 = arith.addf %mul3A_1618, %mul3A_1626 : vector<16xf32>
        %add3A_1646 = arith.addf %mul3A_1634, %mul3A_1642 : vector<16xf32>
        %add3A_1647 = arith.addf %add3A_1643, %add3A_1644 : vector<16xf32>
        %add3A_1648 = arith.addf %add3A_1645, %add3A_1646 : vector<16xf32>
        %add3A_1649 = arith.addf %add3A_1647, %add3A_1648 : vector<16xf32>
        %swap3A_1650 = arith.constant 13 : i32
        %swap3A_1651 = arith.index_cast %swap3A_1650 : i32 to index
        %swap3A_1652 = arith.constant 0 : index
        %swap3A_1653 = tpu.vector_load %arg13[%swap3A_1651, %swap3A_1652] {strides = array<i32>} : memref<16x16xf32, #tpu.memory_space<vmem>>, vector<16xf32>,
        tpu.vector_store %arg13[%swap3A_1651, %swap3A_1652], %add3A_1649 {strides = array<i32>} : memref<16x16xf32, #tpu.memory_space<vmem>>, vector<16xf32>,
        %mul3A_1654 = arith.constant 16 : i32
        %mul3A_1655 = arith.muli %scan3A_578, %mul3A_1654 : i32
        %add3A_1656 = arith.constant 14 : i32
        %add3A_1657 = arith.addi %mul3A_1655, %add3A_1656 : i32
        %get3A_1658 = arith.index_cast %add3A_1657 : i32 to index
        %get3A_1659 = arith.constant 0 : index
        %get3A_1660 = tpu.vector_load %arg12[%get3A_1658, %get3A_1659] {strides = array<i32>} : memref<256x128xf32, #tpu.memory_space<vmem>>, vector<16xf32>,
        %mul3A_1661 = arith.mulf %get3A_583, %get3A_1660 : vector<16xf32>
        %mul3A_1662 = arith.constant 16 : i32
        %mul3A_1663 = arith.muli %scan3A_578, %mul3A_1662 : i32
        %add3A_1664 = arith.constant 14 : i32
        %add3A_1665 = arith.addi %mul3A_1663, %add3A_1664 : i32
        %get3A_1666 = arith.index_cast %add3A_1665 : i32 to index
        %get3A_1667 = arith.constant 16 : index
        %get3A_1668 = tpu.vector_load %arg12[%get3A_1666, %get3A_1667] {strides = array<i32>} : memref<256x128xf32, #tpu.memory_space<vmem>>, vector<16xf32>,
        %mul3A_1669 = arith.mulf %get3A_586, %get3A_1668 : vector<16xf32>
        %mul3A_1670 = arith.constant 16 : i32
        %mul3A_1671 = arith.muli %scan3A_578, %mul3A_1670 : i32
        %add3A_1672 = arith.constant 14 : i32
        %add3A_1673 = arith.addi %mul3A_1671, %add3A_1672 : i32
        %get3A_1674 = arith.index_cast %add3A_1673 : i32 to index
        %get3A_1675 = arith.constant 32 : index
        %get3A_1676 = tpu.vector_load %arg12[%get3A_1674, %get3A_1675] {strides = array<i32>} : memref<256x128xf32, #tpu.memory_space<vmem>>, vector<16xf32>,
        %mul3A_1677 = arith.mulf %get3A_589, %get3A_1676 : vector<16xf32>
        %mul3A_1678 = arith.constant 16 : i32
        %mul3A_1679 = arith.muli %scan3A_578, %mul3A_1678 : i32
        %add3A_1680 = arith.constant 14 : i32
        %add3A_1681 = arith.addi %mul3A_1679, %add3A_1680 : i32
        %get3A_1682 = arith.index_cast %add3A_1681 : i32 to index
        %get3A_1683 = arith.constant 48 : index
        %get3A_1684 = tpu.vector_load %arg12[%get3A_1682, %get3A_1683] {strides = array<i32>} : memref<256x128xf32, #tpu.memory_space<vmem>>, vector<16xf32>,
        %mul3A_1685 = arith.mulf %get3A_592, %get3A_1684 : vector<16xf32>
        %mul3A_1686 = arith.constant 16 : i32
        %mul3A_1687 = arith.muli %scan3A_578, %mul3A_1686 : i32
        %add3A_1688 = arith.constant 14 : i32
        %add3A_1689 = arith.addi %mul3A_1687, %add3A_1688 : i32
        %get3A_1690 = arith.index_cast %add3A_1689 : i32 to index
        %get3A_1691 = arith.constant 64 : index
        %get3A_1692 = tpu.vector_load %arg12[%get3A_1690, %get3A_1691] {strides = array<i32>} : memref<256x128xf32, #tpu.memory_space<vmem>>, vector<16xf32>,
        %mul3A_1693 = arith.mulf %get3A_595, %get3A_1692 : vector<16xf32>
        %mul3A_1694 = arith.constant 16 : i32
        %mul3A_1695 = arith.muli %scan3A_578, %mul3A_1694 : i32
        %add3A_1696 = arith.constant 14 : i32
        %add3A_1697 = arith.addi %mul3A_1695, %add3A_1696 : i32
        %get3A_1698 = arith.index_cast %add3A_1697 : i32 to index
        %get3A_1699 = arith.constant 80 : index
        %get3A_1700 = tpu.vector_load %arg12[%get3A_1698, %get3A_1699] {strides = array<i32>} : memref<256x128xf32, #tpu.memory_space<vmem>>, vector<16xf32>,
        %mul3A_1701 = arith.mulf %get3A_598, %get3A_1700 : vector<16xf32>
        %mul3A_1702 = arith.constant 16 : i32
        %mul3A_1703 = arith.muli %scan3A_578, %mul3A_1702 : i32
        %add3A_1704 = arith.constant 14 : i32
        %add3A_1705 = arith.addi %mul3A_1703, %add3A_1704 : i32
        %get3A_1706 = arith.index_cast %add3A_1705 : i32 to index
        %get3A_1707 = arith.constant 96 : index
        %get3A_1708 = tpu.vector_load %arg12[%get3A_1706, %get3A_1707] {strides = array<i32>} : memref<256x128xf32, #tpu.memory_space<vmem>>, vector<16xf32>,
        %mul3A_1709 = arith.mulf %get3A_601, %get3A_1708 : vector<16xf32>
        %mul3A_1710 = arith.constant 16 : i32
        %mul3A_1711 = arith.muli %scan3A_578, %mul3A_1710 : i32
        %add3A_1712 = arith.constant 14 : i32
        %add3A_1713 = arith.addi %mul3A_1711, %add3A_1712 : i32
        %get3A_1714 = arith.index_cast %add3A_1713 : i32 to index
        %get3A_1715 = arith.constant 112 : index
        %get3A_1716 = tpu.vector_load %arg12[%get3A_1714, %get3A_1715] {strides = array<i32>} : memref<256x128xf32, #tpu.memory_space<vmem>>, vector<16xf32>,
        %mul3A_1717 = arith.mulf %get3A_604, %get3A_1716 : vector<16xf32>
        %add3A_1718 = arith.addf %mul3A_1661, %mul3A_1669 : vector<16xf32>
        %add3A_1719 = arith.addf %mul3A_1677, %mul3A_1685 : vector<16xf32>
        %add3A_1720 = arith.addf %mul3A_1693, %mul3A_1701 : vector<16xf32>
        %add3A_1721 = arith.addf %mul3A_1709, %mul3A_1717 : vector<16xf32>
        %add3A_1722 = arith.addf %add3A_1718, %add3A_1719 : vector<16xf32>
        %add3A_1723 = arith.addf %add3A_1720, %add3A_1721 : vector<16xf32>
        %add3A_1724 = arith.addf %add3A_1722, %add3A_1723 : vector<16xf32>
        %swap3A_1725 = arith.constant 14 : i32
        %swap3A_1726 = arith.index_cast %swap3A_1725 : i32 to index
        %swap3A_1727 = arith.constant 0 : index
        %swap3A_1728 = tpu.vector_load %arg13[%swap3A_1726, %swap3A_1727] {strides = array<i32>} : memref<16x16xf32, #tpu.memory_space<vmem>>, vector<16xf32>,
        tpu.vector_store %arg13[%swap3A_1726, %swap3A_1727], %add3A_1724 {strides = array<i32>} : memref<16x16xf32, #tpu.memory_space<vmem>>, vector<16xf32>,
        %mul3A_1729 = arith.constant 16 : i32
        %mul3A_1730 = arith.muli %scan3A_578, %mul3A_1729 : i32
        %add3A_1731 = arith.constant 15 : i32
        %add3A_1732 = arith.addi %mul3A_1730, %add3A_1731 : i32
        %get3A_1733 = arith.index_cast %add3A_1732 : i32 to index
        %get3A_1734 = arith.constant 0 : index
        %get3A_1735 = tpu.vector_load %arg12[%get3A_1733, %get3A_1734] {strides = array<i32>} : memref<256x128xf32, #tpu.memory_space<vmem>>, vector<16xf32>,
        %mul3A_1736 = arith.mulf %get3A_583, %get3A_1735 : vector<16xf32>
        %mul3A_1737 = arith.constant 16 : i32
        %mul3A_1738 = arith.muli %scan3A_578, %mul3A_1737 : i32
        %add3A_1739 = arith.constant 15 : i32
        %add3A_1740 = arith.addi %mul3A_1738, %add3A_1739 : i32
        %get3A_1741 = arith.index_cast %add3A_1740 : i32 to index
        %get3A_1742 = arith.constant 16 : index
        %get3A_1743 = tpu.vector_load %arg12[%get3A_1741, %get3A_1742] {strides = array<i32>} : memref<256x128xf32, #tpu.memory_space<vmem>>, vector<16xf32>,
        %mul3A_1744 = arith.mulf %get3A_586, %get3A_1743 : vector<16xf32>
        %mul3A_1745 = arith.constant 16 : i32
        %mul3A_1746 = arith.muli %scan3A_578, %mul3A_1745 : i32
        %add3A_1747 = arith.constant 15 : i32
        %add3A_1748 = arith.addi %mul3A_1746, %add3A_1747 : i32
        %get3A_1749 = arith.index_cast %add3A_1748 : i32 to index
        %get3A_1750 = arith.constant 32 : index
        %get3A_1751 = tpu.vector_load %arg12[%get3A_1749, %get3A_1750] {strides = array<i32>} : memref<256x128xf32, #tpu.memory_space<vmem>>, vector<16xf32>,
        %mul3A_1752 = arith.mulf %get3A_589, %get3A_1751 : vector<16xf32>
        %mul3A_1753 = arith.constant 16 : i32
        %mul3A_1754 = arith.muli %scan3A_578, %mul3A_1753 : i32
        %add3A_1755 = arith.constant 15 : i32
        %add3A_1756 = arith.addi %mul3A_1754, %add3A_1755 : i32
        %get3A_1757 = arith.index_cast %add3A_1756 : i32 to index
        %get3A_1758 = arith.constant 48 : index
        %get3A_1759 = tpu.vector_load %arg12[%get3A_1757, %get3A_1758] {strides = array<i32>} : memref<256x128xf32, #tpu.memory_space<vmem>>, vector<16xf32>,
        %mul3A_1760 = arith.mulf %get3A_592, %get3A_1759 : vector<16xf32>
        %mul3A_1761 = arith.constant 16 : i32
        %mul3A_1762 = arith.muli %scan3A_578, %mul3A_1761 : i32
        %add3A_1763 = arith.constant 15 : i32
        %add3A_1764 = arith.addi %mul3A_1762, %add3A_1763 : i32
        %get3A_1765 = arith.index_cast %add3A_1764 : i32 to index
        %get3A_1766 = arith.constant 64 : index
        %get3A_1767 = tpu.vector_load %arg12[%get3A_1765, %get3A_1766] {strides = array<i32>} : memref<256x128xf32, #tpu.memory_space<vmem>>, vector<16xf32>,
        %mul3A_1768 = arith.mulf %get3A_595, %get3A_1767 : vector<16xf32>
        %mul3A_1769 = arith.constant 16 : i32
        %mul3A_1770 = arith.muli %scan3A_578, %mul3A_1769 : i32
        %add3A_1771 = arith.constant 15 : i32
        %add3A_1772 = arith.addi %mul3A_1770, %add3A_1771 : i32
        %get3A_1773 = arith.index_cast %add3A_1772 : i32 to index
        %get3A_1774 = arith.constant 80 : index
        %get3A_1775 = tpu.vector_load %arg12[%get3A_1773, %get3A_1774] {strides = array<i32>} : memref<256x128xf32, #tpu.memory_space<vmem>>, vector<16xf32>,
        %mul3A_1776 = arith.mulf %get3A_598, %get3A_1775 : vector<16xf32>
        %mul3A_1777 = arith.constant 16 : i32
        %mul3A_1778 = arith.muli %scan3A_578, %mul3A_1777 : i32
        %add3A_1779 = arith.constant 15 : i32
        %add3A_1780 = arith.addi %mul3A_1778, %add3A_1779 : i32
        %get3A_1781 = arith.index_cast %add3A_1780 : i32 to index
        %get3A_1782 = arith.constant 96 : index
        %get3A_1783 = tpu.vector_load %arg12[%get3A_1781, %get3A_1782] {strides = array<i32>} : memref<256x128xf32, #tpu.memory_space<vmem>>, vector<16xf32>,
        %mul3A_1784 = arith.mulf %get3A_601, %get3A_1783 : vector<16xf32>
        %mul3A_1785 = arith.constant 16 : i32
        %mul3A_1786 = arith.muli %scan3A_578, %mul3A_1785 : i32
        %add3A_1787 = arith.constant 15 : i32
        %add3A_1788 = arith.addi %mul3A_1786, %add3A_1787 : i32
        %get3A_1789 = arith.index_cast %add3A_1788 : i32 to index
        %get3A_1790 = arith.constant 112 : index
        %get3A_1791 = tpu.vector_load %arg12[%get3A_1789, %get3A_1790] {strides = array<i32>} : memref<256x128xf32, #tpu.memory_space<vmem>>, vector<16xf32>,
        %mul3A_1792 = arith.mulf %get3A_604, %get3A_1791 : vector<16xf32>
        %add3A_1793 = arith.addf %mul3A_1736, %mul3A_1744 : vector<16xf32>
        %add3A_1794 = arith.addf %mul3A_1752, %mul3A_1760 : vector<16xf32>
        %add3A_1795 = arith.addf %mul3A_1768, %mul3A_1776 : vector<16xf32>
        %add3A_1796 = arith.addf %mul3A_1784, %mul3A_1792 : vector<16xf32>
        %add3A_1797 = arith.addf %add3A_1793, %add3A_1794 : vector<16xf32>
        %add3A_1798 = arith.addf %add3A_1795, %add3A_1796 : vector<16xf32>
        %add3A_1799 = arith.addf %add3A_1797, %add3A_1798 : vector<16xf32>
        %swap3A_1800 = arith.constant 15 : i32
        %swap3A_1801 = arith.index_cast %swap3A_1800 : i32 to index
        %swap3A_1802 = arith.constant 0 : index
        %swap3A_1803 = tpu.vector_load %arg13[%swap3A_1801, %swap3A_1802] {strides = array<i32>} : memref<16x16xf32, #tpu.memory_space<vmem>>, vector<16xf32>,
        tpu.vector_store %arg13[%swap3A_1801, %swap3A_1802], %add3A_1799 {strides = array<i32>} : memref<16x16xf32, #tpu.memory_space<vmem>>, vector<16xf32>,
        %broadcast_in_dim3A_1804 = arith.constant 0 : i32
        %broadcast_in_dim3A_1805 = vector.broadcast %broadcast_in_dim3A_1804 : i32 to vector<16xi32>
        %gather3A_1806 = tpu.vector_load_idx %arg13[%iota3A, %broadcast_in_dim3A_1805] : memref<16x16xf32, #tpu.memory_space<vmem>>[vector<16xi32>, vector<16xi32>], vector<16xf32>,
        %broadcast_in_dim3A_1807 = arith.constant 1 : i32
        %broadcast_in_dim3A_1808 = vector.broadcast %broadcast_in_dim3A_1807 : i32 to vector<16xi32>
        %gather3A_1809 = tpu.vector_load_idx %arg13[%iota3A, %broadcast_in_dim3A_1808] : memref<16x16xf32, #tpu.memory_space<vmem>>[vector<16xi32>, vector<16xi32>], vector<16xf32>,
        %broadcast_in_dim3A_1810 = arith.constant 2 : i32
        %broadcast_in_dim3A_1811 = vector.broadcast %broadcast_in_dim3A_1810 : i32 to vector<16xi32>
        %gather3A_1812 = tpu.vector_load_idx %arg13[%iota3A, %broadcast_in_dim3A_1811] : memref<16x16xf32, #tpu.memory_space<vmem>>[vector<16xi32>, vector<16xi32>], vector<16xf32>,
        %broadcast_in_dim3A_1813 = arith.constant 3 : i32
        %broadcast_in_dim3A_1814 = vector.broadcast %broadcast_in_dim3A_1813 : i32 to vector<16xi32>
        %gather3A_1815 = tpu.vector_load_idx %arg13[%iota3A, %broadcast_in_dim3A_1814] : memref<16x16xf32, #tpu.memory_space<vmem>>[vector<16xi32>, vector<16xi32>], vector<16xf32>,
        %broadcast_in_dim3A_1816 = arith.constant 4 : i32
        %broadcast_in_dim3A_1817 = vector.broadcast %broadcast_in_dim3A_1816 : i32 to vector<16xi32>
        %gather3A_1818 = tpu.vector_load_idx %arg13[%iota3A, %broadcast_in_dim3A_1817] : memref<16x16xf32, #tpu.memory_space<vmem>>[vector<16xi32>, vector<16xi32>], vector<16xf32>,
        %broadcast_in_dim3A_1819 = arith.constant 5 : i32
        %broadcast_in_dim3A_1820 = vector.broadcast %broadcast_in_dim3A_1819 : i32 to vector<16xi32>
        %gather3A_1821 = tpu.vector_load_idx %arg13[%iota3A, %broadcast_in_dim3A_1820] : memref<16x16xf32, #tpu.memory_space<vmem>>[vector<16xi32>, vector<16xi32>], vector<16xf32>,
        %broadcast_in_dim3A_1822 = arith.constant 6 : i32
        %broadcast_in_dim3A_1823 = vector.broadcast %broadcast_in_dim3A_1822 : i32 to vector<16xi32>
        %gather3A_1824 = tpu.vector_load_idx %arg13[%iota3A, %broadcast_in_dim3A_1823] : memref<16x16xf32, #tpu.memory_space<vmem>>[vector<16xi32>, vector<16xi32>], vector<16xf32>,
        %broadcast_in_dim3A_1825 = arith.constant 7 : i32
        %broadcast_in_dim3A_1826 = vector.broadcast %broadcast_in_dim3A_1825 : i32 to vector<16xi32>
        %gather3A_1827 = tpu.vector_load_idx %arg13[%iota3A, %broadcast_in_dim3A_1826] : memref<16x16xf32, #tpu.memory_space<vmem>>[vector<16xi32>, vector<16xi32>], vector<16xf32>,
        %broadcast_in_dim3A_1828 = arith.constant 8 : i32
        %broadcast_in_dim3A_1829 = vector.broadcast %broadcast_in_dim3A_1828 : i32 to vector<16xi32>
        %gather3A_1830 = tpu.vector_load_idx %arg13[%iota3A, %broadcast_in_dim3A_1829] : memref<16x16xf32, #tpu.memory_space<vmem>>[vector<16xi32>, vector<16xi32>], vector<16xf32>,
        %broadcast_in_dim3A_1831 = arith.constant 9 : i32
        %broadcast_in_dim3A_1832 = vector.broadcast %broadcast_in_dim3A_1831 : i32 to vector<16xi32>
        %gather3A_1833 = tpu.vector_load_idx %arg13[%iota3A, %broadcast_in_dim3A_1832] : memref<16x16xf32, #tpu.memory_space<vmem>>[vector<16xi32>, vector<16xi32>], vector<16xf32>,
        %broadcast_in_dim3A_1834 = arith.constant 10 : i32
        %broadcast_in_dim3A_1835 = vector.broadcast %broadcast_in_dim3A_1834 : i32 to vector<16xi32>
        %gather3A_1836 = tpu.vector_load_idx %arg13[%iota3A, %broadcast_in_dim3A_1835] : memref<16x16xf32, #tpu.memory_space<vmem>>[vector<16xi32>, vector<16xi32>], vector<16xf32>,
        %broadcast_in_dim3A_1837 = arith.constant 11 : i32
        %broadcast_in_dim3A_1838 = vector.broadcast %broadcast_in_dim3A_1837 : i32 to vector<16xi32>
        %gather3A_1839 = tpu.vector_load_idx %arg13[%iota3A, %broadcast_in_dim3A_1838] : memref<16x16xf32, #tpu.memory_space<vmem>>[vector<16xi32>, vector<16xi32>], vector<16xf32>,
        %broadcast_in_dim3A_1840 = arith.constant 12 : i32
        %broadcast_in_dim3A_1841 = vector.broadcast %broadcast_in_dim3A_1840 : i32 to vector<16xi32>
        %gather3A_1842 = tpu.vector_load_idx %arg13[%iota3A, %broadcast_in_dim3A_1841] : memref<16x16xf32, #tpu.memory_space<vmem>>[vector<16xi32>, vector<16xi32>], vector<16xf32>,
        %broadcast_in_dim3A_1843 = arith.constant 13 : i32
        %broadcast_in_dim3A_1844 = vector.broadcast %broadcast_in_dim3A_1843 : i32 to vector<16xi32>
        %gather3A_1845 = tpu.vector_load_idx %arg13[%iota3A, %broadcast_in_dim3A_1844] : memref<16x16xf32, #tpu.memory_space<vmem>>[vector<16xi32>, vector<16xi32>], vector<16xf32>,
        %broadcast_in_dim3A_1846 = arith.constant 14 : i32
        %broadcast_in_dim3A_1847 = vector.broadcast %broadcast_in_dim3A_1846 : i32 to vector<16xi32>
        %gather3A_1848 = tpu.vector_load_idx %arg13[%iota3A, %broadcast_in_dim3A_1847] : memref<16x16xf32, #tpu.memory_space<vmem>>[vector<16xi32>, vector<16xi32>], vector<16xf32>,
        %broadcast_in_dim3A_1849 = arith.constant 15 : i32
        %broadcast_in_dim3A_1850 = vector.broadcast %broadcast_in_dim3A_1849 : i32 to vector<16xi32>
        %gather3A_1851 = tpu.vector_load_idx %arg13[%iota3A, %broadcast_in_dim3A_1850] : memref<16x16xf32, #tpu.memory_space<vmem>>[vector<16xi32>, vector<16xi32>], vector<16xf32>,
        %add3A_1852 = arith.addf %gather3A_1806, %gather3A_1809 : vector<16xf32>
        %add3A_1853 = arith.addf %gather3A_1812, %gather3A_1815 : vector<16xf32>
        %add3A_1854 = arith.addf %gather3A_1818, %gather3A_1821 : vector<16xf32>
        %add3A_1855 = arith.addf %gather3A_1824, %gather3A_1827 : vector<16xf32>
        %add3A_1856 = arith.addf %gather3A_1830, %gather3A_1833 : vector<16xf32>
        %add3A_1857 = arith.addf %gather3A_1836, %gather3A_1839 : vector<16xf32>
        %add3A_1858 = arith.addf %gather3A_1842, %gather3A_1845 : vector<16xf32>
        %add3A_1859 = arith.addf %gather3A_1848, %gather3A_1851 : vector<16xf32>
        %add3A_1860 = arith.addf %add3A_1852, %add3A_1853 : vector<16xf32>
        %add3A_1861 = arith.addf %add3A_1854, %add3A_1855 : vector<16xf32>
        %add3A_1862 = arith.addf %add3A_1856, %add3A_1857 : vector<16xf32>
        %add3A_1863 = arith.addf %add3A_1858, %add3A_1859 : vector<16xf32>
        %add3A_1864 = arith.addf %add3A_1860, %add3A_1861 : vector<16xf32>
        %add3A_1865 = arith.addf %add3A_1862, %add3A_1863 : vector<16xf32>
        %add3A_1866 = arith.addf %add3A_1864, %add3A_1865 : vector<16xf32>
        %swap3A_1867 = arith.index_cast %scan3A_578 : i32 to index
        %swap3A_1868 = arith.constant 0 : index
        %swap3A_1869 = tpu.vector_load %arg14[%swap3A_1867, %swap3A_1868] {strides = array<i32>} : memref<16x16xf32, #tpu.memory_space<vmem>>, vector<16xf32>,
        tpu.vector_store %arg14[%swap3A_1867, %swap3A_1868], %add3A_1866 {strides = array<i32>} : memref<16x16xf32, #tpu.memory_space<vmem>>, vector<16xf32>,
      }
      %scan3A_338 = arith.constant 16 : i32
      %broadcast_in_dim3A_339 = arith.constant 0 : i32
      %broadcast_in_dim3A_340 = vector.broadcast %broadcast_in_dim3A_339 : i32 to vector<16xi32>
      %gather3A_341 = tpu.vector_load_idx %arg14[%iota3A, %broadcast_in_dim3A_340] : memref<16x16xf32, #tpu.memory_space<vmem>>[vector<16xi32>, vector<16xi32>], vector<16xf32>,
      %broadcast_in_dim3A_342 = arith.constant 1 : i32
      %broadcast_in_dim3A_343 = vector.broadcast %broadcast_in_dim3A_342 : i32 to vector<16xi32>
      %gather3A_344 = tpu.vector_load_idx %arg14[%iota3A, %broadcast_in_dim3A_343] : memref<16x16xf32, #tpu.memory_space<vmem>>[vector<16xi32>, vector<16xi32>], vector<16xf32>,
      %broadcast_in_dim3A_345 = arith.constant 2 : i32
      %broadcast_in_dim3A_346 = vector.broadcast %broadcast_in_dim3A_345 : i32 to vector<16xi32>
      %gather3A_347 = tpu.vector_load_idx %arg14[%iota3A, %broadcast_in_dim3A_346] : memref<16x16xf32, #tpu.memory_space<vmem>>[vector<16xi32>, vector<16xi32>], vector<16xf32>,
      %broadcast_in_dim3A_348 = arith.constant 3 : i32
      %broadcast_in_dim3A_349 = vector.broadcast %broadcast_in_dim3A_348 : i32 to vector<16xi32>
      %gather3A_350 = tpu.vector_load_idx %arg14[%iota3A, %broadcast_in_dim3A_349] : memref<16x16xf32, #tpu.memory_space<vmem>>[vector<16xi32>, vector<16xi32>], vector<16xf32>,
      %broadcast_in_dim3A_351 = arith.constant 4 : i32
      %broadcast_in_dim3A_352 = vector.broadcast %broadcast_in_dim3A_351 : i32 to vector<16xi32>
      %gather3A_353 = tpu.vector_load_idx %arg14[%iota3A, %broadcast_in_dim3A_352] : memref<16x16xf32, #tpu.memory_space<vmem>>[vector<16xi32>, vector<16xi32>], vector<16xf32>,
      %broadcast_in_dim3A_354 = arith.constant 5 : i32
      %broadcast_in_dim3A_355 = vector.broadcast %broadcast_in_dim3A_354 : i32 to vector<16xi32>
      %gather3A_356 = tpu.vector_load_idx %arg14[%iota3A, %broadcast_in_dim3A_355] : memref<16x16xf32, #tpu.memory_space<vmem>>[vector<16xi32>, vector<16xi32>], vector<16xf32>,
      %broadcast_in_dim3A_357 = arith.constant 6 : i32
      %broadcast_in_dim3A_358 = vector.broadcast %broadcast_in_dim3A_357 : i32 to vector<16xi32>
      %gather3A_359 = tpu.vector_load_idx %arg14[%iota3A, %broadcast_in_dim3A_358] : memref<16x16xf32, #tpu.memory_space<vmem>>[vector<16xi32>, vector<16xi32>], vector<16xf32>,
      %broadcast_in_dim3A_360 = arith.constant 7 : i32
      %broadcast_in_dim3A_361 = vector.broadcast %broadcast_in_dim3A_360 : i32 to vector<16xi32>
      %gather3A_362 = tpu.vector_load_idx %arg14[%iota3A, %broadcast_in_dim3A_361] : memref<16x16xf32, #tpu.memory_space<vmem>>[vector<16xi32>, vector<16xi32>], vector<16xf32>,
      %broadcast_in_dim3A_363 = arith.constant 8 : i32
      %broadcast_in_dim3A_364 = vector.broadcast %broadcast_in_dim3A_363 : i32 to vector<16xi32>
      %gather3A_365 = tpu.vector_load_idx %arg14[%iota3A, %broadcast_in_dim3A_364] : memref<16x16xf32, #tpu.memory_space<vmem>>[vector<16xi32>, vector<16xi32>], vector<16xf32>,
      %broadcast_in_dim3A_366 = arith.constant 9 : i32
      %broadcast_in_dim3A_367 = vector.broadcast %broadcast_in_dim3A_366 : i32 to vector<16xi32>
      %gather3A_368 = tpu.vector_load_idx %arg14[%iota3A, %broadcast_in_dim3A_367] : memref<16x16xf32, #tpu.memory_space<vmem>>[vector<16xi32>, vector<16xi32>], vector<16xf32>,
      %broadcast_in_dim3A_369 = arith.constant 10 : i32
      %broadcast_in_dim3A_370 = vector.broadcast %broadcast_in_dim3A_369 : i32 to vector<16xi32>
      %gather3A_371 = tpu.vector_load_idx %arg14[%iota3A, %broadcast_in_dim3A_370] : memref<16x16xf32, #tpu.memory_space<vmem>>[vector<16xi32>, vector<16xi32>], vector<16xf32>,
      %broadcast_in_dim3A_372 = arith.constant 11 : i32
      %broadcast_in_dim3A_373 = vector.broadcast %broadcast_in_dim3A_372 : i32 to vector<16xi32>
      %gather3A_374 = tpu.vector_load_idx %arg14[%iota3A, %broadcast_in_dim3A_373] : memref<16x16xf32, #tpu.memory_space<vmem>>[vector<16xi32>, vector<16xi32>], vector<16xf32>,
      %broadcast_in_dim3A_375 = arith.constant 12 : i32
      %broadcast_in_dim3A_376 = vector.broadcast %broadcast_in_dim3A_375 : i32 to vector<16xi32>
      %gather3A_377 = tpu.vector_load_idx %arg14[%iota3A, %broadcast_in_dim3A_376] : memref<16x16xf32, #tpu.memory_space<vmem>>[vector<16xi32>, vector<16xi32>], vector<16xf32>,
      %broadcast_in_dim3A_378 = arith.constant 13 : i32
      %broadcast_in_dim3A_379 = vector.broadcast %broadcast_in_dim3A_378 : i32 to vector<16xi32>
      %gather3A_380 = tpu.vector_load_idx %arg14[%iota3A, %broadcast_in_dim3A_379] : memref<16x16xf32, #tpu.memory_space<vmem>>[vector<16xi32>, vector<16xi32>], vector<16xf32>,
      %broadcast_in_dim3A_381 = arith.constant 14 : i32
      %broadcast_in_dim3A_382 = vector.broadcast %broadcast_in_dim3A_381 : i32 to vector<16xi32>
      %gather3A_383 = tpu.vector_load_idx %arg14[%iota3A, %broadcast_in_dim3A_382] : memref<16x16xf32, #tpu.memory_space<vmem>>[vector<16xi32>, vector<16xi32>], vector<16xf32>,
      %broadcast_in_dim3A_384 = arith.constant 15 : i32
      %broadcast_in_dim3A_385 = vector.broadcast %broadcast_in_dim3A_384 : i32 to vector<16xi32>
      %gather3A_386 = tpu.vector_load_idx %arg14[%iota3A, %broadcast_in_dim3A_385] : memref<16x16xf32, #tpu.memory_space<vmem>>[vector<16xi32>, vector<16xi32>], vector<16xf32>,
      %max3A_387 = arith.maximumf %gather3A_341, %gather3A_344 : vector<16xf32>
      %max3A_388 = arith.maximumf %gather3A_347, %gather3A_350 : vector<16xf32>
      %max3A_389 = arith.maximumf %gather3A_353, %gather3A_356 : vector<16xf32>
      %max3A_390 = arith.maximumf %gather3A_359, %gather3A_362 : vector<16xf32>
      %max3A_391 = arith.maximumf %gather3A_365, %gather3A_368 : vector<16xf32>
      %max3A_392 = arith.maximumf %gather3A_371, %gather3A_374 : vector<16xf32>
      %max3A_393 = arith.maximumf %gather3A_377, %gather3A_380 : vector<16xf32>
      %max3A_394 = arith.maximumf %gather3A_383, %gather3A_386 : vector<16xf32>
      %max3A_395 = arith.maximumf %max3A_387, %max3A_388 : vector<16xf32>
      %max3A_396 = arith.maximumf %max3A_389, %max3A_390 : vector<16xf32>
      %max3A_397 = arith.maximumf %max3A_391, %max3A_392 : vector<16xf32>
      %max3A_398 = arith.maximumf %max3A_393, %max3A_394 : vector<16xf32>
      %max3A_399 = arith.maximumf %max3A_395, %max3A_396 : vector<16xf32>
      %max3A_400 = arith.maximumf %max3A_397, %max3A_398 : vector<16xf32>
      %max3A_401 = arith.maximumf %max3A_399, %max3A_400 : vector<16xf32>
      %sub3A_402 = arith.subf %gather3A_341, %max3A_401 : vector<16xf32>
      %sub3A_403 = arith.subf %gather3A_344, %max3A_401 : vector<16xf32>
      %sub3A_404 = arith.subf %gather3A_347, %max3A_401 : vector<16xf32>
      %sub3A_405 = arith.subf %gather3A_350, %max3A_401 : vector<16xf32>
      %sub3A_406 = arith.subf %gather3A_353, %max3A_401 : vector<16xf32>
      %sub3A_407 = arith.subf %gather3A_356, %max3A_401 : vector<16xf32>
      %sub3A_408 = arith.subf %gather3A_359, %max3A_401 : vector<16xf32>
      %sub3A_409 = arith.subf %gather3A_362, %max3A_401 : vector<16xf32>
      %sub3A_410 = arith.subf %gather3A_365, %max3A_401 : vector<16xf32>
      %sub3A_411 = arith.subf %gather3A_368, %max3A_401 : vector<16xf32>
      %sub3A_412 = arith.subf %gather3A_371, %max3A_401 : vector<16xf32>
      %sub3A_413 = arith.subf %gather3A_374, %max3A_401 : vector<16xf32>
      %sub3A_414 = arith.subf %gather3A_377, %max3A_401 : vector<16xf32>
      %sub3A_415 = arith.subf %gather3A_380, %max3A_401 : vector<16xf32>
      %sub3A_416 = arith.subf %gather3A_383, %max3A_401 : vector<16xf32>
      %sub3A_417 = arith.subf %gather3A_386, %max3A_401 : vector<16xf32>
      %exp3A_418 = math.exp %sub3A_402 : vector<16xf32>
      %exp3A_419 = math.exp %sub3A_403 : vector<16xf32>
      %exp3A_420 = math.exp %sub3A_404 : vector<16xf32>
      %exp3A_421 = math.exp %sub3A_405 : vector<16xf32>
      %exp3A_422 = math.exp %sub3A_406 : vector<16xf32>
      %exp3A_423 = math.exp %sub3A_407 : vector<16xf32>
      %exp3A_424 = math.exp %sub3A_408 : vector<16xf32>
      %exp3A_425 = math.exp %sub3A_409 : vector<16xf32>
      %exp3A_426 = math.exp %sub3A_410 : vector<16xf32>
      %exp3A_427 = math.exp %sub3A_411 : vector<16xf32>
      %exp3A_428 = math.exp %sub3A_412 : vector<16xf32>
      %exp3A_429 = math.exp %sub3A_413 : vector<16xf32>
      %exp3A_430 = math.exp %sub3A_414 : vector<16xf32>
      %exp3A_431 = math.exp %sub3A_415 : vector<16xf32>
      %exp3A_432 = math.exp %sub3A_416 : vector<16xf32>
      %exp3A_433 = math.exp %sub3A_417 : vector<16xf32>
      %add3A_434 = arith.addf %exp3A_418, %exp3A_419 : vector<16xf32>
      %add3A_435 = arith.addf %exp3A_420, %exp3A_421 : vector<16xf32>
      %add3A_436 = arith.addf %exp3A_422, %exp3A_423 : vector<16xf32>
      %add3A_437 = arith.addf %exp3A_424, %exp3A_425 : vector<16xf32>
      %add3A_438 = arith.addf %exp3A_426, %exp3A_427 : vector<16xf32>
      %add3A_439 = arith.addf %exp3A_428, %exp3A_429 : vector<16xf32>
      %add3A_440 = arith.addf %exp3A_430, %exp3A_431 : vector<16xf32>
      %add3A_441 = arith.addf %exp3A_432, %exp3A_433 : vector<16xf32>
      %add3A_442 = arith.addf %add3A_434, %add3A_435 : vector<16xf32>
      %add3A_443 = arith.addf %add3A_436, %add3A_437 : vector<16xf32>
      %add3A_444 = arith.addf %add3A_438, %add3A_439 : vector<16xf32>
      %add3A_445 = arith.addf %add3A_440, %add3A_441 : vector<16xf32>
      %add3A_446 = arith.addf %add3A_442, %add3A_443 : vector<16xf32>
      %add3A_447 = arith.addf %add3A_444, %add3A_445 : vector<16xf32>
      %add3A_448 = arith.addf %add3A_446, %add3A_447 : vector<16xf32>
      %bitcast3A_449 = vector.bitcast %add3A_448 : vector<16xf32> to vector<16xi32>
      %shift_right_arithmetic3A_450 = arith.constant 23 : i32
      %shift_right_arithmetic3A_451 = vector.broadcast %shift_right_arithmetic3A_450 : i32 to vector<16xi32>
      %shift_right_arithmetic3A_452 = arith.shrsi %bitcast3A_449, %shift_right_arithmetic3A_451 : vector<16xi32>
      %sub3A_453 = arith.constant 127 : i32
      %sub3A_454 = vector.broadcast %sub3A_453 : i32 to vector<16xi32>
      %sub3A_455 = arith.subi %shift_right_arithmetic3A_452, %sub3A_454 : vector<16xi32>
      %and3A_456 = arith.constant 8388607 : i32
      %and3A_457 = vector.broadcast %and3A_456 : i32 to vector<16xi32>
      %and3A_458 = arith.andi %bitcast3A_449, %and3A_457 : vector<16xi32>
      %or3A_459 = arith.constant 1065353216 : i32
      %or3A_460 = vector.broadcast %or3A_459 : i32 to vector<16xi32>
      %or3A_461 = arith.ori %and3A_458, %or3A_460 : vector<16xi32>
      %bitcast3A_462 = vector.bitcast %or3A_461 : vector<16xi32> to vector<16xf32>
      %gt3A_463 = arith.constant 1.41421354 : f32
      %gt3A_464 = vector.broadcast %gt3A_463 : f32 to vector<16xf32>
      %gt3A_465 = arith.cmpf ogt, %bitcast3A_462, %gt3A_464 : vector<16xf32>
      %mul3A_466 = arith.constant 5.000000e-01 : f32
      %mul3A_467 = vector.broadcast %mul3A_466 : f32 to vector<16xf32>
      %mul3A_468 = arith.mulf %bitcast3A_462, %mul3A_467 : vector<16xf32>
      %select_n3A_469 = arith.select %gt3A_465, %mul3A_468, %bitcast3A_462 : vector<16xi1>, vector<16xf32>
      %jit3A_470 = arith.constant 1 : i32
      %jit3A_471 = arith.constant 0 : i32
      %broadcast_in_dim3A_472 = vector.broadcast %jit3A_470 : i32 to vector<16xi32>
      %broadcast_in_dim3A_473 = vector.broadcast %jit3A_471 : i32 to vector<16xi32>
      %select_n3A_474 = arith.select %gt3A_465, %broadcast_in_dim3A_472, %broadcast_in_dim3A_473 : vector<16xi1>, vector<16xi32>
      %add3A_475 = arith.addi %sub3A_455, %select_n3A_474 : vector<16xi32>
      %sub3A_476 = arith.constant 1.000000e+00 : f32
      %sub3A_477 = vector.broadcast %sub3A_476 : f32 to vector<16xf32>
      %sub3A_478 = arith.subf %select_n3A_469, %sub3A_477 : vector<16xf32>
      %mul3A_479 = arith.constant 0.111111112 : f32
      %mul3A_480 = vector.broadcast %mul3A_479 : f32 to vector<16xf32>
      %mul3A_481 = arith.mulf %sub3A_478, %mul3A_480 : vector<16xf32>
      %sub3A_482 = arith.constant 1.250000e-01 : f32
      %sub3A_483 = vector.broadcast %sub3A_482 : f32 to vector<16xf32>
      %sub3A_484 = arith.subf %sub3A_483, %mul3A_481 : vector<16xf32>
      %mul3A_485 = arith.mulf %sub3A_478, %sub3A_484 : vector<16xf32>
      %sub3A_486 = arith.constant 0.142857149 : f32
      %sub3A_487 = vector.broadcast %sub3A_486 : f32 to vector<16xf32>
      %sub3A_488 = arith.subf %sub3A_487, %mul3A_485 : vector<16xf32>
      %mul3A_489 = arith.mulf %sub3A_478, %sub3A_488 : vector<16xf32>
      %sub3A_490 = arith.constant 0.166666672 : f32
      %sub3A_491 = vector.broadcast %sub3A_490 : f32 to vector<16xf32>
      %sub3A_492 = arith.subf %sub3A_491, %mul3A_489 : vector<16xf32>
      %mul3A_493 = arith.mulf %sub3A_478, %sub3A_492 : vector<16xf32>
      %sub3A_494 = arith.constant 2.000000e-01 : f32
      %sub3A_495 = vector.broadcast %sub3A_494 : f32 to vector<16xf32>
      %sub3A_496 = arith.subf %sub3A_495, %mul3A_493 : vector<16xf32>
      %mul3A_497 = arith.mulf %sub3A_478, %sub3A_496 : vector<16xf32>
      %sub3A_498 = arith.constant 2.500000e-01 : f32
      %sub3A_499 = vector.broadcast %sub3A_498 : f32 to vector<16xf32>
      %sub3A_500 = arith.subf %sub3A_499, %mul3A_497 : vector<16xf32>
      %mul3A_501 = arith.mulf %sub3A_478, %sub3A_500 : vector<16xf32>
      %sub3A_502 = arith.constant 0.333333343 : f32
      %sub3A_503 = vector.broadcast %sub3A_502 : f32 to vector<16xf32>
      %sub3A_504 = arith.subf %sub3A_503, %mul3A_501 : vector<16xf32>
      %mul3A_505 = arith.mulf %sub3A_478, %sub3A_504 : vector<16xf32>
      %sub3A_506 = arith.constant 5.000000e-01 : f32
      %sub3A_507 = vector.broadcast %sub3A_506 : f32 to vector<16xf32>
      %sub3A_508 = arith.subf %sub3A_507, %mul3A_505 : vector<16xf32>
      %mul3A_509 = arith.mulf %sub3A_478, %sub3A_508 : vector<16xf32>
      %sub3A_510 = arith.constant 1.000000e+00 : f32
      %sub3A_511 = vector.broadcast %sub3A_510 : f32 to vector<16xf32>
      %sub3A_512 = arith.subf %sub3A_511, %mul3A_509 : vector<16xf32>
      %mul3A_513 = arith.mulf %sub3A_478, %sub3A_512 : vector<16xf32>
      %convert_element_type3A_514 = arith.sitofp %add3A_475 : vector<16xi32> to vector<16xf32>
      %mul3A_515 = arith.constant 0.693147182 : f32
      %mul3A_516 = vector.broadcast %mul3A_515 : f32 to vector<16xf32>
      %mul3A_517 = arith.mulf %convert_element_type3A_514, %mul3A_516 : vector<16xf32>
      %add3A_518 = arith.addf %mul3A_517, %mul3A_513 : vector<16xf32>
      %mul3A_519 = arith.constant 16 : i32
      %mul3A_520 = arith.muli %add3A_62, %mul3A_519 : i32
      %add3A_521 = vector.broadcast %mul3A_520 : i32 to vector<16xi32>
      %add3A_522 = arith.addi %add3A_521, %iota3A : vector<16xi32>
      %broadcast_in_dim3A_523 = arith.constant 0 : i32
      %broadcast_in_dim3A_524 = vector.broadcast %broadcast_in_dim3A_523 : i32 to vector<16xi32>
      %sub3A_525 = arith.subf %sub3A_402, %add3A_518 : vector<16xf32>
      tpu.vector_store_idx %arg15[%add3A_522, %broadcast_in_dim3A_524], %sub3A_525 : memref<128x16xf32, #tpu.memory_space<vmem>>[vector<16xi32>, vector<16xi32>], vector<16xf32>,
      %broadcast_in_dim3A_526 = arith.constant 1 : i32
      %broadcast_in_dim3A_527 = vector.broadcast %broadcast_in_dim3A_526 : i32 to vector<16xi32>
      %sub3A_528 = arith.subf %sub3A_403, %add3A_518 : vector<16xf32>
      tpu.vector_store_idx %arg15[%add3A_522, %broadcast_in_dim3A_527], %sub3A_528 : memref<128x16xf32, #tpu.memory_space<vmem>>[vector<16xi32>, vector<16xi32>], vector<16xf32>,
      %broadcast_in_dim3A_529 = arith.constant 2 : i32
      %broadcast_in_dim3A_530 = vector.broadcast %broadcast_in_dim3A_529 : i32 to vector<16xi32>
      %sub3A_531 = arith.subf %sub3A_404, %add3A_518 : vector<16xf32>
      tpu.vector_store_idx %arg15[%add3A_522, %broadcast_in_dim3A_530], %sub3A_531 : memref<128x16xf32, #tpu.memory_space<vmem>>[vector<16xi32>, vector<16xi32>], vector<16xf32>,
      %broadcast_in_dim3A_532 = arith.constant 3 : i32
      %broadcast_in_dim3A_533 = vector.broadcast %broadcast_in_dim3A_532 : i32 to vector<16xi32>
      %sub3A_534 = arith.subf %sub3A_405, %add3A_518 : vector<16xf32>
      tpu.vector_store_idx %arg15[%add3A_522, %broadcast_in_dim3A_533], %sub3A_534 : memref<128x16xf32, #tpu.memory_space<vmem>>[vector<16xi32>, vector<16xi32>], vector<16xf32>,
      %broadcast_in_dim3A_535 = arith.constant 4 : i32
      %broadcast_in_dim3A_536 = vector.broadcast %broadcast_in_dim3A_535 : i32 to vector<16xi32>
      %sub3A_537 = arith.subf %sub3A_406, %add3A_518 : vector<16xf32>
      tpu.vector_store_idx %arg15[%add3A_522, %broadcast_in_dim3A_536], %sub3A_537 : memref<128x16xf32, #tpu.memory_space<vmem>>[vector<16xi32>, vector<16xi32>], vector<16xf32>,
      %broadcast_in_dim3A_538 = arith.constant 5 : i32
      %broadcast_in_dim3A_539 = vector.broadcast %broadcast_in_dim3A_538 : i32 to vector<16xi32>
      %sub3A_540 = arith.subf %sub3A_407, %add3A_518 : vector<16xf32>
      tpu.vector_store_idx %arg15[%add3A_522, %broadcast_in_dim3A_539], %sub3A_540 : memref<128x16xf32, #tpu.memory_space<vmem>>[vector<16xi32>, vector<16xi32>], vector<16xf32>,
      %broadcast_in_dim3A_541 = arith.constant 6 : i32
      %broadcast_in_dim3A_542 = vector.broadcast %broadcast_in_dim3A_541 : i32 to vector<16xi32>
      %sub3A_543 = arith.subf %sub3A_408, %add3A_518 : vector<16xf32>
      tpu.vector_store_idx %arg15[%add3A_522, %broadcast_in_dim3A_542], %sub3A_543 : memref<128x16xf32, #tpu.memory_space<vmem>>[vector<16xi32>, vector<16xi32>], vector<16xf32>,
      %broadcast_in_dim3A_544 = arith.constant 7 : i32
      %broadcast_in_dim3A_545 = vector.broadcast %broadcast_in_dim3A_544 : i32 to vector<16xi32>
      %sub3A_546 = arith.subf %sub3A_409, %add3A_518 : vector<16xf32>
      tpu.vector_store_idx %arg15[%add3A_522, %broadcast_in_dim3A_545], %sub3A_546 : memref<128x16xf32, #tpu.memory_space<vmem>>[vector<16xi32>, vector<16xi32>], vector<16xf32>,
      %broadcast_in_dim3A_547 = arith.constant 8 : i32
      %broadcast_in_dim3A_548 = vector.broadcast %broadcast_in_dim3A_547 : i32 to vector<16xi32>
      %sub3A_549 = arith.subf %sub3A_410, %add3A_518 : vector<16xf32>
      tpu.vector_store_idx %arg15[%add3A_522, %broadcast_in_dim3A_548], %sub3A_549 : memref<128x16xf32, #tpu.memory_space<vmem>>[vector<16xi32>, vector<16xi32>], vector<16xf32>,
      %broadcast_in_dim3A_550 = arith.constant 9 : i32
      %broadcast_in_dim3A_551 = vector.broadcast %broadcast_in_dim3A_550 : i32 to vector<16xi32>
      %sub3A_552 = arith.subf %sub3A_411, %add3A_518 : vector<16xf32>
      tpu.vector_store_idx %arg15[%add3A_522, %broadcast_in_dim3A_551], %sub3A_552 : memref<128x16xf32, #tpu.memory_space<vmem>>[vector<16xi32>, vector<16xi32>], vector<16xf32>,
      %broadcast_in_dim3A_553 = arith.constant 10 : i32
      %broadcast_in_dim3A_554 = vector.broadcast %broadcast_in_dim3A_553 : i32 to vector<16xi32>
      %sub3A_555 = arith.subf %sub3A_412, %add3A_518 : vector<16xf32>
      tpu.vector_store_idx %arg15[%add3A_522, %broadcast_in_dim3A_554], %sub3A_555 : memref<128x16xf32, #tpu.memory_space<vmem>>[vector<16xi32>, vector<16xi32>], vector<16xf32>,
      %broadcast_in_dim3A_556 = arith.constant 11 : i32
      %broadcast_in_dim3A_557 = vector.broadcast %broadcast_in_dim3A_556 : i32 to vector<16xi32>
      %sub3A_558 = arith.subf %sub3A_413, %add3A_518 : vector<16xf32>
      tpu.vector_store_idx %arg15[%add3A_522, %broadcast_in_dim3A_557], %sub3A_558 : memref<128x16xf32, #tpu.memory_space<vmem>>[vector<16xi32>, vector<16xi32>], vector<16xf32>,
      %broadcast_in_dim3A_559 = arith.constant 12 : i32
      %broadcast_in_dim3A_560 = vector.broadcast %broadcast_in_dim3A_559 : i32 to vector<16xi32>
      %sub3A_561 = arith.subf %sub3A_414, %add3A_518 : vector<16xf32>
      tpu.vector_store_idx %arg15[%add3A_522, %broadcast_in_dim3A_560], %sub3A_561 : memref<128x16xf32, #tpu.memory_space<vmem>>[vector<16xi32>, vector<16xi32>], vector<16xf32>,
      %broadcast_in_dim3A_562 = arith.constant 13 : i32
      %broadcast_in_dim3A_563 = vector.broadcast %broadcast_in_dim3A_562 : i32 to vector<16xi32>
      %sub3A_564 = arith.subf %sub3A_415, %add3A_518 : vector<16xf32>
      tpu.vector_store_idx %arg15[%add3A_522, %broadcast_in_dim3A_563], %sub3A_564 : memref<128x16xf32, #tpu.memory_space<vmem>>[vector<16xi32>, vector<16xi32>], vector<16xf32>,
      %broadcast_in_dim3A_565 = arith.constant 14 : i32
      %broadcast_in_dim3A_566 = vector.broadcast %broadcast_in_dim3A_565 : i32 to vector<16xi32>
      %sub3A_567 = arith.subf %sub3A_416, %add3A_518 : vector<16xf32>
      tpu.vector_store_idx %arg15[%add3A_522, %broadcast_in_dim3A_566], %sub3A_567 : memref<128x16xf32, #tpu.memory_space<vmem>>[vector<16xi32>, vector<16xi32>], vector<16xf32>,
      %broadcast_in_dim3A_568 = arith.constant 15 : i32
      %broadcast_in_dim3A_569 = vector.broadcast %broadcast_in_dim3A_568 : i32 to vector<16xi32>
      %sub3A_570 = arith.subf %sub3A_417, %add3A_518 : vector<16xf32>
      tpu.vector_store_idx %arg15[%add3A_522, %broadcast_in_dim3A_569], %sub3A_570 : memref<128x16xf32, #tpu.memory_space<vmem>>[vector<16xi32>, vector<16xi32>], vector<16xf32>,
      %add3A_571 = arith.constant 2 : i32
      %add3A_572 = arith.addi %add3A_62, %add3A_571 : i32
      %lt3A_573 = arith.constant 8 : i32
      %lt3A_574 = arith.cmpi slt, %add3A_572, %lt3A_573 : i32
      %convert_element_type3A_575 = arith.extui %lt3A_574 : i1 to i32
      %cond3A_576 = arith.constant 0 : i32
      %cond3A_577 = arith.cmpi ne, %convert_element_type3A_575, %cond3A_576 : i32
      scf.if %cond3A_577 {
        %add3A_578 = arith.constant 2 : i32
        %add3A_579 = arith.addi %add3A_62, %add3A_578 : i32
        %mul3A_580 = arith.constant 16 : i32
        %mul3A_581 = arith.muli %add3A_579, %mul3A_580 : i32
        %mul3A_582 = arith.constant 16 : i32
        %mul3A_583 = arith.muli %mul3A_581, %mul3A_582 : i32
        %dma_start3A_584 = arith.constant 0 : i32
        %dma_start3A_585 = arith.constant 0 : i32
        %dma_start3A_586 = tpu.memref_slice %arg12[%dma_start3A_584, %dma_start3A_585] : memref<256x128xf32, #tpu.memory_space<vmem>> -> memref<128x128xf32, #tpu.memory_space<vmem>>
        %dma_start3A_587 = tpu.memref_slice %arg9[%mul3A_583] : memref<2048xi32, #tpu.memory_space<vmem>> -> memref<128xi32, #tpu.memory_space<vmem>>
        %dma_start3A_588 = arith.constant 0 : i32
        %dma_start3A_589 = arith.constant 0 : i32
        %dma_start3A_590 = tpu.memref_slice %arg4[%dma_start3A_588, %dma_start3A_589] : memref<1024x128xf32, #tpu.memory_space<hbm>> -> memref<1024x128xf32, #tpu.memory_space<hbm>>
        tpu.enqueue_indirect_dma source(%dma_start3A_590 : memref<1024x128xf32, #tpu.memory_space<hbm>>) target(%dma_start3A_586 : memref<128x128xf32, #tpu.memory_space<vmem>>) offsets(%dma_start3A_587 : memref<128xi32, #tpu.memory_space<vmem>>) semaphore(%arg17 : memref<!tpu.dma_semaphore, #tpu.memory_space<semaphore_mem>>)
        %add3A_591 = arith.constant 128 : i32
        %add3A_592 = arith.addi %mul3A_583, %add3A_591 : i32
        %dma_start3A_593 = arith.constant 128 : i32
        %dma_start3A_594 = arith.constant 0 : i32
        %dma_start3A_595 = tpu.memref_slice %arg12[%dma_start3A_593, %dma_start3A_594] : memref<256x128xf32, #tpu.memory_space<vmem>> -> memref<128x128xf32, #tpu.memory_space<vmem>>
        %dma_start3A_596 = tpu.memref_slice %arg9[%add3A_592] : memref<2048xi32, #tpu.memory_space<vmem>> -> memref<128xi32, #tpu.memory_space<vmem>>
        %dma_start3A_597 = arith.constant 0 : i32
        %dma_start3A_598 = arith.constant 0 : i32
        %dma_start3A_599 = tpu.memref_slice %arg4[%dma_start3A_597, %dma_start3A_598] : memref<1024x128xf32, #tpu.memory_space<hbm>> -> memref<1024x128xf32, #tpu.memory_space<hbm>>
        tpu.enqueue_indirect_dma source(%dma_start3A_599 : memref<1024x128xf32, #tpu.memory_space<hbm>>) target(%dma_start3A_595 : memref<128x128xf32, #tpu.memory_space<vmem>>) offsets(%dma_start3A_596 : memref<128xi32, #tpu.memory_space<vmem>>) semaphore(%arg17 : memref<!tpu.dma_semaphore, #tpu.memory_space<semaphore_mem>>)
      } else {
      }
    }
    %scan3A_55 = arith.constant 4 : i32
    "tpu.region"() ({
      %run_scoped3A = tpu.sem_alloc : memref<!tpu.dma_semaphore, #tpu.memory_space<semaphore_mem>>
      %dma_start3A_56 = arith.constant 0 : i32
      %dma_start3A_57 = tpu.memref_slice %arg6[%mul3A_2, %dma_start3A_56] : memref<4096x16xf32, #tpu.memory_space<hbm>> -> memref<128x16xf32, #tpu.memory_space<hbm>>
      %dma_start3A_58 = arith.constant 0 : i32
      %dma_start3A_59 = tpu.memref_slice %arg6[%mul3A_2, %dma_start3A_58] : memref<4096x16xf32, #tpu.memory_space<hbm>> -> memref<128x16xf32, #tpu.memory_space<hbm>>
      tpu.enqueue_dma source(%arg15 : memref<128x16xf32, #tpu.memory_space<vmem>>) target(%dma_start3A_59 : memref<128x16xf32, #tpu.memory_space<hbm>>) target_semaphore(%run_scoped3A : memref<!tpu.dma_semaphore, #tpu.memory_space<semaphore_mem>>)
      %dma_wait3A_60 = arith.constant 0 : i32
      %dma_wait3A_61 = tpu.memref_slice %arg6[%mul3A_2, %dma_wait3A_60] : memref<4096x16xf32, #tpu.memory_space<hbm>> -> memref<128x16xf32, #tpu.memory_space<hbm>>
      %dma_wait3A_62 = arith.constant 0 : i32
      %dma_wait3A_63 = tpu.memref_slice %arg6[%mul3A_2, %dma_wait3A_62] : memref<4096x16xf32, #tpu.memory_space<hbm>> -> memref<128x16xf32, #tpu.memory_space<hbm>>
      tpu.wait_dma2 semaphore(%run_scoped3A : memref<!tpu.dma_semaphore, #tpu.memory_space<semaphore_mem>>) src(%arg15 : memref<128x16xf32, #tpu.memory_space<vmem>>) dst(%dma_wait3A_63 : memref<128x16xf32, #tpu.memory_space<hbm>>)
      tpu.yield
    }) : () -> ()
    return
  }
}

module attributes {stable_mosaic.version = 14 : i64} {
  func.func @_r_table_body(%arg0: memref<1024x128xf32, #tpu.memory_space<vmem>>, %arg1: memref<128x128xf32, #tpu.memory_space<vmem>>, %arg2: memref<1x128xf32, #tpu.memory_space<vmem>>, %arg3: memref<128x128xf32, #tpu.memory_space<vmem>>, %arg4: memref<1x128xf32, #tpu.memory_space<vmem>>, %arg5: memref<1024x128xf32, #tpu.memory_space<vmem>>) attributes {dimension_semantics = [], scalar_prefetch = 0 : i64, scratch_operands = 0 : i64, tpu.core_type = #tpu.core_type<tc>} {
    %get3A = arith.constant 0 : index
    %get3A_0 = arith.constant 0 : index
    %get3A_1 = vector.load %arg0[%get3A, %get3A_0] : memref<1024x128xf32, #tpu.memory_space<vmem>>, vector<1024x128xf32>
    %get3A_2 = arith.constant 0 : index
    %get3A_3 = arith.constant 0 : index
    %get3A_4 = vector.load %arg1[%get3A_2, %get3A_3] : memref<128x128xf32, #tpu.memory_space<vmem>>, vector<128x128xf32>
    %dot_general3A = arith.constant dense<0.000000e+00> : vector<1024x128xf32>
    %dot_general3A_5 = tpu.matmul %get3A_1, %get3A_4, %dot_general3A {dimension_numbers = #tpu.dot_dimension_numbers<[1], [0], [0], [1], [0, 0, 1, 1], [], []>, transpose_lhs_hint = false} : vector<1024x128xf32>, vector<128x128xf32>, vector<1024x128xf32> -> vector<1024x128xf32>
    %get3A_6 = arith.constant 0 : index
    %get3A_7 = arith.constant 0 : index
    %get3A_8 = vector.load %arg2[%get3A_6, %get3A_7] : memref<1x128xf32, #tpu.memory_space<vmem>>, vector<1x128xf32>
    %add3A = vector.broadcast %get3A_8 : vector<1x128xf32> to vector<1024x128xf32>
    %add3A_9 = arith.addf %dot_general3A_5, %add3A : vector<1024x128xf32>
    %max3A = arith.constant 0.000000e+00 : f32
    %max3A_10 = vector.broadcast %max3A : f32 to vector<1024x128xf32>
    %max3A_11 = arith.maximumf %add3A_9, %max3A_10 : vector<1024x128xf32>
    %add3A_12 = arith.addf %get3A_1, %max3A_11 : vector<1024x128xf32>
    %get3A_13 = arith.constant 0 : index
    %get3A_14 = arith.constant 0 : index
    %get3A_15 = vector.load %arg3[%get3A_13, %get3A_14] : memref<128x128xf32, #tpu.memory_space<vmem>>, vector<128x128xf32>
    %dot_general3A_16 = arith.constant dense<0.000000e+00> : vector<1024x128xf32>
    %dot_general3A_17 = tpu.matmul %add3A_12, %get3A_15, %dot_general3A_16 {dimension_numbers = #tpu.dot_dimension_numbers<[1], [0], [0], [1], [0, 0, 1, 1], [], []>, transpose_lhs_hint = false} : vector<1024x128xf32>, vector<128x128xf32>, vector<1024x128xf32> -> vector<1024x128xf32>
    %get3A_18 = arith.constant 0 : index
    %get3A_19 = arith.constant 0 : index
    %get3A_20 = vector.load %arg4[%get3A_18, %get3A_19] : memref<1x128xf32, #tpu.memory_space<vmem>>, vector<1x128xf32>
    %add3A_21 = vector.broadcast %get3A_20 : vector<1x128xf32> to vector<1024x128xf32>
    %add3A_22 = arith.addf %dot_general3A_17, %add3A_21 : vector<1024x128xf32>
    %max3A_23 = arith.constant 0.000000e+00 : f32
    %max3A_24 = vector.broadcast %max3A_23 : f32 to vector<1024x128xf32>
    %max3A_25 = arith.maximumf %add3A_22, %max3A_24 : vector<1024x128xf32>
    %add3A_26 = arith.addf %add3A_12, %max3A_25 : vector<1024x128xf32>
    %swap3A = arith.constant 0 : index
    %swap3A_27 = arith.constant 0 : index
    %swap3A_28 = vector.load %arg5[%swap3A, %swap3A_27] : memref<1024x128xf32, #tpu.memory_space<vmem>>, vector<1024x128xf32>
    tpu.vector_store %arg5[%swap3A, %swap3A_27], %add3A_26 {strides = array<i32>} : memref<1024x128xf32, #tpu.memory_space<vmem>>, vector<1024x128xf32>,
    return
  }
}

</mosaic_0001>

<sc_bundles>
// kernel: kernel.4.cloned.1.call-start
scs
__scs_entry_jumppad:
0x0: {  	(pc) =	sbr.rel $0x88, $3  }
0x1: {  	(tag) =	ssettag $0x0;
	lr =	simm.s32 $0x1  }
0x2: {  	[smem:$0x3F99] =	sst lr;
	_ =	strace $0xD0000000  }
0x3: {  	_ = 	snop  }
0x4: {  	_ = 	snop  }
0x5: {  	_ = 	snop  }
0x6: {  	_ = 	snop  }
0x7: {  	_ = 	snop  }
__scs_overlays_trampoline_lowered:
0x8: {  	[smem:$0x3FA8] =	sst s0  }
0x9: {  	[smem:$0x3FA9] =	sst s1  }
0xa: {  	[smem:$0x3FAA] =	sst s2  }
0xb: {  	[smem:$0x3FAB] =	sst s3  }
0xc: {  	[smem:$0x3FAC] =	sst s4  }
0xd: {  	[smem:$0x3FAD] =	sst s5  }
0xe: {  	[smem:$0x3FAE] =	sst s6  }
0xf: {  	[smem:$0x3FAF] =	sst s7  }
0x10: {  	[smem:$0x3FB0] =	sst s8  }
0x11: {  	[smem:$0x3FB1] =	sst s9;
	s0 =	simm.s32 @!p0 $0x0  }
0x12: {  	s1 =	sld [smem:$0x3F97];
	s0 =	simm.s32 @p0 $0x1  }
0x13: {  	[smem:$0x3FB2] =	sst s0;
	s0 =	simm.s32 @!p1 $0x0  }
0x14: {  	s2 =	sld [smem:$0x3F96];
	s0 =	simm.s32 @p1 $0x1  }
0x15: {  	[smem:$0x3FB3] =	sst s0;
	s0 =	simm.s32 @!p2 $0x0  }
0x16: {  	s3 =	sld [smem:$0x3FDB];
	s0 =	simm.s32 @p2 $0x1  }
0x17: {  	s4 =	simm.s32 $0x1BF5;
	[smem:$0x3FB5] =	sst s0  }
0x18: {  	s0 =	sld [smem:$0x3F98];
	_ =	swait.ge [sflag:s4], $0x0  }
0x19: {  	s7 =	sld [smem:$0x3F99]  }
0x1a: {  	s8 =	sadd.s32 $0xFFFFE003, lr  }
0x1b: {  	s9 =	sadd.s32 $0xFFFFFEF7, lr;
	s5 =	simm.s32 $0xFFFFFFFF;
	p2 =	slt.u32 s8, $0xFFFFF086  }
0x1c: {  	p1 =	slt.u32 s9, $0xF7A;
	s5 =	simm.s32 @!p2 $0x0  }
0x1d: {  	s5 =	simm.s32 @p1 $0x1;
	p0 =	seq.s32 s7, s2  }
0x1e: {  	s7 =	smul.u32 @!p0 $0xF7A, s2;
	p2 =	seq.s32 @!p0 s5, $0x0  }
0x1f: {  	s9 =	smul.u32 $0xF7A, s1;
	s8 =	simm.s32 @!p0 $0x1BF5;
	p2 =	por !p2, p0  }
0x20: {  	[sflag:s8] =	ssyncset.s32 @!p0 $0xFFFFF086;
	s6 =	sadd.s32 @!p0 s3, s7;
	s7 =	simm.s32 @!p0 $0x108  }
0x21: {  	s3 =	sadd.s32 s3, s9;
	s6 =	sadd.s32 @!p0 $0x88, s6;
	s7 =	simm.s32 @p2 $0x1082  }
0x22: {  	[simem:s7], [sflag:s8] =	dma.local @!p0 [hbm:s6], $0xF7A  }
0x23: {  	s9 =	sor.u32 $0xD0000000, s2;
	s6 =	simm.s32 $0x108;
	_ =	swait.ge @!p0 [sflag:s8], $0x0  }
0x24: {  	s3 =	sadd.s32 $0x88, s3;
	s6 =	simm.s32 @!p1 $0x1082;
	[sflag:s4] =	ssyncset.s32 $0xFFFFF086  }
0x25: {  	[simem:s6], [sflag:s4] =	dma.local [hbm:s3], $0xF7A  }
0x26: {  	[smem:$0x3F99] =	sst s1;
	(tag) =	ssettag s2;
	_ =	strace s9  }
0x27: {  	s1 =	sld [smem:$0x3FA9]  }
0x28: {  	s2 =	sld [smem:$0x3FAA]  }
0x29: {  	s4 =	sld [smem:$0x3FAC]  }
0x2a: {  	p0 =	seq.s32 s5, $0x0;
	s5 =	sld [smem:$0x3FAD]  }
0x2b: {  	s6 =	sld [smem:$0x3FAE]  }
0x2c: {  	s7 =	sld [smem:$0x3FAF]  }
0x2d: {  	s3 =	simm.s32 $0x108;
	s8 =	sld [smem:$0x3FB0]  }
0x2e: {  	s3 =	simm.s32 @!p0 $0x1082;
	s9 =	sld [smem:$0x3FB1]  }
0x2f: {  	lr =	sadd.s32 s0, s3;
	s0 =	sld [smem:$0x3FA8]  }
0x30: {  	s3 =	sld [smem:$0x3FAB]  }
0x31: {  	[smem:$0x3FB4] =	sst s10  }
0x32: {  	s10 =	sld [smem:$0x3FB2];
	_ =	sdelay $0x3  }
0x33: {  	p0 =	seq.s32 s10, $0x1;
	s10 =	sld [smem:$0x3FB4];
	_ =	sdelay $0x3  }
0x34: {  	[smem:$0x3FB4] =	sst s10  }
0x35: {  	s10 =	sld [smem:$0x3FB3];
	_ =	sdelay $0x3  }
0x36: {  	p1 =	seq.s32 s10, $0x1;
	s10 =	sld [smem:$0x3FB4];
	_ =	sdelay $0x3  }
0x37: {  	[smem:$0x3FB4] =	sst s10  }
0x38: {  	s10 =	sld [smem:$0x3FB5]  }
0x39: {  	_ = 	snop;
	(pc) =	sbr.ind lr, $3  }
0x3a: {  	_ = 	snop  }
0x3b: {  	_ = 	snop  }
0x3c: {  	p2 =	seq.s32 s10, $0x1;
	s10 =	sld [smem:$0x3FB4]  }
0x3d: {  	_ =	shalt  }
0x3e: {  	_ =	shalt  }
0x3f: {  	_ =	shalt  }
0x40: {  	_ =	shalt  }
0x41: {  	_ =	shalt  }
0x42: {  	_ =	shalt  }
0x43: {  	_ =	shalt  }
0x44: {  	_ =	shalt  }
0x45: {  	_ =	shalt  }
0x46: {  	_ =	shalt  }
0x47: {  	_ =	shalt  }
0x48: {  	_ =	shalt  }
0x49: {  	_ =	shalt  }
0x4a: {  	_ =	shalt  }
0x4b: {  	_ =	shalt  }
0x4c: {  	_ =	shalt  }
0x4d: {  	_ =	shalt  }
0x4e: {  	_ =	shalt  }
0x4f: {  	_ =	shalt  }
0x50: {  	_ =	shalt  }
0x51: {  	_ =	shalt  }
0x52: {  	_ =	shalt  }
0x53: {  	_ =	shalt  }
0x54: {  	_ =	shalt  }
0x55: {  	_ =	shalt  }
0x56: {  	_ =	shalt  }
0x57: {  	_ =	shalt  }
0x58: {  	_ =	shalt  }
0x59: {  	_ =	shalt  }
0x5a: {  	_ =	shalt  }
0x5b: {  	_ =	shalt  }
0x5c: {  	_ =	shalt  }
0x5d: {  	_ =	shalt  }
0x5e: {  	_ =	shalt  }
0x5f: {  	_ =	shalt  }
0x60: {  	_ =	shalt  }
0x61: {  	_ =	shalt  }
0x62: {  	_ =	shalt  }
0x63: {  	_ =	shalt  }
0x64: {  	_ =	shalt  }
0x65: {  	_ =	shalt  }
0x66: {  	_ =	shalt  }
0x67: {  	_ =	shalt  }
0x68: {  	_ =	shalt  }
0x69: {  	_ =	shalt  }
0x6a: {  	_ =	shalt  }
0x6b: {  	_ =	shalt  }
0x6c: {  	_ =	shalt  }
0x6d: {  	_ =	shalt  }
0x6e: {  	_ =	shalt  }
0x6f: {  	_ =	shalt  }
0x70: {  	_ =	shalt  }
0x71: {  	_ =	shalt  }
0x72: {  	_ =	shalt  }
0x73: {  	_ =	shalt  }
0x74: {  	_ =	shalt  }
0x75: {  	_ =	shalt  }
0x76: {  	_ =	shalt  }
0x77: {  	_ =	shalt  }
0x78: {  	_ =	shalt  }
0x79: {  	_ =	shalt  }
0x7a: {  	_ =	shalt  }
0x7b: {  	_ =	shalt  }
0x7c: {  	_ =	shalt  }
0x7d: {  	_ =	shalt  }
0x7e: {  	_ =	shalt  }
0x7f: {  	_ =	shalt  }
0x80: {  	_ =	shalt  }
0x81: {  	_ =	shalt  }
0x82: {  	_ =	shalt  }
0x83: {  	_ =	shalt  }
0x84: {  	_ =	shalt  }
0x85: {  	_ =	shalt  }
0x86: {  	_ =	shalt  }
0x87: {  	_ =	shalt  }
.Lfunc_end0:
.L_simem_size_0:
called_computation_lowered:
.L_overlay_start_0:
0x88: {  	s2 =	sld [smem:$0x3FD9]  }
0x89: {  	s3 =	sld [smem:$0x3FFE];
	_ =	sdelay $0x1  }
0x8a: {  	s1 =	srdreg.scid  }
0x8b: {  	s0 =	sand.u32 $0x1, s1  }
0x8c: {  	s17 =	sshll.u32 s0, $0xA;
	s2 =	sadd.s32 s3, s2  }
0x8d: {  	s2 =	sadd.s32 s2, s17  }
0x8e: {  	[smem:$0x3FC0] =	sst s2  }
0x8f: {  	_ = 	snop  }
0x90: {  	s2 =	sld [smem:$0x3FC6]  }
0x91: {  	s18 =	sld [smem:$0x3FD0];
	(tm) =	ssettm $0x1  }
0x92: {  	s4 =	sld [smem:$0x3FFB];
	_ =	sdelay $0x3  }
0x93: {  	_ =	strace s4  }
0x94: {  	s4 =	sld [smem:$0x3FFC];
	_ =	sdelay $0x3  }
0x95: {  	_ =	strace s4  }
0x96: {  	s4 =	sld [smem:$0x3FFD];
	_ =	sdelay $0x3  }
0x97: {  	_ =	strace s4  }
0x98: {  	_ =	strace $0x8FFFFFFF  }
0x99: {  	s19 =	sld [smem:$0x3FDB];
	_ =	sdelay $0x1  }
0x9a: {  	s5 =	simm.s32 $_scs_section_size  }
0x9b: {  	s6 =	simm.s32 $_size__tile_overlayer_lowered;
	s7 =	simm.s32 $_tile_overlayer_lowered  }
0x9c: {  	s22 =	simm.s32 $0x1BFF;
	s21 =	sshll.u32 s7, $0x1;
	s4 =	sadd.s32 s5, s19  }
0x9d: {  	s8 =	simm.s32 $0x0;
	s20 =	sshll.u32 s6, $0x1;
	s6 =	sadd.s32 s21, s4  }
0x9e: {  	[timem:s8], [sflag:s22] =	dma.local [hbm:s6], s20  }
0x9f: {  	_ =	swait.ge [sflag:s22], s20  }
0xa0: {  	s5 =	ssub.s32 $0x0, s20;
	[sflag:s22] =	ssyncset.done $0x0  }
0xa1: {  	[sflag:s22] =	ssyncadd.s32 s5;
	_ =	sdelay $0x1  }
0xa2: {  	s23 =	simm.s32 $0x1B8B  }
0xa3: {  	_ =	swait.ge [sflag:s23], $0x1  }
0xa4: {  	[sflag:s23] =	ssyncset.done $0x0  }
0xa5: {  	s25 =	simm.s32 $0x1B8E;
	s24 =	sld [smem:$0x3FFE];
	[sflag:s23] =	ssyncadd.s32 $0xFFFFFFFF  }
0xa6: {  	s26 =	simm.s32 $execute0_lowered;
	[smem:$0x3FD2] =	sst s25  }
0xa7: {  	s6 =	sshll.u32 s26, $0x1;
	_ =	strace $0x80000046;
	[dreg:$0x1] =	wrdreg $0xFFFFFFFF  }
0xa8: {  	s28 =	simm.s32 $_size_execute0_lowered;
	s4 =	sadd.s32 s4, s6;
	[dreg:$0x0] =	wrdreg $0x0  }
0xa9: {  	s6 =	sshll.u32 s28, $0x1;
	[dreg:$0x2] =	wrdreg s4  }
0xaa: {  	[dreg:$0x3] =	wrdreg s6  }
0xab: {  	[dreg:$0x4] =	wrdreg $0xC0  }
0xac: {  	_ =	task [dreg:s8], $0x5FFFF  }
0xad: {  	[dreg:$0x1] =	wrdreg $0xFFFFFFFF  }
0xae: {  	[dreg:$0x0] =	wrdreg $0x60  }
0xaf: {  	[dreg:$0x2] =	wrdreg s24  }
0xb0: {  	[dreg:$0x3] =	wrdreg s2  }
0xb1: {  	[dreg:$0x4] =	wrdreg s18  }
0xb2: {  	[dreg:$0x5] =	wrdreg $0x9  }
0xb3: {  	_ =	task.clear_ibuf [dreg:s8], $0x6FFFF;
	_ =	strace $0x90000046  }
0xb4: {  	s29 =	simm.s32 $0x9;
	_ =	strace $0x80000048  }
0xb5: {  	_ =	swait.ge [sflag:s29], $0x1  }
0xb6: {  	[sflag:s29] =	ssyncadd.s32 $0xFFFFFFFF  }
0xb7: {  	_ =	strace $0x90000048  }
0xb8: {  	_ =	sfence  }
0xb9: {  	s30 =	sld [smem:$0x0];
	_ =	sdelay $0x2  }
0xba: {  	s31 =	sshll.u32 s1, $0xD;
	s1 =	sshrl.u32 s1, $0x2  }
0xbb: {  	s3 =	sand.u32 $0x4000, s31;
	s1 =	sadd.s32 s1, s30  }
0xbc: {  	s0 =	sor.u32 s3, s0;
	s1 =	sshll.u32 s1, $0x11  }
0xbd: {  	s0 =	sor.u32 s1, s0  }
0xbe: {  	s0 =	sadd.s32 $0x8F2B, s0  }
0xbf: {  	[sflag:s0] =	ssyncadd.remote.s32 $0x1  }
0xc0: {  	_ =	sfence.sel $0xFFFF  }
0xc1: {  	[dreg:$0x0] =	wrdreg $0xFFFFFFFF;
	(pc) =	sbr.abs _section_cstart, $3  }
0xc2: {  	[dreg:$0x1] =	wrdreg $0xFFFFFFFF  }
0xc3: {  	_ =	task.clear_ibuf [dreg:s8], $0x2FFFF;
	_ =	strace $0x9FFFFFFF  }
0xc4: {  	(tm) =	ssettm $0x7FFFFFFF  }
0xc5: {  	_ =	shalt  }
tec
execute0_lowered:
.L_overlay_start_1:
0x0: {  	(tag) =	ssettag $0x1  }
0x1: {  	s0 =	rddreg [dreg:$0x0]  }
0x2: {  	s1 =	rddreg [dreg:$0x2]  }
0x3: {  	s3 =	srdreg.scid;
	s2 =	stileid.u32  }
0x4: {  	s10 =	simm.s32 $0x80;
	s11 =	simm.s32 $0x1;
	s12 =	simm.s32 $0x1080  }
0x5: {  	s13 =	simm.s32 $0x880;
	s14 =	simm.s32 $0x5080;
	s15 =	simm.s32 $0x900  }
0x6: {  	s16 =	simm.s32 $0x9080;
	s17 =	simm.s32 $0x980;
	s18 =	simm.s32 $0xD080  }
0x7: {  	s19 =	simm.s32 $0xA00;
	s20 =	simm.s32 $0x11080;
	s21 =	simm.s32 $0x15080  }
0x8: {  	v0 =	vlaneseq.u32;
	s22 =	simm.s32 $0x15180;
	s23 =	simm.s32 $0x15280;
	s24 =	simm.s32 $0x2  }
0x9: {  	s25 =	simm.s32 $0x0;
	s5 =	sand.u32 $0x1, s3;
	s3 =	simm.s32 $0x0;
	v0 =	vmul.u32 $0x10, v0  }
0xa: {  	v16 =	vimm.s32 $0x0;
	s4 =	sshll.u32 s2, $0x8;
	s6 =	sshll.u32 s5, $0x7;
	[smem:$0x7FF] =	sst s3  }
.Ltmp0:
0xb: {  	s8 =	ssub.s32 $0x2, s5;
	s6 =	sor.u32 s6, s4;
	v1 =	vor.u32 $0x1, v0;
	v2 =	vor.u32 $0x2, v0;
	v3 =	vor.u32 $0x3, v0;
	(pc) =	sbr.rel .LBB2_1-.Ltmp0, $4  }
0xc: {  	s5 =	sadd.s32 $0x1400, s0;
	_ =	strace $0x80000047;
	v4 =	vor.u32 $0x4, v0;
	v5 =	vor.u32 $0x5, v0;
	v6 =	vor.u32 $0x6, v0;
	s4 =	sshrl.u32 s6, $0x3  }
0xd: {  	s31 =	sshrl.u32 s8, $0x1;
	v7 =	vor.u32 $0x7, v0;
	v8 =	vor.u32 $0x8, v0;
	v9 =	vor.u32 $0x9, v0;
	s9 =	sshll.u32 s6, $0x1;
	s7 =	sadd.s32 s4, s0  }
0xe: {  	v10 =	vor.u32 $0xA, v0;
	v11 =	vor.u32 $0xB, v0;
	v12 =	vor.u32 $0xC, v0;
	s4 =	sadd.s32 $0x187C00, s0;
	s0 =	ssub.s32 s8, s31;
	s6 =	sadd.s32 $0x1200, s7  }
0xf: {  	v13 =	vor.u32 $0xD, v0;
	v14 =	vor.u32 $0xE, v0;
	v15 =	vor.u32 $0xF, v0;
	s7 =	sadd.s32 s1, s9;
	s8 =	smax.u32 s0, $0x1;
	s9 =	simm.s32 $0x3  }
.LBB2_10:
0x10: {  	s25 =	sadd.s32 $0x1, s25  }
0x11: {  	p0 =	sne.s32 s25, s8  }
.Ltmp1:
0x12: {  	_ = 	snop;
	(pc) =	sbr.rel @!p0 .LBB2_11-.Ltmp1, $4  }
0x13: {  	[hbm4b:s7+s3] =	stream.linear.scatter [tilespmem:s23], [sflag:$0x3], $0x800, $0x38;
	[tilespmem:$0x15A80] =	vst v63  }
0x14: {  	_ =	swait.ge [sflag:s9], $0x800  }
0x15: {  	[sflag:s9] =	ssyncset.done $0x0  }
0x16: {  	[sflag:s9] =	ssyncadd.s32 $0xFFFFF800  }
.LBB2_1:
0x17: {  	[tilespmem:s3], [sflag:$0x3] =	stream.linear.gather [hbm4b:s6+s3], $0x80, $0x38;
	[tilespmem:$0x15A80] =	vst v63  }
0x18: {  	_ =	swait.ge [sflag:s9], $0x80  }
0x19: {  	[sflag:s9] =	ssyncset.done $0x0  }
0x1a: {  	[sflag:s9] =	ssyncadd.s32 $0xFFFFFF80  }
0x1b: {  	[tilespmem:s10], [sflag:$0x1] =	stream.indirect.gather [hbm4b:s4+s10], $0x10, s3, s10, $0xb8;
	[tilespmem:$0x15A80] =	vst v63  }
0x1c: {  	_ =	swait.ge [sflag:s11], $0x800  }
0x1d: {  	[sflag:s11] =	ssyncset.done $0x0  }
0x1e: {  	[sflag:s11] =	ssyncadd.s32 $0xFFFFF800  }
0x1f: {  	s0 =	rddreg [dreg:$0x1]  }
0x20: {  	[tilespmem:s12], [sflag:$0x1] =	stream.indirect.gather [hbm4b:s0+s10], $0x80, s3, s10, $0xb8;
	[tilespmem:$0x15A80] =	vst v63  }
0x21: {  	_ =	swait.ge [sflag:s11], $0x4000  }
0x22: {  	[sflag:s11] =	ssyncset.done $0x0  }
0x23: {  	s0 =	simm.s32 $0x0;
	[sflag:s11] =	ssyncadd.s32 $0xFFFFC000  }
0x24: {  	s1 =	simm.s32 $0x40;
	v17 =	vld [tilespmem:s0+$0x80]  }
.LBB2_2:
0x25: {  	p0 =	sne.s32 s1, $0x1FC0  }
.Ltmp2:
0x26: {  	_ = 	snop;
	(pc) =	sbr.rel @p0 .LBB2_2-.Ltmp2, $3  }
0x27: {  	_ =	sdelay $0x1  }
0x28: {  	[tilespmem:s0+$0x880] =	vst v17;
	s0 =	sshra.s32 s1, $0x2;
	s1 =	sadd.s32 $0x40, s1  }
0x29: {  	v17 =	vld [tilespmem:s0+$0x80]  }
0x2a: {  	_ =	sdelay $0x3  }
0x2b: {  	[tilespmem:s0+$0x880] =	vst v17  }
0x2c: {  	[tilespmem:s14], [sflag:$0x1] =	stream.indirect.gather [hbm4b:s5+s10], $0x80, s13, s10, $0xb8;
	[tilespmem:$0x15A80] =	vst v63  }
0x2d: {  	_ = 	snop  }
0x2e: {  	[tilespmem:s16], [sflag:$0x1] =	stream.indirect.gather [hbm4b:s5+s10], $0x80, s15, s10, $0xb8;
	[tilespmem:$0x15A80] =	vst v63  }
0x2f: {  	_ = 	snop  }
0x30: {  	[tilespmem:s18], [sflag:$0x2] =	stream.indirect.gather [hbm4b:s5+s10], $0x80, s17, s10, $0xb8;
	[tilespmem:$0x15A80] =	vst v63  }
0x31: {  	s26 =	simm.s32 $0x0;
	s28 =	simm.s32 $0x10C0;
	s1 =	simm.s32 $0x18F0  }
0x32: {  	[tilespmem:s20], [sflag:$0x2] =	stream.indirect.gather [hbm4b:s5+s10], $0x80, s19, s10, $0xb8;
	[tilespmem:$0x15A80] =	vst v63  }
.LBB2_4:
0x33: {  	_ =	swait.ge [sflag:s11], $0x4000  }
0x34: {  	[sflag:s11] =	ssyncset.done $0x0  }
0x35: {  	[sflag:s11] =	ssyncadd.s32 $0xFFFFC000  }
0x36: {  	_ =	swait.ge [sflag:s11], $0x4000  }
0x37: {  	s30 =	simm.s32 $0x5480;
	[sflag:s11] =	ssyncset.done $0x0  }
0x38: {  	s31 =	smov.u32 s28;
	s0 =	simm.s32 $0x0;
	[sflag:s11] =	ssyncadd.s32 $0xFFFFC000  }
.LBB2_5:
0x39: {  	v17 =	vld [tilespmem:s31+$0xFFFFFFC0]  }
0x3a: {  	v18 =	vld [tilespmem:s31+$0xFFFFFFD0]  }
0x3b: {  	v19 =	vld [tilespmem:s31+$0xFFFFFFE0]  }
0x3c: {  	v20 =	vld [tilespmem:s31+$0xFFFFFFF0]  }
0x3d: {  	v21 =	vld [tilespmem:s31+$0x0]  }
0x3e: {  	v22 =	vld [tilespmem:s31+$0x10]  }
0x3f: {  	v23 =	vld [tilespmem:s31+$0x20]  }
0x40: {  	v24 =	vld [tilespmem:s31+$0x30]  }
0x41: {  	v25 =	vld [tilespmem:s30+$0xFFFFFC00]  }
0x42: {  	v26 =	vld [tilespmem:s30+$0xFFFFFC10]  }
0x43: {  	v27 =	vld [tilespmem:s30+$0xFFFFFC20]  }
0x44: {  	v28 =	vld [tilespmem:s30+$0xFFFFFC30]  }
0x45: {  	v29 =	vld [tilespmem:s30+$0xFFFFFC40]  }
0x46: {  	v30 =	vld [tilespmem:s30+$0xFFFFFC50]  }
0x47: {  	v31 =	vld [tilespmem:s30+$0xFFFFFC60]  }
0x48: {  	v32 =	vld [tilespmem:s30+$0xFFFFFC70];
	_ =	sdelay $0x1  }
0x49: {  	v25 =	vmul.f32 v25, v17;
	v26 =	vmul.f32 v26, v18  }
0x4a: {  	v27 =	vmul.f32 v27, v19;
	v28 =	vmul.f32 v28, v20  }
0x4b: {  	v29 =	vmul.f32 v29, v21;
	v30 =	vmul.f32 v30, v22  }
0x4c: {  	v31 =	vmul.f32 v31, v23;
	v32 =	vmul.f32 v32, v24  }
0x4d: {  	v25 =	vadd.f32 v26, v25;
	v53 =	vadd.f32 v28, v27  }
0x4e: {  	v54 =	vadd.f32 v30, v29;
	v55 =	vadd.f32 v32, v31;
	_ =	sdelay $0x1  }
0x4f: {  	v25 =	vadd.f32 v53, v25;
	v56 =	vadd.f32 v55, v54;
	_ =	sdelay $0x1  }
0x50: {  	v25 =	vadd.f32 v56, v25;
	_ =	sdelay $0x1  }
0x51: {  	[tilespmem:$0x15080] =	vst v25  }
0x52: {  	v25 =	vld [tilespmem:s30+$0xFFFFFC80]  }
0x53: {  	v57 =	vld [tilespmem:s30+$0xFFFFFC90]  }
0x54: {  	v58 =	vld [tilespmem:s30+$0xFFFFFCA0]  }
0x55: {  	v59 =	vld [tilespmem:s30+$0xFFFFFCB0]  }
0x56: {  	v60 =	vld [tilespmem:s30+$0xFFFFFCC0]  }
0x57: {  	v61 =	vld [tilespmem:s30+$0xFFFFFCD0]  }
0x58: {  	v62 =	vld [tilespmem:s30+$0xFFFFFCE0]  }
0x59: {  	v63 =	vld [tilespmem:s30+$0xFFFFFCF0];
	_ =	sdelay $0x1  }
0x5a: {  	v25 =	vmul.f32 v25, v17;
	v26 =	vmul.f32 v57, v18  }
0x5b: {  	v27 =	vmul.f32 v58, v19;
	v28 =	vmul.f32 v59, v20  }
0x5c: {  	v29 =	vmul.f32 v60, v21;
	v30 =	vmul.f32 v61, v22  }
0x5d: {  	v31 =	vmul.f32 v62, v23;
	v32 =	vmul.f32 v63, v24  }
0x5e: {  	v25 =	vadd.f32 v26, v25;
	v36 =	vadd.f32 v28, v27  }
0x5f: {  	v37 =	vadd.f32 v30, v29;
	v38 =	vadd.f32 v32, v31;
	_ =	sdelay $0x1  }
0x60: {  	v25 =	vadd.f32 v36, v25;
	v39 =	vadd.f32 v38, v37;
	_ =	sdelay $0x1  }
0x61: {  	v25 =	vadd.f32 v39, v25;
	_ =	sdelay $0x1  }
0x62: {  	[tilespmem:$0x15090] =	vst v25  }
0x63: {  	v25 =	vld [tilespmem:s30+$0xFFFFFD00]  }
0x64: {  	v40 =	vld [tilespmem:s30+$0xFFFFFD10]  }
0x65: {  	v41 =	vld [tilespmem:s30+$0xFFFFFD20]  }
0x66: {  	v42 =	vld [tilespmem:s30+$0xFFFFFD30]  }
0x67: {  	v43 =	vld [tilespmem:s30+$0xFFFFFD40]  }
0x68: {  	v44 =	vld [tilespmem:s30+$0xFFFFFD50]  }
0x69: {  	v45 =	vld [tilespmem:s30+$0xFFFFFD60]  }
0x6a: {  	v46 =	vld [tilespmem:s30+$0xFFFFFD70];
	_ =	sdelay $0x1  }
0x6b: {  	v25 =	vmul.f32 v25, v17;
	v26 =	vmul.f32 v40, v18  }
0x6c: {  	v27 =	vmul.f32 v41, v19;
	v28 =	vmul.f32 v42, v20  }
0x6d: {  	v29 =	vmul.f32 v43, v21;
	v30 =	vmul.f32 v44, v22  }
0x6e: {  	v31 =	vmul.f32 v45, v23;
	v32 =	vmul.f32 v46, v24  }
0x6f: {  	v25 =	vadd.f32 v26, v25;
	v47 =	vadd.f32 v28, v27  }
0x70: {  	v48 =	vadd.f32 v30, v29;
	v49 =	vadd.f32 v32, v31;
	_ =	sdelay $0x1  }
0x71: {  	v25 =	vadd.f32 v47, v25;
	v50 =	vadd.f32 v49, v48;
	_ =	sdelay $0x1  }
0x72: {  	v25 =	vadd.f32 v50, v25;
	_ =	sdelay $0x1  }
0x73: {  	[tilespmem:$0x150A0] =	vst v25  }
0x74: {  	v25 =	vld [tilespmem:s30+$0xFFFFFD80]  }
0x75: {  	v51 =	vld [tilespmem:s30+$0xFFFFFD90]  }
0x76: {  	v52 =	vld [tilespmem:s30+$0xFFFFFDA0]  }
0x77: {  	v53 =	vld [tilespmem:s30+$0xFFFFFDB0]  }
0x78: {  	v54 =	vld [tilespmem:s30+$0xFFFFFDC0]  }
0x79: {  	v55 =	vld [tilespmem:s30+$0xFFFFFDD0]  }
0x7a: {  	v56 =	vld [tilespmem:s30+$0xFFFFFDE0]  }
0x7b: {  	v57 =	vld [tilespmem:s30+$0xFFFFFDF0];
	_ =	sdelay $0x1  }
0x7c: {  	v25 =	vmul.f32 v25, v17;
	v26 =	vmul.f32 v51, v18  }
0x7d: {  	v27 =	vmul.f32 v52, v19;
	v28 =	vmul.f32 v53, v20  }
0x7e: {  	v29 =	vmul.f32 v54, v21;
	v30 =	vmul.f32 v55, v22  }
0x7f: {  	v31 =	vmul.f32 v56, v23;
	v32 =	vmul.f32 v57, v24  }
0x80: {  	v25 =	vadd.f32 v26, v25;
	v58 =	vadd.f32 v28, v27  }
0x81: {  	v59 =	vadd.f32 v30, v29;
	v60 =	vadd.f32 v32, v31;
	_ =	sdelay $0x1  }
0x82: {  	v25 =	vadd.f32 v58, v25;
	v61 =	vadd.f32 v60, v59;
	_ =	sdelay $0x1  }
0x83: {  	v25 =	vadd.f32 v61, v25;
	_ =	sdelay $0x1  }
0x84: {  	[tilespmem:$0x150B0] =	vst v25  }
0x85: {  	v25 =	vld [tilespmem:s30+$0xFFFFFE00]  }
0x86: {  	v62 =	vld [tilespmem:s30+$0xFFFFFE10]  }
0x87: {  	v63 =	vld [tilespmem:s30+$0xFFFFFE20]  }
0x88: {  	v36 =	vld [tilespmem:s30+$0xFFFFFE30]  }
0x89: {  	v37 =	vld [tilespmem:s30+$0xFFFFFE40]  }
0x8a: {  	v38 =	vld [tilespmem:s30+$0xFFFFFE50]  }
0x8b: {  	v39 =	vld [tilespmem:s30+$0xFFFFFE60]  }
0x8c: {  	v40 =	vld [tilespmem:s30+$0xFFFFFE70];
	_ =	sdelay $0x1  }
0x8d: {  	v25 =	vmul.f32 v25, v17;
	v26 =	vmul.f32 v62, v18  }
0x8e: {  	v27 =	vmul.f32 v63, v19;
	v28 =	vmul.f32 v36, v20  }
0x8f: {  	v29 =	vmul.f32 v37, v21;
	v30 =	vmul.f32 v38, v22  }
0x90: {  	v31 =	vmul.f32 v39, v23;
	v32 =	vmul.f32 v40, v24  }
0x91: {  	v25 =	vadd.f32 v26, v25;
	v41 =	vadd.f32 v28, v27  }
0x92: {  	v42 =	vadd.f32 v30, v29;
	v43 =	vadd.f32 v32, v31;
	_ =	sdelay $0x1  }
0x93: {  	v25 =	vadd.f32 v41, v25;
	v44 =	vadd.f32 v43, v42;
	_ =	sdelay $0x1  }
0x94: {  	v25 =	vadd.f32 v44, v25;
	_ =	sdelay $0x1  }
0x95: {  	[tilespmem:$0x150C0] =	vst v25  }
0x96: {  	v25 =	vld [tilespmem:s30+$0xFFFFFE80]  }
0x97: {  	v45 =	vld [tilespmem:s30+$0xFFFFFE90]  }
0x98: {  	v46 =	vld [tilespmem:s30+$0xFFFFFEA0]  }
0x99: {  	v47 =	vld [tilespmem:s30+$0xFFFFFEB0]  }
0x9a: {  	v48 =	vld [tilespmem:s30+$0xFFFFFEC0]  }
0x9b: {  	v49 =	vld [tilespmem:s30+$0xFFFFFED0]  }
0x9c: {  	v50 =	vld [tilespmem:s30+$0xFFFFFEE0]  }
0x9d: {  	v51 =	vld [tilespmem:s30+$0xFFFFFEF0];
	_ =	sdelay $0x1  }
0x9e: {  	v25 =	vmul.f32 v25, v17;
	v26 =	vmul.f32 v45, v18  }
0x9f: {  	v27 =	vmul.f32 v46, v19;
	v28 =	vmul.f32 v47, v20  }
0xa0: {  	v29 =	vmul.f32 v48, v21;
	v30 =	vmul.f32 v49, v22  }
0xa1: {  	v31 =	vmul.f32 v50, v23;
	v32 =	vmul.f32 v51, v24  }
0xa2: {  	v25 =	vadd.f32 v26, v25;
	v52 =	vadd.f32 v28, v27  }
0xa3: {  	v53 =	vadd.f32 v30, v29;
	v54 =	vadd.f32 v32, v31;
	_ =	sdelay $0x1  }
0xa4: {  	v25 =	vadd.f32 v52, v25;
	v55 =	vadd.f32 v54, v53;
	_ =	sdelay $0x1  }
0xa5: {  	v25 =	vadd.f32 v55, v25;
	_ =	sdelay $0x1  }
0xa6: {  	[tilespmem:$0x150D0] =	vst v25  }
0xa7: {  	v25 =	vld [tilespmem:s30+$0xFFFFFF00]  }
0xa8: {  	v56 =	vld [tilespmem:s30+$0xFFFFFF10]  }
0xa9: {  	v57 =	vld [tilespmem:s30+$0xFFFFFF20]  }
0xaa: {  	v58 =	vld [tilespmem:s30+$0xFFFFFF30]  }
0xab: {  	v59 =	vld [tilespmem:s30+$0xFFFFFF40]  }
0xac: {  	v60 =	vld [tilespmem:s30+$0xFFFFFF50]  }
0xad: {  	v61 =	vld [tilespmem:s30+$0xFFFFFF60]  }
0xae: {  	v62 =	vld [tilespmem:s30+$0xFFFFFF70];
	_ =	sdelay $0x1  }
0xaf: {  	v25 =	vmul.f32 v25, v17;
	v26 =	vmul.f32 v56, v18  }
0xb0: {  	v27 =	vmul.f32 v57, v19;
	v28 =	vmul.f32 v58, v20  }
0xb1: {  	v29 =	vmul.f32 v59, v21;
	v30 =	vmul.f32 v60, v22  }
0xb2: {  	v31 =	vmul.f32 v61, v23;
	v32 =	vmul.f32 v62, v24  }
0xb3: {  	v25 =	vadd.f32 v26, v25;
	v63 =	vadd.f32 v28, v27  }
0xb4: {  	v33 =	vadd.f32 v30, v29;
	v34 =	vadd.f32 v32, v31;
	_ =	sdelay $0x1  }
0xb5: {  	v25 =	vadd.f32 v63, v25;
	v35 =	vadd.f32 v34, v33;
	_ =	sdelay $0x1  }
0xb6: {  	v25 =	vadd.f32 v35, v25;
	_ =	sdelay $0x1  }
0xb7: {  	[tilespmem:$0x150E0] =	vst v25  }
0xb8: {  	v25 =	vld [tilespmem:s30+$0xFFFFFF80]  }
0xb9: {  	v36 =	vld [tilespmem:s30+$0xFFFFFF90]  }
0xba: {  	v37 =	vld [tilespmem:s30+$0xFFFFFFA0]  }
0xbb: {  	v38 =	vld [tilespmem:s30+$0xFFFFFFB0]  }
0xbc: {  	v39 =	vld [tilespmem:s30+$0xFFFFFFC0]  }
0xbd: {  	v40 =	vld [tilespmem:s30+$0xFFFFFFD0]  }
0xbe: {  	v41 =	vld [tilespmem:s30+$0xFFFFFFE0]  }
0xbf: {  	v42 =	vld [tilespmem:s30+$0xFFFFFFF0];
	_ =	sdelay $0x1  }
0xc0: {  	v25 =	vmul.f32 v25, v17;
	v26 =	vmul.f32 v36, v18  }
0xc1: {  	v27 =	vmul.f32 v37, v19;
	v28 =	vmul.f32 v38, v20  }
0xc2: {  	v29 =	vmul.f32 v39, v21;
	v30 =	vmul.f32 v40, v22  }
0xc3: {  	v31 =	vmul.f32 v41, v23;
	v32 =	vmul.f32 v42, v24  }
0xc4: {  	v25 =	vadd.f32 v26, v25;
	v43 =	vadd.f32 v28, v27  }
0xc5: {  	v44 =	vadd.f32 v30, v29;
	v45 =	vadd.f32 v32, v31;
	_ =	sdelay $0x1  }
0xc6: {  	v25 =	vadd.f32 v43, v25;
	v46 =	vadd.f32 v45, v44;
	_ =	sdelay $0x1  }
0xc7: {  	v25 =	vadd.f32 v46, v25;
	_ =	sdelay $0x1  }
0xc8: {  	[tilespmem:$0x150F0] =	vst v25  }
0xc9: {  	v25 =	vld [tilespmem:s30+$0x0]  }
0xca: {  	v47 =	vld [tilespmem:s30+$0x10]  }
0xcb: {  	v48 =	vld [tilespmem:s30+$0x20]  }
0xcc: {  	v49 =	vld [tilespmem:s30+$0x30]  }
0xcd: {  	v50 =	vld [tilespmem:s30+$0x40]  }
0xce: {  	v51 =	vld [tilespmem:s30+$0x50]  }
0xcf: {  	v52 =	vld [tilespmem:s30+$0x60]  }
0xd0: {  	v53 =	vld [tilespmem:s30+$0x70];
	_ =	sdelay $0x1  }
0xd1: {  	v25 =	vmul.f32 v25, v17;
	v26 =	vmul.f32 v47, v18  }
0xd2: {  	v27 =	vmul.f32 v48, v19;
	v28 =	vmul.f32 v49, v20  }
0xd3: {  	v29 =	vmul.f32 v50, v21;
	v30 =	vmul.f32 v51, v22  }
0xd4: {  	v31 =	vmul.f32 v52, v23;
	v32 =	vmul.f32 v53, v24  }
0xd5: {  	v25 =	vadd.f32 v26, v25;
	v54 =	vadd.f32 v28, v27  }
0xd6: {  	v55 =	vadd.f32 v30, v29;
	v56 =	vadd.f32 v32, v31;
	_ =	sdelay $0x1  }
0xd7: {  	v25 =	vadd.f32 v54, v25;
	v57 =	vadd.f32 v56, v55;
	_ =	sdelay $0x1  }
0xd8: {  	v25 =	vadd.f32 v57, v25;
	_ =	sdelay $0x1  }
0xd9: {  	[tilespmem:$0x15100] =	vst v25  }
0xda: {  	v25 =	vld [tilespmem:s30+$0x80]  }
0xdb: {  	v58 =	vld [tilespmem:s30+$0x90]  }
0xdc: {  	v59 =	vld [tilespmem:s30+$0xA0]  }
0xdd: {  	v60 =	vld [tilespmem:s30+$0xB0]  }
0xde: {  	v61 =	vld [tilespmem:s30+$0xC0]  }
0xdf: {  	v62 =	vld [tilespmem:s30+$0xD0]  }
0xe0: {  	v63 =	vld [tilespmem:s30+$0xE0]  }
0xe1: {  	v36 =	vld [tilespmem:s30+$0xF0];
	_ =	sdelay $0x1  }
0xe2: {  	v25 =	vmul.f32 v25, v17;
	v26 =	vmul.f32 v58, v18  }
0xe3: {  	v27 =	vmul.f32 v59, v19;
	v28 =	vmul.f32 v60, v20  }
0xe4: {  	v29 =	vmul.f32 v61, v21;
	v30 =	vmul.f32 v62, v22  }
0xe5: {  	v31 =	vmul.f32 v63, v23;
	v32 =	vmul.f32 v36, v24  }
0xe6: {  	v25 =	vadd.f32 v26, v25;
	v37 =	vadd.f32 v28, v27  }
0xe7: {  	v38 =	vadd.f32 v30, v29;
	v39 =	vadd.f32 v32, v31;
	_ =	sdelay $0x1  }
0xe8: {  	v25 =	vadd.f32 v37, v25;
	v40 =	vadd.f32 v39, v38;
	_ =	sdelay $0x1  }
0xe9: {  	v25 =	vadd.f32 v40, v25;
	_ =	sdelay $0x1  }
0xea: {  	[tilespmem:$0x15110] =	vst v25  }
0xeb: {  	v25 =	vld [tilespmem:s30+$0x100]  }
0xec: {  	v41 =	vld [tilespmem:s30+$0x110]  }
0xed: {  	v42 =	vld [tilespmem:s30+$0x120]  }
0xee: {  	v43 =	vld [tilespmem:s30+$0x130]  }
0xef: {  	v44 =	vld [tilespmem:s30+$0x140]  }
0xf0: {  	v45 =	vld [tilespmem:s30+$0x150]  }
0xf1: {  	v46 =	vld [tilespmem:s30+$0x160]  }
0xf2: {  	v47 =	vld [tilespmem:s30+$0x170];
	_ =	sdelay $0x1  }
0xf3: {  	v25 =	vmul.f32 v25, v17;
	v26 =	vmul.f32 v41, v18  }
0xf4: {  	v27 =	vmul.f32 v42, v19;
	v28 =	vmul.f32 v43, v20  }
0xf5: {  	v29 =	vmul.f32 v44, v21;
	v30 =	vmul.f32 v45, v22  }
0xf6: {  	v31 =	vmul.f32 v46, v23;
	v32 =	vmul.f32 v47, v24  }
0xf7: {  	v25 =	vadd.f32 v26, v25;
	v48 =	vadd.f32 v28, v27  }
0xf8: {  	v49 =	vadd.f32 v30, v29;
	v50 =	vadd.f32 v32, v31;
	_ =	sdelay $0x1  }
0xf9: {  	v25 =	vadd.f32 v48, v25;
	v51 =	vadd.f32 v50, v49;
	_ =	sdelay $0x1  }
0xfa: {  	v25 =	vadd.f32 v51, v25;
	_ =	sdelay $0x1  }
0xfb: {  	[tilespmem:$0x15120] =	vst v25  }
0xfc: {  	v25 =	vld [tilespmem:s30+$0x180]  }
0xfd: {  	v52 =	vld [tilespmem:s30+$0x190]  }
0xfe: {  	v53 =	vld [tilespmem:s30+$0x1A0]  }
0xff: {  	v54 =	vld [tilespmem:s30+$0x1B0]  }
0x100: {  	v55 =	vld [tilespmem:s30+$0x1C0]  }
0x101: {  	v56 =	vld [tilespmem:s30+$0x1D0]  }
0x102: {  	v57 =	vld [tilespmem:s30+$0x1E0]  }
0x103: {  	v58 =	vld [tilespmem:s30+$0x1F0];
	_ =	sdelay $0x1  }
0x104: {  	v25 =	vmul.f32 v25, v17;
	v26 =	vmul.f32 v52, v18  }
0x105: {  	v27 =	vmul.f32 v53, v19;
	v28 =	vmul.f32 v54, v20  }
0x106: {  	v29 =	vmul.f32 v55, v21;
	v30 =	vmul.f32 v56, v22  }
0x107: {  	v31 =	vmul.f32 v57, v23;
	v32 =	vmul.f32 v58, v24  }
0x108: {  	v25 =	vadd.f32 v26, v25;
	v59 =	vadd.f32 v28, v27  }
0x109: {  	v60 =	vadd.f32 v30, v29;
	v61 =	vadd.f32 v32, v31;
	_ =	sdelay $0x1  }
0x10a: {  	v25 =	vadd.f32 v59, v25;
	v62 =	vadd.f32 v61, v60;
	_ =	sdelay $0x1  }
0x10b: {  	v25 =	vadd.f32 v62, v25;
	_ =	sdelay $0x1  }
0x10c: {  	[tilespmem:$0x15130] =	vst v25  }
0x10d: {  	v25 =	vld [tilespmem:s30+$0x200]  }
0x10e: {  	v63 =	vld [tilespmem:s30+$0x210]  }
0x10f: {  	v36 =	vld [tilespmem:s30+$0x220]  }
0x110: {  	v37 =	vld [tilespmem:s30+$0x230]  }
0x111: {  	v38 =	vld [tilespmem:s30+$0x240]  }
0x112: {  	v39 =	vld [tilespmem:s30+$0x250]  }
0x113: {  	v40 =	vld [tilespmem:s30+$0x260]  }
0x114: {  	v41 =	vld [tilespmem:s30+$0x270];
	_ =	sdelay $0x1  }
0x115: {  	v25 =	vmul.f32 v25, v17;
	v26 =	vmul.f32 v63, v18  }
0x116: {  	v27 =	vmul.f32 v36, v19;
	v28 =	vmul.f32 v37, v20  }
0x117: {  	v29 =	vmul.f32 v38, v21;
	v30 =	vmul.f32 v39, v22  }
0x118: {  	v31 =	vmul.f32 v40, v23;
	v32 =	vmul.f32 v41, v24  }
0x119: {  	v25 =	vadd.f32 v26, v25;
	v42 =	vadd.f32 v28, v27  }
0x11a: {  	v43 =	vadd.f32 v30, v29;
	v44 =	vadd.f32 v32, v31;
	_ =	sdelay $0x1  }
0x11b: {  	v25 =	vadd.f32 v42, v25;
	v45 =	vadd.f32 v44, v43;
	_ =	sdelay $0x1  }
0x11c: {  	v25 =	vadd.f32 v45, v25;
	_ =	sdelay $0x1  }
0x11d: {  	[tilespmem:$0x15140] =	vst v25  }
0x11e: {  	v25 =	vld [tilespmem:s30+$0x280]  }
0x11f: {  	v46 =	vld [tilespmem:s30+$0x290]  }
0x120: {  	v47 =	vld [tilespmem:s30+$0x2A0]  }
0x121: {  	v48 =	vld [tilespmem:s30+$0x2B0]  }
0x122: {  	v49 =	vld [tilespmem:s30+$0x2C0]  }
0x123: {  	v50 =	vld [tilespmem:s30+$0x2D0]  }
0x124: {  	v51 =	vld [tilespmem:s30+$0x2E0]  }
0x125: {  	v52 =	vld [tilespmem:s30+$0x2F0];
	_ =	sdelay $0x1  }
0x126: {  	v25 =	vmul.f32 v25, v17;
	v26 =	vmul.f32 v46, v18  }
0x127: {  	v27 =	vmul.f32 v47, v19;
	v28 =	vmul.f32 v48, v20  }
0x128: {  	v29 =	vmul.f32 v49, v21;
	v30 =	vmul.f32 v50, v22  }
0x129: {  	v31 =	vmul.f32 v51, v23;
	v32 =	vmul.f32 v52, v24  }
0x12a: {  	v25 =	vadd.f32 v26, v25;
	v53 =	vadd.f32 v28, v27  }
0x12b: {  	v54 =	vadd.f32 v30, v29;
	v55 =	vadd.f32 v32, v31;
	_ =	sdelay $0x1  }
0x12c: {  	v25 =	vadd.f32 v53, v25;
	v56 =	vadd.f32 v55, v54;
	_ =	sdelay $0x1  }
0x12d: {  	v25 =	vadd.f32 v56, v25;
	_ =	sdelay $0x1  }
0x12e: {  	[tilespmem:$0x15150] =	vst v25  }
0x12f: {  	v25 =	vld [tilespmem:s30+$0x300]  }
0x130: {  	v57 =	vld [tilespmem:s30+$0x310]  }
0x131: {  	v58 =	vld [tilespmem:s30+$0x320]  }
0x132: {  	v59 =	vld [tilespmem:s30+$0x330]  }
0x133: {  	v60 =	vld [tilespmem:s30+$0x340]  }
0x134: {  	v61 =	vld [tilespmem:s30+$0x350]  }
0x135: {  	v62 =	vld [tilespmem:s30+$0x360]  }
0x136: {  	v63 =	vld [tilespmem:s30+$0x370];
	_ =	sdelay $0x1  }
0x137: {  	v25 =	vmul.f32 v25, v17;
	v26 =	vmul.f32 v57, v18  }
0x138: {  	v27 =	vmul.f32 v58, v19;
	v28 =	vmul.f32 v59, v20  }
0x139: {  	v29 =	vmul.f32 v60, v21;
	v30 =	vmul.f32 v61, v22  }
0x13a: {  	v31 =	vmul.f32 v62, v23;
	v32 =	vmul.f32 v63, v24  }
0x13b: {  	v25 =	vadd.f32 v26, v25;
	v33 =	vadd.f32 v28, v27  }
0x13c: {  	v34 =	vadd.f32 v30, v29;
	v35 =	vadd.f32 v32, v31;
	_ =	sdelay $0x1  }
0x13d: {  	v25 =	vadd.f32 v33, v25;
	v36 =	vadd.f32 v35, v34;
	_ =	sdelay $0x1  }
0x13e: {  	v25 =	vadd.f32 v36, v25;
	_ =	sdelay $0x1  }
0x13f: {  	[tilespmem:$0x15160] =	vst v25  }
0x140: {  	v25 =	vld [tilespmem:s30+$0x380]  }
0x141: {  	v37 =	vld [tilespmem:s30+$0x390]  }
0x142: {  	v38 =	vld [tilespmem:s30+$0x3A0]  }
0x143: {  	v39 =	vld [tilespmem:s30+$0x3B0]  }
0x144: {  	v40 =	vld [tilespmem:s30+$0x3C0]  }
0x145: {  	v41 =	vld [tilespmem:s30+$0x3D0]  }
0x146: {  	v42 =	vld [tilespmem:s30+$0x3E0]  }
0x147: {  	v43 =	vld [tilespmem:s30+$0x3F0];
	_ =	sdelay $0x1  }
0x148: {  	v17 =	vmul.f32 v25, v17;
	v18 =	vmul.f32 v37, v18  }
0x149: {  	v19 =	vmul.f32 v38, v19;
	v20 =	vmul.f32 v39, v20  }
0x14a: {  	v21 =	vmul.f32 v40, v21;
	v22 =	vmul.f32 v41, v22  }
0x14b: {  	v23 =	vmul.f32 v42, v23;
	v24 =	vmul.f32 v43, v24  }
0x14c: {  	v17 =	vadd.f32 v18, v17;
	v18 =	vadd.f32 v20, v19  }
0x14d: {  	v19 =	vadd.f32 v22, v21;
	v44 =	vadd.f32 v24, v23;
	_ =	sdelay $0x1  }
0x14e: {  	v17 =	vadd.f32 v18, v17;
	v18 =	vadd.f32 v44, v19;
	_ =	sdelay $0x1  }
0x14f: {  	v17 =	vadd.f32 v18, v17;
	_ =	sdelay $0x1  }
0x150: {  	[tilespmem:$0x15170] =	vst v17  }
0x151: {  	v17 =	vld.idx.msk [tilespmem:v0+s21+$0x0], $0xffff  }
0x152: {  	v18 =	vld.idx.msk [tilespmem:v1+s21+$0x0], $0xffff  }
0x153: {  	v19 =	vld.idx.msk [tilespmem:v2+s21+$0x0], $0xffff  }
0x154: {  	v45 =	vld.idx.msk [tilespmem:v3+s21+$0x0], $0xffff  }
0x155: {  	v46 =	vld.idx.msk [tilespmem:v4+s21+$0x0], $0xffff  }
0x156: {  	v47 =	vld.idx.msk [tilespmem:v5+s21+$0x0], $0xffff  }
0x157: {  	v48 =	vld.idx.msk [tilespmem:v6+s21+$0x0], $0xffff  }
0x158: {  	v49 =	vld.idx.msk [tilespmem:v7+s21+$0x0], $0xffff  }
0x159: {  	v50 =	vld.idx.msk [tilespmem:v8+s21+$0x0], $0xffff  }
0x15a: {  	v51 =	vld.idx.msk [tilespmem:v9+s21+$0x0], $0xffff  }
0x15b: {  	v52 =	vld.idx.msk [tilespmem:v10+s21+$0x0], $0xffff  }
0x15c: {  	v53 =	vld.idx.msk [tilespmem:v11+s21+$0x0], $0xffff  }
0x15d: {  	v54 =	vld.idx.msk [tilespmem:v12+s21+$0x0], $0xffff  }
0x15e: {  	v55 =	vld.idx.msk [tilespmem:v13+s21+$0x0], $0xffff  }
0x15f: {  	v56 =	vld.idx.msk [tilespmem:v14+s21+$0x0], $0xffff  }
0x160: {  	v57 =	vld.idx.msk [tilespmem:v15+s21+$0x0], $0xffff;
	_ =	sdelay $0x1  }
0x161: {  	v17 =	vadd.f32 v18, v17;
	v18 =	vadd.f32 v45, v19  }
0x162: {  	v19 =	vadd.f32 v47, v46;
	v58 =	vadd.f32 v49, v48  }
0x163: {  	v59 =	vadd.f32 v51, v50;
	v60 =	vadd.f32 v53, v52  }
0x164: {  	v61 =	vadd.f32 v55, v54;
	v62 =	vadd.f32 v57, v56  }
0x165: {  	v17 =	vadd.f32 v18, v17;
	v18 =	vadd.f32 v58, v19  }
0x166: {  	v19 =	vadd.f32 v60, v59;
	v63 =	vadd.f32 v62, v61  }
0x167: {  	p0 =	sne.s32 s0, $0x3C0  }
.Ltmp3:
0x168: {  	v17 =	vadd.f32 v18, v17;
	v18 =	vadd.f32 v63, v19;
	(pc) =	sbr.rel @p0 .LBB2_5-.Ltmp3, $4  }
0x169: {  	_ = 	snop  }
0x16a: {  	v17 =	vadd.f32 v18, v17  }
0x16b: {  	s29 =	sshra.s32 s0, $0x2  }
0x16c: {  	s31 =	sadd.s32 $0x80, s31;
	s0 =	sadd.s32 $0x40, s0;
	s30 =	sadd.s32 $0x800, s30;
	[tilespmem:s29+$0x15180] =	vst v17  }
0x16d: {  	_ =	sdelay $0x3  }
0x16e: {  	v17 =	vld.idx.msk [tilespmem:v0+s22+$0x0], $0xffff  }
0x16f: {  	v18 =	vld.idx.msk [tilespmem:v1+s22+$0x0], $0xffff  }
0x170: {  	v19 =	vld.idx.msk [tilespmem:v2+s22+$0x0], $0xffff  }
0x171: {  	v20 =	vld.idx.msk [tilespmem:v3+s22+$0x0], $0xffff  }
0x172: {  	v21 =	vld.idx.msk [tilespmem:v4+s22+$0x0], $0xffff  }
0x173: {  	v22 =	vld.idx.msk [tilespmem:v5+s22+$0x0], $0xffff  }
0x174: {  	v23 =	vld.idx.msk [tilespmem:v6+s22+$0x0], $0xffff  }
0x175: {  	v24 =	vld.idx.msk [tilespmem:v7+s22+$0x0], $0xffff  }
0x176: {  	v25 =	vld.idx.msk [tilespmem:v8+s22+$0x0], $0xffff  }
0x177: {  	v26 =	vld.idx.msk [tilespmem:v9+s22+$0x0], $0xffff  }
0x178: {  	v27 =	vld.idx.msk [tilespmem:v10+s22+$0x0], $0xffff  }
0x179: {  	v28 =	vld.idx.msk [tilespmem:v11+s22+$0x0], $0xffff  }
0x17a: {  	v29 =	vld.idx.msk [tilespmem:v12+s22+$0x0], $0xffff  }
0x17b: {  	v30 =	vld.idx.msk [tilespmem:v13+s22+$0x0], $0xffff  }
0x17c: {  	v31 =	vld.idx.msk [tilespmem:v14+s22+$0x0], $0xffff  }
0x17d: {  	v32 =	vld.idx.msk [tilespmem:v15+s22+$0x0], $0xffff;
	_ =	sdelay $0x2  }
0x17e: {  	v33 =	vmax.f32 v17, v18;
	v34 =	vmax.f32 v19, v20;
	v35 =	vmax.f32 v21, v22  }
0x17f: {  	v36 =	vmax.f32 v23, v24;
	v37 =	vmax.f32 v25, v26;
	v38 =	vmax.f32 v27, v28  }
0x180: {  	v39 =	vmax.f32 v29, v30;
	v40 =	vmax.f32 v31, v32;
	v33 =	vmax.f32 v33, v34  }
0x181: {  	v48 =	vmax.f32 v35, v36;
	v49 =	vmax.f32 v37, v38;
	v50 =	vmax.f32 v39, v40  }
0x182: {  	v33 =	vmax.f32 v33, v48;
	v51 =	vmax.f32 v49, v50  }
0x183: {  	v33 =	vmax.f32 v33, v51  }
0x184: {  	v17 =	vsub.f32 v17, v33  }
0x185: {  	v18 =	vsub.f32 v18, v33  }
0x186: {  	v19 =	vsub.f32 v19, v33;
	v52 =	vmul.f32 $1.442695020e+00, v17  }
0x187: {  	v20 =	vsub.f32 v20, v33;
	v53 =	vmul.f32 $1.442695020e+00, v18  }
0x188: {  	v21 =	vsub.f32 v21, v33;
	v54 =	vmul.f32 $1.442695020e+00, v19;
	(erf) = vpow2.f32 v52  }
0x189: {  	v22 =	vsub.f32 v22, v33;
	v55 =	vmul.f32 $1.442695020e+00, v20;
	(erf) = vpow2.f32 v53  }
0x18a: {  	v23 =	vsub.f32 v23, v33;
	v56 =	vmul.f32 $1.442695020e+00, v21;
	(erf) = vpow2.f32 v54  }
0x18b: {  	v24 =	vsub.f32 v24, v33;
	v57 =	vmul.f32 $1.442695020e+00, v22;
	(erf) = vpow2.f32 v55  }
0x18c: {  	v25 =	vsub.f32 v25, v33;
	v58 =	vmul.f32 $1.442695020e+00, v23;
	(erf) = vpow2.f32 v56  }
0x18d: {  	v26 =	vsub.f32 v26, v33;
	v59 =	vmul.f32 $1.442695020e+00, v24;
	(erf) = vpow2.f32 v57  }
0x18e: {  	v27 =	vsub.f32 v27, v33;
	v60 =	vmul.f32 $1.442695020e+00, v25;
	(erf) = vpow2.f32 v58  }
0x18f: {  	v28 =	vsub.f32 v28, v33;
	v61 =	vmul.f32 $1.442695020e+00, v26;
	(erf) = vpow2.f32 v59  }
0x190: {  	v29 =	vsub.f32 v29, v33;
	v62 =	vmul.f32 $1.442695020e+00, v27;
	(erf) = vpow2.f32 v60  }
0x191: {  	v30 =	vsub.f32 v30, v33;
	v48 =	vmul.f32 $1.442695020e+00, v28;
	v63 =	vpop (erf);
	(erf) = vpow2.f32 v61  }
0x192: {  	v31 =	vsub.f32 v31, v33;
	v50 =	vmul.f32 $1.442695020e+00, v29;
	v49 =	vpop (erf);
	(erf) = vpow2.f32 v62  }
0x193: {  	v32 =	vsub.f32 v32, v33;
	v52 =	vmul.f32 $1.442695020e+00, v30;
	v51 =	vpop (erf);
	(erf) = vpow2.f32 v48  }
0x194: {  	v54 =	vmul.f32 $1.442695020e+00, v31;
	v53 =	vpop (erf);
	(erf) = vpow2.f32 v50  }
0x195: {  	v56 =	vmul.f32 $1.442695020e+00, v32;
	v55 =	vpop (erf);
	(erf) = vpow2.f32 v52  }
0x196: {  	v57 =	vpop (erf);
	(erf) = vpow2.f32 v54  }
0x197: {  	v58 =	vpop (erf);
	(erf) = vpow2.f32 v56  }
0x198: {  	v59 =	vpop (erf)  }
0x199: {  	v41 =	vpop (erf)  }
0x19a: {  	v42 =	vpop (erf)  }
0x19b: {  	v43 =	vpop (erf)  }
0x19c: {  	v44 =	vpop (erf)  }
0x19d: {  	v45 =	vpop (erf)  }
0x19e: {  	v36 =	vadd.f32 v49, v63;
	v33 =	vadd.f32 v53, v51;
	v46 =	vpop (erf)  }
0x19f: {  	v61 =	vadd.f32 v57, v55;
	v34 =	vadd.f32 v59, v58;
	v60 =	vpop (erf)  }
0x1a0: {  	v63 =	vadd.f32 v42, v41;
	v44 =	vadd.f32 v44, v43;
	v62 =	vpop (erf)  }
0x1a1: {  	v45 =	vadd.f32 v46, v45;
	v35 =	vadd.f32 v62, v60  }
0x1a2: {  	v33 =	vadd.f32 v33, v36;
	v34 =	vadd.f32 v34, v61  }
0x1a3: {  	v46 =	vadd.f32 v44, v63;
	v35 =	vadd.f32 v35, v45;
	_ =	sdelay $0x1  }
0x1a4: {  	v33 =	vadd.f32 v34, v33;
	v47 =	vadd.f32 v35, v46;
	_ =	sdelay $0x1  }
0x1a5: {  	v33 =	vadd.f32 v47, v33;
	_ =	sdelay $0x1  }
0x1a6: {  	v34 =	vand.u32 $0x7FFFFF, v33  }
0x1a7: {  	v34 =	vor.u32 $0x3F800000, v34  }
0x1a8: {  	v48 =	vmul.f32 $5.000000000e-01, v34  }
0x1a9: {  	vm0 =	vgt.f32 v34, $1.414213540e+00  }
0x1aa: {  	v34 =	vsel vm0, v48, v34  }
0x1ab: {  	v34 =	vadd.f32 $-1.000000000e+00, v34;
	_ =	sdelay $0x1  }
0x1ac: {  	v49 =	vmul.f32 $-1.111111120e-01, v34;
	_ =	sdelay $0x1  }
0x1ad: {  	v35 =	vadd.f32 $1.250000000e-01, v49;
	_ =	sdelay $0x1  }
0x1ae: {  	v35 =	vmul.f32 v35, v34;
	_ =	sdelay $0x1  }
0x1af: {  	v35 =	vsub.f32 $1.428571490e-01, v35;
	_ =	sdelay $0x1  }
0x1b0: {  	v35 =	vmul.f32 v35, v34;
	_ =	sdelay $0x1  }
0x1b1: {  	v35 =	vsub.f32 $1.666666720e-01, v35;
	_ =	sdelay $0x1  }
0x1b2: {  	v35 =	vmul.f32 v35, v34;
	_ =	sdelay $0x1  }
0x1b3: {  	v35 =	vsub.f32 $2.000000030e-01, v35;
	_ =	sdelay $0x1  }
0x1b4: {  	v35 =	vmul.f32 v35, v34;
	_ =	sdelay $0x1  }
0x1b5: {  	v35 =	vsub.f32 $2.500000000e-01, v35;
	_ =	sdelay $0x1  }
0x1b6: {  	v35 =	vmul.f32 v35, v34;
	_ =	sdelay $0x1  }
0x1b7: {  	v35 =	vsub.f32 $3.333333430e-01, v35;
	_ =	sdelay $0x1  }
0x1b8: {  	v35 =	vmul.f32 v35, v34;
	_ =	sdelay $0x1  }
0x1b9: {  	v35 =	vsub.f32 $5.000000000e-01, v35  }
0x1ba: {  	v33 =	vshra.s32 v33, $0x17;
	v50 =	vsel vm0, $0x1, v16  }
0x1bb: {  	v33 =	vadd.s32 v50, v33;
	v35 =	vmul.f32 v35, v34  }
0x1bc: {  	v33 =	vadd.s32 $0xFFFFFF81, v33  }
0x1bd: {  	s0 =	sshll.u32 s26, $0x5;
	v33 =	vcvt.s32.f32 v33;
	v35 =	vsub.f32 $1.000000000e+00, v35  }
0x1be: {  	v51 =	vmov s0  }
0x1bf: {  	v52 =	vshll.u32 v51, $0x4;
	v33 =	vmul.f32 $6.931471820e-01, v33;
	v34 =	vmul.f32 v35, v34  }
0x1c0: {  	v36 =	vor.u32 v0, v52  }
0x1c1: {  	v53 =	vor.u32 $0x1, v36;
	v33 =	vadd.f32 v34, v33  }
0x1c2: {  	v54 =	vor.u32 $0x2, v36  }
0x1c3: {  	v55 =	vor.u32 $0x3, v36;
	v17 =	vsub.f32 v17, v33  }
0x1c4: {  	v35 =	vor.u32 v4, v52;
	v18 =	vsub.f32 v18, v33  }
0x1c5: {  	[tilespmem:v36+s23+$0x0] =	vst.idx.msk $0xffff, v17;
	v17 =	vsub.f32 v19, v33;
	v19 =	vor.u32 $0x5, v36  }
0x1c6: {  	v56 =	vor.u32 $0x6, v36;
	[tilespmem:v53+s23+$0x0] =	vst.idx.msk $0xffff, v18;
	v18 =	vsub.f32 v20, v33  }
0x1c7: {  	v57 =	vor.u32 $0x7, v36;
	[tilespmem:v54+s23+$0x0] =	vst.idx.msk $0xffff, v17;
	v17 =	vsub.f32 v21, v33  }
0x1c8: {  	v58 =	vor.u32 $0x8, v36;
	[tilespmem:v55+s23+$0x0] =	vst.idx.msk $0xffff, v18;
	v18 =	vsub.f32 v22, v33  }
0x1c9: {  	v59 =	vor.u32 $0x9, v36;
	[tilespmem:v35+s23+$0x0] =	vst.idx.msk $0xffff, v17;
	v17 =	vsub.f32 v23, v33  }
0x1ca: {  	[tilespmem:v19+s23+$0x0] =	vst.idx.msk $0xffff, v18;
	v18 =	vsub.f32 v24, v33;
	v19 =	vor.u32 $0xA, v36  }
0x1cb: {  	v60 =	vor.u32 $0xB, v36;
	[tilespmem:v56+s23+$0x0] =	vst.idx.msk $0xffff, v17;
	v17 =	vsub.f32 v25, v33  }
0x1cc: {  	v61 =	vor.u32 $0xC, v36;
	[tilespmem:v57+s23+$0x0] =	vst.idx.msk $0xffff, v18;
	v18 =	vsub.f32 v26, v33  }
0x1cd: {  	v62 =	vor.u32 $0xD, v36;
	[tilespmem:v58+s23+$0x0] =	vst.idx.msk $0xffff, v17;
	v17 =	vsub.f32 v27, v33  }
0x1ce: {  	v63 =	vor.u32 $0xE, v36;
	[tilespmem:v59+s23+$0x0] =	vst.idx.msk $0xffff, v18;
	v18 =	vsub.f32 v28, v33  }
0x1cf: {  	[tilespmem:v19+s23+$0x0] =	vst.idx.msk $0xffff, v17;
	v17 =	vsub.f32 v29, v33;
	v19 =	vor.u32 $0xF, v36  }
0x1d0: {  	[tilespmem:v60+s23+$0x0] =	vst.idx.msk $0xffff, v18;
	v18 =	vsub.f32 v30, v33  }
0x1d1: {  	p0 =	seq.s32 s26, $0x3;
	[tilespmem:v61+s23+$0x0] =	vst.idx.msk $0xffff, v17;
	v17 =	vsub.f32 v31, v33  }
0x1d2: {  	s0 =	sshll.u32 @!p0 s26, $0x9;
	[tilespmem:v62+s23+$0x0] =	vst.idx.msk $0xffff, v18;
	v18 =	vsub.f32 v32, v33  }
0x1d3: {  	s0 =	sand.u32 @!p0 $0x3FFFFE00, s0;
	[tilespmem:v63+s23+$0x0] =	vst.idx.msk $0xffff, v17  }
0x1d4: {  	s30 =	simm.s32 @!p0 $0x80;
	s31 =	simm.s32 @!p0 $0x5080;
	s29 =	sadd.s32 @!p0 $0xA80, s0;
	[tilespmem:v19+s23+$0x0] =	vst.idx.msk $0xffff, v18  }
0x1d5: {  	[tilespmem:s31], [sflag:$0x1] =	stream.indirect.gather @!p0 [hbm4b:s5+s30], $0x80, s29, s30, $0xb8;
	[tilespmem:$0x15A80] =	vst v63  }
0x1d6: {  	s0 =	sadd.s32 @!p0 $0xB00, s0;
	s29 =	simm.s32 @!p0 $0x9080  }
0x1d7: {  	[tilespmem:s29], [sflag:$0x1] =	stream.indirect.gather @!p0 [hbm4b:s5+s30], $0x80, s0, s30, $0xb8;
	[tilespmem:$0x15A80] =	vst v63  }
0x1d8: {  	_ =	swait.ge [sflag:s24], $0x4000  }
0x1d9: {  	[sflag:s24] =	ssyncset.done $0x0  }
0x1da: {  	[sflag:s24] =	ssyncadd.s32 $0xFFFFC000  }
0x1db: {  	_ =	swait.ge [sflag:s24], $0x4000  }
0x1dc: {  	s31 =	simm.s32 $0x0;
	s30 =	sshllo.u32 s26, $0x1;
	[sflag:s24] =	ssyncset.done $0x0  }
0x1dd: {  	s0 =	simm.s32 $0xD480;
	s29 =	smov.u32 s1;
	[sflag:s24] =	ssyncadd.s32 $0xFFFFC000  }
.LBB2_7:
0x1de: {  	v17 =	vld [tilespmem:s29+$0xFFFFFF90]  }
0x1df: {  	v18 =	vld [tilespmem:s29+$0xFFFFFFA0]  }
0x1e0: {  	v19 =	vld [tilespmem:s29+$0xFFFFFFB0]  }
0x1e1: {  	v20 =	vld [tilespmem:s29+$0xFFFFFFC0]  }
0x1e2: {  	v21 =	vld [tilespmem:s29+$0xFFFFFFD0]  }
0x1e3: {  	v22 =	vld [tilespmem:s29+$0xFFFFFFE0]  }
0x1e4: {  	v23 =	vld [tilespmem:s29+$0xFFFFFFF0]  }
0x1e5: {  	v24 =	vld [tilespmem:s29+$0x0]  }
0x1e6: {  	v25 =	vld [tilespmem:s0+$0xFFFFFC00]  }
0x1e7: {  	v26 =	vld [tilespmem:s0+$0xFFFFFC10]  }
0x1e8: {  	v27 =	vld [tilespmem:s0+$0xFFFFFC20]  }
0x1e9: {  	v28 =	vld [tilespmem:s0+$0xFFFFFC30]  }
0x1ea: {  	v29 =	vld [tilespmem:s0+$0xFFFFFC40]  }
0x1eb: {  	v30 =	vld [tilespmem:s0+$0xFFFFFC50]  }
0x1ec: {  	v31 =	vld [tilespmem:s0+$0xFFFFFC60]  }
0x1ed: {  	v32 =	vld [tilespmem:s0+$0xFFFFFC70];
	_ =	sdelay $0x1  }
0x1ee: {  	v25 =	vmul.f32 v25, v17;
	v26 =	vmul.f32 v26, v18  }
0x1ef: {  	v27 =	vmul.f32 v27, v19;
	v28 =	vmul.f32 v28, v20  }
0x1f0: {  	v29 =	vmul.f32 v29, v21;
	v30 =	vmul.f32 v30, v22  }
0x1f1: {  	v31 =	vmul.f32 v31, v23;
	v32 =	vmul.f32 v32, v24  }
0x1f2: {  	v25 =	vadd.f32 v26, v25;
	v53 =	vadd.f32 v28, v27  }
0x1f3: {  	v54 =	vadd.f32 v30, v29;
	v55 =	vadd.f32 v32, v31;
	_ =	sdelay $0x1  }
0x1f4: {  	v25 =	vadd.f32 v53, v25;
	v56 =	vadd.f32 v55, v54;
	_ =	sdelay $0x1  }
0x1f5: {  	v25 =	vadd.f32 v56, v25;
	_ =	sdelay $0x1  }
0x1f6: {  	[tilespmem:$0x15080] =	vst v25  }
0x1f7: {  	v25 =	vld [tilespmem:s0+$0xFFFFFC80]  }
0x1f8: {  	v57 =	vld [tilespmem:s0+$0xFFFFFC90]  }
0x1f9: {  	v58 =	vld [tilespmem:s0+$0xFFFFFCA0]  }
0x1fa: {  	v59 =	vld [tilespmem:s0+$0xFFFFFCB0]  }
0x1fb: {  	v60 =	vld [tilespmem:s0+$0xFFFFFCC0]  }
0x1fc: {  	v61 =	vld [tilespmem:s0+$0xFFFFFCD0]  }
0x1fd: {  	v62 =	vld [tilespmem:s0+$0xFFFFFCE0]  }
0x1fe: {  	v63 =	vld [tilespmem:s0+$0xFFFFFCF0];
	_ =	sdelay $0x1  }
0x1ff: {  	v25 =	vmul.f32 v25, v17;
	v26 =	vmul.f32 v57, v18  }
0x200: {  	v27 =	vmul.f32 v58, v19;
	v28 =	vmul.f32 v59, v20  }
0x201: {  	v29 =	vmul.f32 v60, v21;
	v30 =	vmul.f32 v61, v22  }
0x202: {  	v31 =	vmul.f32 v62, v23;
	v32 =	vmul.f32 v63, v24  }
0x203: {  	v25 =	vadd.f32 v26, v25;
	v36 =	vadd.f32 v28, v27  }
0x204: {  	v37 =	vadd.f32 v30, v29;
	v38 =	vadd.f32 v32, v31;
	_ =	sdelay $0x1  }
0x205: {  	v25 =	vadd.f32 v36, v25;
	v39 =	vadd.f32 v38, v37;
	_ =	sdelay $0x1  }
0x206: {  	v25 =	vadd.f32 v39, v25;
	_ =	sdelay $0x1  }
0x207: {  	[tilespmem:$0x15090] =	vst v25  }
0x208: {  	v25 =	vld [tilespmem:s0+$0xFFFFFD00]  }
0x209: {  	v40 =	vld [tilespmem:s0+$0xFFFFFD10]  }
0x20a: {  	v41 =	vld [tilespmem:s0+$0xFFFFFD20]  }
0x20b: {  	v42 =	vld [tilespmem:s0+$0xFFFFFD30]  }
0x20c: {  	v43 =	vld [tilespmem:s0+$0xFFFFFD40]  }
0x20d: {  	v44 =	vld [tilespmem:s0+$0xFFFFFD50]  }
0x20e: {  	v45 =	vld [tilespmem:s0+$0xFFFFFD60]  }
0x20f: {  	v46 =	vld [tilespmem:s0+$0xFFFFFD70];
	_ =	sdelay $0x1  }
0x210: {  	v25 =	vmul.f32 v25, v17;
	v26 =	vmul.f32 v40, v18  }
0x211: {  	v27 =	vmul.f32 v41, v19;
	v28 =	vmul.f32 v42, v20  }
0x212: {  	v29 =	vmul.f32 v43, v21;
	v30 =	vmul.f32 v44, v22  }
0x213: {  	v31 =	vmul.f32 v45, v23;
	v32 =	vmul.f32 v46, v24  }
0x214: {  	v25 =	vadd.f32 v26, v25;
	v47 =	vadd.f32 v28, v27  }
0x215: {  	v48 =	vadd.f32 v30, v29;
	v49 =	vadd.f32 v32, v31;
	_ =	sdelay $0x1  }
0x216: {  	v25 =	vadd.f32 v47, v25;
	v50 =	vadd.f32 v49, v48;
	_ =	sdelay $0x1  }
0x217: {  	v25 =	vadd.f32 v50, v25;
	_ =	sdelay $0x1  }
0x218: {  	[tilespmem:$0x150A0] =	vst v25  }
0x219: {  	v25 =	vld [tilespmem:s0+$0xFFFFFD80]  }
0x21a: {  	v51 =	vld [tilespmem:s0+$0xFFFFFD90]  }
0x21b: {  	v52 =	vld [tilespmem:s0+$0xFFFFFDA0]  }
0x21c: {  	v53 =	vld [tilespmem:s0+$0xFFFFFDB0]  }
0x21d: {  	v54 =	vld [tilespmem:s0+$0xFFFFFDC0]  }
0x21e: {  	v55 =	vld [tilespmem:s0+$0xFFFFFDD0]  }
0x21f: {  	v56 =	vld [tilespmem:s0+$0xFFFFFDE0]  }
0x220: {  	v57 =	vld [tilespmem:s0+$0xFFFFFDF0];
	_ =	sdelay $0x1  }
0x221: {  	v25 =	vmul.f32 v25, v17;
	v26 =	vmul.f32 v51, v18  }
0x222: {  	v27 =	vmul.f32 v52, v19;
	v28 =	vmul.f32 v53, v20  }
0x223: {  	v29 =	vmul.f32 v54, v21;
	v30 =	vmul.f32 v55, v22  }
0x224: {  	v31 =	vmul.f32 v56, v23;
	v32 =	vmul.f32 v57, v24  }
0x225: {  	v25 =	vadd.f32 v26, v25;
	v58 =	vadd.f32 v28, v27  }
0x226: {  	v59 =	vadd.f32 v30, v29;
	v60 =	vadd.f32 v32, v31;
	_ =	sdelay $0x1  }
0x227: {  	v25 =	vadd.f32 v58, v25;
	v61 =	vadd.f32 v60, v59;
	_ =	sdelay $0x1  }
0x228: {  	v25 =	vadd.f32 v61, v25;
	_ =	sdelay $0x1  }
0x229: {  	[tilespmem:$0x150B0] =	vst v25  }
0x22a: {  	v25 =	vld [tilespmem:s0+$0xFFFFFE00]  }
0x22b: {  	v62 =	vld [tilespmem:s0+$0xFFFFFE10]  }
0x22c: {  	v63 =	vld [tilespmem:s0+$0xFFFFFE20]  }
0x22d: {  	v36 =	vld [tilespmem:s0+$0xFFFFFE30]  }
0x22e: {  	v37 =	vld [tilespmem:s0+$0xFFFFFE40]  }
0x22f: {  	v38 =	vld [tilespmem:s0+$0xFFFFFE50]  }
0x230: {  	v39 =	vld [tilespmem:s0+$0xFFFFFE60]  }
0x231: {  	v40 =	vld [tilespmem:s0+$0xFFFFFE70];
	_ =	sdelay $0x1  }
0x232: {  	v25 =	vmul.f32 v25, v17;
	v26 =	vmul.f32 v62, v18  }
0x233: {  	v27 =	vmul.f32 v63, v19;
	v28 =	vmul.f32 v36, v20  }
0x234: {  	v29 =	vmul.f32 v37, v21;
	v30 =	vmul.f32 v38, v22  }
0x235: {  	v31 =	vmul.f32 v39, v23;
	v32 =	vmul.f32 v40, v24  }
0x236: {  	v25 =	vadd.f32 v26, v25;
	v41 =	vadd.f32 v28, v27  }
0x237: {  	v42 =	vadd.f32 v30, v29;
	v43 =	vadd.f32 v32, v31;
	_ =	sdelay $0x1  }
0x238: {  	v25 =	vadd.f32 v41, v25;
	v44 =	vadd.f32 v43, v42;
	_ =	sdelay $0x1  }
0x239: {  	v25 =	vadd.f32 v44, v25;
	_ =	sdelay $0x1  }
0x23a: {  	[tilespmem:$0x150C0] =	vst v25  }
0x23b: {  	v25 =	vld [tilespmem:s0+$0xFFFFFE80]  }
0x23c: {  	v45 =	vld [tilespmem:s0+$0xFFFFFE90]  }
0x23d: {  	v46 =	vld [tilespmem:s0+$0xFFFFFEA0]  }
0x23e: {  	v47 =	vld [tilespmem:s0+$0xFFFFFEB0]  }
0x23f: {  	v48 =	vld [tilespmem:s0+$0xFFFFFEC0]  }
0x240: {  	v49 =	vld [tilespmem:s0+$0xFFFFFED0]  }
0x241: {  	v50 =	vld [tilespmem:s0+$0xFFFFFEE0]  }
0x242: {  	v51 =	vld [tilespmem:s0+$0xFFFFFEF0];
	_ =	sdelay $0x1  }
0x243: {  	v25 =	vmul.f32 v25, v17;
	v26 =	vmul.f32 v45, v18  }
0x244: {  	v27 =	vmul.f32 v46, v19;
	v28 =	vmul.f32 v47, v20  }
0x245: {  	v29 =	vmul.f32 v48, v21;
	v30 =	vmul.f32 v49, v22  }
0x246: {  	v31 =	vmul.f32 v50, v23;
	v32 =	vmul.f32 v51, v24  }
0x247: {  	v25 =	vadd.f32 v26, v25;
	v52 =	vadd.f32 v28, v27  }
0x248: {  	v53 =	vadd.f32 v30, v29;
	v54 =	vadd.f32 v32, v31;
	_ =	sdelay $0x1  }
0x249: {  	v25 =	vadd.f32 v52, v25;
	v55 =	vadd.f32 v54, v53;
	_ =	sdelay $0x1  }
0x24a: {  	v25 =	vadd.f32 v55, v25;
	_ =	sdelay $0x1  }
0x24b: {  	[tilespmem:$0x150D0] =	vst v25  }
0x24c: {  	v25 =	vld [tilespmem:s0+$0xFFFFFF00]  }
0x24d: {  	v56 =	vld [tilespmem:s0+$0xFFFFFF10]  }
0x24e: {  	v57 =	vld [tilespmem:s0+$0xFFFFFF20]  }
0x24f: {  	v58 =	vld [tilespmem:s0+$0xFFFFFF30]  }
0x250: {  	v59 =	vld [tilespmem:s0+$0xFFFFFF40]  }
0x251: {  	v60 =	vld [tilespmem:s0+$0xFFFFFF50]  }
0x252: {  	v61 =	vld [tilespmem:s0+$0xFFFFFF60]  }
0x253: {  	v62 =	vld [tilespmem:s0+$0xFFFFFF70];
	_ =	sdelay $0x1  }
0x254: {  	v25 =	vmul.f32 v25, v17;
	v26 =	vmul.f32 v56, v18  }
0x255: {  	v27 =	vmul.f32 v57, v19;
	v28 =	vmul.f32 v58, v20  }
0x256: {  	v29 =	vmul.f32 v59, v21;
	v30 =	vmul.f32 v60, v22  }
0x257: {  	v31 =	vmul.f32 v61, v23;
	v32 =	vmul.f32 v62, v24  }
0x258: {  	v25 =	vadd.f32 v26, v25;
	v63 =	vadd.f32 v28, v27  }
0x259: {  	v33 =	vadd.f32 v30, v29;
	v34 =	vadd.f32 v32, v31;
	_ =	sdelay $0x1  }
0x25a: {  	v25 =	vadd.f32 v63, v25;
	v35 =	vadd.f32 v34, v33;
	_ =	sdelay $0x1  }
0x25b: {  	v25 =	vadd.f32 v35, v25;
	_ =	sdelay $0x1  }
0x25c: {  	[tilespmem:$0x150E0] =	vst v25  }
0x25d: {  	v25 =	vld [tilespmem:s0+$0xFFFFFF80]  }
0x25e: {  	v36 =	vld [tilespmem:s0+$0xFFFFFF90]  }
0x25f: {  	v37 =	vld [tilespmem:s0+$0xFFFFFFA0]  }
0x260: {  	v38 =	vld [tilespmem:s0+$0xFFFFFFB0]  }
0x261: {  	v39 =	vld [tilespmem:s0+$0xFFFFFFC0]  }
0x262: {  	v40 =	vld [tilespmem:s0+$0xFFFFFFD0]  }
0x263: {  	v41 =	vld [tilespmem:s0+$0xFFFFFFE0]  }
0x264: {  	v42 =	vld [tilespmem:s0+$0xFFFFFFF0];
	_ =	sdelay $0x1  }
0x265: {  	v25 =	vmul.f32 v25, v17;
	v26 =	vmul.f32 v36, v18  }
0x266: {  	v27 =	vmul.f32 v37, v19;
	v28 =	vmul.f32 v38, v20  }
0x267: {  	v29 =	vmul.f32 v39, v21;
	v30 =	vmul.f32 v40, v22  }
0x268: {  	v31 =	vmul.f32 v41, v23;
	v32 =	vmul.f32 v42, v24  }
0x269: {  	v25 =	vadd.f32 v26, v25;
	v43 =	vadd.f32 v28, v27  }
0x26a: {  	v44 =	vadd.f32 v30, v29;
	v45 =	vadd.f32 v32, v31;
	_ =	sdelay $0x1  }
0x26b: {  	v25 =	vadd.f32 v43, v25;
	v46 =	vadd.f32 v45, v44;
	_ =	sdelay $0x1  }
0x26c: {  	v25 =	vadd.f32 v46, v25;
	_ =	sdelay $0x1  }
0x26d: {  	[tilespmem:$0x150F0] =	vst v25  }
0x26e: {  	v25 =	vld [tilespmem:s0+$0x0]  }
0x26f: {  	v47 =	vld [tilespmem:s0+$0x10]  }
0x270: {  	v48 =	vld [tilespmem:s0+$0x20]  }
0x271: {  	v49 =	vld [tilespmem:s0+$0x30]  }
0x272: {  	v50 =	vld [tilespmem:s0+$0x40]  }
0x273: {  	v51 =	vld [tilespmem:s0+$0x50]  }
0x274: {  	v52 =	vld [tilespmem:s0+$0x60]  }
0x275: {  	v53 =	vld [tilespmem:s0+$0x70];
	_ =	sdelay $0x1  }
0x276: {  	v25 =	vmul.f32 v25, v17;
	v26 =	vmul.f32 v47, v18  }
0x277: {  	v27 =	vmul.f32 v48, v19;
	v28 =	vmul.f32 v49, v20  }
0x278: {  	v29 =	vmul.f32 v50, v21;
	v30 =	vmul.f32 v51, v22  }
0x279: {  	v31 =	vmul.f32 v52, v23;
	v32 =	vmul.f32 v53, v24  }
0x27a: {  	v25 =	vadd.f32 v26, v25;
	v54 =	vadd.f32 v28, v27  }
0x27b: {  	v55 =	vadd.f32 v30, v29;
	v56 =	vadd.f32 v32, v31;
	_ =	sdelay $0x1  }
0x27c: {  	v25 =	vadd.f32 v54, v25;
	v57 =	vadd.f32 v56, v55;
	_ =	sdelay $0x1  }
0x27d: {  	v25 =	vadd.f32 v57, v25;
	_ =	sdelay $0x1  }
0x27e: {  	[tilespmem:$0x15100] =	vst v25  }
0x27f: {  	v25 =	vld [tilespmem:s0+$0x80]  }
0x280: {  	v58 =	vld [tilespmem:s0+$0x90]  }
0x281: {  	v59 =	vld [tilespmem:s0+$0xA0]  }
0x282: {  	v60 =	vld [tilespmem:s0+$0xB0]  }
0x283: {  	v61 =	vld [tilespmem:s0+$0xC0]  }
0x284: {  	v62 =	vld [tilespmem:s0+$0xD0]  }
0x285: {  	v63 =	vld [tilespmem:s0+$0xE0]  }
0x286: {  	v36 =	vld [tilespmem:s0+$0xF0];
	_ =	sdelay $0x1  }
0x287: {  	v25 =	vmul.f32 v25, v17;
	v26 =	vmul.f32 v58, v18  }
0x288: {  	v27 =	vmul.f32 v59, v19;
	v28 =	vmul.f32 v60, v20  }
0x289: {  	v29 =	vmul.f32 v61, v21;
	v30 =	vmul.f32 v62, v22  }
0x28a: {  	v31 =	vmul.f32 v63, v23;
	v32 =	vmul.f32 v36, v24  }
0x28b: {  	v25 =	vadd.f32 v26, v25;
	v37 =	vadd.f32 v28, v27  }
0x28c: {  	v38 =	vadd.f32 v30, v29;
	v39 =	vadd.f32 v32, v31;
	_ =	sdelay $0x1  }
0x28d: {  	v25 =	vadd.f32 v37, v25;
	v40 =	vadd.f32 v39, v38;
	_ =	sdelay $0x1  }
0x28e: {  	v25 =	vadd.f32 v40, v25;
	_ =	sdelay $0x1  }
0x28f: {  	[tilespmem:$0x15110] =	vst v25  }
0x290: {  	v25 =	vld [tilespmem:s0+$0x100]  }
0x291: {  	v41 =	vld [tilespmem:s0+$0x110]  }
0x292: {  	v42 =	vld [tilespmem:s0+$0x120]  }
0x293: {  	v43 =	vld [tilespmem:s0+$0x130]  }
0x294: {  	v44 =	vld [tilespmem:s0+$0x140]  }
0x295: {  	v45 =	vld [tilespmem:s0+$0x150]  }
0x296: {  	v46 =	vld [tilespmem:s0+$0x160]  }
0x297: {  	v47 =	vld [tilespmem:s0+$0x170];
	_ =	sdelay $0x1  }
0x298: {  	v25 =	vmul.f32 v25, v17;
	v26 =	vmul.f32 v41, v18  }
0x299: {  	v27 =	vmul.f32 v42, v19;
	v28 =	vmul.f32 v43, v20  }
0x29a: {  	v29 =	vmul.f32 v44, v21;
	v30 =	vmul.f32 v45, v22  }
0x29b: {  	v31 =	vmul.f32 v46, v23;
	v32 =	vmul.f32 v47, v24  }
0x29c: {  	v25 =	vadd.f32 v26, v25;
	v48 =	vadd.f32 v28, v27  }
0x29d: {  	v49 =	vadd.f32 v30, v29;
	v50 =	vadd.f32 v32, v31;
	_ =	sdelay $0x1  }
0x29e: {  	v25 =	vadd.f32 v48, v25;
	v51 =	vadd.f32 v50, v49;
	_ =	sdelay $0x1  }
0x29f: {  	v25 =	vadd.f32 v51, v25;
	_ =	sdelay $0x1  }
0x2a0: {  	[tilespmem:$0x15120] =	vst v25  }
0x2a1: {  	v25 =	vld [tilespmem:s0+$0x180]  }
0x2a2: {  	v52 =	vld [tilespmem:s0+$0x190]  }
0x2a3: {  	v53 =	vld [tilespmem:s0+$0x1A0]  }
0x2a4: {  	v54 =	vld [tilespmem:s0+$0x1B0]  }
0x2a5: {  	v55 =	vld [tilespmem:s0+$0x1C0]  }
0x2a6: {  	v56 =	vld [tilespmem:s0+$0x1D0]  }
0x2a7: {  	v57 =	vld [tilespmem:s0+$0x1E0]  }
0x2a8: {  	v58 =	vld [tilespmem:s0+$0x1F0];
	_ =	sdelay $0x1  }
0x2a9: {  	v25 =	vmul.f32 v25, v17;
	v26 =	vmul.f32 v52, v18  }
0x2aa: {  	v27 =	vmul.f32 v53, v19;
	v28 =	vmul.f32 v54, v20  }
0x2ab: {  	v29 =	vmul.f32 v55, v21;
	v30 =	vmul.f32 v56, v22  }
0x2ac: {  	v31 =	vmul.f32 v57, v23;
	v32 =	vmul.f32 v58, v24  }
0x2ad: {  	v25 =	vadd.f32 v26, v25;
	v59 =	vadd.f32 v28, v27  }
0x2ae: {  	v60 =	vadd.f32 v30, v29;
	v61 =	vadd.f32 v32, v31;
	_ =	sdelay $0x1  }
0x2af: {  	v25 =	vadd.f32 v59, v25;
	v62 =	vadd.f32 v61, v60;
	_ =	sdelay $0x1  }
0x2b0: {  	v25 =	vadd.f32 v62, v25;
	_ =	sdelay $0x1  }
0x2b1: {  	[tilespmem:$0x15130] =	vst v25  }
0x2b2: {  	v25 =	vld [tilespmem:s0+$0x200]  }
0x2b3: {  	v63 =	vld [tilespmem:s0+$0x210]  }
0x2b4: {  	v36 =	vld [tilespmem:s0+$0x220]  }
0x2b5: {  	v37 =	vld [tilespmem:s0+$0x230]  }
0x2b6: {  	v38 =	vld [tilespmem:s0+$0x240]  }
0x2b7: {  	v39 =	vld [tilespmem:s0+$0x250]  }
0x2b8: {  	v40 =	vld [tilespmem:s0+$0x260]  }
0x2b9: {  	v41 =	vld [tilespmem:s0+$0x270];
	_ =	sdelay $0x1  }
0x2ba: {  	v25 =	vmul.f32 v25, v17;
	v26 =	vmul.f32 v63, v18  }
0x2bb: {  	v27 =	vmul.f32 v36, v19;
	v28 =	vmul.f32 v37, v20  }
0x2bc: {  	v29 =	vmul.f32 v38, v21;
	v30 =	vmul.f32 v39, v22  }
0x2bd: {  	v31 =	vmul.f32 v40, v23;
	v32 =	vmul.f32 v41, v24  }
0x2be: {  	v25 =	vadd.f32 v26, v25;
	v42 =	vadd.f32 v28, v27  }
0x2bf: {  	v43 =	vadd.f32 v30, v29;
	v44 =	vadd.f32 v32, v31;
	_ =	sdelay $0x1  }
0x2c0: {  	v25 =	vadd.f32 v42, v25;
	v45 =	vadd.f32 v44, v43;
	_ =	sdelay $0x1  }
0x2c1: {  	v25 =	vadd.f32 v45, v25;
	_ =	sdelay $0x1  }
0x2c2: {  	[tilespmem:$0x15140] =	vst v25  }
0x2c3: {  	v25 =	vld [tilespmem:s0+$0x280]  }
0x2c4: {  	v46 =	vld [tilespmem:s0+$0x290]  }
0x2c5: {  	v47 =	vld [tilespmem:s0+$0x2A0]  }
0x2c6: {  	v48 =	vld [tilespmem:s0+$0x2B0]  }
0x2c7: {  	v49 =	vld [tilespmem:s0+$0x2C0]  }
0x2c8: {  	v50 =	vld [tilespmem:s0+$0x2D0]  }
0x2c9: {  	v51 =	vld [tilespmem:s0+$0x2E0]  }
0x2ca: {  	v52 =	vld [tilespmem:s0+$0x2F0];
	_ =	sdelay $0x1  }
0x2cb: {  	v25 =	vmul.f32 v25, v17;
	v26 =	vmul.f32 v46, v18  }
0x2cc: {  	v27 =	vmul.f32 v47, v19;
	v28 =	vmul.f32 v48, v20  }
0x2cd: {  	v29 =	vmul.f32 v49, v21;
	v30 =	vmul.f32 v50, v22  }
0x2ce: {  	v31 =	vmul.f32 v51, v23;
	v32 =	vmul.f32 v52, v24  }
0x2cf: {  	v25 =	vadd.f32 v26, v25;
	v53 =	vadd.f32 v28, v27  }
0x2d0: {  	v54 =	vadd.f32 v30, v29;
	v55 =	vadd.f32 v32, v31;
	_ =	sdelay $0x1  }
0x2d1: {  	v25 =	vadd.f32 v53, v25;
	v56 =	vadd.f32 v55, v54;
	_ =	sdelay $0x1  }
0x2d2: {  	v25 =	vadd.f32 v56, v25;
	_ =	sdelay $0x1  }
0x2d3: {  	[tilespmem:$0x15150] =	vst v25  }
0x2d4: {  	v25 =	vld [tilespmem:s0+$0x300]  }
0x2d5: {  	v57 =	vld [tilespmem:s0+$0x310]  }
0x2d6: {  	v58 =	vld [tilespmem:s0+$0x320]  }
0x2d7: {  	v59 =	vld [tilespmem:s0+$0x330]  }
0x2d8: {  	v60 =	vld [tilespmem:s0+$0x340]  }
0x2d9: {  	v61 =	vld [tilespmem:s0+$0x350]  }
0x2da: {  	v62 =	vld [tilespmem:s0+$0x360]  }
0x2db: {  	v63 =	vld [tilespmem:s0+$0x370];
	_ =	sdelay $0x1  }
0x2dc: {  	v25 =	vmul.f32 v25, v17;
	v26 =	vmul.f32 v57, v18  }
0x2dd: {  	v27 =	vmul.f32 v58, v19;
	v28 =	vmul.f32 v59, v20  }
0x2de: {  	v29 =	vmul.f32 v60, v21;
	v30 =	vmul.f32 v61, v22  }
0x2df: {  	v31 =	vmul.f32 v62, v23;
	v32 =	vmul.f32 v63, v24  }
0x2e0: {  	v25 =	vadd.f32 v26, v25;
	v33 =	vadd.f32 v28, v27  }
0x2e1: {  	v34 =	vadd.f32 v30, v29;
	v35 =	vadd.f32 v32, v31;
	_ =	sdelay $0x1  }
0x2e2: {  	v25 =	vadd.f32 v33, v25;
	v36 =	vadd.f32 v35, v34;
	_ =	sdelay $0x1  }
0x2e3: {  	v25 =	vadd.f32 v36, v25;
	_ =	sdelay $0x1  }
0x2e4: {  	[tilespmem:$0x15160] =	vst v25  }
0x2e5: {  	v25 =	vld [tilespmem:s0+$0x380]  }
0x2e6: {  	v37 =	vld [tilespmem:s0+$0x390]  }
0x2e7: {  	v38 =	vld [tilespmem:s0+$0x3A0]  }
0x2e8: {  	v39 =	vld [tilespmem:s0+$0x3B0]  }
0x2e9: {  	v40 =	vld [tilespmem:s0+$0x3C0]  }
0x2ea: {  	v41 =	vld [tilespmem:s0+$0x3D0]  }
0x2eb: {  	v42 =	vld [tilespmem:s0+$0x3E0]  }
0x2ec: {  	v43 =	vld [tilespmem:s0+$0x3F0];
	_ =	sdelay $0x1  }
0x2ed: {  	v17 =	vmul.f32 v25, v17;
	v18 =	vmul.f32 v37, v18  }
0x2ee: {  	v19 =	vmul.f32 v38, v19;
	v20 =	vmul.f32 v39, v20  }
0x2ef: {  	v21 =	vmul.f32 v40, v21;
	v22 =	vmul.f32 v41, v22  }
0x2f0: {  	v23 =	vmul.f32 v42, v23;
	v24 =	vmul.f32 v43, v24  }
0x2f1: {  	v17 =	vadd.f32 v18, v17;
	v18 =	vadd.f32 v20, v19  }
0x2f2: {  	v19 =	vadd.f32 v22, v21;
	v44 =	vadd.f32 v24, v23;
	_ =	sdelay $0x1  }
0x2f3: {  	v17 =	vadd.f32 v18, v17;
	v18 =	vadd.f32 v44, v19;
	_ =	sdelay $0x1  }
0x2f4: {  	v17 =	vadd.f32 v18, v17;
	_ =	sdelay $0x1  }
0x2f5: {  	[tilespmem:$0x15170] =	vst v17  }
0x2f6: {  	v17 =	vld.idx.msk [tilespmem:v0+s21+$0x0], $0xffff  }
0x2f7: {  	v18 =	vld.idx.msk [tilespmem:v1+s21+$0x0], $0xffff  }
0x2f8: {  	v19 =	vld.idx.msk [tilespmem:v2+s21+$0x0], $0xffff  }
0x2f9: {  	v45 =	vld.idx.msk [tilespmem:v3+s21+$0x0], $0xffff  }
0x2fa: {  	v46 =	vld.idx.msk [tilespmem:v4+s21+$0x0], $0xffff  }
0x2fb: {  	v47 =	vld.idx.msk [tilespmem:v5+s21+$0x0], $0xffff  }
0x2fc: {  	v48 =	vld.idx.msk [tilespmem:v6+s21+$0x0], $0xffff  }
0x2fd: {  	v49 =	vld.idx.msk [tilespmem:v7+s21+$0x0], $0xffff  }
0x2fe: {  	v50 =	vld.idx.msk [tilespmem:v8+s21+$0x0], $0xffff  }
0x2ff: {  	v51 =	vld.idx.msk [tilespmem:v9+s21+$0x0], $0xffff  }
0x300: {  	v52 =	vld.idx.msk [tilespmem:v10+s21+$0x0], $0xffff  }
0x301: {  	v53 =	vld.idx.msk [tilespmem:v11+s21+$0x0], $0xffff  }
0x302: {  	v54 =	vld.idx.msk [tilespmem:v12+s21+$0x0], $0xffff  }
0x303: {  	v55 =	vld.idx.msk [tilespmem:v13+s21+$0x0], $0xffff  }
0x304: {  	v56 =	vld.idx.msk [tilespmem:v14+s21+$0x0], $0xffff  }
0x305: {  	v57 =	vld.idx.msk [tilespmem:v15+s21+$0x0], $0xffff;
	_ =	sdelay $0x1  }
0x306: {  	v17 =	vadd.f32 v18, v17;
	v18 =	vadd.f32 v45, v19  }
0x307: {  	v19 =	vadd.f32 v47, v46;
	v58 =	vadd.f32 v49, v48  }
0x308: {  	v59 =	vadd.f32 v51, v50;
	v60 =	vadd.f32 v53, v52  }
0x309: {  	v61 =	vadd.f32 v55, v54;
	v62 =	vadd.f32 v57, v56  }
0x30a: {  	v17 =	vadd.f32 v18, v17;
	v18 =	vadd.f32 v58, v19  }
0x30b: {  	v19 =	vadd.f32 v60, v59;
	v63 =	vadd.f32 v62, v61  }
0x30c: {  	p1 =	sne.s32 s31, $0x3C0  }
.Ltmp4:
0x30d: {  	v17 =	vadd.f32 v18, v17;
	v18 =	vadd.f32 v63, v19;
	(pc) =	sbr.rel @p1 .LBB2_7-.Ltmp4, $4  }
0x30e: {  	_ = 	snop  }
0x30f: {  	v17 =	vadd.f32 v18, v17  }
0x310: {  	s2 =	sshra.s32 s31, $0x2  }
0x311: {  	s29 =	sadd.s32 $0x80, s29;
	s31 =	sadd.s32 $0x40, s31;
	s0 =	sadd.s32 $0x800, s0;
	[tilespmem:s2+$0x15180] =	vst v17  }
0x312: {  	_ =	sdelay $0x3  }
0x313: {  	v17 =	vld.idx.msk [tilespmem:v0+s22+$0x0], $0xffff  }
0x314: {  	v18 =	vld.idx.msk [tilespmem:v1+s22+$0x0], $0xffff  }
0x315: {  	v19 =	vld.idx.msk [tilespmem:v2+s22+$0x0], $0xffff  }
0x316: {  	v20 =	vld.idx.msk [tilespmem:v3+s22+$0x0], $0xffff  }
0x317: {  	v21 =	vld.idx.msk [tilespmem:v4+s22+$0x0], $0xffff  }
0x318: {  	v22 =	vld.idx.msk [tilespmem:v5+s22+$0x0], $0xffff  }
0x319: {  	v23 =	vld.idx.msk [tilespmem:v6+s22+$0x0], $0xffff  }
0x31a: {  	v24 =	vld.idx.msk [tilespmem:v7+s22+$0x0], $0xffff  }
0x31b: {  	v25 =	vld.idx.msk [tilespmem:v8+s22+$0x0], $0xffff  }
0x31c: {  	v26 =	vld.idx.msk [tilespmem:v9+s22+$0x0], $0xffff  }
0x31d: {  	v27 =	vld.idx.msk [tilespmem:v10+s22+$0x0], $0xffff  }
0x31e: {  	v28 =	vld.idx.msk [tilespmem:v11+s22+$0x0], $0xffff  }
0x31f: {  	v29 =	vld.idx.msk [tilespmem:v12+s22+$0x0], $0xffff  }
0x320: {  	v30 =	vld.idx.msk [tilespmem:v13+s22+$0x0], $0xffff  }
0x321: {  	v31 =	vld.idx.msk [tilespmem:v14+s22+$0x0], $0xffff  }
0x322: {  	v32 =	vld.idx.msk [tilespmem:v15+s22+$0x0], $0xffff;
	_ =	sdelay $0x2  }
0x323: {  	v33 =	vmax.f32 v17, v18;
	v34 =	vmax.f32 v19, v20;
	v35 =	vmax.f32 v21, v22  }
0x324: {  	v36 =	vmax.f32 v23, v24;
	v37 =	vmax.f32 v25, v26;
	v38 =	vmax.f32 v27, v28  }
0x325: {  	v39 =	vmax.f32 v29, v30;
	v40 =	vmax.f32 v31, v32;
	v33 =	vmax.f32 v33, v34  }
0x326: {  	v48 =	vmax.f32 v35, v36;
	v49 =	vmax.f32 v37, v38;
	v50 =	vmax.f32 v39, v40  }
0x327: {  	v33 =	vmax.f32 v33, v48;
	v51 =	vmax.f32 v49, v50  }
0x328: {  	v33 =	vmax.f32 v33, v51  }
0x329: {  	v17 =	vsub.f32 v17, v33  }
0x32a: {  	v18 =	vsub.f32 v18, v33  }
0x32b: {  	v19 =	vsub.f32 v19, v33;
	v52 =	vmul.f32 $1.442695020e+00, v17  }
0x32c: {  	v20 =	vsub.f32 v20, v33;
	v53 =	vmul.f32 $1.442695020e+00, v18  }
0x32d: {  	v21 =	vsub.f32 v21, v33;
	v54 =	vmul.f32 $1.442695020e+00, v19;
	(erf) = vpow2.f32 v52  }
0x32e: {  	v22 =	vsub.f32 v22, v33;
	v55 =	vmul.f32 $1.442695020e+00, v20;
	(erf) = vpow2.f32 v53  }
0x32f: {  	v23 =	vsub.f32 v23, v33;
	v56 =	vmul.f32 $1.442695020e+00, v21;
	(erf) = vpow2.f32 v54  }
0x330: {  	v24 =	vsub.f32 v24, v33;
	v57 =	vmul.f32 $1.442695020e+00, v22;
	(erf) = vpow2.f32 v55  }
0x331: {  	v25 =	vsub.f32 v25, v33;
	v58 =	vmul.f32 $1.442695020e+00, v23;
	(erf) = vpow2.f32 v56  }
0x332: {  	v26 =	vsub.f32 v26, v33;
	v59 =	vmul.f32 $1.442695020e+00, v24;
	(erf) = vpow2.f32 v57  }
0x333: {  	v27 =	vsub.f32 v27, v33;
	v60 =	vmul.f32 $1.442695020e+00, v25;
	(erf) = vpow2.f32 v58  }
0x334: {  	v28 =	vsub.f32 v28, v33;
	v61 =	vmul.f32 $1.442695020e+00, v26;
	(erf) = vpow2.f32 v59  }
0x335: {  	v29 =	vsub.f32 v29, v33;
	v62 =	vmul.f32 $1.442695020e+00, v27;
	(erf) = vpow2.f32 v60  }
0x336: {  	v30 =	vsub.f32 v30, v33;
	v48 =	vmul.f32 $1.442695020e+00, v28;
	v63 =	vpop (erf);
	(erf) = vpow2.f32 v61  }
0x337: {  	v31 =	vsub.f32 v31, v33;
	v50 =	vmul.f32 $1.442695020e+00, v29;
	v49 =	vpop (erf);
	(erf) = vpow2.f32 v62  }
0x338: {  	v32 =	vsub.f32 v32, v33;
	v52 =	vmul.f32 $1.442695020e+00, v30;
	v51 =	vpop (erf);
	(erf) = vpow2.f32 v48  }
0x339: {  	v54 =	vmul.f32 $1.442695020e+00, v31;
	v53 =	vpop (erf);
	(erf) = vpow2.f32 v50  }
0x33a: {  	v56 =	vmul.f32 $1.442695020e+00, v32;
	v55 =	vpop (erf);
	(erf) = vpow2.f32 v52  }
0x33b: {  	v57 =	vpop (erf);
	(erf) = vpow2.f32 v54  }
0x33c: {  	v58 =	vpop (erf);
	(erf) = vpow2.f32 v56  }
0x33d: {  	v59 =	vpop (erf)  }
0x33e: {  	v41 =	vpop (erf)  }
0x33f: {  	v42 =	vpop (erf)  }
0x340: {  	v43 =	vpop (erf)  }
0x341: {  	v44 =	vpop (erf)  }
0x342: {  	v45 =	vpop (erf)  }
0x343: {  	v36 =	vadd.f32 v49, v63;
	v33 =	vadd.f32 v53, v51;
	v46 =	vpop (erf)  }
0x344: {  	v61 =	vadd.f32 v57, v55;
	v34 =	vadd.f32 v59, v58;
	v60 =	vpop (erf)  }
0x345: {  	v63 =	vadd.f32 v42, v41;
	v44 =	vadd.f32 v44, v43;
	v62 =	vpop (erf)  }
0x346: {  	v45 =	vadd.f32 v46, v45;
	v35 =	vadd.f32 v62, v60  }
0x347: {  	v33 =	vadd.f32 v33, v36;
	v34 =	vadd.f32 v34, v61  }
0x348: {  	v46 =	vadd.f32 v44, v63;
	v35 =	vadd.f32 v35, v45;
	_ =	sdelay $0x1  }
0x349: {  	v33 =	vadd.f32 v34, v33;
	v47 =	vadd.f32 v35, v46;
	_ =	sdelay $0x1  }
0x34a: {  	v33 =	vadd.f32 v47, v33;
	_ =	sdelay $0x1  }
0x34b: {  	v34 =	vand.u32 $0x7FFFFF, v33  }
0x34c: {  	v34 =	vor.u32 $0x3F800000, v34  }
0x34d: {  	v48 =	vmul.f32 $5.000000000e-01, v34  }
0x34e: {  	vm0 =	vgt.f32 v34, $1.414213540e+00  }
0x34f: {  	v34 =	vsel vm0, v48, v34  }
0x350: {  	v34 =	vadd.f32 $-1.000000000e+00, v34;
	_ =	sdelay $0x1  }
0x351: {  	v49 =	vmul.f32 $-1.111111120e-01, v34;
	_ =	sdelay $0x1  }
0x352: {  	v35 =	vadd.f32 $1.250000000e-01, v49;
	_ =	sdelay $0x1  }
0x353: {  	v35 =	vmul.f32 v35, v34;
	_ =	sdelay $0x1  }
0x354: {  	v35 =	vsub.f32 $1.428571490e-01, v35;
	_ =	sdelay $0x1  }
0x355: {  	v35 =	vmul.f32 v35, v34;
	_ =	sdelay $0x1  }
0x356: {  	v35 =	vsub.f32 $1.666666720e-01, v35;
	_ =	sdelay $0x1  }
0x357: {  	v35 =	vmul.f32 v35, v34;
	_ =	sdelay $0x1  }
0x358: {  	v35 =	vsub.f32 $2.000000030e-01, v35;
	_ =	sdelay $0x1  }
0x359: {  	v35 =	vmul.f32 v35, v34;
	_ =	sdelay $0x1  }
0x35a: {  	v35 =	vsub.f32 $2.500000000e-01, v35;
	_ =	sdelay $0x1  }
0x35b: {  	v35 =	vmul.f32 v35, v34;
	_ =	sdelay $0x1  }
0x35c: {  	v35 =	vsub.f32 $3.333333430e-01, v35;
	_ =	sdelay $0x1  }
0x35d: {  	v35 =	vmul.f32 v35, v34;
	_ =	sdelay $0x1  }
0x35e: {  	v35 =	vsub.f32 $5.000000000e-01, v35  }
0x35f: {  	v33 =	vshra.s32 v33, $0x17;
	v50 =	vsel vm0, $0x1, v16  }
0x360: {  	v33 =	vadd.s32 v50, v33;
	v35 =	vmul.f32 v35, v34  }
0x361: {  	v33 =	vadd.s32 $0xFFFFFF81, v33  }
0x362: {  	s0 =	sshll.u32 s30, $0x4;
	v33 =	vcvt.s32.f32 v33;
	v35 =	vsub.f32 $1.000000000e+00, v35  }
0x363: {  	v51 =	vmov s0  }
0x364: {  	v52 =	vshll.u32 v51, $0x4;
	v33 =	vmul.f32 $6.931471820e-01, v33;
	v34 =	vmul.f32 v35, v34  }
0x365: {  	v36 =	vor.u32 v0, v52  }
0x366: {  	v53 =	vor.u32 $0x1, v36;
	v33 =	vadd.f32 v34, v33  }
0x367: {  	v54 =	vor.u32 $0x2, v36  }
0x368: {  	v55 =	vor.u32 $0x3, v36;
	v17 =	vsub.f32 v17, v33  }
0x369: {  	v35 =	vor.u32 v4, v52;
	v18 =	vsub.f32 v18, v33  }
0x36a: {  	[tilespmem:v36+s23+$0x0] =	vst.idx.msk $0xffff, v17;
	v17 =	vsub.f32 v19, v33;
	v19 =	vor.u32 $0x5, v36  }
0x36b: {  	v56 =	vor.u32 $0x6, v36;
	[tilespmem:v53+s23+$0x0] =	vst.idx.msk $0xffff, v18;
	v18 =	vsub.f32 v20, v33  }
0x36c: {  	v57 =	vor.u32 $0x7, v36;
	[tilespmem:v54+s23+$0x0] =	vst.idx.msk $0xffff, v17;
	v17 =	vsub.f32 v21, v33  }
0x36d: {  	v58 =	vor.u32 $0x8, v36;
	[tilespmem:v55+s23+$0x0] =	vst.idx.msk $0xffff, v18;
	v18 =	vsub.f32 v22, v33  }
0x36e: {  	v59 =	vor.u32 $0x9, v36;
	[tilespmem:v35+s23+$0x0] =	vst.idx.msk $0xffff, v17;
	v17 =	vsub.f32 v23, v33  }
0x36f: {  	[tilespmem:v19+s23+$0x0] =	vst.idx.msk $0xffff, v18;
	v18 =	vsub.f32 v24, v33;
	v19 =	vor.u32 $0xA, v36  }
0x370: {  	v60 =	vor.u32 $0xB, v36;
	[tilespmem:v56+s23+$0x0] =	vst.idx.msk $0xffff, v17;
	v17 =	vsub.f32 v25, v33  }
0x371: {  	v61 =	vor.u32 $0xC, v36;
	[tilespmem:v57+s23+$0x0] =	vst.idx.msk $0xffff, v18;
	v18 =	vsub.f32 v26, v33  }
0x372: {  	v62 =	vor.u32 $0xD, v36;
	[tilespmem:v58+s23+$0x0] =	vst.idx.msk $0xffff, v17;
	v17 =	vsub.f32 v27, v33  }
0x373: {  	v63 =	vor.u32 $0xE, v36;
	[tilespmem:v59+s23+$0x0] =	vst.idx.msk $0xffff, v18;
	v18 =	vsub.f32 v28, v33  }
0x374: {  	[tilespmem:v19+s23+$0x0] =	vst.idx.msk $0xffff, v17;
	v17 =	vsub.f32 v29, v33;
	v19 =	vor.u32 $0xF, v36  }
.Ltmp5:
0x375: {  	[tilespmem:v60+s23+$0x0] =	vst.idx.msk $0xffff, v18;
	v18 =	vsub.f32 v30, v33;
	(pc) =	sbr.rel @p0 .LBB2_10-.Ltmp5, $4  }
0x376: {  	[tilespmem:v61+s23+$0x0] =	vst.idx.msk $0xffff, v17;
	v17 =	vsub.f32 v31, v33  }
0x377: {  	[tilespmem:v62+s23+$0x0] =	vst.idx.msk $0xffff, v18;
	v18 =	vsub.f32 v32, v33  }
0x378: {  	[tilespmem:v63+s23+$0x0] =	vst.idx.msk $0xffff, v17  }
0x379: {  	[tilespmem:v19+s23+$0x0] =	vst.idx.msk $0xffff, v18  }
0x37a: {  	s0 =	sshll.u32 s26, $0x9  }
.Ltmp6:
0x37b: {  	s0 =	sand.u32 $0x3FFFFE00, s0;
	(pc) =	sbr.rel .LBB2_4-.Ltmp6, $4  }
0x37c: {  	s26 =	sadd.s32 $0x1, s26;
	s2 =	sadd.s32 $0xB80, s0  }
0x37d: {  	[tilespmem:s18], [sflag:$0x2] =	stream.indirect.gather [hbm4b:s5+s10], $0x80, s2, s10, $0xb8;
	[tilespmem:$0x15A80] =	vst v63  }
0x37e: {  	s28 =	sadd.s32 $0x1000, s28;
	s1 =	sadd.s32 $0x1000, s1;
	s0 =	sadd.s32 $0xC00, s0  }
0x37f: {  	[tilespmem:s20], [sflag:$0x2] =	stream.indirect.gather [hbm4b:s5+s10], $0x80, s0, s10, $0xb8;
	[tilespmem:$0x15A80] =	vst v63  }
.LBB2_11:
0x380: {  	_ =	sfence.sel $0x180000  }
0x381: {  	[bflag:$0x0] =	sbarrier.arrive $0xFFFF  }
0x382: {  	_ =	strace $0x90000047  }
0x383: {  	s0 =	stileid.u32;
	[bflag:$0x2] =	sbarrier.arrive $0xFFFF  }
0x384: {  	p0 =	sne.s32 s0, $0x0;
	s0 =	rddreg [dreg:$0x3]  }
0x385: {  	s0 =	sadd.s32 @!p0 $0x100000, s0  }
0x386: {  	[sflag:s0] =	ssyncadd.tile.s32 @!p0 $0x1;
	_ =	shalt  }
.Lfunc_end2:
_tile_overlayer_lowered:
.L_overlay_start_2:
0x387: {  	(tag) =	ssettag $0x2  }
0x388: {  	s0 =	rddreg [dreg:$0x0];
	s2 =	stileid.u32  }
0x389: {  	s1 =	rddreg [dreg:$0x1];
	p0 =	sne.s32 s2, $0x0  }
0x38a: {  	s3 =	rddreg [dreg:$0x2];
	[bflag:$0x3] =	sbarrier.arrive $0xFFFF;
	s2 =	simm.s32 @!p0 $0x1C03  }
0x38b: {  	[timem:s3], [sflag:s2] =	dma.local @!p0 [hbm:s0], s1  }
0x38c: {  	s0 =	simm.s32 @!p0 $0x3  }
0x38d: {  	_ =	swait.ge @!p0 [sflag:s0], s1  }
0x38e: {  	s1 =	ssub.s32 @!p0 $0x0, s1;
	[sflag:s0] =	ssyncset.done @!p0 $0x0  }
0x38f: {  	[sflag:s0] =	ssyncadd.s32 @!p0 s1  }
0x390: {  	[bflag:$0x3] =	sbarrier.arrive $0xFFFF  }
0x391: {  	_ =	shalt  }

</sc_bundles>
